<compile_context>
chip_gen: v7x
topology: tpu7x:2x2x1
jax: 0.10.2.dev20260603
libtpu: 0.0.44.dev20260713+nightly
codegen_flags: <defaults>
</compile_context>

<pallas_src>
import functools

import numpy as np
import jax
import jax.numpy as jnp
from jax import lax
from jax.experimental import pallas as pl
from jax.experimental.pallas import tpu as pltpu
from jax.experimental.pallas import tpu_sc as plsc

N = 16384
F = 128
E = 524288
NG = 128
NPG = 128
H = 256
MLPH = 512
NCLS = 8
EPS = 1e-5
D0 = NPG * (NPG - 1) // 2
D1 = D0 + 3 * H

_BNSCALE = 1.0 / np.sqrt(1.0 + EPS).astype(np.float32)

_IU0, _IU1 = np.triu_indices(NPG, k=1)
_TRIU_NP = (_IU0 * NPG + _IU1).astype(np.int32)


_EB = 16384


def _edge_body(ev_ref, ea_ref, ei_ref, rad_ref, idx_ref):
    v0 = ev_ref[0, :]
    v1 = ev_ref[1, :]
    v2 = ev_ref[2, :]
    r = jnp.sqrt(v0 * v0 + v1 * v1 + v2 * v2)
    rad_ref[...] = ea_ref[...] * jnp.exp(-r) * 0.1
    src = ei_ref[0, :]
    dst = ei_ref[1, :]
    idx_ref[...] = dst * NPG + (src & (NPG - 1))


def _edge_call(edge_vectors, edge_attr_flat, edge_index):
    grid = (E // _EB,)
    return pl.pallas_call(
        _edge_body,
        grid=grid,
        in_specs=[
            pl.BlockSpec((3, _EB), lambda i: (0, i)),
            pl.BlockSpec((_EB,), lambda i: (i,)),
            pl.BlockSpec((2, _EB), lambda i: (0, i)),
        ],
        out_specs=[
            pl.BlockSpec((_EB,), lambda i: (i,)),
            pl.BlockSpec((_EB,), lambda i: (i,)),
        ],
        out_shape=[
            jax.ShapeDtypeStruct((E,), jnp.float32),
            jax.ShapeDtypeStruct((E,), jnp.int32),
        ],
    )(edge_vectors, edge_attr_flat, edge_index)



_ROWS = E // NPG
_RPT = _ROWS // 16
_CH = 32
_SH = 32
_HALF = (NG // 2) * NPG * NPG
_DUMMY = _HALF
_TABPAD = _HALF + 64
_STRIPE = _HALF // 16
_ZB = 2048
_GPT = NG // 32


def _sc_scatter_body(fi_hbm, rad_hbm, tab_out,
                     table, fib, radb, idxc, radc, idx2d, zb, sem):
    cid = lax.axis_index("c")
    sid = lax.axis_index("s")
    cbase = cid * _HALF

    zeros16 = jnp.zeros((16,), jnp.float32)

    def zb_body(i, _):
        zb[pl.ds(i * 16, 16)] = zeros16
        return 0

    lax.fori_loop(0, _ZB // 16, zb_body, 0)

    def zfill(i, _):
        pltpu.sync_copy(zb, table.at[pl.ds(sid * _STRIPE + i * _ZB, _ZB)])
        return 0

    lax.fori_loop(0, _STRIPE // _ZB, zfill, 0)
    plsc.subcore_barrier()

    def prefill_dummy_rows(i, _):
        for k in range(NPG // 16):
            idx2d[i, pl.ds(k * 16, 16)] = jnp.full((16,), _DUMMY, jnp.int32)
            idxc[pl.ds(i * NPG + k * 16, 16)] = jnp.full((16,), _DUMMY,
                                                         jnp.int32)
        return 0

    lax.fori_loop(0, _SH + 1, prefill_dummy_rows, 0)

    def pass_body(h, _):
        r0 = sid * _RPT + h * _SH
        ed_i = pltpu.async_copy(fi_hbm.at[pl.ds(r0, _SH)], fib, sem)
        ed_r = pltpu.async_copy(rad_hbm.at[pl.ds(r0, _SH)], radb, sem)

        def rzero(i, _):
            radc[pl.ds(i * 16, 16)] = jnp.zeros((16,), jnp.float32)
            return 0

        lax.fori_loop(0, (_SH + 1) * NPG // 16, rzero, 0)
        ed_i.wait()
        ed_r.wait()

        def row_body(j, cnt):
            for k in range(NPG // 16):
                v = fib[j, pl.ds(k * 16, 16)]
                rr = radb[j, pl.ds(k * 16, 16)]
                loc = v - cbase
                ok = (loc >= 0) & (loc < _HALF)
                plsc.store_compressed(idxc.at[pl.ds(cnt, 16)], loc, mask=ok)
                plsc.store_compressed(radc.at[pl.ds(cnt, 16)], rr, mask=ok)
                cnt = cnt + jnp.sum(ok.astype(jnp.int32))
            return cnt

        cnt = lax.fori_loop(0, _SH, row_body, jnp.int32(0))
        nrows = (cnt + NPG - 1) // NPG

        def crow(j, _):
            for k in range(NPG // 16):
                idx2d[j, pl.ds(k * 16, 16)] = idxc[pl.ds(j * NPG + k * 16,
                                                         16)]
            return 0

        lax.fori_loop(0, nrows, crow, 0)

        for k in range(_SH + 1):
            @pl.when(k < nrows)
            def _():
                pltpu.async_copy(radc.at[pl.ds(k * NPG, NPG)],
                                 table.at[idx2d.at[k]], sem, add=True)
        for k in range(_SH + 1):
            @pl.when(k < nrows)
            def _():
                pltpu.make_async_copy(radc.at[pl.ds(k * NPG, NPG)],
                                      table.at[idx2d.at[k]], sem).wait()
        return 0

    lax.fori_loop(0, _RPT // _SH, pass_body, 0)
    plsc.subcore_barrier()
    pltpu.sync_copy(table.at[pl.ds(sid * _STRIPE, _STRIPE)],
                    tab_out.at[pl.ds(cbase + sid * _STRIPE, _STRIPE)])


def _sc_scatter_call(flatidx, radial):
    mesh = plsc.VectorSubcoreMesh(core_axis_name="c", subcore_axis_name="s")
    kern = pl.kernel(
        _sc_scatter_body,
        out_type=jax.ShapeDtypeStruct((NG * NPG * NPG,), jnp.float32),
        mesh=mesh,
        compiler_params=pltpu.CompilerParams(needs_layout_passes=False),
        scratch_types=[
            pltpu.VMEM_SHARED((_TABPAD,), jnp.float32),
            pltpu.VMEM((_SH, NPG), jnp.int32),
            pltpu.VMEM((_SH, NPG), jnp.float32),
            pltpu.VMEM(((_SH + 1) * NPG,), jnp.int32),
            pltpu.VMEM(((_SH + 1) * NPG,), jnp.float32),
            pltpu.VMEM((_SH + 1, NPG), jnp.int32),
            pltpu.VMEM((_ZB,), jnp.float32),
            pltpu.SemaphoreType.DMA,
        ],
    )
    return kern(flatidx.reshape(_ROWS, NPG), radial.reshape(_ROWS, NPG))


def _sc_gather_body(x_hbm, triu_hbm, xt_out, xg, xtb, triub):
    cid = lax.axis_index("c")
    sid = lax.axis_index("s")
    w = sid * 2 + cid
    pltpu.sync_copy(triu_hbm, triub)

    def gbody(k, _):
        g = w * _GPT + k
        pltpu.sync_copy(x_hbm.at[pl.ds(g * NPG * F, NPG * F)], xg)

        def pbody(p, _):
            ti = triub[pl.ds(p * 16, 16)]
            xtb[pl.ds(p * 16, 16)] = plsc.load_gather(xg, [ti])
            return 0

        lax.fori_loop(0, D0 // 16, pbody, 0)
        pltpu.sync_copy(xtb, xt_out.at[pl.ds(g * D0, D0)])
        return 0

    lax.fori_loop(0, _GPT, gbody, 0)


def _sc_gather_call(xflat, triu):
    mesh = plsc.VectorSubcoreMesh(core_axis_name="c", subcore_axis_name="s")
    kern = pl.kernel(
        _sc_gather_body,
        out_type=jax.ShapeDtypeStruct((NG * D0,), jnp.float32),
        mesh=mesh,
        compiler_params=pltpu.CompilerParams(needs_layout_passes=False),
        scratch_types=[
            pltpu.VMEM((NPG * F,), jnp.float32),
            pltpu.VMEM((D0,), jnp.float32),
            pltpu.VMEM((D0,), jnp.int32),
        ],
    )
    return kern(xflat, triu)



_GB = 4


def _graph_body(x_ref, a_ref, wa_ref, ba_ref,
                wm0_ref, wo0_ref, ws0_ref,
                wm1_ref, wo1_ref, ws1_ref,
                wm2_ref, wo2_ref, ws2_ref,
                bnhg_ref, bnhb_ref, out_ref):
    bf = jnp.bfloat16

    def dot(a, b):
        return jnp.dot(a.astype(bf), b.astype(bf),
                       preferred_element_type=jnp.float32)

    xg = x_ref[...]
    amat = a_ref[...].reshape(_GB * NPG, NPG)
    h1 = jnp.maximum(dot(xg, wa_ref[...]) + ba_ref[...], 0.0)
    f = h1
    pooled = []
    for wm_ref, wo_ref, ws_ref, fin in (
        (wm0_ref, wo0_ref, ws0_ref, F),
        (wm1_ref, wo1_ref, ws1_ref, H),
        (wm2_ref, wo2_ref, ws2_ref, H),
    ):
        y = dot(f, wm_ref[...])
        aggs = [dot(amat[gg * NPG:(gg + 1) * NPG, :],
                    y[gg * NPG:(gg + 1) * NPG, :])
                for gg in range(_GB)]
        agg = jnp.concatenate(aggs, axis=0)
        ws = ws_ref[...]
        sc = dot(f, ws[:fin, :]) + dot(xg, ws[fin:, :])
        f = jnp.tanh(dot(agg, wo_ref[...]) + sc)
        pooled.append(f)
    bnhg = bnhg_ref[...] * _BNSCALE
    bnhb = bnhb_ref[...]
    for gg in range(_GB):
        hg = jnp.concatenate(
            [jnp.mean(p[gg * NPG:(gg + 1) * NPG, :], axis=0, keepdims=True)
             for p in pooled], axis=1)
        out_ref[gg] = hg * bnhg + bnhb


def _graph_call(x, tabf, W_a, b_a, Wm0, Wo0, Ws0, Wm1, Wo1, Ws1,
                Wm2, Wo2, Ws2, bnh_g, bnh_b):
    grid = (NG // _GB,)
    full = lambda shape: pl.BlockSpec(shape, lambda g: tuple(0 for _ in shape))
    return pl.pallas_call(
        _graph_body,
        grid=grid,
        in_specs=[
            pl.BlockSpec((_GB * NPG, F), lambda g: (g, 0)),
            pl.BlockSpec((_GB * NPG * NPG,), lambda g: (g,)),
            full((F, F)), full((1, F)),
            full((F, H)), full((H, H)), full((F + F, H)),
            full((H, H)), full((H, H)), full((H + F, H)),
            full((H, H)), full((H, H)), full((H + F, H)),
            full((1, 3 * H)), full((1, 3 * H)),
        ],
        out_specs=pl.BlockSpec((_GB, 1, 3 * H), lambda g: (g, 0, 0)),
        out_shape=jax.ShapeDtypeStruct((NG, 1, 3 * H), jnp.float32),
    )(x, tabf, W_a, b_a, Wm0, Wo0, Ws0, Wm1, Wo1, Ws1, Wm2, Wo2, Ws2,
      bnh_g, bnh_b)




def _head_body(xt_ref, h_ref, bng_ref, bnb_ref,
               w1_ref, b1_ref, g1_ref, bt1_ref,
               w2_ref, b2_ref, g2_ref, bt2_ref,
               w3_ref, b3_ref, g3_ref, bt3_ref,
               w4_ref, b4_ref, out_ref):
    dot = functools.partial(jnp.dot, preferred_element_type=jnp.float32)
    xbn = xt_ref[...] * (bng_ref[...] * _BNSCALE) + bnb_ref[...]
    w1 = w1_ref[...]
    z = dot(xbn, w1[:D0, :]) + dot(h_ref[...], w1[D0:, :]) + b1_ref[...]
    z = jnp.maximum(z * (g1_ref[...] * _BNSCALE) + bt1_ref[...], 0.0)
    z = dot(z, w2_ref[...]) + b2_ref[...]
    z = jnp.maximum(z * (g2_ref[...] * _BNSCALE) + bt2_ref[...], 0.0)
    z = dot(z, w3_ref[...]) + b3_ref[...]
    z = jnp.maximum(z * (g3_ref[...] * _BNSCALE) + bt3_ref[...], 0.0)
    z = dot(z, w4_ref[...]) + b4_ref[...]
    m = jnp.max(z, axis=1, keepdims=True)
    lse = m + jnp.log(jnp.sum(jnp.exp(z - m), axis=1, keepdims=True))
    out_ref[...] = z - lse


def _head_call(xt, h, bn_g, bn_b, W1, b1, g1, bt1, W2, b2, g2, bt2,
               W3, b3, g3, bt3, W4, b4):
    return pl.pallas_call(
        _head_body,
        out_shape=jax.ShapeDtypeStruct((NG, NCLS), jnp.float32),
    )(xt, h, bn_g, bn_b, W1, b1, g1, bt1, W2, b2, g2, bt2,
      W3, b3, g3, bt3, W4, b4)




def kernel(x, edge_vectors, edge_attr, W_a, b_a, W_msg0, W_out0, W_sc0,
           W_msg1, W_out1, W_sc1, W_msg2, W_out2, W_sc2, bn_g, bn_b,
           bnh_g, bnh_b, W1, b1, g1, bt1, W2, b2, g2, bt2, W3, b3, g3, bt3,
           W4, b4, edge_index, batch):
    del batch
    radial, flatidx = _edge_call(edge_vectors, edge_attr[:, 0], edge_index)
    triu = jnp.asarray(_TRIU_NP)
    tabf = _sc_scatter_call(flatidx, radial)
    xtf = _sc_gather_call(x.reshape(-1), triu)
    h = _graph_call(
        x, tabf,
        W_a, b_a.reshape(1, F),
        W_msg0, W_out0, W_sc0, W_msg1, W_out1, W_sc1, W_msg2, W_out2, W_sc2,
        bnh_g.reshape(1, 3 * H), bnh_b.reshape(1, 3 * H))
    return _head_call(
        xtf.reshape(NG, D0), h.reshape(NG, 3 * H),
        bn_g.reshape(1, D0), bn_b.reshape(1, D0),
        W1, b1.reshape(1, MLPH), g1.reshape(1, MLPH), bt1.reshape(1, MLPH),
        W2, b2.reshape(1, MLPH // 2), g2.reshape(1, MLPH // 2),
        bt2.reshape(1, MLPH // 2),
        W3, b3.reshape(1, MLPH // 2), g3.reshape(1, MLPH // 2),
        bt3.reshape(1, MLPH // 2),
        W4, b4.reshape(1, NCLS))

# --- scband reference (transcript-rebuilt; emitter-appended) ---
"""Pipeline reference for scband-mbpgnn-27642409517716 (READ-ONLY COPY).

The authoritative reference and input builder live on the scoring server;
editing this copy changes nothing except your own understanding.
"""

import jax, jax.numpy as jnp
import numpy as np

N = 16384; F = 128; E = 524288; NG = 128; NPG = 128; H = 256; L = 3; MLPH = 512; NC = 8; EPS = 1e-5


def setup_inputs(seed: int = 0):
    key = jax.random.key(seed)
    ks = jax.random.split(key, 40)
    x = jax.random.normal(ks[0], (N, F), dtype=jnp.float32)
    pos = jnp.arange(N) % NPG
    x = x.at[jnp.arange(N), pos].set(0.0)  # connectome-style: zero diagonal per graph
    src = jax.random.randint(ks[1], (E,), 0, N)
    dst = (src // NPG) * NPG + jax.random.randint(ks[2], (E,), 0, NPG)  # edges stay within each graph
    edge_index = jnp.stack([src, dst]).astype(jnp.int32)
    edge_vectors = jax.random.normal(ks[3], (3, E), dtype=jnp.float32)
    edge_attr = jax.random.normal(ks[4], (E, 1), dtype=jnp.float32)
    batch = jnp.repeat(jnp.arange(NG, dtype=jnp.int32), NPG)

    def w(k, fi, fo):
        return jax.random.normal(k, (fi, fo), dtype=jnp.float32) / jnp.sqrt(fi)

    inp = {"x": x, "edge_vectors": edge_vectors, "edge_attr": edge_attr,
           "W_a": w(ks[5], F, F), "b_a": jnp.zeros((F,), jnp.float32)}
    fins = [F, H, H]
    i = 6
    for l in range(L):
        inp["W_msg%d" % l] = w(ks[i], fins[l], H); i += 1
        inp["W_out%d" % l] = w(ks[i], H, H); i += 1
        inp["W_sc%d" % l] = w(ks[i], fins[l] + F, H); i += 1
    D0 = NPG * (NPG - 1) // 2
    inp["bn_g"] = jnp.ones((D0,), jnp.float32); inp["bn_b"] = jnp.zeros((D0,), jnp.float32)
    inp["bnh_g"] = jnp.ones((H * L,), jnp.float32); inp["bnh_b"] = jnp.zeros((H * L,), jnp.float32)
    D1 = D0 + H * L
    inp["W1"] = w(ks[i], D1, MLPH); i += 1
    inp["b1"] = jnp.zeros((MLPH,), jnp.float32)
    inp["g1"] = jnp.ones((MLPH,), jnp.float32); inp["bt1"] = jnp.zeros((MLPH,), jnp.float32)
    inp["W2"] = w(ks[i], MLPH, MLPH // 2); i += 1
    inp["b2"] = jnp.zeros((MLPH // 2,), jnp.float32)
    inp["g2"] = jnp.ones((MLPH // 2,), jnp.float32); inp["bt2"] = jnp.zeros((MLPH // 2,), jnp.float32)
    inp["W3"] = w(ks[i], MLPH // 2, MLPH // 2); i += 1
    inp["b3"] = jnp.zeros((MLPH // 2,), jnp.float32)
    inp["g3"] = jnp.ones((MLPH // 2,), jnp.float32); inp["bt3"] = jnp.zeros((MLPH // 2,), jnp.float32)
    inp["W4"] = w(ks[i], MLPH // 2, NC); i += 1
    inp["b4"] = jnp.zeros((NC,), jnp.float32)
    inp["edge_index"] = edge_index
    inp["batch"] = batch
    return inp


def _bn_eval(z, g, b):
    # eval-mode BatchNorm1d with running_mean=0, running_var=1
    return z / jnp.sqrt(1.0 + EPS) * g + b


def _mace(vecs_t, nf, na, ef, ei, Wm, Wo, Ws):
    # simplified MACE-style message passing layer (radial-weighted gather/scatter)
    vecs = vecs_t.T  # mirrors data.edge_vectors.t() in torch forward -> [E, 3]
    src, dst = ei[0], ei[1]
    r = jnp.linalg.norm(vecs, axis=1, keepdims=True)
    radial = ef * jnp.exp(-r)
    msg = (jnp.take(nf, src, axis=0) @ Wm) * radial
    agg = jax.ops.segment_sum(msg, dst, num_segments=nf.shape[0]) / 10.0  # avg_num_neighbors=10.0
    sc = jnp.concatenate([nf, na], axis=1) @ Ws  # self-connection (use_sc=True)
    return agg @ Wo + sc


def reference(x, edge_vectors, edge_attr, W_a, b_a, W_msg0, W_out0, W_sc0, W_msg1, W_out1, W_sc1, W_msg2, W_out2, W_sc2, bn_g, bn_b, bnh_g, bnh_b, W1, b1, g1, bt1, W2, b2, g2, bt2, W3, b3, g3, bt3, W4, b4, edge_index, batch):
    h1 = jax.nn.relu(x @ W_a + b_a)
    f1 = jnp.tanh(_mace(edge_vectors, h1, x, edge_attr, edge_index, W_msg0, W_out0, W_sc0))
    f2 = jnp.tanh(_mace(edge_vectors, f1, x, edge_attr, edge_index, W_msg1, W_out1, W_sc1))
    f3 = jnp.tanh(_mace(edge_vectors, f2, x, edge_attr, edge_index, W_msg2, W_out2, W_sc2))
    xg = x.reshape(NG, NPG, NPG)
    iu0, iu1 = jnp.triu_indices(NPG, k=1)
    xt = _bn_eval(xg[:, iu0, iu1], bn_g, bn_b)
    ones = jnp.ones((x.shape[0], 1), jnp.float32)
    cnt = jax.ops.segment_sum(ones, batch, num_segments=NG)

    def pool(f):
        return jax.ops.segment_sum(f, batch, num_segments=NG) / cnt

    h = _bn_eval(jnp.concatenate([pool(f1), pool(f2), pool(f3)], axis=1), bnh_g, bnh_b)
    z = jnp.concatenate([xt, h], axis=1)
    z = jax.nn.relu(_bn_eval(z @ W1 + b1, g1, bt1))
    z = jax.nn.relu(_bn_eval(z @ W2 + b2, g2, bt2))
    z = jax.nn.relu(_bn_eval(z @ W3 + b3, g3, bt3))
    z = z @ W4 + b4
    return jax.nn.log_softmax(z, axis=1)

if __name__ == "__main__":
    import jax
    _d = setup_inputs()
    print(jax.jit(kernel)(*tuple(_d.values())))

</pallas_src>

<mosaic_0001>
#map = affine_map<(d0, d1) -> (0)>
module attributes {stable_mosaic.version = 14 : i64} {
  func.func @_sc_gather_body(%arg0: i32, %arg1: i32, %arg2: memref<2097152xf32, #tpu.memory_space<hbm>>, %arg3: memref<8128xi32, #tpu.memory_space<hbm>>, %arg4: memref<1040384xf32, #tpu.memory_space<hbm>>, %arg5: memref<16384xf32, #tpu.memory_space<vmem>>, %arg6: memref<8128xf32, #tpu.memory_space<vmem>>, %arg7: memref<8128xi32, #tpu.memory_space<vmem>>) attributes {dimension_semantics = [#tpu.dimension_semantics<core_parallel>, #tpu.dimension_semantics<subcore_parallel>], iteration_bounds = array<i64: 2, 16>, scalar_prefetch = 0 : i64, scratch_operands = 3 : i64, tpu.core_type = #tpu.core_type<sc_vector_subcore>, window_params = [{transform_indices = #map}, {transform_indices = #map}, {transform_indices = #map}]} {
    %mul3A = arith.constant 2 : i32
    %mul3A_0 = arith.muli %arg1, %mul3A : i32
    %add3A = arith.addi %mul3A_0, %arg0 : i32
    "tpu.region"() ({
      %run_scoped3A = tpu.sem_alloc : memref<!tpu.dma_semaphore, #tpu.memory_space<semaphore_mem>>
      tpu.enqueue_dma source(%arg3 : memref<8128xi32, #tpu.memory_space<hbm>>) target(%arg7 : memref<8128xi32, #tpu.memory_space<vmem>>) target_semaphore(%run_scoped3A : memref<!tpu.dma_semaphore, #tpu.memory_space<semaphore_mem>>)
      tpu.wait_dma2 semaphore(%run_scoped3A : memref<!tpu.dma_semaphore, #tpu.memory_space<semaphore_mem>>) src(%arg3 : memref<8128xi32, #tpu.memory_space<hbm>>) dst(%arg7 : memref<8128xi32, #tpu.memory_space<vmem>>)
      tpu.yield
    }) : () -> ()
    %scan3A = arith.constant 0 : i32
    %scan3A_1 = arith.constant 0 : i32
    %scan3A_2 = arith.constant 4 : i32
    %scan3A_3 = arith.addi %scan3A_1, %scan3A_2 : i32
    %scan3A_4 = arith.constant 1 : i32
    %scan3A_5 = scf.for %scan3A_7 = %scan3A_1 to %scan3A_3 step %scan3A_4 iter_args(%scan3A_8 = %scan3A) -> (i32)  : i32 {
      %mul3A_9 = arith.constant 4 : i32
      %mul3A_10 = arith.muli %add3A, %mul3A_9 : i32
      %add3A_11 = arith.addi %mul3A_10, %scan3A_7 : i32
      %mul3A_12 = arith.constant 128 : i32
      %mul3A_13 = arith.muli %add3A_11, %mul3A_12 : i32
      %mul3A_14 = arith.constant 128 : i32
      %mul3A_15 = arith.muli %mul3A_13, %mul3A_14 : i32
      "tpu.region"() ({
        %run_scoped3A = tpu.sem_alloc : memref<!tpu.dma_semaphore, #tpu.memory_space<semaphore_mem>>
        %dma_start3A = tpu.memref_slice %arg2[%mul3A_15] : memref<2097152xf32, #tpu.memory_space<hbm>> -> memref<16384xf32, #tpu.memory_space<hbm>>
        %dma_start3A_26 = tpu.memref_slice %arg2[%mul3A_15] : memref<2097152xf32, #tpu.memory_space<hbm>> -> memref<16384xf32, #tpu.memory_space<hbm>>
        tpu.enqueue_dma source(%dma_start3A_26 : memref<16384xf32, #tpu.memory_space<hbm>>) target(%arg5 : memref<16384xf32, #tpu.memory_space<vmem>>) target_semaphore(%run_scoped3A : memref<!tpu.dma_semaphore, #tpu.memory_space<semaphore_mem>>)
        %dma_wait3A = tpu.memref_slice %arg2[%mul3A_15] : memref<2097152xf32, #tpu.memory_space<hbm>> -> memref<16384xf32, #tpu.memory_space<hbm>>
        %dma_wait3A_27 = tpu.memref_slice %arg2[%mul3A_15] : memref<2097152xf32, #tpu.memory_space<hbm>> -> memref<16384xf32, #tpu.memory_space<hbm>>
        tpu.wait_dma2 semaphore(%run_scoped3A : memref<!tpu.dma_semaphore, #tpu.memory_space<semaphore_mem>>) src(%dma_wait3A_27 : memref<16384xf32, #tpu.memory_space<hbm>>) dst(%arg5 : memref<16384xf32, #tpu.memory_space<vmem>>)
        tpu.yield
      }) : () -> ()
      %scan3A_16 = arith.constant 0 : i32
      %scan3A_17 = arith.constant 0 : i32
      %scan3A_18 = arith.constant 508 : i32
      %scan3A_19 = arith.addi %scan3A_17, %scan3A_18 : i32
      %scan3A_20 = arith.constant 1 : i32
      %scan3A_21 = scf.for %scan3A_26 = %scan3A_17 to %scan3A_19 step %scan3A_20 iter_args(%scan3A_27 = %scan3A_16) -> (i32)  : i32 {
        %mul3A_28 = arith.constant 16 : i32
        %mul3A_29 = arith.muli %scan3A_26, %mul3A_28 : i32
        %get3A = arith.index_cast %mul3A_29 : i32 to index
        %get3A_30 = tpu.vector_load %arg7[%get3A] {strides = array<i32>} : memref<8128xi32, #tpu.memory_space<vmem>>, vector<16xi32>,
        %gather3A = tpu.vector_load_idx %arg5[%get3A_30] : memref<16384xf32, #tpu.memory_space<vmem>>[vector<16xi32>], vector<16xf32>,
        %mul3A_31 = arith.constant 16 : i32
        %mul3A_32 = arith.muli %scan3A_26, %mul3A_31 : i32
        %swap3A = arith.index_cast %mul3A_32 : i32 to index
        %swap3A_33 = tpu.vector_load %arg6[%swap3A] {strides = array<i32>} : memref<8128xf32, #tpu.memory_space<vmem>>, vector<16xf32>,
        tpu.vector_store %arg6[%swap3A], %gather3A {strides = array<i32>} : memref<8128xf32, #tpu.memory_space<vmem>>, vector<16xf32>,
        %scan3A_34 = arith.constant 0 : i32
        scf.yield %scan3A_34 : i32
      }
      %scan3A_22 = arith.constant 508 : i32
      %mul3A_23 = arith.constant 8128 : i32
      %mul3A_24 = arith.muli %add3A_11, %mul3A_23 : i32
      "tpu.region"() ({
        %run_scoped3A = tpu.sem_alloc : memref<!tpu.dma_semaphore, #tpu.memory_space<semaphore_mem>>
        %dma_start3A = tpu.memref_slice %arg4[%mul3A_24] : memref<1040384xf32, #tpu.memory_space<hbm>> -> memref<8128xf32, #tpu.memory_space<hbm>>
        %dma_start3A_26 = tpu.memref_slice %arg4[%mul3A_24] : memref<1040384xf32, #tpu.memory_space<hbm>> -> memref<8128xf32, #tpu.memory_space<hbm>>
        tpu.enqueue_dma source(%arg6 : memref<8128xf32, #tpu.memory_space<vmem>>) target(%dma_start3A_26 : memref<8128xf32, #tpu.memory_space<hbm>>) target_semaphore(%run_scoped3A : memref<!tpu.dma_semaphore, #tpu.memory_space<semaphore_mem>>)
        %dma_wait3A = tpu.memref_slice %arg4[%mul3A_24] : memref<1040384xf32, #tpu.memory_space<hbm>> -> memref<8128xf32, #tpu.memory_space<hbm>>
        %dma_wait3A_27 = tpu.memref_slice %arg4[%mul3A_24] : memref<1040384xf32, #tpu.memory_space<hbm>> -> memref<8128xf32, #tpu.memory_space<hbm>>
        tpu.wait_dma2 semaphore(%run_scoped3A : memref<!tpu.dma_semaphore, #tpu.memory_space<semaphore_mem>>) src(%arg6 : memref<8128xf32, #tpu.memory_space<vmem>>) dst(%dma_wait3A_27 : memref<8128xf32, #tpu.memory_space<hbm>>)
        tpu.yield
      }) : () -> ()
      %scan3A_25 = arith.constant 0 : i32
      scf.yield %scan3A_25 : i32
    }
    %scan3A_6 = arith.constant 4 : i32
    return
  }
}

#map = affine_map<(d0, d1) -> (0, 0)>
#map1 = affine_map<(d0, d1) -> (0)>
module attributes {stable_mosaic.version = 14 : i64} {
  func.func @_sc_scatter_body(%arg0: i32, %arg1: i32, %arg2: memref<4096x128xi32, #tpu.memory_space<hbm>>, %arg3: memref<4096x128xf32, #tpu.memory_space<hbm>>, %arg4: memref<2097152xf32, #tpu.memory_space<hbm>>, %arg5: memref<1048640xf32, #tpu.memory_space<vmem_shared>>, %arg6: memref<32x128xi32, #tpu.memory_space<vmem>>, %arg7: memref<32x128xf32, #tpu.memory_space<vmem>>, %arg8: memref<4224xi32, #tpu.memory_space<vmem>>, %arg9: memref<4224xf32, #tpu.memory_space<vmem>>, %arg10: memref<33x128xi32, #tpu.memory_space<vmem>>, %arg11: memref<2048xf32, #tpu.memory_space<vmem>>, %arg12: memref<!tpu.dma_semaphore, #tpu.memory_space<semaphore_mem>>) attributes {dimension_semantics = [#tpu.dimension_semantics<core_parallel>, #tpu.dimension_semantics<subcore_parallel>], iteration_bounds = array<i64: 2, 16>, scalar_prefetch = 0 : i64, scratch_operands = 8 : i64, tpu.core_type = #tpu.core_type<sc_vector_subcore>, window_params = [{transform_indices = #map}, {transform_indices = #map}, {transform_indices = #map1}]} {
    %mul3A = arith.constant 1048576 : i32
    %mul3A_0 = arith.muli %arg0, %mul3A : i32
    %broadcast_in_dim3A = arith.constant 0.000000e+00 : f32
    %broadcast_in_dim3A_1 = vector.broadcast %broadcast_in_dim3A : f32 to vector<16xf32>
    %scan3A = arith.constant 0 : i32
    %scan3A_2 = arith.constant 0 : i32
    %scan3A_3 = arith.constant 128 : i32
    %scan3A_4 = arith.addi %scan3A_2, %scan3A_3 : i32
    %scan3A_5 = arith.constant 1 : i32
    %scan3A_6 = scf.for %scan3A_34 = %scan3A_2 to %scan3A_4 step %scan3A_5 iter_args(%scan3A_35 = %scan3A) -> (i32)  : i32 {
      %mul3A_36 = arith.constant 16 : i32
      %mul3A_37 = arith.muli %scan3A_34, %mul3A_36 : i32
      %swap3A = arith.index_cast %mul3A_37 : i32 to index
      %swap3A_38 = tpu.vector_load %arg11[%swap3A] {strides = array<i32>} : memref<2048xf32, #tpu.memory_space<vmem>>, vector<16xf32>,
      tpu.vector_store %arg11[%swap3A], %broadcast_in_dim3A_1 {strides = array<i32>} : memref<2048xf32, #tpu.memory_space<vmem>>, vector<16xf32>,
      %scan3A_39 = arith.constant 0 : i32
      scf.yield %scan3A_39 : i32
    }
    %scan3A_7 = arith.constant 128 : i32
    %scan3A_8 = arith.constant 0 : i32
    %scan3A_9 = arith.constant 0 : i32
    %scan3A_10 = arith.constant 32 : i32
    %scan3A_11 = arith.addi %scan3A_9, %scan3A_10 : i32
    %scan3A_12 = arith.constant 1 : i32
    %scan3A_13 = scf.for %scan3A_34 = %scan3A_9 to %scan3A_11 step %scan3A_12 iter_args(%scan3A_35 = %scan3A_8) -> (i32)  : i32 {
      %mul3A_36 = arith.constant 65536 : i32
      %mul3A_37 = arith.muli %arg1, %mul3A_36 : i32
      %mul3A_38 = arith.constant 2048 : i32
      %mul3A_39 = arith.muli %scan3A_34, %mul3A_38 : i32
      %add3A_40 = arith.addi %mul3A_37, %mul3A_39 : i32
      "tpu.region"() ({
        %run_scoped3A = tpu.sem_alloc : memref<!tpu.dma_semaphore, #tpu.memory_space<semaphore_mem>>
        %dma_start3A = tpu.memref_slice %arg5[%add3A_40] : memref<1048640xf32, #tpu.memory_space<vmem_shared>> -> memref<2048xf32, #tpu.memory_space<vmem_shared>>
        %dma_start3A_42 = tpu.memref_slice %arg5[%add3A_40] : memref<1048640xf32, #tpu.memory_space<vmem_shared>> -> memref<2048xf32, #tpu.memory_space<vmem_shared>>
        tpu.enqueue_dma source(%arg11 : memref<2048xf32, #tpu.memory_space<vmem>>) target(%dma_start3A_42 : memref<2048xf32, #tpu.memory_space<vmem_shared>>) target_semaphore(%run_scoped3A : memref<!tpu.dma_semaphore, #tpu.memory_space<semaphore_mem>>)
        %dma_wait3A = tpu.memref_slice %arg5[%add3A_40] : memref<1048640xf32, #tpu.memory_space<vmem_shared>> -> memref<2048xf32, #tpu.memory_space<vmem_shared>>
        %dma_wait3A_43 = tpu.memref_slice %arg5[%add3A_40] : memref<1048640xf32, #tpu.memory_space<vmem_shared>> -> memref<2048xf32, #tpu.memory_space<vmem_shared>>
        tpu.wait_dma2 semaphore(%run_scoped3A : memref<!tpu.dma_semaphore, #tpu.memory_space<semaphore_mem>>) src(%arg11 : memref<2048xf32, #tpu.memory_space<vmem>>) dst(%dma_wait3A_43 : memref<2048xf32, #tpu.memory_space<vmem_shared>>)
        tpu.yield
      }) : () -> ()
      %scan3A_41 = arith.constant 0 : i32
      scf.yield %scan3A_41 : i32
    }
    %scan3A_14 = arith.constant 32 : i32
    %barrier3A = arith.constant 0 : index
    tpu.barrier barrier_id(%barrier3A)
    %scan3A_15 = arith.constant 0 : i32
    %scan3A_16 = arith.constant 0 : i32
    %scan3A_17 = arith.constant 33 : i32
    %scan3A_18 = arith.addi %scan3A_16, %scan3A_17 : i32
    %scan3A_19 = arith.constant 1 : i32
    %scan3A_20 = scf.for %scan3A_34 = %scan3A_16 to %scan3A_18 step %scan3A_19 iter_args(%scan3A_35 = %scan3A_15) -> (i32)  : i32 {
      %broadcast_in_dim3A_36 = arith.constant 1048576 : i32
      %broadcast_in_dim3A_37 = vector.broadcast %broadcast_in_dim3A_36 : i32 to vector<16xi32>
      %swap3A = arith.index_cast %scan3A_34 : i32 to index
      %swap3A_38 = arith.constant 0 : index
      %swap3A_39 = tpu.vector_load %arg10[%swap3A, %swap3A_38] {strides = array<i32>} : memref<33x128xi32, #tpu.memory_space<vmem>>, vector<16xi32>,
      tpu.vector_store %arg10[%swap3A, %swap3A_38], %broadcast_in_dim3A_37 {strides = array<i32>} : memref<33x128xi32, #tpu.memory_space<vmem>>, vector<16xi32>,
      %broadcast_in_dim3A_40 = arith.constant 1048576 : i32
      %broadcast_in_dim3A_41 = vector.broadcast %broadcast_in_dim3A_40 : i32 to vector<16xi32>
      %mul3A_42 = arith.constant 128 : i32
      %mul3A_43 = arith.muli %scan3A_34, %mul3A_42 : i32
      %add3A_44 = arith.constant 0 : i32
      %add3A_45 = arith.addi %mul3A_43, %add3A_44 : i32
      %swap3A_46 = arith.index_cast %add3A_45 : i32 to index
      %swap3A_47 = tpu.vector_load %arg8[%swap3A_46] {strides = array<i32>} : memref<4224xi32, #tpu.memory_space<vmem>>, vector<16xi32>,
      tpu.vector_store %arg8[%swap3A_46], %broadcast_in_dim3A_41 {strides = array<i32>} : memref<4224xi32, #tpu.memory_space<vmem>>, vector<16xi32>,
      %broadcast_in_dim3A_48 = arith.constant 1048576 : i32
      %broadcast_in_dim3A_49 = vector.broadcast %broadcast_in_dim3A_48 : i32 to vector<16xi32>
      %swap3A_50 = arith.index_cast %scan3A_34 : i32 to index
      %swap3A_51 = arith.constant 16 : index
      %swap3A_52 = tpu.vector_load %arg10[%swap3A_50, %swap3A_51] {strides = array<i32>} : memref<33x128xi32, #tpu.memory_space<vmem>>, vector<16xi32>,
      tpu.vector_store %arg10[%swap3A_50, %swap3A_51], %broadcast_in_dim3A_49 {strides = array<i32>} : memref<33x128xi32, #tpu.memory_space<vmem>>, vector<16xi32>,
      %broadcast_in_dim3A_53 = arith.constant 1048576 : i32
      %broadcast_in_dim3A_54 = vector.broadcast %broadcast_in_dim3A_53 : i32 to vector<16xi32>
      %mul3A_55 = arith.constant 128 : i32
      %mul3A_56 = arith.muli %scan3A_34, %mul3A_55 : i32
      %add3A_57 = arith.constant 16 : i32
      %add3A_58 = arith.addi %mul3A_56, %add3A_57 : i32
      %swap3A_59 = arith.index_cast %add3A_58 : i32 to index
      %swap3A_60 = tpu.vector_load %arg8[%swap3A_59] {strides = array<i32>} : memref<4224xi32, #tpu.memory_space<vmem>>, vector<16xi32>,
      tpu.vector_store %arg8[%swap3A_59], %broadcast_in_dim3A_54 {strides = array<i32>} : memref<4224xi32, #tpu.memory_space<vmem>>, vector<16xi32>,
      %broadcast_in_dim3A_61 = arith.constant 1048576 : i32
      %broadcast_in_dim3A_62 = vector.broadcast %broadcast_in_dim3A_61 : i32 to vector<16xi32>
      %swap3A_63 = arith.index_cast %scan3A_34 : i32 to index
      %swap3A_64 = arith.constant 32 : index
      %swap3A_65 = tpu.vector_load %arg10[%swap3A_63, %swap3A_64] {strides = array<i32>} : memref<33x128xi32, #tpu.memory_space<vmem>>, vector<16xi32>,
      tpu.vector_store %arg10[%swap3A_63, %swap3A_64], %broadcast_in_dim3A_62 {strides = array<i32>} : memref<33x128xi32, #tpu.memory_space<vmem>>, vector<16xi32>,
      %broadcast_in_dim3A_66 = arith.constant 1048576 : i32
      %broadcast_in_dim3A_67 = vector.broadcast %broadcast_in_dim3A_66 : i32 to vector<16xi32>
      %mul3A_68 = arith.constant 128 : i32
      %mul3A_69 = arith.muli %scan3A_34, %mul3A_68 : i32
      %add3A_70 = arith.constant 32 : i32
      %add3A_71 = arith.addi %mul3A_69, %add3A_70 : i32
      %swap3A_72 = arith.index_cast %add3A_71 : i32 to index
      %swap3A_73 = tpu.vector_load %arg8[%swap3A_72] {strides = array<i32>} : memref<4224xi32, #tpu.memory_space<vmem>>, vector<16xi32>,
      tpu.vector_store %arg8[%swap3A_72], %broadcast_in_dim3A_67 {strides = array<i32>} : memref<4224xi32, #tpu.memory_space<vmem>>, vector<16xi32>,
      %broadcast_in_dim3A_74 = arith.constant 1048576 : i32
      %broadcast_in_dim3A_75 = vector.broadcast %broadcast_in_dim3A_74 : i32 to vector<16xi32>
      %swap3A_76 = arith.index_cast %scan3A_34 : i32 to index
      %swap3A_77 = arith.constant 48 : index
      %swap3A_78 = tpu.vector_load %arg10[%swap3A_76, %swap3A_77] {strides = array<i32>} : memref<33x128xi32, #tpu.memory_space<vmem>>, vector<16xi32>,
      tpu.vector_store %arg10[%swap3A_76, %swap3A_77], %broadcast_in_dim3A_75 {strides = array<i32>} : memref<33x128xi32, #tpu.memory_space<vmem>>, vector<16xi32>,
      %broadcast_in_dim3A_79 = arith.constant 1048576 : i32
      %broadcast_in_dim3A_80 = vector.broadcast %broadcast_in_dim3A_79 : i32 to vector<16xi32>
      %mul3A_81 = arith.constant 128 : i32
      %mul3A_82 = arith.muli %scan3A_34, %mul3A_81 : i32
      %add3A_83 = arith.constant 48 : i32
      %add3A_84 = arith.addi %mul3A_82, %add3A_83 : i32
      %swap3A_85 = arith.index_cast %add3A_84 : i32 to index
      %swap3A_86 = tpu.vector_load %arg8[%swap3A_85] {strides = array<i32>} : memref<4224xi32, #tpu.memory_space<vmem>>, vector<16xi32>,
      tpu.vector_store %arg8[%swap3A_85], %broadcast_in_dim3A_80 {strides = array<i32>} : memref<4224xi32, #tpu.memory_space<vmem>>, vector<16xi32>,
      %broadcast_in_dim3A_87 = arith.constant 1048576 : i32
      %broadcast_in_dim3A_88 = vector.broadcast %broadcast_in_dim3A_87 : i32 to vector<16xi32>
      %swap3A_89 = arith.index_cast %scan3A_34 : i32 to index
      %swap3A_90 = arith.constant 64 : index
      %swap3A_91 = tpu.vector_load %arg10[%swap3A_89, %swap3A_90] {strides = array<i32>} : memref<33x128xi32, #tpu.memory_space<vmem>>, vector<16xi32>,
      tpu.vector_store %arg10[%swap3A_89, %swap3A_90], %broadcast_in_dim3A_88 {strides = array<i32>} : memref<33x128xi32, #tpu.memory_space<vmem>>, vector<16xi32>,
      %broadcast_in_dim3A_92 = arith.constant 1048576 : i32
      %broadcast_in_dim3A_93 = vector.broadcast %broadcast_in_dim3A_92 : i32 to vector<16xi32>
      %mul3A_94 = arith.constant 128 : i32
      %mul3A_95 = arith.muli %scan3A_34, %mul3A_94 : i32
      %add3A_96 = arith.constant 64 : i32
      %add3A_97 = arith.addi %mul3A_95, %add3A_96 : i32
      %swap3A_98 = arith.index_cast %add3A_97 : i32 to index
      %swap3A_99 = tpu.vector_load %arg8[%swap3A_98] {strides = array<i32>} : memref<4224xi32, #tpu.memory_space<vmem>>, vector<16xi32>,
      tpu.vector_store %arg8[%swap3A_98], %broadcast_in_dim3A_93 {strides = array<i32>} : memref<4224xi32, #tpu.memory_space<vmem>>, vector<16xi32>,
      %broadcast_in_dim3A_100 = arith.constant 1048576 : i32
      %broadcast_in_dim3A_101 = vector.broadcast %broadcast_in_dim3A_100 : i32 to vector<16xi32>
      %swap3A_102 = arith.index_cast %scan3A_34 : i32 to index
      %swap3A_103 = arith.constant 80 : index
      %swap3A_104 = tpu.vector_load %arg10[%swap3A_102, %swap3A_103] {strides = array<i32>} : memref<33x128xi32, #tpu.memory_space<vmem>>, vector<16xi32>,
      tpu.vector_store %arg10[%swap3A_102, %swap3A_103], %broadcast_in_dim3A_101 {strides = array<i32>} : memref<33x128xi32, #tpu.memory_space<vmem>>, vector<16xi32>,
      %broadcast_in_dim3A_105 = arith.constant 1048576 : i32
      %broadcast_in_dim3A_106 = vector.broadcast %broadcast_in_dim3A_105 : i32 to vector<16xi32>
      %mul3A_107 = arith.constant 128 : i32
      %mul3A_108 = arith.muli %scan3A_34, %mul3A_107 : i32
      %add3A_109 = arith.constant 80 : i32
      %add3A_110 = arith.addi %mul3A_108, %add3A_109 : i32
      %swap3A_111 = arith.index_cast %add3A_110 : i32 to index
      %swap3A_112 = tpu.vector_load %arg8[%swap3A_111] {strides = array<i32>} : memref<4224xi32, #tpu.memory_space<vmem>>, vector<16xi32>,
      tpu.vector_store %arg8[%swap3A_111], %broadcast_in_dim3A_106 {strides = array<i32>} : memref<4224xi32, #tpu.memory_space<vmem>>, vector<16xi32>,
      %broadcast_in_dim3A_113 = arith.constant 1048576 : i32
      %broadcast_in_dim3A_114 = vector.broadcast %broadcast_in_dim3A_113 : i32 to vector<16xi32>
      %swap3A_115 = arith.index_cast %scan3A_34 : i32 to index
      %swap3A_116 = arith.constant 96 : index
      %swap3A_117 = tpu.vector_load %arg10[%swap3A_115, %swap3A_116] {strides = array<i32>} : memref<33x128xi32, #tpu.memory_space<vmem>>, vector<16xi32>,
      tpu.vector_store %arg10[%swap3A_115, %swap3A_116], %broadcast_in_dim3A_114 {strides = array<i32>} : memref<33x128xi32, #tpu.memory_space<vmem>>, vector<16xi32>,
      %broadcast_in_dim3A_118 = arith.constant 1048576 : i32
      %broadcast_in_dim3A_119 = vector.broadcast %broadcast_in_dim3A_118 : i32 to vector<16xi32>
      %mul3A_120 = arith.constant 128 : i32
      %mul3A_121 = arith.muli %scan3A_34, %mul3A_120 : i32
      %add3A_122 = arith.constant 96 : i32
      %add3A_123 = arith.addi %mul3A_121, %add3A_122 : i32
      %swap3A_124 = arith.index_cast %add3A_123 : i32 to index
      %swap3A_125 = tpu.vector_load %arg8[%swap3A_124] {strides = array<i32>} : memref<4224xi32, #tpu.memory_space<vmem>>, vector<16xi32>,
      tpu.vector_store %arg8[%swap3A_124], %broadcast_in_dim3A_119 {strides = array<i32>} : memref<4224xi32, #tpu.memory_space<vmem>>, vector<16xi32>,
      %broadcast_in_dim3A_126 = arith.constant 1048576 : i32
      %broadcast_in_dim3A_127 = vector.broadcast %broadcast_in_dim3A_126 : i32 to vector<16xi32>
      %swap3A_128 = arith.index_cast %scan3A_34 : i32 to index
      %swap3A_129 = arith.constant 112 : index
      %swap3A_130 = tpu.vector_load %arg10[%swap3A_128, %swap3A_129] {strides = array<i32>} : memref<33x128xi32, #tpu.memory_space<vmem>>, vector<16xi32>,
      tpu.vector_store %arg10[%swap3A_128, %swap3A_129], %broadcast_in_dim3A_127 {strides = array<i32>} : memref<33x128xi32, #tpu.memory_space<vmem>>, vector<16xi32>,
      %broadcast_in_dim3A_131 = arith.constant 1048576 : i32
      %broadcast_in_dim3A_132 = vector.broadcast %broadcast_in_dim3A_131 : i32 to vector<16xi32>
      %mul3A_133 = arith.constant 128 : i32
      %mul3A_134 = arith.muli %scan3A_34, %mul3A_133 : i32
      %add3A_135 = arith.constant 112 : i32
      %add3A_136 = arith.addi %mul3A_134, %add3A_135 : i32
      %swap3A_137 = arith.index_cast %add3A_136 : i32 to index
      %swap3A_138 = tpu.vector_load %arg8[%swap3A_137] {strides = array<i32>} : memref<4224xi32, #tpu.memory_space<vmem>>, vector<16xi32>,
      tpu.vector_store %arg8[%swap3A_137], %broadcast_in_dim3A_132 {strides = array<i32>} : memref<4224xi32, #tpu.memory_space<vmem>>, vector<16xi32>,
      %scan3A_139 = arith.constant 0 : i32
      scf.yield %scan3A_139 : i32
    }
    %scan3A_21 = arith.constant 33 : i32
    %scan3A_22 = arith.constant 0 : i32
    %scan3A_23 = arith.constant 0 : i32
    %scan3A_24 = arith.constant 8 : i32
    %scan3A_25 = arith.addi %scan3A_23, %scan3A_24 : i32
    %scan3A_26 = arith.constant 1 : i32
    %scan3A_27 = scf.for %scan3A_34 = %scan3A_23 to %scan3A_25 step %scan3A_26 iter_args(%scan3A_35 = %scan3A_22) -> (i32)  : i32 {
      %mul3A_36 = arith.constant 256 : i32
      %mul3A_37 = arith.muli %arg1, %mul3A_36 : i32
      %mul3A_38 = arith.constant 32 : i32
      %mul3A_39 = arith.muli %scan3A_34, %mul3A_38 : i32
      %add3A_40 = arith.addi %mul3A_37, %mul3A_39 : i32
      %dma_start3A = arith.constant 0 : i32
      %dma_start3A_41 = tpu.memref_slice %arg2[%add3A_40, %dma_start3A] : memref<4096x128xi32, #tpu.memory_space<hbm>> -> memref<32x128xi32, #tpu.memory_space<hbm>>
      %dma_start3A_42 = arith.constant 0 : i32
      %dma_start3A_43 = tpu.memref_slice %arg2[%add3A_40, %dma_start3A_42] : memref<4096x128xi32, #tpu.memory_space<hbm>> -> memref<32x128xi32, #tpu.memory_space<hbm>>
      tpu.enqueue_dma source(%dma_start3A_43 : memref<32x128xi32, #tpu.memory_space<hbm>>) target(%arg6 : memref<32x128xi32, #tpu.memory_space<vmem>>) target_semaphore(%arg12 : memref<!tpu.dma_semaphore, #tpu.memory_space<semaphore_mem>>)
      %dma_start3A_44 = arith.constant 0 : i32
      %dma_start3A_45 = tpu.memref_slice %arg3[%add3A_40, %dma_start3A_44] : memref<4096x128xf32, #tpu.memory_space<hbm>> -> memref<32x128xf32, #tpu.memory_space<hbm>>
      %dma_start3A_46 = arith.constant 0 : i32
      %dma_start3A_47 = tpu.memref_slice %arg3[%add3A_40, %dma_start3A_46] : memref<4096x128xf32, #tpu.memory_space<hbm>> -> memref<32x128xf32, #tpu.memory_space<hbm>>
      tpu.enqueue_dma source(%dma_start3A_47 : memref<32x128xf32, #tpu.memory_space<hbm>>) target(%arg7 : memref<32x128xf32, #tpu.memory_space<vmem>>) target_semaphore(%arg12 : memref<!tpu.dma_semaphore, #tpu.memory_space<semaphore_mem>>)
      %scan3A_48 = arith.constant 0 : i32
      %scan3A_49 = arith.constant 0 : i32
      %scan3A_50 = arith.constant 264 : i32
      %scan3A_51 = arith.addi %scan3A_49, %scan3A_50 : i32
      %scan3A_52 = arith.constant 1 : i32
      %scan3A_53 = scf.for %scan3A_428 = %scan3A_49 to %scan3A_51 step %scan3A_52 iter_args(%scan3A_429 = %scan3A_48) -> (i32)  : i32 {
        %broadcast_in_dim3A_430 = arith.constant 0.000000e+00 : f32
        %broadcast_in_dim3A_431 = vector.broadcast %broadcast_in_dim3A_430 : f32 to vector<16xf32>
        %mul3A_432 = arith.constant 16 : i32
        %mul3A_433 = arith.muli %scan3A_428, %mul3A_432 : i32
        %swap3A = arith.index_cast %mul3A_433 : i32 to index
        %swap3A_434 = tpu.vector_load %arg9[%swap3A] {strides = array<i32>} : memref<4224xf32, #tpu.memory_space<vmem>>, vector<16xf32>,
        tpu.vector_store %arg9[%swap3A], %broadcast_in_dim3A_431 {strides = array<i32>} : memref<4224xf32, #tpu.memory_space<vmem>>, vector<16xf32>,
        %scan3A_435 = arith.constant 0 : i32
        scf.yield %scan3A_435 : i32
      }
      %scan3A_54 = arith.constant 264 : i32
      %dma_wait3A = arith.constant 0 : i32
      %dma_wait3A_55 = tpu.memref_slice %arg2[%add3A_40, %dma_wait3A] : memref<4096x128xi32, #tpu.memory_space<hbm>> -> memref<32x128xi32, #tpu.memory_space<hbm>>
      %dma_wait3A_56 = arith.constant 0 : i32
      %dma_wait3A_57 = tpu.memref_slice %arg2[%add3A_40, %dma_wait3A_56] : memref<4096x128xi32, #tpu.memory_space<hbm>> -> memref<32x128xi32, #tpu.memory_space<hbm>>
      tpu.wait_dma2 semaphore(%arg12 : memref<!tpu.dma_semaphore, #tpu.memory_space<semaphore_mem>>) src(%dma_wait3A_57 : memref<32x128xi32, #tpu.memory_space<hbm>>) dst(%arg6 : memref<32x128xi32, #tpu.memory_space<vmem>>)
      %dma_wait3A_58 = arith.constant 0 : i32
      %dma_wait3A_59 = tpu.memref_slice %arg3[%add3A_40, %dma_wait3A_58] : memref<4096x128xf32, #tpu.memory_space<hbm>> -> memref<32x128xf32, #tpu.memory_space<hbm>>
      %dma_wait3A_60 = arith.constant 0 : i32
      %dma_wait3A_61 = tpu.memref_slice %arg3[%add3A_40, %dma_wait3A_60] : memref<4096x128xf32, #tpu.memory_space<hbm>> -> memref<32x128xf32, #tpu.memory_space<hbm>>
      tpu.wait_dma2 semaphore(%arg12 : memref<!tpu.dma_semaphore, #tpu.memory_space<semaphore_mem>>) src(%dma_wait3A_61 : memref<32x128xf32, #tpu.memory_space<hbm>>) dst(%arg7 : memref<32x128xf32, #tpu.memory_space<vmem>>)
      %scan3A_62 = arith.constant 0 : i32
      %scan3A_63 = arith.constant 0 : i32
      %scan3A_64 = arith.constant 32 : i32
      %scan3A_65 = arith.addi %scan3A_63, %scan3A_64 : i32
      %scan3A_66 = arith.constant 1 : i32
      %scan3A_67 = scf.for %scan3A_428 = %scan3A_63 to %scan3A_65 step %scan3A_66 iter_args(%scan3A_429 = %scan3A_62) -> (i32)  : i32 {
        %get3A = arith.index_cast %scan3A_428 : i32 to index
        %get3A_430 = arith.constant 0 : index
        %get3A_431 = tpu.vector_load %arg6[%get3A, %get3A_430] {strides = array<i32>} : memref<32x128xi32, #tpu.memory_space<vmem>>, vector<16xi32>,
        %get3A_432 = arith.index_cast %scan3A_428 : i32 to index
        %get3A_433 = arith.constant 0 : index
        %get3A_434 = tpu.vector_load %arg7[%get3A_432, %get3A_433] {strides = array<i32>} : memref<32x128xf32, #tpu.memory_space<vmem>>, vector<16xf32>,
        %sub3A_435 = vector.broadcast %mul3A_0 : i32 to vector<16xi32>
        %sub3A_436 = arith.subi %get3A_431, %sub3A_435 : vector<16xi32>
        %ge3A = arith.constant 0 : i32
        %ge3A_437 = vector.broadcast %ge3A : i32 to vector<16xi32>
        %ge3A_438 = arith.cmpi sge, %sub3A_436, %ge3A_437 : vector<16xi32>
        %lt3A = arith.constant 1048576 : i32
        %lt3A_439 = vector.broadcast %lt3A : i32 to vector<16xi32>
        %lt3A_440 = arith.cmpi slt, %sub3A_436, %lt3A_439 : vector<16xi32>
        %and3A_441 = arith.andi %ge3A_438, %lt3A_440 : vector<16xi1>
        %swap3A = arith.index_cast %scan3A_429 : i32 to index
        %swap3A_442 = tpu.vector_load %arg8[%swap3A] masked %and3A_441 {strides = array<i32>} : memref<4224xi32, #tpu.memory_space<vmem>>, vector<16xi32>, vector<16xi1>
        tpu.vector_store %arg8[%swap3A], %sub3A_436 masked %and3A_441 {strides = array<i32>} : memref<4224xi32, #tpu.memory_space<vmem>>, vector<16xi32>, vector<16xi1>
        %swap3A_443 = arith.index_cast %scan3A_429 : i32 to index
        %swap3A_444 = tpu.vector_load %arg9[%swap3A_443] masked %and3A_441 {strides = array<i32>} : memref<4224xf32, #tpu.memory_space<vmem>>, vector<16xf32>, vector<16xi1>
        tpu.vector_store %arg9[%swap3A_443], %get3A_434 masked %and3A_441 {strides = array<i32>} : memref<4224xf32, #tpu.memory_space<vmem>>, vector<16xf32>, vector<16xi1>
        %convert_element_type3A_445 = arith.extui %and3A_441 : vector<16xi1> to vector<16xi32>
        %reduce_sum3A = arith.constant true
        %reduce_sum3A_446 = vector.broadcast %reduce_sum3A : i1 to vector<16xi1>
        %reduce_sum3A_447 = tpu.scan <sum>, %convert_element_type3A_445 masked %reduce_sum3A_446 : vector<16xi32>, vector<16xi1> -> vector<16xi32>
        %reduce_sum3A_448 = vector.extract %reduce_sum3A_447[15] : i32 from vector<16xi32>
        %add3A_449 = arith.addi %scan3A_429, %reduce_sum3A_448 : i32
        %get3A_450 = arith.index_cast %scan3A_428 : i32 to index
        %get3A_451 = arith.constant 16 : index
        %get3A_452 = tpu.vector_load %arg6[%get3A_450, %get3A_451] {strides = array<i32>} : memref<32x128xi32, #tpu.memory_space<vmem>>, vector<16xi32>,
        %get3A_453 = arith.index_cast %scan3A_428 : i32 to index
        %get3A_454 = arith.constant 16 : index
        %get3A_455 = tpu.vector_load %arg7[%get3A_453, %get3A_454] {strides = array<i32>} : memref<32x128xf32, #tpu.memory_space<vmem>>, vector<16xf32>,
        %sub3A_456 = vector.broadcast %mul3A_0 : i32 to vector<16xi32>
        %sub3A_457 = arith.subi %get3A_452, %sub3A_456 : vector<16xi32>
        %ge3A_458 = arith.constant 0 : i32
        %ge3A_459 = vector.broadcast %ge3A_458 : i32 to vector<16xi32>
        %ge3A_460 = arith.cmpi sge, %sub3A_457, %ge3A_459 : vector<16xi32>
        %lt3A_461 = arith.constant 1048576 : i32
        %lt3A_462 = vector.broadcast %lt3A_461 : i32 to vector<16xi32>
        %lt3A_463 = arith.cmpi slt, %sub3A_457, %lt3A_462 : vector<16xi32>
        %and3A_464 = arith.andi %ge3A_460, %lt3A_463 : vector<16xi1>
        %swap3A_465 = arith.index_cast %add3A_449 : i32 to index
        %swap3A_466 = tpu.vector_load %arg8[%swap3A_465] masked %and3A_464 {strides = array<i32>} : memref<4224xi32, #tpu.memory_space<vmem>>, vector<16xi32>, vector<16xi1>
        tpu.vector_store %arg8[%swap3A_465], %sub3A_457 masked %and3A_464 {strides = array<i32>} : memref<4224xi32, #tpu.memory_space<vmem>>, vector<16xi32>, vector<16xi1>
        %swap3A_467 = arith.index_cast %add3A_449 : i32 to index
        %swap3A_468 = tpu.vector_load %arg9[%swap3A_467] masked %and3A_464 {strides = array<i32>} : memref<4224xf32, #tpu.memory_space<vmem>>, vector<16xf32>, vector<16xi1>
        tpu.vector_store %arg9[%swap3A_467], %get3A_455 masked %and3A_464 {strides = array<i32>} : memref<4224xf32, #tpu.memory_space<vmem>>, vector<16xf32>, vector<16xi1>
        %convert_element_type3A_469 = arith.extui %and3A_464 : vector<16xi1> to vector<16xi32>
        %reduce_sum3A_470 = arith.constant true
        %reduce_sum3A_471 = vector.broadcast %reduce_sum3A_470 : i1 to vector<16xi1>
        %reduce_sum3A_472 = tpu.scan <sum>, %convert_element_type3A_469 masked %reduce_sum3A_471 : vector<16xi32>, vector<16xi1> -> vector<16xi32>
        %reduce_sum3A_473 = vector.extract %reduce_sum3A_472[15] : i32 from vector<16xi32>
        %add3A_474 = arith.addi %add3A_449, %reduce_sum3A_473 : i32
        %get3A_475 = arith.index_cast %scan3A_428 : i32 to index
        %get3A_476 = arith.constant 32 : index
        %get3A_477 = tpu.vector_load %arg6[%get3A_475, %get3A_476] {strides = array<i32>} : memref<32x128xi32, #tpu.memory_space<vmem>>, vector<16xi32>,
        %get3A_478 = arith.index_cast %scan3A_428 : i32 to index
        %get3A_479 = arith.constant 32 : index
        %get3A_480 = tpu.vector_load %arg7[%get3A_478, %get3A_479] {strides = array<i32>} : memref<32x128xf32, #tpu.memory_space<vmem>>, vector<16xf32>,
        %sub3A_481 = vector.broadcast %mul3A_0 : i32 to vector<16xi32>
        %sub3A_482 = arith.subi %get3A_477, %sub3A_481 : vector<16xi32>
        %ge3A_483 = arith.constant 0 : i32
        %ge3A_484 = vector.broadcast %ge3A_483 : i32 to vector<16xi32>
        %ge3A_485 = arith.cmpi sge, %sub3A_482, %ge3A_484 : vector<16xi32>
        %lt3A_486 = arith.constant 1048576 : i32
        %lt3A_487 = vector.broadcast %lt3A_486 : i32 to vector<16xi32>
        %lt3A_488 = arith.cmpi slt, %sub3A_482, %lt3A_487 : vector<16xi32>
        %and3A_489 = arith.andi %ge3A_485, %lt3A_488 : vector<16xi1>
        %swap3A_490 = arith.index_cast %add3A_474 : i32 to index
        %swap3A_491 = tpu.vector_load %arg8[%swap3A_490] masked %and3A_489 {strides = array<i32>} : memref<4224xi32, #tpu.memory_space<vmem>>, vector<16xi32>, vector<16xi1>
        tpu.vector_store %arg8[%swap3A_490], %sub3A_482 masked %and3A_489 {strides = array<i32>} : memref<4224xi32, #tpu.memory_space<vmem>>, vector<16xi32>, vector<16xi1>
        %swap3A_492 = arith.index_cast %add3A_474 : i32 to index
        %swap3A_493 = tpu.vector_load %arg9[%swap3A_492] masked %and3A_489 {strides = array<i32>} : memref<4224xf32, #tpu.memory_space<vmem>>, vector<16xf32>, vector<16xi1>
        tpu.vector_store %arg9[%swap3A_492], %get3A_480 masked %and3A_489 {strides = array<i32>} : memref<4224xf32, #tpu.memory_space<vmem>>, vector<16xf32>, vector<16xi1>
        %convert_element_type3A_494 = arith.extui %and3A_489 : vector<16xi1> to vector<16xi32>
        %reduce_sum3A_495 = arith.constant true
        %reduce_sum3A_496 = vector.broadcast %reduce_sum3A_495 : i1 to vector<16xi1>
        %reduce_sum3A_497 = tpu.scan <sum>, %convert_element_type3A_494 masked %reduce_sum3A_496 : vector<16xi32>, vector<16xi1> -> vector<16xi32>
        %reduce_sum3A_498 = vector.extract %reduce_sum3A_497[15] : i32 from vector<16xi32>
        %add3A_499 = arith.addi %add3A_474, %reduce_sum3A_498 : i32
        %get3A_500 = arith.index_cast %scan3A_428 : i32 to index
        %get3A_501 = arith.constant 48 : index
        %get3A_502 = tpu.vector_load %arg6[%get3A_500, %get3A_501] {strides = array<i32>} : memref<32x128xi32, #tpu.memory_space<vmem>>, vector<16xi32>,
        %get3A_503 = arith.index_cast %scan3A_428 : i32 to index
        %get3A_504 = arith.constant 48 : index
        %get3A_505 = tpu.vector_load %arg7[%get3A_503, %get3A_504] {strides = array<i32>} : memref<32x128xf32, #tpu.memory_space<vmem>>, vector<16xf32>,
        %sub3A_506 = vector.broadcast %mul3A_0 : i32 to vector<16xi32>
        %sub3A_507 = arith.subi %get3A_502, %sub3A_506 : vector<16xi32>
        %ge3A_508 = arith.constant 0 : i32
        %ge3A_509 = vector.broadcast %ge3A_508 : i32 to vector<16xi32>
        %ge3A_510 = arith.cmpi sge, %sub3A_507, %ge3A_509 : vector<16xi32>
        %lt3A_511 = arith.constant 1048576 : i32
        %lt3A_512 = vector.broadcast %lt3A_511 : i32 to vector<16xi32>
        %lt3A_513 = arith.cmpi slt, %sub3A_507, %lt3A_512 : vector<16xi32>
        %and3A_514 = arith.andi %ge3A_510, %lt3A_513 : vector<16xi1>
        %swap3A_515 = arith.index_cast %add3A_499 : i32 to index
        %swap3A_516 = tpu.vector_load %arg8[%swap3A_515] masked %and3A_514 {strides = array<i32>} : memref<4224xi32, #tpu.memory_space<vmem>>, vector<16xi32>, vector<16xi1>
        tpu.vector_store %arg8[%swap3A_515], %sub3A_507 masked %and3A_514 {strides = array<i32>} : memref<4224xi32, #tpu.memory_space<vmem>>, vector<16xi32>, vector<16xi1>
        %swap3A_517 = arith.index_cast %add3A_499 : i32 to index
        %swap3A_518 = tpu.vector_load %arg9[%swap3A_517] masked %and3A_514 {strides = array<i32>} : memref<4224xf32, #tpu.memory_space<vmem>>, vector<16xf32>, vector<16xi1>
        tpu.vector_store %arg9[%swap3A_517], %get3A_505 masked %and3A_514 {strides = array<i32>} : memref<4224xf32, #tpu.memory_space<vmem>>, vector<16xf32>, vector<16xi1>
        %convert_element_type3A_519 = arith.extui %and3A_514 : vector<16xi1> to vector<16xi32>
        %reduce_sum3A_520 = arith.constant true
        %reduce_sum3A_521 = vector.broadcast %reduce_sum3A_520 : i1 to vector<16xi1>
        %reduce_sum3A_522 = tpu.scan <sum>, %convert_element_type3A_519 masked %reduce_sum3A_521 : vector<16xi32>, vector<16xi1> -> vector<16xi32>
        %reduce_sum3A_523 = vector.extract %reduce_sum3A_522[15] : i32 from vector<16xi32>
        %add3A_524 = arith.addi %add3A_499, %reduce_sum3A_523 : i32
        %get3A_525 = arith.index_cast %scan3A_428 : i32 to index
        %get3A_526 = arith.constant 64 : index
        %get3A_527 = tpu.vector_load %arg6[%get3A_525, %get3A_526] {strides = array<i32>} : memref<32x128xi32, #tpu.memory_space<vmem>>, vector<16xi32>,
        %get3A_528 = arith.index_cast %scan3A_428 : i32 to index
        %get3A_529 = arith.constant 64 : index
        %get3A_530 = tpu.vector_load %arg7[%get3A_528, %get3A_529] {strides = array<i32>} : memref<32x128xf32, #tpu.memory_space<vmem>>, vector<16xf32>,
        %sub3A_531 = vector.broadcast %mul3A_0 : i32 to vector<16xi32>
        %sub3A_532 = arith.subi %get3A_527, %sub3A_531 : vector<16xi32>
        %ge3A_533 = arith.constant 0 : i32
        %ge3A_534 = vector.broadcast %ge3A_533 : i32 to vector<16xi32>
        %ge3A_535 = arith.cmpi sge, %sub3A_532, %ge3A_534 : vector<16xi32>
        %lt3A_536 = arith.constant 1048576 : i32
        %lt3A_537 = vector.broadcast %lt3A_536 : i32 to vector<16xi32>
        %lt3A_538 = arith.cmpi slt, %sub3A_532, %lt3A_537 : vector<16xi32>
        %and3A_539 = arith.andi %ge3A_535, %lt3A_538 : vector<16xi1>
        %swap3A_540 = arith.index_cast %add3A_524 : i32 to index
        %swap3A_541 = tpu.vector_load %arg8[%swap3A_540] masked %and3A_539 {strides = array<i32>} : memref<4224xi32, #tpu.memory_space<vmem>>, vector<16xi32>, vector<16xi1>
        tpu.vector_store %arg8[%swap3A_540], %sub3A_532 masked %and3A_539 {strides = array<i32>} : memref<4224xi32, #tpu.memory_space<vmem>>, vector<16xi32>, vector<16xi1>
        %swap3A_542 = arith.index_cast %add3A_524 : i32 to index
        %swap3A_543 = tpu.vector_load %arg9[%swap3A_542] masked %and3A_539 {strides = array<i32>} : memref<4224xf32, #tpu.memory_space<vmem>>, vector<16xf32>, vector<16xi1>
        tpu.vector_store %arg9[%swap3A_542], %get3A_530 masked %and3A_539 {strides = array<i32>} : memref<4224xf32, #tpu.memory_space<vmem>>, vector<16xf32>, vector<16xi1>
        %convert_element_type3A_544 = arith.extui %and3A_539 : vector<16xi1> to vector<16xi32>
        %reduce_sum3A_545 = arith.constant true
        %reduce_sum3A_546 = vector.broadcast %reduce_sum3A_545 : i1 to vector<16xi1>
        %reduce_sum3A_547 = tpu.scan <sum>, %convert_element_type3A_544 masked %reduce_sum3A_546 : vector<16xi32>, vector<16xi1> -> vector<16xi32>
        %reduce_sum3A_548 = vector.extract %reduce_sum3A_547[15] : i32 from vector<16xi32>
        %add3A_549 = arith.addi %add3A_524, %reduce_sum3A_548 : i32
        %get3A_550 = arith.index_cast %scan3A_428 : i32 to index
        %get3A_551 = arith.constant 80 : index
        %get3A_552 = tpu.vector_load %arg6[%get3A_550, %get3A_551] {strides = array<i32>} : memref<32x128xi32, #tpu.memory_space<vmem>>, vector<16xi32>,
        %get3A_553 = arith.index_cast %scan3A_428 : i32 to index
        %get3A_554 = arith.constant 80 : index
        %get3A_555 = tpu.vector_load %arg7[%get3A_553, %get3A_554] {strides = array<i32>} : memref<32x128xf32, #tpu.memory_space<vmem>>, vector<16xf32>,
        %sub3A_556 = vector.broadcast %mul3A_0 : i32 to vector<16xi32>
        %sub3A_557 = arith.subi %get3A_552, %sub3A_556 : vector<16xi32>
        %ge3A_558 = arith.constant 0 : i32
        %ge3A_559 = vector.broadcast %ge3A_558 : i32 to vector<16xi32>
        %ge3A_560 = arith.cmpi sge, %sub3A_557, %ge3A_559 : vector<16xi32>
        %lt3A_561 = arith.constant 1048576 : i32
        %lt3A_562 = vector.broadcast %lt3A_561 : i32 to vector<16xi32>
        %lt3A_563 = arith.cmpi slt, %sub3A_557, %lt3A_562 : vector<16xi32>
        %and3A_564 = arith.andi %ge3A_560, %lt3A_563 : vector<16xi1>
        %swap3A_565 = arith.index_cast %add3A_549 : i32 to index
        %swap3A_566 = tpu.vector_load %arg8[%swap3A_565] masked %and3A_564 {strides = array<i32>} : memref<4224xi32, #tpu.memory_space<vmem>>, vector<16xi32>, vector<16xi1>
        tpu.vector_store %arg8[%swap3A_565], %sub3A_557 masked %and3A_564 {strides = array<i32>} : memref<4224xi32, #tpu.memory_space<vmem>>, vector<16xi32>, vector<16xi1>
        %swap3A_567 = arith.index_cast %add3A_549 : i32 to index
        %swap3A_568 = tpu.vector_load %arg9[%swap3A_567] masked %and3A_564 {strides = array<i32>} : memref<4224xf32, #tpu.memory_space<vmem>>, vector<16xf32>, vector<16xi1>
        tpu.vector_store %arg9[%swap3A_567], %get3A_555 masked %and3A_564 {strides = array<i32>} : memref<4224xf32, #tpu.memory_space<vmem>>, vector<16xf32>, vector<16xi1>
        %convert_element_type3A_569 = arith.extui %and3A_564 : vector<16xi1> to vector<16xi32>
        %reduce_sum3A_570 = arith.constant true
        %reduce_sum3A_571 = vector.broadcast %reduce_sum3A_570 : i1 to vector<16xi1>
        %reduce_sum3A_572 = tpu.scan <sum>, %convert_element_type3A_569 masked %reduce_sum3A_571 : vector<16xi32>, vector<16xi1> -> vector<16xi32>
        %reduce_sum3A_573 = vector.extract %reduce_sum3A_572[15] : i32 from vector<16xi32>
        %add3A_574 = arith.addi %add3A_549, %reduce_sum3A_573 : i32
        %get3A_575 = arith.index_cast %scan3A_428 : i32 to index
        %get3A_576 = arith.constant 96 : index
        %get3A_577 = tpu.vector_load %arg6[%get3A_575, %get3A_576] {strides = array<i32>} : memref<32x128xi32, #tpu.memory_space<vmem>>, vector<16xi32>,
        %get3A_578 = arith.index_cast %scan3A_428 : i32 to index
        %get3A_579 = arith.constant 96 : index
        %get3A_580 = tpu.vector_load %arg7[%get3A_578, %get3A_579] {strides = array<i32>} : memref<32x128xf32, #tpu.memory_space<vmem>>, vector<16xf32>,
        %sub3A_581 = vector.broadcast %mul3A_0 : i32 to vector<16xi32>
        %sub3A_582 = arith.subi %get3A_577, %sub3A_581 : vector<16xi32>
        %ge3A_583 = arith.constant 0 : i32
        %ge3A_584 = vector.broadcast %ge3A_583 : i32 to vector<16xi32>
        %ge3A_585 = arith.cmpi sge, %sub3A_582, %ge3A_584 : vector<16xi32>
        %lt3A_586 = arith.constant 1048576 : i32
        %lt3A_587 = vector.broadcast %lt3A_586 : i32 to vector<16xi32>
        %lt3A_588 = arith.cmpi slt, %sub3A_582, %lt3A_587 : vector<16xi32>
        %and3A_589 = arith.andi %ge3A_585, %lt3A_588 : vector<16xi1>
        %swap3A_590 = arith.index_cast %add3A_574 : i32 to index
        %swap3A_591 = tpu.vector_load %arg8[%swap3A_590] masked %and3A_589 {strides = array<i32>} : memref<4224xi32, #tpu.memory_space<vmem>>, vector<16xi32>, vector<16xi1>
        tpu.vector_store %arg8[%swap3A_590], %sub3A_582 masked %and3A_589 {strides = array<i32>} : memref<4224xi32, #tpu.memory_space<vmem>>, vector<16xi32>, vector<16xi1>
        %swap3A_592 = arith.index_cast %add3A_574 : i32 to index
        %swap3A_593 = tpu.vector_load %arg9[%swap3A_592] masked %and3A_589 {strides = array<i32>} : memref<4224xf32, #tpu.memory_space<vmem>>, vector<16xf32>, vector<16xi1>
        tpu.vector_store %arg9[%swap3A_592], %get3A_580 masked %and3A_589 {strides = array<i32>} : memref<4224xf32, #tpu.memory_space<vmem>>, vector<16xf32>, vector<16xi1>
        %convert_element_type3A_594 = arith.extui %and3A_589 : vector<16xi1> to vector<16xi32>
        %reduce_sum3A_595 = arith.constant true
        %reduce_sum3A_596 = vector.broadcast %reduce_sum3A_595 : i1 to vector<16xi1>
        %reduce_sum3A_597 = tpu.scan <sum>, %convert_element_type3A_594 masked %reduce_sum3A_596 : vector<16xi32>, vector<16xi1> -> vector<16xi32>
        %reduce_sum3A_598 = vector.extract %reduce_sum3A_597[15] : i32 from vector<16xi32>
        %add3A_599 = arith.addi %add3A_574, %reduce_sum3A_598 : i32
        %get3A_600 = arith.index_cast %scan3A_428 : i32 to index
        %get3A_601 = arith.constant 112 : index
        %get3A_602 = tpu.vector_load %arg6[%get3A_600, %get3A_601] {strides = array<i32>} : memref<32x128xi32, #tpu.memory_space<vmem>>, vector<16xi32>,
        %get3A_603 = arith.index_cast %scan3A_428 : i32 to index
        %get3A_604 = arith.constant 112 : index
        %get3A_605 = tpu.vector_load %arg7[%get3A_603, %get3A_604] {strides = array<i32>} : memref<32x128xf32, #tpu.memory_space<vmem>>, vector<16xf32>,
        %sub3A_606 = vector.broadcast %mul3A_0 : i32 to vector<16xi32>
        %sub3A_607 = arith.subi %get3A_602, %sub3A_606 : vector<16xi32>
        %ge3A_608 = arith.constant 0 : i32
        %ge3A_609 = vector.broadcast %ge3A_608 : i32 to vector<16xi32>
        %ge3A_610 = arith.cmpi sge, %sub3A_607, %ge3A_609 : vector<16xi32>
        %lt3A_611 = arith.constant 1048576 : i32
        %lt3A_612 = vector.broadcast %lt3A_611 : i32 to vector<16xi32>
        %lt3A_613 = arith.cmpi slt, %sub3A_607, %lt3A_612 : vector<16xi32>
        %and3A_614 = arith.andi %ge3A_610, %lt3A_613 : vector<16xi1>
        %swap3A_615 = arith.index_cast %add3A_599 : i32 to index
        %swap3A_616 = tpu.vector_load %arg8[%swap3A_615] masked %and3A_614 {strides = array<i32>} : memref<4224xi32, #tpu.memory_space<vmem>>, vector<16xi32>, vector<16xi1>
        tpu.vector_store %arg8[%swap3A_615], %sub3A_607 masked %and3A_614 {strides = array<i32>} : memref<4224xi32, #tpu.memory_space<vmem>>, vector<16xi32>, vector<16xi1>
        %swap3A_617 = arith.index_cast %add3A_599 : i32 to index
        %swap3A_618 = tpu.vector_load %arg9[%swap3A_617] masked %and3A_614 {strides = array<i32>} : memref<4224xf32, #tpu.memory_space<vmem>>, vector<16xf32>, vector<16xi1>
        tpu.vector_store %arg9[%swap3A_617], %get3A_605 masked %and3A_614 {strides = array<i32>} : memref<4224xf32, #tpu.memory_space<vmem>>, vector<16xf32>, vector<16xi1>
        %convert_element_type3A_619 = arith.extui %and3A_614 : vector<16xi1> to vector<16xi32>
        %reduce_sum3A_620 = arith.constant true
        %reduce_sum3A_621 = vector.broadcast %reduce_sum3A_620 : i1 to vector<16xi1>
        %reduce_sum3A_622 = tpu.scan <sum>, %convert_element_type3A_619 masked %reduce_sum3A_621 : vector<16xi32>, vector<16xi1> -> vector<16xi32>
        %reduce_sum3A_623 = vector.extract %reduce_sum3A_622[15] : i32 from vector<16xi32>
        %add3A_624 = arith.addi %add3A_599, %reduce_sum3A_623 : i32
        scf.yield %add3A_624 : i32
      }
      %scan3A_68 = arith.constant 32 : i32
      %add3A_69 = arith.constant 128 : i32
      %add3A_70 = arith.addi %scan3A_67, %add3A_69 : i32
      %sub3A = arith.constant 1 : i32
      %sub3A_71 = arith.subi %add3A_70, %sub3A : i32
      %jit3A = arith.constant 128 : i32
      %div3A = arith.divsi %sub3A_71, %jit3A : i32
      %sign3A = arith.constant 0 : i32
      %sign3A_72 = arith.cmpi sgt, %sub3A_71, %sign3A : i32
      %sign3A_73 = arith.extui %sign3A_72 : i1 to i32
      %sign3A_74 = arith.constant 0 : i32
      %sign3A_75 = arith.cmpi slt, %sub3A_71, %sign3A_74 : i32
      %sign3A_76 = arith.extui %sign3A_75 : i1 to i32
      %sign3A_77 = arith.subi %sign3A_73, %sign3A_76 : i32
      %sign3A_78 = arith.constant 0 : i32
      %sign3A_79 = arith.cmpi sgt, %jit3A, %sign3A_78 : i32
      %sign3A_80 = arith.extui %sign3A_79 : i1 to i32
      %sign3A_81 = arith.constant 0 : i32
      %sign3A_82 = arith.cmpi slt, %jit3A, %sign3A_81 : i32
      %sign3A_83 = arith.extui %sign3A_82 : i1 to i32
      %sign3A_84 = arith.subi %sign3A_80, %sign3A_83 : i32
      %ne3A = arith.cmpi ne, %sign3A_77, %sign3A_84 : i32
      %rem3A = arith.remsi %sub3A_71, %jit3A : i32
      %ne3A_85 = arith.constant 0 : i32
      %ne3A_86 = arith.cmpi ne, %rem3A, %ne3A_85 : i32
      %and3A = arith.andi %ne3A, %ne3A_86 : i1
      %sub3A_87 = arith.constant 1 : i32
      %sub3A_88 = arith.subi %div3A, %sub3A_87 : i32
      %select_n3A = arith.select %and3A, %sub3A_88, %div3A : i32
      %while3A = arith.constant 0 : i32
      %while3A_89 = arith.constant 0 : i32
      %while3A_90 = arith.subi %select_n3A, %while3A : i32
      %while3A_91 = arith.addi %while3A, %while3A_90 : i32
      %while3A_92 = arith.constant 1 : i32
      %while3A_93 = arith.divsi %while3A_90, %while3A_92 : i32
      %while3A_94 = arith.muli %while3A_93, %while3A_92 : i32
      %while3A_95 = arith.addi %while3A, %while3A_94 : i32
      %while3A_96 = arith.constant 1 : i32
      %while3A_97 = scf.for %while3A_428 = %while3A to %while3A_95 step %while3A_96 iter_args(%while3A_429 = %while3A_89) -> (i32)  : i32 {
        %mul3A_430 = arith.constant 128 : i32
        %mul3A_431 = arith.muli %while3A_428, %mul3A_430 : i32
        %add3A_432 = arith.constant 0 : i32
        %add3A_433 = arith.addi %mul3A_431, %add3A_432 : i32
        %get3A = arith.index_cast %add3A_433 : i32 to index
        %get3A_434 = tpu.vector_load %arg8[%get3A] {strides = array<i32>} : memref<4224xi32, #tpu.memory_space<vmem>>, vector<16xi32>,
        %swap3A = arith.index_cast %while3A_428 : i32 to index
        %swap3A_435 = arith.constant 0 : index
        %swap3A_436 = tpu.vector_load %arg10[%swap3A, %swap3A_435] {strides = array<i32>} : memref<33x128xi32, #tpu.memory_space<vmem>>, vector<16xi32>,
        tpu.vector_store %arg10[%swap3A, %swap3A_435], %get3A_434 {strides = array<i32>} : memref<33x128xi32, #tpu.memory_space<vmem>>, vector<16xi32>,
        %mul3A_437 = arith.constant 128 : i32
        %mul3A_438 = arith.muli %while3A_428, %mul3A_437 : i32
        %add3A_439 = arith.constant 16 : i32
        %add3A_440 = arith.addi %mul3A_438, %add3A_439 : i32
        %get3A_441 = arith.index_cast %add3A_440 : i32 to index
        %get3A_442 = tpu.vector_load %arg8[%get3A_441] {strides = array<i32>} : memref<4224xi32, #tpu.memory_space<vmem>>, vector<16xi32>,
        %swap3A_443 = arith.index_cast %while3A_428 : i32 to index
        %swap3A_444 = arith.constant 16 : index
        %swap3A_445 = tpu.vector_load %arg10[%swap3A_443, %swap3A_444] {strides = array<i32>} : memref<33x128xi32, #tpu.memory_space<vmem>>, vector<16xi32>,
        tpu.vector_store %arg10[%swap3A_443, %swap3A_444], %get3A_442 {strides = array<i32>} : memref<33x128xi32, #tpu.memory_space<vmem>>, vector<16xi32>,
        %mul3A_446 = arith.constant 128 : i32
        %mul3A_447 = arith.muli %while3A_428, %mul3A_446 : i32
        %add3A_448 = arith.constant 32 : i32
        %add3A_449 = arith.addi %mul3A_447, %add3A_448 : i32
        %get3A_450 = arith.index_cast %add3A_449 : i32 to index
        %get3A_451 = tpu.vector_load %arg8[%get3A_450] {strides = array<i32>} : memref<4224xi32, #tpu.memory_space<vmem>>, vector<16xi32>,
        %swap3A_452 = arith.index_cast %while3A_428 : i32 to index
        %swap3A_453 = arith.constant 32 : index
        %swap3A_454 = tpu.vector_load %arg10[%swap3A_452, %swap3A_453] {strides = array<i32>} : memref<33x128xi32, #tpu.memory_space<vmem>>, vector<16xi32>,
        tpu.vector_store %arg10[%swap3A_452, %swap3A_453], %get3A_451 {strides = array<i32>} : memref<33x128xi32, #tpu.memory_space<vmem>>, vector<16xi32>,
        %mul3A_455 = arith.constant 128 : i32
        %mul3A_456 = arith.muli %while3A_428, %mul3A_455 : i32
        %add3A_457 = arith.constant 48 : i32
        %add3A_458 = arith.addi %mul3A_456, %add3A_457 : i32
        %get3A_459 = arith.index_cast %add3A_458 : i32 to index
        %get3A_460 = tpu.vector_load %arg8[%get3A_459] {strides = array<i32>} : memref<4224xi32, #tpu.memory_space<vmem>>, vector<16xi32>,
        %swap3A_461 = arith.index_cast %while3A_428 : i32 to index
        %swap3A_462 = arith.constant 48 : index
        %swap3A_463 = tpu.vector_load %arg10[%swap3A_461, %swap3A_462] {strides = array<i32>} : memref<33x128xi32, #tpu.memory_space<vmem>>, vector<16xi32>,
        tpu.vector_store %arg10[%swap3A_461, %swap3A_462], %get3A_460 {strides = array<i32>} : memref<33x128xi32, #tpu.memory_space<vmem>>, vector<16xi32>,
        %mul3A_464 = arith.constant 128 : i32
        %mul3A_465 = arith.muli %while3A_428, %mul3A_464 : i32
        %add3A_466 = arith.constant 64 : i32
        %add3A_467 = arith.addi %mul3A_465, %add3A_466 : i32
        %get3A_468 = arith.index_cast %add3A_467 : i32 to index
        %get3A_469 = tpu.vector_load %arg8[%get3A_468] {strides = array<i32>} : memref<4224xi32, #tpu.memory_space<vmem>>, vector<16xi32>,
        %swap3A_470 = arith.index_cast %while3A_428 : i32 to index
        %swap3A_471 = arith.constant 64 : index
        %swap3A_472 = tpu.vector_load %arg10[%swap3A_470, %swap3A_471] {strides = array<i32>} : memref<33x128xi32, #tpu.memory_space<vmem>>, vector<16xi32>,
        tpu.vector_store %arg10[%swap3A_470, %swap3A_471], %get3A_469 {strides = array<i32>} : memref<33x128xi32, #tpu.memory_space<vmem>>, vector<16xi32>,
        %mul3A_473 = arith.constant 128 : i32
        %mul3A_474 = arith.muli %while3A_428, %mul3A_473 : i32
        %add3A_475 = arith.constant 80 : i32
        %add3A_476 = arith.addi %mul3A_474, %add3A_475 : i32
        %get3A_477 = arith.index_cast %add3A_476 : i32 to index
        %get3A_478 = tpu.vector_load %arg8[%get3A_477] {strides = array<i32>} : memref<4224xi32, #tpu.memory_space<vmem>>, vector<16xi32>,
        %swap3A_479 = arith.index_cast %while3A_428 : i32 to index
        %swap3A_480 = arith.constant 80 : index
        %swap3A_481 = tpu.vector_load %arg10[%swap3A_479, %swap3A_480] {strides = array<i32>} : memref<33x128xi32, #tpu.memory_space<vmem>>, vector<16xi32>,
        tpu.vector_store %arg10[%swap3A_479, %swap3A_480], %get3A_478 {strides = array<i32>} : memref<33x128xi32, #tpu.memory_space<vmem>>, vector<16xi32>,
        %mul3A_482 = arith.constant 128 : i32
        %mul3A_483 = arith.muli %while3A_428, %mul3A_482 : i32
        %add3A_484 = arith.constant 96 : i32
        %add3A_485 = arith.addi %mul3A_483, %add3A_484 : i32
        %get3A_486 = arith.index_cast %add3A_485 : i32 to index
        %get3A_487 = tpu.vector_load %arg8[%get3A_486] {strides = array<i32>} : memref<4224xi32, #tpu.memory_space<vmem>>, vector<16xi32>,
        %swap3A_488 = arith.index_cast %while3A_428 : i32 to index
        %swap3A_489 = arith.constant 96 : index
        %swap3A_490 = tpu.vector_load %arg10[%swap3A_488, %swap3A_489] {strides = array<i32>} : memref<33x128xi32, #tpu.memory_space<vmem>>, vector<16xi32>,
        tpu.vector_store %arg10[%swap3A_488, %swap3A_489], %get3A_487 {strides = array<i32>} : memref<33x128xi32, #tpu.memory_space<vmem>>, vector<16xi32>,
        %mul3A_491 = arith.constant 128 : i32
        %mul3A_492 = arith.muli %while3A_428, %mul3A_491 : i32
        %add3A_493 = arith.constant 112 : i32
        %add3A_494 = arith.addi %mul3A_492, %add3A_493 : i32
        %get3A_495 = arith.index_cast %add3A_494 : i32 to index
        %get3A_496 = tpu.vector_load %arg8[%get3A_495] {strides = array<i32>} : memref<4224xi32, #tpu.memory_space<vmem>>, vector<16xi32>,
        %swap3A_497 = arith.index_cast %while3A_428 : i32 to index
        %swap3A_498 = arith.constant 112 : index
        %swap3A_499 = tpu.vector_load %arg10[%swap3A_497, %swap3A_498] {strides = array<i32>} : memref<33x128xi32, #tpu.memory_space<vmem>>, vector<16xi32>,
        tpu.vector_store %arg10[%swap3A_497, %swap3A_498], %get3A_496 {strides = array<i32>} : memref<33x128xi32, #tpu.memory_space<vmem>>, vector<16xi32>,
        %while3A_500 = arith.constant 0 : i32
        scf.yield %while3A_500 : i32
      }
      %while3A_98 = arith.constant 1 : i32
      %while3A_99 = scf.for %while3A_428 = %while3A_95 to %while3A_91 step %while3A_98 iter_args(%while3A_429 = %while3A_97) -> (i32)  : i32 {
        %mul3A_430 = arith.constant 128 : i32
        %mul3A_431 = arith.muli %while3A_428, %mul3A_430 : i32
        %add3A_432 = arith.constant 0 : i32
        %add3A_433 = arith.addi %mul3A_431, %add3A_432 : i32
        %get3A = arith.index_cast %add3A_433 : i32 to index
        %get3A_434 = tpu.vector_load %arg8[%get3A] {strides = array<i32>} : memref<4224xi32, #tpu.memory_space<vmem>>, vector<16xi32>,
        %swap3A = arith.index_cast %while3A_428 : i32 to index
        %swap3A_435 = arith.constant 0 : index
        %swap3A_436 = tpu.vector_load %arg10[%swap3A, %swap3A_435] {strides = array<i32>} : memref<33x128xi32, #tpu.memory_space<vmem>>, vector<16xi32>,
        tpu.vector_store %arg10[%swap3A, %swap3A_435], %get3A_434 {strides = array<i32>} : memref<33x128xi32, #tpu.memory_space<vmem>>, vector<16xi32>,
        %mul3A_437 = arith.constant 128 : i32
        %mul3A_438 = arith.muli %while3A_428, %mul3A_437 : i32
        %add3A_439 = arith.constant 16 : i32
        %add3A_440 = arith.addi %mul3A_438, %add3A_439 : i32
        %get3A_441 = arith.index_cast %add3A_440 : i32 to index
        %get3A_442 = tpu.vector_load %arg8[%get3A_441] {strides = array<i32>} : memref<4224xi32, #tpu.memory_space<vmem>>, vector<16xi32>,
        %swap3A_443 = arith.index_cast %while3A_428 : i32 to index
        %swap3A_444 = arith.constant 16 : index
        %swap3A_445 = tpu.vector_load %arg10[%swap3A_443, %swap3A_444] {strides = array<i32>} : memref<33x128xi32, #tpu.memory_space<vmem>>, vector<16xi32>,
        tpu.vector_store %arg10[%swap3A_443, %swap3A_444], %get3A_442 {strides = array<i32>} : memref<33x128xi32, #tpu.memory_space<vmem>>, vector<16xi32>,
        %mul3A_446 = arith.constant 128 : i32
        %mul3A_447 = arith.muli %while3A_428, %mul3A_446 : i32
        %add3A_448 = arith.constant 32 : i32
        %add3A_449 = arith.addi %mul3A_447, %add3A_448 : i32
        %get3A_450 = arith.index_cast %add3A_449 : i32 to index
        %get3A_451 = tpu.vector_load %arg8[%get3A_450] {strides = array<i32>} : memref<4224xi32, #tpu.memory_space<vmem>>, vector<16xi32>,
        %swap3A_452 = arith.index_cast %while3A_428 : i32 to index
        %swap3A_453 = arith.constant 32 : index
        %swap3A_454 = tpu.vector_load %arg10[%swap3A_452, %swap3A_453] {strides = array<i32>} : memref<33x128xi32, #tpu.memory_space<vmem>>, vector<16xi32>,
        tpu.vector_store %arg10[%swap3A_452, %swap3A_453], %get3A_451 {strides = array<i32>} : memref<33x128xi32, #tpu.memory_space<vmem>>, vector<16xi32>,
        %mul3A_455 = arith.constant 128 : i32
        %mul3A_456 = arith.muli %while3A_428, %mul3A_455 : i32
        %add3A_457 = arith.constant 48 : i32
        %add3A_458 = arith.addi %mul3A_456, %add3A_457 : i32
        %get3A_459 = arith.index_cast %add3A_458 : i32 to index
        %get3A_460 = tpu.vector_load %arg8[%get3A_459] {strides = array<i32>} : memref<4224xi32, #tpu.memory_space<vmem>>, vector<16xi32>,
        %swap3A_461 = arith.index_cast %while3A_428 : i32 to index
        %swap3A_462 = arith.constant 48 : index
        %swap3A_463 = tpu.vector_load %arg10[%swap3A_461, %swap3A_462] {strides = array<i32>} : memref<33x128xi32, #tpu.memory_space<vmem>>, vector<16xi32>,
        tpu.vector_store %arg10[%swap3A_461, %swap3A_462], %get3A_460 {strides = array<i32>} : memref<33x128xi32, #tpu.memory_space<vmem>>, vector<16xi32>,
        %mul3A_464 = arith.constant 128 : i32
        %mul3A_465 = arith.muli %while3A_428, %mul3A_464 : i32
        %add3A_466 = arith.constant 64 : i32
        %add3A_467 = arith.addi %mul3A_465, %add3A_466 : i32
        %get3A_468 = arith.index_cast %add3A_467 : i32 to index
        %get3A_469 = tpu.vector_load %arg8[%get3A_468] {strides = array<i32>} : memref<4224xi32, #tpu.memory_space<vmem>>, vector<16xi32>,
        %swap3A_470 = arith.index_cast %while3A_428 : i32 to index
        %swap3A_471 = arith.constant 64 : index
        %swap3A_472 = tpu.vector_load %arg10[%swap3A_470, %swap3A_471] {strides = array<i32>} : memref<33x128xi32, #tpu.memory_space<vmem>>, vector<16xi32>,
        tpu.vector_store %arg10[%swap3A_470, %swap3A_471], %get3A_469 {strides = array<i32>} : memref<33x128xi32, #tpu.memory_space<vmem>>, vector<16xi32>,
        %mul3A_473 = arith.constant 128 : i32
        %mul3A_474 = arith.muli %while3A_428, %mul3A_473 : i32
        %add3A_475 = arith.constant 80 : i32
        %add3A_476 = arith.addi %mul3A_474, %add3A_475 : i32
        %get3A_477 = arith.index_cast %add3A_476 : i32 to index
        %get3A_478 = tpu.vector_load %arg8[%get3A_477] {strides = array<i32>} : memref<4224xi32, #tpu.memory_space<vmem>>, vector<16xi32>,
        %swap3A_479 = arith.index_cast %while3A_428 : i32 to index
        %swap3A_480 = arith.constant 80 : index
        %swap3A_481 = tpu.vector_load %arg10[%swap3A_479, %swap3A_480] {strides = array<i32>} : memref<33x128xi32, #tpu.memory_space<vmem>>, vector<16xi32>,
        tpu.vector_store %arg10[%swap3A_479, %swap3A_480], %get3A_478 {strides = array<i32>} : memref<33x128xi32, #tpu.memory_space<vmem>>, vector<16xi32>,
        %mul3A_482 = arith.constant 128 : i32
        %mul3A_483 = arith.muli %while3A_428, %mul3A_482 : i32
        %add3A_484 = arith.constant 96 : i32
        %add3A_485 = arith.addi %mul3A_483, %add3A_484 : i32
        %get3A_486 = arith.index_cast %add3A_485 : i32 to index
        %get3A_487 = tpu.vector_load %arg8[%get3A_486] {strides = array<i32>} : memref<4224xi32, #tpu.memory_space<vmem>>, vector<16xi32>,
        %swap3A_488 = arith.index_cast %while3A_428 : i32 to index
        %swap3A_489 = arith.constant 96 : index
        %swap3A_490 = tpu.vector_load %arg10[%swap3A_488, %swap3A_489] {strides = array<i32>} : memref<33x128xi32, #tpu.memory_space<vmem>>, vector<16xi32>,
        tpu.vector_store %arg10[%swap3A_488, %swap3A_489], %get3A_487 {strides = array<i32>} : memref<33x128xi32, #tpu.memory_space<vmem>>, vector<16xi32>,
        %mul3A_491 = arith.constant 128 : i32
        %mul3A_492 = arith.muli %while3A_428, %mul3A_491 : i32
        %add3A_493 = arith.constant 112 : i32
        %add3A_494 = arith.addi %mul3A_492, %add3A_493 : i32
        %get3A_495 = arith.index_cast %add3A_494 : i32 to index
        %get3A_496 = tpu.vector_load %arg8[%get3A_495] {strides = array<i32>} : memref<4224xi32, #tpu.memory_space<vmem>>, vector<16xi32>,
        %swap3A_497 = arith.index_cast %while3A_428 : i32 to index
        %swap3A_498 = arith.constant 112 : index
        %swap3A_499 = tpu.vector_load %arg10[%swap3A_497, %swap3A_498] {strides = array<i32>} : memref<33x128xi32, #tpu.memory_space<vmem>>, vector<16xi32>,
        tpu.vector_store %arg10[%swap3A_497, %swap3A_498], %get3A_496 {strides = array<i32>} : memref<33x128xi32, #tpu.memory_space<vmem>>, vector<16xi32>,
        %while3A_500 = arith.constant 0 : i32
        scf.yield %while3A_500 : i32
      }
      %gt3A = arith.constant 0 : i32
      %gt3A_100 = arith.cmpi sgt, %select_n3A, %gt3A : i32
      %convert_element_type3A = arith.extui %gt3A_100 : i1 to i32
      %cond3A = arith.constant 0 : i32
      %cond3A_101 = arith.cmpi ne, %convert_element_type3A, %cond3A : i32
      scf.if %cond3A_101 {
        %dma_start3A_428 = arith.constant 0 : i32
        %dma_start3A_429 = arith.constant 0 : i32
        %dma_start3A_430 = tpu.memref_slice %arg9[%dma_start3A_429] : memref<4224xf32, #tpu.memory_space<vmem>> -> memref<128xf32, #tpu.memory_space<vmem>>
        %dma_start3A_431 = arith.constant 0 : i32
        %dma_start3A_432 = tpu.memref_slice %arg10[%dma_start3A_428, %dma_start3A_431] : memref<33x128xi32, #tpu.memory_space<vmem>> -> memref<1x128xi32, #tpu.memory_space<vmem>>
        %dma_start3A_433 = tpu.memref_squeeze %dma_start3A_432 : memref<1x128xi32, #tpu.memory_space<vmem>> -> memref<128xi32, #tpu.memory_space<vmem>>
        %dma_start3A_434 = arith.constant 0 : i32
        %dma_start3A_435 = tpu.memref_slice %arg5[%dma_start3A_434] : memref<1048640xf32, #tpu.memory_space<vmem_shared>> -> memref<1048640xf32, #tpu.memory_space<vmem_shared>>
        tpu.enqueue_indirect_dma source(%dma_start3A_430 : memref<128xf32, #tpu.memory_space<vmem>>) target(%dma_start3A_435 : memref<1048640xf32, #tpu.memory_space<vmem_shared>>) offsets(%dma_start3A_433 : memref<128xi32, #tpu.memory_space<vmem>>) semaphore(%arg12 : memref<!tpu.dma_semaphore, #tpu.memory_space<semaphore_mem>>) {add = true}
      } else {
      }
      %gt3A_102 = arith.constant 1 : i32
      %gt3A_103 = arith.cmpi sgt, %select_n3A, %gt3A_102 : i32
      %convert_element_type3A_104 = arith.extui %gt3A_103 : i1 to i32
      %cond3A_105 = arith.constant 0 : i32
      %cond3A_106 = arith.cmpi ne, %convert_element_type3A_104, %cond3A_105 : i32
      scf.if %cond3A_106 {
        %dma_start3A_428 = arith.constant 1 : i32
        %dma_start3A_429 = arith.constant 128 : i32
        %dma_start3A_430 = tpu.memref_slice %arg9[%dma_start3A_429] : memref<4224xf32, #tpu.memory_space<vmem>> -> memref<128xf32, #tpu.memory_space<vmem>>
        %dma_start3A_431 = arith.constant 0 : i32
        %dma_start3A_432 = tpu.memref_slice %arg10[%dma_start3A_428, %dma_start3A_431] : memref<33x128xi32, #tpu.memory_space<vmem>> -> memref<1x128xi32, #tpu.memory_space<vmem>>
        %dma_start3A_433 = tpu.memref_squeeze %dma_start3A_432 : memref<1x128xi32, #tpu.memory_space<vmem>> -> memref<128xi32, #tpu.memory_space<vmem>>
        %dma_start3A_434 = arith.constant 0 : i32
        %dma_start3A_435 = tpu.memref_slice %arg5[%dma_start3A_434] : memref<1048640xf32, #tpu.memory_space<vmem_shared>> -> memref<1048640xf32, #tpu.memory_space<vmem_shared>>
        tpu.enqueue_indirect_dma source(%dma_start3A_430 : memref<128xf32, #tpu.memory_space<vmem>>) target(%dma_start3A_435 : memref<1048640xf32, #tpu.memory_space<vmem_shared>>) offsets(%dma_start3A_433 : memref<128xi32, #tpu.memory_space<vmem>>) semaphore(%arg12 : memref<!tpu.dma_semaphore, #tpu.memory_space<semaphore_mem>>) {add = true}
      } else {
      }
      %gt3A_107 = arith.constant 2 : i32
      %gt3A_108 = arith.cmpi sgt, %select_n3A, %gt3A_107 : i32
      %convert_element_type3A_109 = arith.extui %gt3A_108 : i1 to i32
      %cond3A_110 = arith.constant 0 : i32
      %cond3A_111 = arith.cmpi ne, %convert_element_type3A_109, %cond3A_110 : i32
      scf.if %cond3A_111 {
        %dma_start3A_428 = arith.constant 2 : i32
        %dma_start3A_429 = arith.constant 256 : i32
        %dma_start3A_430 = tpu.memref_slice %arg9[%dma_start3A_429] : memref<4224xf32, #tpu.memory_space<vmem>> -> memref<128xf32, #tpu.memory_space<vmem>>
        %dma_start3A_431 = arith.constant 0 : i32
        %dma_start3A_432 = tpu.memref_slice %arg10[%dma_start3A_428, %dma_start3A_431] : memref<33x128xi32, #tpu.memory_space<vmem>> -> memref<1x128xi32, #tpu.memory_space<vmem>>
        %dma_start3A_433 = tpu.memref_squeeze %dma_start3A_432 : memref<1x128xi32, #tpu.memory_space<vmem>> -> memref<128xi32, #tpu.memory_space<vmem>>
        %dma_start3A_434 = arith.constant 0 : i32
        %dma_start3A_435 = tpu.memref_slice %arg5[%dma_start3A_434] : memref<1048640xf32, #tpu.memory_space<vmem_shared>> -> memref<1048640xf32, #tpu.memory_space<vmem_shared>>
        tpu.enqueue_indirect_dma source(%dma_start3A_430 : memref<128xf32, #tpu.memory_space<vmem>>) target(%dma_start3A_435 : memref<1048640xf32, #tpu.memory_space<vmem_shared>>) offsets(%dma_start3A_433 : memref<128xi32, #tpu.memory_space<vmem>>) semaphore(%arg12 : memref<!tpu.dma_semaphore, #tpu.memory_space<semaphore_mem>>) {add = true}
      } else {
      }
      %gt3A_112 = arith.constant 3 : i32
      %gt3A_113 = arith.cmpi sgt, %select_n3A, %gt3A_112 : i32
      %convert_element_type3A_114 = arith.extui %gt3A_113 : i1 to i32
      %cond3A_115 = arith.constant 0 : i32
      %cond3A_116 = arith.cmpi ne, %convert_element_type3A_114, %cond3A_115 : i32
      scf.if %cond3A_116 {
        %dma_start3A_428 = arith.constant 3 : i32
        %dma_start3A_429 = arith.constant 384 : i32
        %dma_start3A_430 = tpu.memref_slice %arg9[%dma_start3A_429] : memref<4224xf32, #tpu.memory_space<vmem>> -> memref<128xf32, #tpu.memory_space<vmem>>
        %dma_start3A_431 = arith.constant 0 : i32
        %dma_start3A_432 = tpu.memref_slice %arg10[%dma_start3A_428, %dma_start3A_431] : memref<33x128xi32, #tpu.memory_space<vmem>> -> memref<1x128xi32, #tpu.memory_space<vmem>>
        %dma_start3A_433 = tpu.memref_squeeze %dma_start3A_432 : memref<1x128xi32, #tpu.memory_space<vmem>> -> memref<128xi32, #tpu.memory_space<vmem>>
        %dma_start3A_434 = arith.constant 0 : i32
        %dma_start3A_435 = tpu.memref_slice %arg5[%dma_start3A_434] : memref<1048640xf32, #tpu.memory_space<vmem_shared>> -> memref<1048640xf32, #tpu.memory_space<vmem_shared>>
        tpu.enqueue_indirect_dma source(%dma_start3A_430 : memref<128xf32, #tpu.memory_space<vmem>>) target(%dma_start3A_435 : memref<1048640xf32, #tpu.memory_space<vmem_shared>>) offsets(%dma_start3A_433 : memref<128xi32, #tpu.memory_space<vmem>>) semaphore(%arg12 : memref<!tpu.dma_semaphore, #tpu.memory_space<semaphore_mem>>) {add = true}
      } else {
      }
      %gt3A_117 = arith.constant 4 : i32
      %gt3A_118 = arith.cmpi sgt, %select_n3A, %gt3A_117 : i32
      %convert_element_type3A_119 = arith.extui %gt3A_118 : i1 to i32
      %cond3A_120 = arith.constant 0 : i32
      %cond3A_121 = arith.cmpi ne, %convert_element_type3A_119, %cond3A_120 : i32
      scf.if %cond3A_121 {
        %dma_start3A_428 = arith.constant 4 : i32
        %dma_start3A_429 = arith.constant 512 : i32
        %dma_start3A_430 = tpu.memref_slice %arg9[%dma_start3A_429] : memref<4224xf32, #tpu.memory_space<vmem>> -> memref<128xf32, #tpu.memory_space<vmem>>
        %dma_start3A_431 = arith.constant 0 : i32
        %dma_start3A_432 = tpu.memref_slice %arg10[%dma_start3A_428, %dma_start3A_431] : memref<33x128xi32, #tpu.memory_space<vmem>> -> memref<1x128xi32, #tpu.memory_space<vmem>>
        %dma_start3A_433 = tpu.memref_squeeze %dma_start3A_432 : memref<1x128xi32, #tpu.memory_space<vmem>> -> memref<128xi32, #tpu.memory_space<vmem>>
        %dma_start3A_434 = arith.constant 0 : i32
        %dma_start3A_435 = tpu.memref_slice %arg5[%dma_start3A_434] : memref<1048640xf32, #tpu.memory_space<vmem_shared>> -> memref<1048640xf32, #tpu.memory_space<vmem_shared>>
        tpu.enqueue_indirect_dma source(%dma_start3A_430 : memref<128xf32, #tpu.memory_space<vmem>>) target(%dma_start3A_435 : memref<1048640xf32, #tpu.memory_space<vmem_shared>>) offsets(%dma_start3A_433 : memref<128xi32, #tpu.memory_space<vmem>>) semaphore(%arg12 : memref<!tpu.dma_semaphore, #tpu.memory_space<semaphore_mem>>) {add = true}
      } else {
      }
      %gt3A_122 = arith.constant 5 : i32
      %gt3A_123 = arith.cmpi sgt, %select_n3A, %gt3A_122 : i32
      %convert_element_type3A_124 = arith.extui %gt3A_123 : i1 to i32
      %cond3A_125 = arith.constant 0 : i32
      %cond3A_126 = arith.cmpi ne, %convert_element_type3A_124, %cond3A_125 : i32
      scf.if %cond3A_126 {
        %dma_start3A_428 = arith.constant 5 : i32
        %dma_start3A_429 = arith.constant 640 : i32
        %dma_start3A_430 = tpu.memref_slice %arg9[%dma_start3A_429] : memref<4224xf32, #tpu.memory_space<vmem>> -> memref<128xf32, #tpu.memory_space<vmem>>
        %dma_start3A_431 = arith.constant 0 : i32
        %dma_start3A_432 = tpu.memref_slice %arg10[%dma_start3A_428, %dma_start3A_431] : memref<33x128xi32, #tpu.memory_space<vmem>> -> memref<1x128xi32, #tpu.memory_space<vmem>>
        %dma_start3A_433 = tpu.memref_squeeze %dma_start3A_432 : memref<1x128xi32, #tpu.memory_space<vmem>> -> memref<128xi32, #tpu.memory_space<vmem>>
        %dma_start3A_434 = arith.constant 0 : i32
        %dma_start3A_435 = tpu.memref_slice %arg5[%dma_start3A_434] : memref<1048640xf32, #tpu.memory_space<vmem_shared>> -> memref<1048640xf32, #tpu.memory_space<vmem_shared>>
        tpu.enqueue_indirect_dma source(%dma_start3A_430 : memref<128xf32, #tpu.memory_space<vmem>>) target(%dma_start3A_435 : memref<1048640xf32, #tpu.memory_space<vmem_shared>>) offsets(%dma_start3A_433 : memref<128xi32, #tpu.memory_space<vmem>>) semaphore(%arg12 : memref<!tpu.dma_semaphore, #tpu.memory_space<semaphore_mem>>) {add = true}
      } else {
      }
      %gt3A_127 = arith.constant 6 : i32
      %gt3A_128 = arith.cmpi sgt, %select_n3A, %gt3A_127 : i32
      %convert_element_type3A_129 = arith.extui %gt3A_128 : i1 to i32
      %cond3A_130 = arith.constant 0 : i32
      %cond3A_131 = arith.cmpi ne, %convert_element_type3A_129, %cond3A_130 : i32
      scf.if %cond3A_131 {
        %dma_start3A_428 = arith.constant 6 : i32
        %dma_start3A_429 = arith.constant 768 : i32
        %dma_start3A_430 = tpu.memref_slice %arg9[%dma_start3A_429] : memref<4224xf32, #tpu.memory_space<vmem>> -> memref<128xf32, #tpu.memory_space<vmem>>
        %dma_start3A_431 = arith.constant 0 : i32
        %dma_start3A_432 = tpu.memref_slice %arg10[%dma_start3A_428, %dma_start3A_431] : memref<33x128xi32, #tpu.memory_space<vmem>> -> memref<1x128xi32, #tpu.memory_space<vmem>>
        %dma_start3A_433 = tpu.memref_squeeze %dma_start3A_432 : memref<1x128xi32, #tpu.memory_space<vmem>> -> memref<128xi32, #tpu.memory_space<vmem>>
        %dma_start3A_434 = arith.constant 0 : i32
        %dma_start3A_435 = tpu.memref_slice %arg5[%dma_start3A_434] : memref<1048640xf32, #tpu.memory_space<vmem_shared>> -> memref<1048640xf32, #tpu.memory_space<vmem_shared>>
        tpu.enqueue_indirect_dma source(%dma_start3A_430 : memref<128xf32, #tpu.memory_space<vmem>>) target(%dma_start3A_435 : memref<1048640xf32, #tpu.memory_space<vmem_shared>>) offsets(%dma_start3A_433 : memref<128xi32, #tpu.memory_space<vmem>>) semaphore(%arg12 : memref<!tpu.dma_semaphore, #tpu.memory_space<semaphore_mem>>) {add = true}
      } else {
      }
      %gt3A_132 = arith.constant 7 : i32
      %gt3A_133 = arith.cmpi sgt, %select_n3A, %gt3A_132 : i32
      %convert_element_type3A_134 = arith.extui %gt3A_133 : i1 to i32
      %cond3A_135 = arith.constant 0 : i32
      %cond3A_136 = arith.cmpi ne, %convert_element_type3A_134, %cond3A_135 : i32
      scf.if %cond3A_136 {
        %dma_start3A_428 = arith.constant 7 : i32
        %dma_start3A_429 = arith.constant 896 : i32
        %dma_start3A_430 = tpu.memref_slice %arg9[%dma_start3A_429] : memref<4224xf32, #tpu.memory_space<vmem>> -> memref<128xf32, #tpu.memory_space<vmem>>
        %dma_start3A_431 = arith.constant 0 : i32
        %dma_start3A_432 = tpu.memref_slice %arg10[%dma_start3A_428, %dma_start3A_431] : memref<33x128xi32, #tpu.memory_space<vmem>> -> memref<1x128xi32, #tpu.memory_space<vmem>>
        %dma_start3A_433 = tpu.memref_squeeze %dma_start3A_432 : memref<1x128xi32, #tpu.memory_space<vmem>> -> memref<128xi32, #tpu.memory_space<vmem>>
        %dma_start3A_434 = arith.constant 0 : i32
        %dma_start3A_435 = tpu.memref_slice %arg5[%dma_start3A_434] : memref<1048640xf32, #tpu.memory_space<vmem_shared>> -> memref<1048640xf32, #tpu.memory_space<vmem_shared>>
        tpu.enqueue_indirect_dma source(%dma_start3A_430 : memref<128xf32, #tpu.memory_space<vmem>>) target(%dma_start3A_435 : memref<1048640xf32, #tpu.memory_space<vmem_shared>>) offsets(%dma_start3A_433 : memref<128xi32, #tpu.memory_space<vmem>>) semaphore(%arg12 : memref<!tpu.dma_semaphore, #tpu.memory_space<semaphore_mem>>) {add = true}
      } else {
      }
      %gt3A_137 = arith.constant 8 : i32
      %gt3A_138 = arith.cmpi sgt, %select_n3A, %gt3A_137 : i32
      %convert_element_type3A_139 = arith.extui %gt3A_138 : i1 to i32
      %cond3A_140 = arith.constant 0 : i32
      %cond3A_141 = arith.cmpi ne, %convert_element_type3A_139, %cond3A_140 : i32
      scf.if %cond3A_141 {
        %dma_start3A_428 = arith.constant 8 : i32
        %dma_start3A_429 = arith.constant 1024 : i32
        %dma_start3A_430 = tpu.memref_slice %arg9[%dma_start3A_429] : memref<4224xf32, #tpu.memory_space<vmem>> -> memref<128xf32, #tpu.memory_space<vmem>>
        %dma_start3A_431 = arith.constant 0 : i32
        %dma_start3A_432 = tpu.memref_slice %arg10[%dma_start3A_428, %dma_start3A_431] : memref<33x128xi32, #tpu.memory_space<vmem>> -> memref<1x128xi32, #tpu.memory_space<vmem>>
        %dma_start3A_433 = tpu.memref_squeeze %dma_start3A_432 : memref<1x128xi32, #tpu.memory_space<vmem>> -> memref<128xi32, #tpu.memory_space<vmem>>
        %dma_start3A_434 = arith.constant 0 : i32
        %dma_start3A_435 = tpu.memref_slice %arg5[%dma_start3A_434] : memref<1048640xf32, #tpu.memory_space<vmem_shared>> -> memref<1048640xf32, #tpu.memory_space<vmem_shared>>
        tpu.enqueue_indirect_dma source(%dma_start3A_430 : memref<128xf32, #tpu.memory_space<vmem>>) target(%dma_start3A_435 : memref<1048640xf32, #tpu.memory_space<vmem_shared>>) offsets(%dma_start3A_433 : memref<128xi32, #tpu.memory_space<vmem>>) semaphore(%arg12 : memref<!tpu.dma_semaphore, #tpu.memory_space<semaphore_mem>>) {add = true}
      } else {
      }
      %gt3A_142 = arith.constant 9 : i32
      %gt3A_143 = arith.cmpi sgt, %select_n3A, %gt3A_142 : i32
      %convert_element_type3A_144 = arith.extui %gt3A_143 : i1 to i32
      %cond3A_145 = arith.constant 0 : i32
      %cond3A_146 = arith.cmpi ne, %convert_element_type3A_144, %cond3A_145 : i32
      scf.if %cond3A_146 {
        %dma_start3A_428 = arith.constant 9 : i32
        %dma_start3A_429 = arith.constant 1152 : i32
        %dma_start3A_430 = tpu.memref_slice %arg9[%dma_start3A_429] : memref<4224xf32, #tpu.memory_space<vmem>> -> memref<128xf32, #tpu.memory_space<vmem>>
        %dma_start3A_431 = arith.constant 0 : i32
        %dma_start3A_432 = tpu.memref_slice %arg10[%dma_start3A_428, %dma_start3A_431] : memref<33x128xi32, #tpu.memory_space<vmem>> -> memref<1x128xi32, #tpu.memory_space<vmem>>
        %dma_start3A_433 = tpu.memref_squeeze %dma_start3A_432 : memref<1x128xi32, #tpu.memory_space<vmem>> -> memref<128xi32, #tpu.memory_space<vmem>>
        %dma_start3A_434 = arith.constant 0 : i32
        %dma_start3A_435 = tpu.memref_slice %arg5[%dma_start3A_434] : memref<1048640xf32, #tpu.memory_space<vmem_shared>> -> memref<1048640xf32, #tpu.memory_space<vmem_shared>>
        tpu.enqueue_indirect_dma source(%dma_start3A_430 : memref<128xf32, #tpu.memory_space<vmem>>) target(%dma_start3A_435 : memref<1048640xf32, #tpu.memory_space<vmem_shared>>) offsets(%dma_start3A_433 : memref<128xi32, #tpu.memory_space<vmem>>) semaphore(%arg12 : memref<!tpu.dma_semaphore, #tpu.memory_space<semaphore_mem>>) {add = true}
      } else {
      }
      %gt3A_147 = arith.constant 10 : i32
      %gt3A_148 = arith.cmpi sgt, %select_n3A, %gt3A_147 : i32
      %convert_element_type3A_149 = arith.extui %gt3A_148 : i1 to i32
      %cond3A_150 = arith.constant 0 : i32
      %cond3A_151 = arith.cmpi ne, %convert_element_type3A_149, %cond3A_150 : i32
      scf.if %cond3A_151 {
        %dma_start3A_428 = arith.constant 10 : i32
        %dma_start3A_429 = arith.constant 1280 : i32
        %dma_start3A_430 = tpu.memref_slice %arg9[%dma_start3A_429] : memref<4224xf32, #tpu.memory_space<vmem>> -> memref<128xf32, #tpu.memory_space<vmem>>
        %dma_start3A_431 = arith.constant 0 : i32
        %dma_start3A_432 = tpu.memref_slice %arg10[%dma_start3A_428, %dma_start3A_431] : memref<33x128xi32, #tpu.memory_space<vmem>> -> memref<1x128xi32, #tpu.memory_space<vmem>>
        %dma_start3A_433 = tpu.memref_squeeze %dma_start3A_432 : memref<1x128xi32, #tpu.memory_space<vmem>> -> memref<128xi32, #tpu.memory_space<vmem>>
        %dma_start3A_434 = arith.constant 0 : i32
        %dma_start3A_435 = tpu.memref_slice %arg5[%dma_start3A_434] : memref<1048640xf32, #tpu.memory_space<vmem_shared>> -> memref<1048640xf32, #tpu.memory_space<vmem_shared>>
        tpu.enqueue_indirect_dma source(%dma_start3A_430 : memref<128xf32, #tpu.memory_space<vmem>>) target(%dma_start3A_435 : memref<1048640xf32, #tpu.memory_space<vmem_shared>>) offsets(%dma_start3A_433 : memref<128xi32, #tpu.memory_space<vmem>>) semaphore(%arg12 : memref<!tpu.dma_semaphore, #tpu.memory_space<semaphore_mem>>) {add = true}
      } else {
      }
      %gt3A_152 = arith.constant 11 : i32
      %gt3A_153 = arith.cmpi sgt, %select_n3A, %gt3A_152 : i32
      %convert_element_type3A_154 = arith.extui %gt3A_153 : i1 to i32
      %cond3A_155 = arith.constant 0 : i32
      %cond3A_156 = arith.cmpi ne, %convert_element_type3A_154, %cond3A_155 : i32
      scf.if %cond3A_156 {
        %dma_start3A_428 = arith.constant 11 : i32
        %dma_start3A_429 = arith.constant 1408 : i32
        %dma_start3A_430 = tpu.memref_slice %arg9[%dma_start3A_429] : memref<4224xf32, #tpu.memory_space<vmem>> -> memref<128xf32, #tpu.memory_space<vmem>>
        %dma_start3A_431 = arith.constant 0 : i32
        %dma_start3A_432 = tpu.memref_slice %arg10[%dma_start3A_428, %dma_start3A_431] : memref<33x128xi32, #tpu.memory_space<vmem>> -> memref<1x128xi32, #tpu.memory_space<vmem>>
        %dma_start3A_433 = tpu.memref_squeeze %dma_start3A_432 : memref<1x128xi32, #tpu.memory_space<vmem>> -> memref<128xi32, #tpu.memory_space<vmem>>
        %dma_start3A_434 = arith.constant 0 : i32
        %dma_start3A_435 = tpu.memref_slice %arg5[%dma_start3A_434] : memref<1048640xf32, #tpu.memory_space<vmem_shared>> -> memref<1048640xf32, #tpu.memory_space<vmem_shared>>
        tpu.enqueue_indirect_dma source(%dma_start3A_430 : memref<128xf32, #tpu.memory_space<vmem>>) target(%dma_start3A_435 : memref<1048640xf32, #tpu.memory_space<vmem_shared>>) offsets(%dma_start3A_433 : memref<128xi32, #tpu.memory_space<vmem>>) semaphore(%arg12 : memref<!tpu.dma_semaphore, #tpu.memory_space<semaphore_mem>>) {add = true}
      } else {
      }
      %gt3A_157 = arith.constant 12 : i32
      %gt3A_158 = arith.cmpi sgt, %select_n3A, %gt3A_157 : i32
      %convert_element_type3A_159 = arith.extui %gt3A_158 : i1 to i32
      %cond3A_160 = arith.constant 0 : i32
      %cond3A_161 = arith.cmpi ne, %convert_element_type3A_159, %cond3A_160 : i32
      scf.if %cond3A_161 {
        %dma_start3A_428 = arith.constant 12 : i32
        %dma_start3A_429 = arith.constant 1536 : i32
        %dma_start3A_430 = tpu.memref_slice %arg9[%dma_start3A_429] : memref<4224xf32, #tpu.memory_space<vmem>> -> memref<128xf32, #tpu.memory_space<vmem>>
        %dma_start3A_431 = arith.constant 0 : i32
        %dma_start3A_432 = tpu.memref_slice %arg10[%dma_start3A_428, %dma_start3A_431] : memref<33x128xi32, #tpu.memory_space<vmem>> -> memref<1x128xi32, #tpu.memory_space<vmem>>
        %dma_start3A_433 = tpu.memref_squeeze %dma_start3A_432 : memref<1x128xi32, #tpu.memory_space<vmem>> -> memref<128xi32, #tpu.memory_space<vmem>>
        %dma_start3A_434 = arith.constant 0 : i32
        %dma_start3A_435 = tpu.memref_slice %arg5[%dma_start3A_434] : memref<1048640xf32, #tpu.memory_space<vmem_shared>> -> memref<1048640xf32, #tpu.memory_space<vmem_shared>>
        tpu.enqueue_indirect_dma source(%dma_start3A_430 : memref<128xf32, #tpu.memory_space<vmem>>) target(%dma_start3A_435 : memref<1048640xf32, #tpu.memory_space<vmem_shared>>) offsets(%dma_start3A_433 : memref<128xi32, #tpu.memory_space<vmem>>) semaphore(%arg12 : memref<!tpu.dma_semaphore, #tpu.memory_space<semaphore_mem>>) {add = true}
      } else {
      }
      %gt3A_162 = arith.constant 13 : i32
      %gt3A_163 = arith.cmpi sgt, %select_n3A, %gt3A_162 : i32
      %convert_element_type3A_164 = arith.extui %gt3A_163 : i1 to i32
      %cond3A_165 = arith.constant 0 : i32
      %cond3A_166 = arith.cmpi ne, %convert_element_type3A_164, %cond3A_165 : i32
      scf.if %cond3A_166 {
        %dma_start3A_428 = arith.constant 13 : i32
        %dma_start3A_429 = arith.constant 1664 : i32
        %dma_start3A_430 = tpu.memref_slice %arg9[%dma_start3A_429] : memref<4224xf32, #tpu.memory_space<vmem>> -> memref<128xf32, #tpu.memory_space<vmem>>
        %dma_start3A_431 = arith.constant 0 : i32
        %dma_start3A_432 = tpu.memref_slice %arg10[%dma_start3A_428, %dma_start3A_431] : memref<33x128xi32, #tpu.memory_space<vmem>> -> memref<1x128xi32, #tpu.memory_space<vmem>>
        %dma_start3A_433 = tpu.memref_squeeze %dma_start3A_432 : memref<1x128xi32, #tpu.memory_space<vmem>> -> memref<128xi32, #tpu.memory_space<vmem>>
        %dma_start3A_434 = arith.constant 0 : i32
        %dma_start3A_435 = tpu.memref_slice %arg5[%dma_start3A_434] : memref<1048640xf32, #tpu.memory_space<vmem_shared>> -> memref<1048640xf32, #tpu.memory_space<vmem_shared>>
        tpu.enqueue_indirect_dma source(%dma_start3A_430 : memref<128xf32, #tpu.memory_space<vmem>>) target(%dma_start3A_435 : memref<1048640xf32, #tpu.memory_space<vmem_shared>>) offsets(%dma_start3A_433 : memref<128xi32, #tpu.memory_space<vmem>>) semaphore(%arg12 : memref<!tpu.dma_semaphore, #tpu.memory_space<semaphore_mem>>) {add = true}
      } else {
      }
      %gt3A_167 = arith.constant 14 : i32
      %gt3A_168 = arith.cmpi sgt, %select_n3A, %gt3A_167 : i32
      %convert_element_type3A_169 = arith.extui %gt3A_168 : i1 to i32
      %cond3A_170 = arith.constant 0 : i32
      %cond3A_171 = arith.cmpi ne, %convert_element_type3A_169, %cond3A_170 : i32
      scf.if %cond3A_171 {
        %dma_start3A_428 = arith.constant 14 : i32
        %dma_start3A_429 = arith.constant 1792 : i32
        %dma_start3A_430 = tpu.memref_slice %arg9[%dma_start3A_429] : memref<4224xf32, #tpu.memory_space<vmem>> -> memref<128xf32, #tpu.memory_space<vmem>>
        %dma_start3A_431 = arith.constant 0 : i32
        %dma_start3A_432 = tpu.memref_slice %arg10[%dma_start3A_428, %dma_start3A_431] : memref<33x128xi32, #tpu.memory_space<vmem>> -> memref<1x128xi32, #tpu.memory_space<vmem>>
        %dma_start3A_433 = tpu.memref_squeeze %dma_start3A_432 : memref<1x128xi32, #tpu.memory_space<vmem>> -> memref<128xi32, #tpu.memory_space<vmem>>
        %dma_start3A_434 = arith.constant 0 : i32
        %dma_start3A_435 = tpu.memref_slice %arg5[%dma_start3A_434] : memref<1048640xf32, #tpu.memory_space<vmem_shared>> -> memref<1048640xf32, #tpu.memory_space<vmem_shared>>
        tpu.enqueue_indirect_dma source(%dma_start3A_430 : memref<128xf32, #tpu.memory_space<vmem>>) target(%dma_start3A_435 : memref<1048640xf32, #tpu.memory_space<vmem_shared>>) offsets(%dma_start3A_433 : memref<128xi32, #tpu.memory_space<vmem>>) semaphore(%arg12 : memref<!tpu.dma_semaphore, #tpu.memory_space<semaphore_mem>>) {add = true}
      } else {
      }
      %gt3A_172 = arith.constant 15 : i32
      %gt3A_173 = arith.cmpi sgt, %select_n3A, %gt3A_172 : i32
      %convert_element_type3A_174 = arith.extui %gt3A_173 : i1 to i32
      %cond3A_175 = arith.constant 0 : i32
      %cond3A_176 = arith.cmpi ne, %convert_element_type3A_174, %cond3A_175 : i32
      scf.if %cond3A_176 {
        %dma_start3A_428 = arith.constant 15 : i32
        %dma_start3A_429 = arith.constant 1920 : i32
        %dma_start3A_430 = tpu.memref_slice %arg9[%dma_start3A_429] : memref<4224xf32, #tpu.memory_space<vmem>> -> memref<128xf32, #tpu.memory_space<vmem>>
        %dma_start3A_431 = arith.constant 0 : i32
        %dma_start3A_432 = tpu.memref_slice %arg10[%dma_start3A_428, %dma_start3A_431] : memref<33x128xi32, #tpu.memory_space<vmem>> -> memref<1x128xi32, #tpu.memory_space<vmem>>
        %dma_start3A_433 = tpu.memref_squeeze %dma_start3A_432 : memref<1x128xi32, #tpu.memory_space<vmem>> -> memref<128xi32, #tpu.memory_space<vmem>>
        %dma_start3A_434 = arith.constant 0 : i32
        %dma_start3A_435 = tpu.memref_slice %arg5[%dma_start3A_434] : memref<1048640xf32, #tpu.memory_space<vmem_shared>> -> memref<1048640xf32, #tpu.memory_space<vmem_shared>>
        tpu.enqueue_indirect_dma source(%dma_start3A_430 : memref<128xf32, #tpu.memory_space<vmem>>) target(%dma_start3A_435 : memref<1048640xf32, #tpu.memory_space<vmem_shared>>) offsets(%dma_start3A_433 : memref<128xi32, #tpu.memory_space<vmem>>) semaphore(%arg12 : memref<!tpu.dma_semaphore, #tpu.memory_space<semaphore_mem>>) {add = true}
      } else {
      }
      %gt3A_177 = arith.constant 16 : i32
      %gt3A_178 = arith.cmpi sgt, %select_n3A, %gt3A_177 : i32
      %convert_element_type3A_179 = arith.extui %gt3A_178 : i1 to i32
      %cond3A_180 = arith.constant 0 : i32
      %cond3A_181 = arith.cmpi ne, %convert_element_type3A_179, %cond3A_180 : i32
      scf.if %cond3A_181 {
        %dma_start3A_428 = arith.constant 16 : i32
        %dma_start3A_429 = arith.constant 2048 : i32
        %dma_start3A_430 = tpu.memref_slice %arg9[%dma_start3A_429] : memref<4224xf32, #tpu.memory_space<vmem>> -> memref<128xf32, #tpu.memory_space<vmem>>
        %dma_start3A_431 = arith.constant 0 : i32
        %dma_start3A_432 = tpu.memref_slice %arg10[%dma_start3A_428, %dma_start3A_431] : memref<33x128xi32, #tpu.memory_space<vmem>> -> memref<1x128xi32, #tpu.memory_space<vmem>>
        %dma_start3A_433 = tpu.memref_squeeze %dma_start3A_432 : memref<1x128xi32, #tpu.memory_space<vmem>> -> memref<128xi32, #tpu.memory_space<vmem>>
        %dma_start3A_434 = arith.constant 0 : i32
        %dma_start3A_435 = tpu.memref_slice %arg5[%dma_start3A_434] : memref<1048640xf32, #tpu.memory_space<vmem_shared>> -> memref<1048640xf32, #tpu.memory_space<vmem_shared>>
        tpu.enqueue_indirect_dma source(%dma_start3A_430 : memref<128xf32, #tpu.memory_space<vmem>>) target(%dma_start3A_435 : memref<1048640xf32, #tpu.memory_space<vmem_shared>>) offsets(%dma_start3A_433 : memref<128xi32, #tpu.memory_space<vmem>>) semaphore(%arg12 : memref<!tpu.dma_semaphore, #tpu.memory_space<semaphore_mem>>) {add = true}
      } else {
      }
      %gt3A_182 = arith.constant 17 : i32
      %gt3A_183 = arith.cmpi sgt, %select_n3A, %gt3A_182 : i32
      %convert_element_type3A_184 = arith.extui %gt3A_183 : i1 to i32
      %cond3A_185 = arith.constant 0 : i32
      %cond3A_186 = arith.cmpi ne, %convert_element_type3A_184, %cond3A_185 : i32
      scf.if %cond3A_186 {
        %dma_start3A_428 = arith.constant 17 : i32
        %dma_start3A_429 = arith.constant 2176 : i32
        %dma_start3A_430 = tpu.memref_slice %arg9[%dma_start3A_429] : memref<4224xf32, #tpu.memory_space<vmem>> -> memref<128xf32, #tpu.memory_space<vmem>>
        %dma_start3A_431 = arith.constant 0 : i32
        %dma_start3A_432 = tpu.memref_slice %arg10[%dma_start3A_428, %dma_start3A_431] : memref<33x128xi32, #tpu.memory_space<vmem>> -> memref<1x128xi32, #tpu.memory_space<vmem>>
        %dma_start3A_433 = tpu.memref_squeeze %dma_start3A_432 : memref<1x128xi32, #tpu.memory_space<vmem>> -> memref<128xi32, #tpu.memory_space<vmem>>
        %dma_start3A_434 = arith.constant 0 : i32
        %dma_start3A_435 = tpu.memref_slice %arg5[%dma_start3A_434] : memref<1048640xf32, #tpu.memory_space<vmem_shared>> -> memref<1048640xf32, #tpu.memory_space<vmem_shared>>
        tpu.enqueue_indirect_dma source(%dma_start3A_430 : memref<128xf32, #tpu.memory_space<vmem>>) target(%dma_start3A_435 : memref<1048640xf32, #tpu.memory_space<vmem_shared>>) offsets(%dma_start3A_433 : memref<128xi32, #tpu.memory_space<vmem>>) semaphore(%arg12 : memref<!tpu.dma_semaphore, #tpu.memory_space<semaphore_mem>>) {add = true}
      } else {
      }
      %gt3A_187 = arith.constant 18 : i32
      %gt3A_188 = arith.cmpi sgt, %select_n3A, %gt3A_187 : i32
      %convert_element_type3A_189 = arith.extui %gt3A_188 : i1 to i32
      %cond3A_190 = arith.constant 0 : i32
      %cond3A_191 = arith.cmpi ne, %convert_element_type3A_189, %cond3A_190 : i32
      scf.if %cond3A_191 {
        %dma_start3A_428 = arith.constant 18 : i32
        %dma_start3A_429 = arith.constant 2304 : i32
        %dma_start3A_430 = tpu.memref_slice %arg9[%dma_start3A_429] : memref<4224xf32, #tpu.memory_space<vmem>> -> memref<128xf32, #tpu.memory_space<vmem>>
        %dma_start3A_431 = arith.constant 0 : i32
        %dma_start3A_432 = tpu.memref_slice %arg10[%dma_start3A_428, %dma_start3A_431] : memref<33x128xi32, #tpu.memory_space<vmem>> -> memref<1x128xi32, #tpu.memory_space<vmem>>
        %dma_start3A_433 = tpu.memref_squeeze %dma_start3A_432 : memref<1x128xi32, #tpu.memory_space<vmem>> -> memref<128xi32, #tpu.memory_space<vmem>>
        %dma_start3A_434 = arith.constant 0 : i32
        %dma_start3A_435 = tpu.memref_slice %arg5[%dma_start3A_434] : memref<1048640xf32, #tpu.memory_space<vmem_shared>> -> memref<1048640xf32, #tpu.memory_space<vmem_shared>>
        tpu.enqueue_indirect_dma source(%dma_start3A_430 : memref<128xf32, #tpu.memory_space<vmem>>) target(%dma_start3A_435 : memref<1048640xf32, #tpu.memory_space<vmem_shared>>) offsets(%dma_start3A_433 : memref<128xi32, #tpu.memory_space<vmem>>) semaphore(%arg12 : memref<!tpu.dma_semaphore, #tpu.memory_space<semaphore_mem>>) {add = true}
      } else {
      }
      %gt3A_192 = arith.constant 19 : i32
      %gt3A_193 = arith.cmpi sgt, %select_n3A, %gt3A_192 : i32
      %convert_element_type3A_194 = arith.extui %gt3A_193 : i1 to i32
      %cond3A_195 = arith.constant 0 : i32
      %cond3A_196 = arith.cmpi ne, %convert_element_type3A_194, %cond3A_195 : i32
      scf.if %cond3A_196 {
        %dma_start3A_428 = arith.constant 19 : i32
        %dma_start3A_429 = arith.constant 2432 : i32
        %dma_start3A_430 = tpu.memref_slice %arg9[%dma_start3A_429] : memref<4224xf32, #tpu.memory_space<vmem>> -> memref<128xf32, #tpu.memory_space<vmem>>
        %dma_start3A_431 = arith.constant 0 : i32
        %dma_start3A_432 = tpu.memref_slice %arg10[%dma_start3A_428, %dma_start3A_431] : memref<33x128xi32, #tpu.memory_space<vmem>> -> memref<1x128xi32, #tpu.memory_space<vmem>>
        %dma_start3A_433 = tpu.memref_squeeze %dma_start3A_432 : memref<1x128xi32, #tpu.memory_space<vmem>> -> memref<128xi32, #tpu.memory_space<vmem>>
        %dma_start3A_434 = arith.constant 0 : i32
        %dma_start3A_435 = tpu.memref_slice %arg5[%dma_start3A_434] : memref<1048640xf32, #tpu.memory_space<vmem_shared>> -> memref<1048640xf32, #tpu.memory_space<vmem_shared>>
        tpu.enqueue_indirect_dma source(%dma_start3A_430 : memref<128xf32, #tpu.memory_space<vmem>>) target(%dma_start3A_435 : memref<1048640xf32, #tpu.memory_space<vmem_shared>>) offsets(%dma_start3A_433 : memref<128xi32, #tpu.memory_space<vmem>>) semaphore(%arg12 : memref<!tpu.dma_semaphore, #tpu.memory_space<semaphore_mem>>) {add = true}
      } else {
      }
      %gt3A_197 = arith.constant 20 : i32
      %gt3A_198 = arith.cmpi sgt, %select_n3A, %gt3A_197 : i32
      %convert_element_type3A_199 = arith.extui %gt3A_198 : i1 to i32
      %cond3A_200 = arith.constant 0 : i32
      %cond3A_201 = arith.cmpi ne, %convert_element_type3A_199, %cond3A_200 : i32
      scf.if %cond3A_201 {
        %dma_start3A_428 = arith.constant 20 : i32
        %dma_start3A_429 = arith.constant 2560 : i32
        %dma_start3A_430 = tpu.memref_slice %arg9[%dma_start3A_429] : memref<4224xf32, #tpu.memory_space<vmem>> -> memref<128xf32, #tpu.memory_space<vmem>>
        %dma_start3A_431 = arith.constant 0 : i32
        %dma_start3A_432 = tpu.memref_slice %arg10[%dma_start3A_428, %dma_start3A_431] : memref<33x128xi32, #tpu.memory_space<vmem>> -> memref<1x128xi32, #tpu.memory_space<vmem>>
        %dma_start3A_433 = tpu.memref_squeeze %dma_start3A_432 : memref<1x128xi32, #tpu.memory_space<vmem>> -> memref<128xi32, #tpu.memory_space<vmem>>
        %dma_start3A_434 = arith.constant 0 : i32
        %dma_start3A_435 = tpu.memref_slice %arg5[%dma_start3A_434] : memref<1048640xf32, #tpu.memory_space<vmem_shared>> -> memref<1048640xf32, #tpu.memory_space<vmem_shared>>
        tpu.enqueue_indirect_dma source(%dma_start3A_430 : memref<128xf32, #tpu.memory_space<vmem>>) target(%dma_start3A_435 : memref<1048640xf32, #tpu.memory_space<vmem_shared>>) offsets(%dma_start3A_433 : memref<128xi32, #tpu.memory_space<vmem>>) semaphore(%arg12 : memref<!tpu.dma_semaphore, #tpu.memory_space<semaphore_mem>>) {add = true}
      } else {
      }
      %gt3A_202 = arith.constant 21 : i32
      %gt3A_203 = arith.cmpi sgt, %select_n3A, %gt3A_202 : i32
      %convert_element_type3A_204 = arith.extui %gt3A_203 : i1 to i32
      %cond3A_205 = arith.constant 0 : i32
      %cond3A_206 = arith.cmpi ne, %convert_element_type3A_204, %cond3A_205 : i32
      scf.if %cond3A_206 {
        %dma_start3A_428 = arith.constant 21 : i32
        %dma_start3A_429 = arith.constant 2688 : i32
        %dma_start3A_430 = tpu.memref_slice %arg9[%dma_start3A_429] : memref<4224xf32, #tpu.memory_space<vmem>> -> memref<128xf32, #tpu.memory_space<vmem>>
        %dma_start3A_431 = arith.constant 0 : i32
        %dma_start3A_432 = tpu.memref_slice %arg10[%dma_start3A_428, %dma_start3A_431] : memref<33x128xi32, #tpu.memory_space<vmem>> -> memref<1x128xi32, #tpu.memory_space<vmem>>
        %dma_start3A_433 = tpu.memref_squeeze %dma_start3A_432 : memref<1x128xi32, #tpu.memory_space<vmem>> -> memref<128xi32, #tpu.memory_space<vmem>>
        %dma_start3A_434 = arith.constant 0 : i32
        %dma_start3A_435 = tpu.memref_slice %arg5[%dma_start3A_434] : memref<1048640xf32, #tpu.memory_space<vmem_shared>> -> memref<1048640xf32, #tpu.memory_space<vmem_shared>>
        tpu.enqueue_indirect_dma source(%dma_start3A_430 : memref<128xf32, #tpu.memory_space<vmem>>) target(%dma_start3A_435 : memref<1048640xf32, #tpu.memory_space<vmem_shared>>) offsets(%dma_start3A_433 : memref<128xi32, #tpu.memory_space<vmem>>) semaphore(%arg12 : memref<!tpu.dma_semaphore, #tpu.memory_space<semaphore_mem>>) {add = true}
      } else {
      }
      %gt3A_207 = arith.constant 22 : i32
      %gt3A_208 = arith.cmpi sgt, %select_n3A, %gt3A_207 : i32
      %convert_element_type3A_209 = arith.extui %gt3A_208 : i1 to i32
      %cond3A_210 = arith.constant 0 : i32
      %cond3A_211 = arith.cmpi ne, %convert_element_type3A_209, %cond3A_210 : i32
      scf.if %cond3A_211 {
        %dma_start3A_428 = arith.constant 22 : i32
        %dma_start3A_429 = arith.constant 2816 : i32
        %dma_start3A_430 = tpu.memref_slice %arg9[%dma_start3A_429] : memref<4224xf32, #tpu.memory_space<vmem>> -> memref<128xf32, #tpu.memory_space<vmem>>
        %dma_start3A_431 = arith.constant 0 : i32
        %dma_start3A_432 = tpu.memref_slice %arg10[%dma_start3A_428, %dma_start3A_431] : memref<33x128xi32, #tpu.memory_space<vmem>> -> memref<1x128xi32, #tpu.memory_space<vmem>>
        %dma_start3A_433 = tpu.memref_squeeze %dma_start3A_432 : memref<1x128xi32, #tpu.memory_space<vmem>> -> memref<128xi32, #tpu.memory_space<vmem>>
        %dma_start3A_434 = arith.constant 0 : i32
        %dma_start3A_435 = tpu.memref_slice %arg5[%dma_start3A_434] : memref<1048640xf32, #tpu.memory_space<vmem_shared>> -> memref<1048640xf32, #tpu.memory_space<vmem_shared>>
        tpu.enqueue_indirect_dma source(%dma_start3A_430 : memref<128xf32, #tpu.memory_space<vmem>>) target(%dma_start3A_435 : memref<1048640xf32, #tpu.memory_space<vmem_shared>>) offsets(%dma_start3A_433 : memref<128xi32, #tpu.memory_space<vmem>>) semaphore(%arg12 : memref<!tpu.dma_semaphore, #tpu.memory_space<semaphore_mem>>) {add = true}
      } else {
      }
      %gt3A_212 = arith.constant 23 : i32
      %gt3A_213 = arith.cmpi sgt, %select_n3A, %gt3A_212 : i32
      %convert_element_type3A_214 = arith.extui %gt3A_213 : i1 to i32
      %cond3A_215 = arith.constant 0 : i32
      %cond3A_216 = arith.cmpi ne, %convert_element_type3A_214, %cond3A_215 : i32
      scf.if %cond3A_216 {
        %dma_start3A_428 = arith.constant 23 : i32
        %dma_start3A_429 = arith.constant 2944 : i32
        %dma_start3A_430 = tpu.memref_slice %arg9[%dma_start3A_429] : memref<4224xf32, #tpu.memory_space<vmem>> -> memref<128xf32, #tpu.memory_space<vmem>>
        %dma_start3A_431 = arith.constant 0 : i32
        %dma_start3A_432 = tpu.memref_slice %arg10[%dma_start3A_428, %dma_start3A_431] : memref<33x128xi32, #tpu.memory_space<vmem>> -> memref<1x128xi32, #tpu.memory_space<vmem>>
        %dma_start3A_433 = tpu.memref_squeeze %dma_start3A_432 : memref<1x128xi32, #tpu.memory_space<vmem>> -> memref<128xi32, #tpu.memory_space<vmem>>
        %dma_start3A_434 = arith.constant 0 : i32
        %dma_start3A_435 = tpu.memref_slice %arg5[%dma_start3A_434] : memref<1048640xf32, #tpu.memory_space<vmem_shared>> -> memref<1048640xf32, #tpu.memory_space<vmem_shared>>
        tpu.enqueue_indirect_dma source(%dma_start3A_430 : memref<128xf32, #tpu.memory_space<vmem>>) target(%dma_start3A_435 : memref<1048640xf32, #tpu.memory_space<vmem_shared>>) offsets(%dma_start3A_433 : memref<128xi32, #tpu.memory_space<vmem>>) semaphore(%arg12 : memref<!tpu.dma_semaphore, #tpu.memory_space<semaphore_mem>>) {add = true}
      } else {
      }
      %gt3A_217 = arith.constant 24 : i32
      %gt3A_218 = arith.cmpi sgt, %select_n3A, %gt3A_217 : i32
      %convert_element_type3A_219 = arith.extui %gt3A_218 : i1 to i32
      %cond3A_220 = arith.constant 0 : i32
      %cond3A_221 = arith.cmpi ne, %convert_element_type3A_219, %cond3A_220 : i32
      scf.if %cond3A_221 {
        %dma_start3A_428 = arith.constant 24 : i32
        %dma_start3A_429 = arith.constant 3072 : i32
        %dma_start3A_430 = tpu.memref_slice %arg9[%dma_start3A_429] : memref<4224xf32, #tpu.memory_space<vmem>> -> memref<128xf32, #tpu.memory_space<vmem>>
        %dma_start3A_431 = arith.constant 0 : i32
        %dma_start3A_432 = tpu.memref_slice %arg10[%dma_start3A_428, %dma_start3A_431] : memref<33x128xi32, #tpu.memory_space<vmem>> -> memref<1x128xi32, #tpu.memory_space<vmem>>
        %dma_start3A_433 = tpu.memref_squeeze %dma_start3A_432 : memref<1x128xi32, #tpu.memory_space<vmem>> -> memref<128xi32, #tpu.memory_space<vmem>>
        %dma_start3A_434 = arith.constant 0 : i32
        %dma_start3A_435 = tpu.memref_slice %arg5[%dma_start3A_434] : memref<1048640xf32, #tpu.memory_space<vmem_shared>> -> memref<1048640xf32, #tpu.memory_space<vmem_shared>>
        tpu.enqueue_indirect_dma source(%dma_start3A_430 : memref<128xf32, #tpu.memory_space<vmem>>) target(%dma_start3A_435 : memref<1048640xf32, #tpu.memory_space<vmem_shared>>) offsets(%dma_start3A_433 : memref<128xi32, #tpu.memory_space<vmem>>) semaphore(%arg12 : memref<!tpu.dma_semaphore, #tpu.memory_space<semaphore_mem>>) {add = true}
      } else {
      }
      %gt3A_222 = arith.constant 25 : i32
      %gt3A_223 = arith.cmpi sgt, %select_n3A, %gt3A_222 : i32
      %convert_element_type3A_224 = arith.extui %gt3A_223 : i1 to i32
      %cond3A_225 = arith.constant 0 : i32
      %cond3A_226 = arith.cmpi ne, %convert_element_type3A_224, %cond3A_225 : i32
      scf.if %cond3A_226 {
        %dma_start3A_428 = arith.constant 25 : i32
        %dma_start3A_429 = arith.constant 3200 : i32
        %dma_start3A_430 = tpu.memref_slice %arg9[%dma_start3A_429] : memref<4224xf32, #tpu.memory_space<vmem>> -> memref<128xf32, #tpu.memory_space<vmem>>
        %dma_start3A_431 = arith.constant 0 : i32
        %dma_start3A_432 = tpu.memref_slice %arg10[%dma_start3A_428, %dma_start3A_431] : memref<33x128xi32, #tpu.memory_space<vmem>> -> memref<1x128xi32, #tpu.memory_space<vmem>>
        %dma_start3A_433 = tpu.memref_squeeze %dma_start3A_432 : memref<1x128xi32, #tpu.memory_space<vmem>> -> memref<128xi32, #tpu.memory_space<vmem>>
        %dma_start3A_434 = arith.constant 0 : i32
        %dma_start3A_435 = tpu.memref_slice %arg5[%dma_start3A_434] : memref<1048640xf32, #tpu.memory_space<vmem_shared>> -> memref<1048640xf32, #tpu.memory_space<vmem_shared>>
        tpu.enqueue_indirect_dma source(%dma_start3A_430 : memref<128xf32, #tpu.memory_space<vmem>>) target(%dma_start3A_435 : memref<1048640xf32, #tpu.memory_space<vmem_shared>>) offsets(%dma_start3A_433 : memref<128xi32, #tpu.memory_space<vmem>>) semaphore(%arg12 : memref<!tpu.dma_semaphore, #tpu.memory_space<semaphore_mem>>) {add = true}
      } else {
      }
      %gt3A_227 = arith.constant 26 : i32
      %gt3A_228 = arith.cmpi sgt, %select_n3A, %gt3A_227 : i32
      %convert_element_type3A_229 = arith.extui %gt3A_228 : i1 to i32
      %cond3A_230 = arith.constant 0 : i32
      %cond3A_231 = arith.cmpi ne, %convert_element_type3A_229, %cond3A_230 : i32
      scf.if %cond3A_231 {
        %dma_start3A_428 = arith.constant 26 : i32
        %dma_start3A_429 = arith.constant 3328 : i32
        %dma_start3A_430 = tpu.memref_slice %arg9[%dma_start3A_429] : memref<4224xf32, #tpu.memory_space<vmem>> -> memref<128xf32, #tpu.memory_space<vmem>>
        %dma_start3A_431 = arith.constant 0 : i32
        %dma_start3A_432 = tpu.memref_slice %arg10[%dma_start3A_428, %dma_start3A_431] : memref<33x128xi32, #tpu.memory_space<vmem>> -> memref<1x128xi32, #tpu.memory_space<vmem>>
        %dma_start3A_433 = tpu.memref_squeeze %dma_start3A_432 : memref<1x128xi32, #tpu.memory_space<vmem>> -> memref<128xi32, #tpu.memory_space<vmem>>
        %dma_start3A_434 = arith.constant 0 : i32
        %dma_start3A_435 = tpu.memref_slice %arg5[%dma_start3A_434] : memref<1048640xf32, #tpu.memory_space<vmem_shared>> -> memref<1048640xf32, #tpu.memory_space<vmem_shared>>
        tpu.enqueue_indirect_dma source(%dma_start3A_430 : memref<128xf32, #tpu.memory_space<vmem>>) target(%dma_start3A_435 : memref<1048640xf32, #tpu.memory_space<vmem_shared>>) offsets(%dma_start3A_433 : memref<128xi32, #tpu.memory_space<vmem>>) semaphore(%arg12 : memref<!tpu.dma_semaphore, #tpu.memory_space<semaphore_mem>>) {add = true}
      } else {
      }
      %gt3A_232 = arith.constant 27 : i32
      %gt3A_233 = arith.cmpi sgt, %select_n3A, %gt3A_232 : i32
      %convert_element_type3A_234 = arith.extui %gt3A_233 : i1 to i32
      %cond3A_235 = arith.constant 0 : i32
      %cond3A_236 = arith.cmpi ne, %convert_element_type3A_234, %cond3A_235 : i32
      scf.if %cond3A_236 {
        %dma_start3A_428 = arith.constant 27 : i32
        %dma_start3A_429 = arith.constant 3456 : i32
        %dma_start3A_430 = tpu.memref_slice %arg9[%dma_start3A_429] : memref<4224xf32, #tpu.memory_space<vmem>> -> memref<128xf32, #tpu.memory_space<vmem>>
        %dma_start3A_431 = arith.constant 0 : i32
        %dma_start3A_432 = tpu.memref_slice %arg10[%dma_start3A_428, %dma_start3A_431] : memref<33x128xi32, #tpu.memory_space<vmem>> -> memref<1x128xi32, #tpu.memory_space<vmem>>
        %dma_start3A_433 = tpu.memref_squeeze %dma_start3A_432 : memref<1x128xi32, #tpu.memory_space<vmem>> -> memref<128xi32, #tpu.memory_space<vmem>>
        %dma_start3A_434 = arith.constant 0 : i32
        %dma_start3A_435 = tpu.memref_slice %arg5[%dma_start3A_434] : memref<1048640xf32, #tpu.memory_space<vmem_shared>> -> memref<1048640xf32, #tpu.memory_space<vmem_shared>>
        tpu.enqueue_indirect_dma source(%dma_start3A_430 : memref<128xf32, #tpu.memory_space<vmem>>) target(%dma_start3A_435 : memref<1048640xf32, #tpu.memory_space<vmem_shared>>) offsets(%dma_start3A_433 : memref<128xi32, #tpu.memory_space<vmem>>) semaphore(%arg12 : memref<!tpu.dma_semaphore, #tpu.memory_space<semaphore_mem>>) {add = true}
      } else {
      }
      %gt3A_237 = arith.constant 28 : i32
      %gt3A_238 = arith.cmpi sgt, %select_n3A, %gt3A_237 : i32
      %convert_element_type3A_239 = arith.extui %gt3A_238 : i1 to i32
      %cond3A_240 = arith.constant 0 : i32
      %cond3A_241 = arith.cmpi ne, %convert_element_type3A_239, %cond3A_240 : i32
      scf.if %cond3A_241 {
        %dma_start3A_428 = arith.constant 28 : i32
        %dma_start3A_429 = arith.constant 3584 : i32
        %dma_start3A_430 = tpu.memref_slice %arg9[%dma_start3A_429] : memref<4224xf32, #tpu.memory_space<vmem>> -> memref<128xf32, #tpu.memory_space<vmem>>
        %dma_start3A_431 = arith.constant 0 : i32
        %dma_start3A_432 = tpu.memref_slice %arg10[%dma_start3A_428, %dma_start3A_431] : memref<33x128xi32, #tpu.memory_space<vmem>> -> memref<1x128xi32, #tpu.memory_space<vmem>>
        %dma_start3A_433 = tpu.memref_squeeze %dma_start3A_432 : memref<1x128xi32, #tpu.memory_space<vmem>> -> memref<128xi32, #tpu.memory_space<vmem>>
        %dma_start3A_434 = arith.constant 0 : i32
        %dma_start3A_435 = tpu.memref_slice %arg5[%dma_start3A_434] : memref<1048640xf32, #tpu.memory_space<vmem_shared>> -> memref<1048640xf32, #tpu.memory_space<vmem_shared>>
        tpu.enqueue_indirect_dma source(%dma_start3A_430 : memref<128xf32, #tpu.memory_space<vmem>>) target(%dma_start3A_435 : memref<1048640xf32, #tpu.memory_space<vmem_shared>>) offsets(%dma_start3A_433 : memref<128xi32, #tpu.memory_space<vmem>>) semaphore(%arg12 : memref<!tpu.dma_semaphore, #tpu.memory_space<semaphore_mem>>) {add = true}
      } else {
      }
      %gt3A_242 = arith.constant 29 : i32
      %gt3A_243 = arith.cmpi sgt, %select_n3A, %gt3A_242 : i32
      %convert_element_type3A_244 = arith.extui %gt3A_243 : i1 to i32
      %cond3A_245 = arith.constant 0 : i32
      %cond3A_246 = arith.cmpi ne, %convert_element_type3A_244, %cond3A_245 : i32
      scf.if %cond3A_246 {
        %dma_start3A_428 = arith.constant 29 : i32
        %dma_start3A_429 = arith.constant 3712 : i32
        %dma_start3A_430 = tpu.memref_slice %arg9[%dma_start3A_429] : memref<4224xf32, #tpu.memory_space<vmem>> -> memref<128xf32, #tpu.memory_space<vmem>>
        %dma_start3A_431 = arith.constant 0 : i32
        %dma_start3A_432 = tpu.memref_slice %arg10[%dma_start3A_428, %dma_start3A_431] : memref<33x128xi32, #tpu.memory_space<vmem>> -> memref<1x128xi32, #tpu.memory_space<vmem>>
        %dma_start3A_433 = tpu.memref_squeeze %dma_start3A_432 : memref<1x128xi32, #tpu.memory_space<vmem>> -> memref<128xi32, #tpu.memory_space<vmem>>
        %dma_start3A_434 = arith.constant 0 : i32
        %dma_start3A_435 = tpu.memref_slice %arg5[%dma_start3A_434] : memref<1048640xf32, #tpu.memory_space<vmem_shared>> -> memref<1048640xf32, #tpu.memory_space<vmem_shared>>
        tpu.enqueue_indirect_dma source(%dma_start3A_430 : memref<128xf32, #tpu.memory_space<vmem>>) target(%dma_start3A_435 : memref<1048640xf32, #tpu.memory_space<vmem_shared>>) offsets(%dma_start3A_433 : memref<128xi32, #tpu.memory_space<vmem>>) semaphore(%arg12 : memref<!tpu.dma_semaphore, #tpu.memory_space<semaphore_mem>>) {add = true}
      } else {
      }
      %gt3A_247 = arith.constant 30 : i32
      %gt3A_248 = arith.cmpi sgt, %select_n3A, %gt3A_247 : i32
      %convert_element_type3A_249 = arith.extui %gt3A_248 : i1 to i32
      %cond3A_250 = arith.constant 0 : i32
      %cond3A_251 = arith.cmpi ne, %convert_element_type3A_249, %cond3A_250 : i32
      scf.if %cond3A_251 {
        %dma_start3A_428 = arith.constant 30 : i32
        %dma_start3A_429 = arith.constant 3840 : i32
        %dma_start3A_430 = tpu.memref_slice %arg9[%dma_start3A_429] : memref<4224xf32, #tpu.memory_space<vmem>> -> memref<128xf32, #tpu.memory_space<vmem>>
        %dma_start3A_431 = arith.constant 0 : i32
        %dma_start3A_432 = tpu.memref_slice %arg10[%dma_start3A_428, %dma_start3A_431] : memref<33x128xi32, #tpu.memory_space<vmem>> -> memref<1x128xi32, #tpu.memory_space<vmem>>
        %dma_start3A_433 = tpu.memref_squeeze %dma_start3A_432 : memref<1x128xi32, #tpu.memory_space<vmem>> -> memref<128xi32, #tpu.memory_space<vmem>>
        %dma_start3A_434 = arith.constant 0 : i32
        %dma_start3A_435 = tpu.memref_slice %arg5[%dma_start3A_434] : memref<1048640xf32, #tpu.memory_space<vmem_shared>> -> memref<1048640xf32, #tpu.memory_space<vmem_shared>>
        tpu.enqueue_indirect_dma source(%dma_start3A_430 : memref<128xf32, #tpu.memory_space<vmem>>) target(%dma_start3A_435 : memref<1048640xf32, #tpu.memory_space<vmem_shared>>) offsets(%dma_start3A_433 : memref<128xi32, #tpu.memory_space<vmem>>) semaphore(%arg12 : memref<!tpu.dma_semaphore, #tpu.memory_space<semaphore_mem>>) {add = true}
      } else {
      }
      %gt3A_252 = arith.constant 31 : i32
      %gt3A_253 = arith.cmpi sgt, %select_n3A, %gt3A_252 : i32
      %convert_element_type3A_254 = arith.extui %gt3A_253 : i1 to i32
      %cond3A_255 = arith.constant 0 : i32
      %cond3A_256 = arith.cmpi ne, %convert_element_type3A_254, %cond3A_255 : i32
      scf.if %cond3A_256 {
        %dma_start3A_428 = arith.constant 31 : i32
        %dma_start3A_429 = arith.constant 3968 : i32
        %dma_start3A_430 = tpu.memref_slice %arg9[%dma_start3A_429] : memref<4224xf32, #tpu.memory_space<vmem>> -> memref<128xf32, #tpu.memory_space<vmem>>
        %dma_start3A_431 = arith.constant 0 : i32
        %dma_start3A_432 = tpu.memref_slice %arg10[%dma_start3A_428, %dma_start3A_431] : memref<33x128xi32, #tpu.memory_space<vmem>> -> memref<1x128xi32, #tpu.memory_space<vmem>>
        %dma_start3A_433 = tpu.memref_squeeze %dma_start3A_432 : memref<1x128xi32, #tpu.memory_space<vmem>> -> memref<128xi32, #tpu.memory_space<vmem>>
        %dma_start3A_434 = arith.constant 0 : i32
        %dma_start3A_435 = tpu.memref_slice %arg5[%dma_start3A_434] : memref<1048640xf32, #tpu.memory_space<vmem_shared>> -> memref<1048640xf32, #tpu.memory_space<vmem_shared>>
        tpu.enqueue_indirect_dma source(%dma_start3A_430 : memref<128xf32, #tpu.memory_space<vmem>>) target(%dma_start3A_435 : memref<1048640xf32, #tpu.memory_space<vmem_shared>>) offsets(%dma_start3A_433 : memref<128xi32, #tpu.memory_space<vmem>>) semaphore(%arg12 : memref<!tpu.dma_semaphore, #tpu.memory_space<semaphore_mem>>) {add = true}
      } else {
      }
      %gt3A_257 = arith.constant 32 : i32
      %gt3A_258 = arith.cmpi sgt, %select_n3A, %gt3A_257 : i32
      %convert_element_type3A_259 = arith.extui %gt3A_258 : i1 to i32
      %cond3A_260 = arith.constant 0 : i32
      %cond3A_261 = arith.cmpi ne, %convert_element_type3A_259, %cond3A_260 : i32
      scf.if %cond3A_261 {
        %dma_start3A_428 = arith.constant 32 : i32
        %dma_start3A_429 = arith.constant 4096 : i32
        %dma_start3A_430 = tpu.memref_slice %arg9[%dma_start3A_429] : memref<4224xf32, #tpu.memory_space<vmem>> -> memref<128xf32, #tpu.memory_space<vmem>>
        %dma_start3A_431 = arith.constant 0 : i32
        %dma_start3A_432 = tpu.memref_slice %arg10[%dma_start3A_428, %dma_start3A_431] : memref<33x128xi32, #tpu.memory_space<vmem>> -> memref<1x128xi32, #tpu.memory_space<vmem>>
        %dma_start3A_433 = tpu.memref_squeeze %dma_start3A_432 : memref<1x128xi32, #tpu.memory_space<vmem>> -> memref<128xi32, #tpu.memory_space<vmem>>
        %dma_start3A_434 = arith.constant 0 : i32
        %dma_start3A_435 = tpu.memref_slice %arg5[%dma_start3A_434] : memref<1048640xf32, #tpu.memory_space<vmem_shared>> -> memref<1048640xf32, #tpu.memory_space<vmem_shared>>
        tpu.enqueue_indirect_dma source(%dma_start3A_430 : memref<128xf32, #tpu.memory_space<vmem>>) target(%dma_start3A_435 : memref<1048640xf32, #tpu.memory_space<vmem_shared>>) offsets(%dma_start3A_433 : memref<128xi32, #tpu.memory_space<vmem>>) semaphore(%arg12 : memref<!tpu.dma_semaphore, #tpu.memory_space<semaphore_mem>>) {add = true}
      } else {
      }
      %gt3A_262 = arith.constant 0 : i32
      %gt3A_263 = arith.cmpi sgt, %select_n3A, %gt3A_262 : i32
      %convert_element_type3A_264 = arith.extui %gt3A_263 : i1 to i32
      %cond3A_265 = arith.constant 0 : i32
      %cond3A_266 = arith.cmpi ne, %convert_element_type3A_264, %cond3A_265 : i32
      scf.if %cond3A_266 {
        %dma_wait3A_428 = arith.constant 0 : i32
        %dma_wait3A_429 = arith.constant 0 : i32
        %dma_wait3A_430 = tpu.memref_slice %arg9[%dma_wait3A_429] : memref<4224xf32, #tpu.memory_space<vmem>> -> memref<128xf32, #tpu.memory_space<vmem>>
        %dma_wait3A_431 = arith.constant 0 : i32
        %dma_wait3A_432 = tpu.memref_slice %arg10[%dma_wait3A_428, %dma_wait3A_431] : memref<33x128xi32, #tpu.memory_space<vmem>> -> memref<1x128xi32, #tpu.memory_space<vmem>>
        %dma_wait3A_433 = tpu.memref_squeeze %dma_wait3A_432 : memref<1x128xi32, #tpu.memory_space<vmem>> -> memref<128xi32, #tpu.memory_space<vmem>>
        %dma_wait3A_434 = arith.constant 0 : i32
        %dma_wait3A_435 = tpu.memref_slice %arg5[%dma_wait3A_434] : memref<1048640xf32, #tpu.memory_space<vmem_shared>> -> memref<1048640xf32, #tpu.memory_space<vmem_shared>>
        tpu.wait_indirect_dma semaphore(%arg12 : memref<!tpu.dma_semaphore, #tpu.memory_space<semaphore_mem>>) src(%dma_wait3A_430 : memref<128xf32, #tpu.memory_space<vmem>>) dst(%dma_wait3A_435 : memref<1048640xf32, #tpu.memory_space<vmem_shared>>)
      } else {
      }
      %gt3A_267 = arith.constant 1 : i32
      %gt3A_268 = arith.cmpi sgt, %select_n3A, %gt3A_267 : i32
      %convert_element_type3A_269 = arith.extui %gt3A_268 : i1 to i32
      %cond3A_270 = arith.constant 0 : i32
      %cond3A_271 = arith.cmpi ne, %convert_element_type3A_269, %cond3A_270 : i32
      scf.if %cond3A_271 {
        %dma_wait3A_428 = arith.constant 1 : i32
        %dma_wait3A_429 = arith.constant 128 : i32
        %dma_wait3A_430 = tpu.memref_slice %arg9[%dma_wait3A_429] : memref<4224xf32, #tpu.memory_space<vmem>> -> memref<128xf32, #tpu.memory_space<vmem>>
        %dma_wait3A_431 = arith.constant 0 : i32
        %dma_wait3A_432 = tpu.memref_slice %arg10[%dma_wait3A_428, %dma_wait3A_431] : memref<33x128xi32, #tpu.memory_space<vmem>> -> memref<1x128xi32, #tpu.memory_space<vmem>>
        %dma_wait3A_433 = tpu.memref_squeeze %dma_wait3A_432 : memref<1x128xi32, #tpu.memory_space<vmem>> -> memref<128xi32, #tpu.memory_space<vmem>>
        %dma_wait3A_434 = arith.constant 0 : i32
        %dma_wait3A_435 = tpu.memref_slice %arg5[%dma_wait3A_434] : memref<1048640xf32, #tpu.memory_space<vmem_shared>> -> memref<1048640xf32, #tpu.memory_space<vmem_shared>>
        tpu.wait_indirect_dma semaphore(%arg12 : memref<!tpu.dma_semaphore, #tpu.memory_space<semaphore_mem>>) src(%dma_wait3A_430 : memref<128xf32, #tpu.memory_space<vmem>>) dst(%dma_wait3A_435 : memref<1048640xf32, #tpu.memory_space<vmem_shared>>)
      } else {
      }
      %gt3A_272 = arith.constant 2 : i32
      %gt3A_273 = arith.cmpi sgt, %select_n3A, %gt3A_272 : i32
      %convert_element_type3A_274 = arith.extui %gt3A_273 : i1 to i32
      %cond3A_275 = arith.constant 0 : i32
      %cond3A_276 = arith.cmpi ne, %convert_element_type3A_274, %cond3A_275 : i32
      scf.if %cond3A_276 {
        %dma_wait3A_428 = arith.constant 2 : i32
        %dma_wait3A_429 = arith.constant 256 : i32
        %dma_wait3A_430 = tpu.memref_slice %arg9[%dma_wait3A_429] : memref<4224xf32, #tpu.memory_space<vmem>> -> memref<128xf32, #tpu.memory_space<vmem>>
        %dma_wait3A_431 = arith.constant 0 : i32
        %dma_wait3A_432 = tpu.memref_slice %arg10[%dma_wait3A_428, %dma_wait3A_431] : memref<33x128xi32, #tpu.memory_space<vmem>> -> memref<1x128xi32, #tpu.memory_space<vmem>>
        %dma_wait3A_433 = tpu.memref_squeeze %dma_wait3A_432 : memref<1x128xi32, #tpu.memory_space<vmem>> -> memref<128xi32, #tpu.memory_space<vmem>>
        %dma_wait3A_434 = arith.constant 0 : i32
        %dma_wait3A_435 = tpu.memref_slice %arg5[%dma_wait3A_434] : memref<1048640xf32, #tpu.memory_space<vmem_shared>> -> memref<1048640xf32, #tpu.memory_space<vmem_shared>>
        tpu.wait_indirect_dma semaphore(%arg12 : memref<!tpu.dma_semaphore, #tpu.memory_space<semaphore_mem>>) src(%dma_wait3A_430 : memref<128xf32, #tpu.memory_space<vmem>>) dst(%dma_wait3A_435 : memref<1048640xf32, #tpu.memory_space<vmem_shared>>)
      } else {
      }
      %gt3A_277 = arith.constant 3 : i32
      %gt3A_278 = arith.cmpi sgt, %select_n3A, %gt3A_277 : i32
      %convert_element_type3A_279 = arith.extui %gt3A_278 : i1 to i32
      %cond3A_280 = arith.constant 0 : i32
      %cond3A_281 = arith.cmpi ne, %convert_element_type3A_279, %cond3A_280 : i32
      scf.if %cond3A_281 {
        %dma_wait3A_428 = arith.constant 3 : i32
        %dma_wait3A_429 = arith.constant 384 : i32
        %dma_wait3A_430 = tpu.memref_slice %arg9[%dma_wait3A_429] : memref<4224xf32, #tpu.memory_space<vmem>> -> memref<128xf32, #tpu.memory_space<vmem>>
        %dma_wait3A_431 = arith.constant 0 : i32
        %dma_wait3A_432 = tpu.memref_slice %arg10[%dma_wait3A_428, %dma_wait3A_431] : memref<33x128xi32, #tpu.memory_space<vmem>> -> memref<1x128xi32, #tpu.memory_space<vmem>>
        %dma_wait3A_433 = tpu.memref_squeeze %dma_wait3A_432 : memref<1x128xi32, #tpu.memory_space<vmem>> -> memref<128xi32, #tpu.memory_space<vmem>>
        %dma_wait3A_434 = arith.constant 0 : i32
        %dma_wait3A_435 = tpu.memref_slice %arg5[%dma_wait3A_434] : memref<1048640xf32, #tpu.memory_space<vmem_shared>> -> memref<1048640xf32, #tpu.memory_space<vmem_shared>>
        tpu.wait_indirect_dma semaphore(%arg12 : memref<!tpu.dma_semaphore, #tpu.memory_space<semaphore_mem>>) src(%dma_wait3A_430 : memref<128xf32, #tpu.memory_space<vmem>>) dst(%dma_wait3A_435 : memref<1048640xf32, #tpu.memory_space<vmem_shared>>)
      } else {
      }
      %gt3A_282 = arith.constant 4 : i32
      %gt3A_283 = arith.cmpi sgt, %select_n3A, %gt3A_282 : i32
      %convert_element_type3A_284 = arith.extui %gt3A_283 : i1 to i32
      %cond3A_285 = arith.constant 0 : i32
      %cond3A_286 = arith.cmpi ne, %convert_element_type3A_284, %cond3A_285 : i32
      scf.if %cond3A_286 {
        %dma_wait3A_428 = arith.constant 4 : i32
        %dma_wait3A_429 = arith.constant 512 : i32
        %dma_wait3A_430 = tpu.memref_slice %arg9[%dma_wait3A_429] : memref<4224xf32, #tpu.memory_space<vmem>> -> memref<128xf32, #tpu.memory_space<vmem>>
        %dma_wait3A_431 = arith.constant 0 : i32
        %dma_wait3A_432 = tpu.memref_slice %arg10[%dma_wait3A_428, %dma_wait3A_431] : memref<33x128xi32, #tpu.memory_space<vmem>> -> memref<1x128xi32, #tpu.memory_space<vmem>>
        %dma_wait3A_433 = tpu.memref_squeeze %dma_wait3A_432 : memref<1x128xi32, #tpu.memory_space<vmem>> -> memref<128xi32, #tpu.memory_space<vmem>>
        %dma_wait3A_434 = arith.constant 0 : i32
        %dma_wait3A_435 = tpu.memref_slice %arg5[%dma_wait3A_434] : memref<1048640xf32, #tpu.memory_space<vmem_shared>> -> memref<1048640xf32, #tpu.memory_space<vmem_shared>>
        tpu.wait_indirect_dma semaphore(%arg12 : memref<!tpu.dma_semaphore, #tpu.memory_space<semaphore_mem>>) src(%dma_wait3A_430 : memref<128xf32, #tpu.memory_space<vmem>>) dst(%dma_wait3A_435 : memref<1048640xf32, #tpu.memory_space<vmem_shared>>)
      } else {
      }
      %gt3A_287 = arith.constant 5 : i32
      %gt3A_288 = arith.cmpi sgt, %select_n3A, %gt3A_287 : i32
      %convert_element_type3A_289 = arith.extui %gt3A_288 : i1 to i32
      %cond3A_290 = arith.constant 0 : i32
      %cond3A_291 = arith.cmpi ne, %convert_element_type3A_289, %cond3A_290 : i32
      scf.if %cond3A_291 {
        %dma_wait3A_428 = arith.constant 5 : i32
        %dma_wait3A_429 = arith.constant 640 : i32
        %dma_wait3A_430 = tpu.memref_slice %arg9[%dma_wait3A_429] : memref<4224xf32, #tpu.memory_space<vmem>> -> memref<128xf32, #tpu.memory_space<vmem>>
        %dma_wait3A_431 = arith.constant 0 : i32
        %dma_wait3A_432 = tpu.memref_slice %arg10[%dma_wait3A_428, %dma_wait3A_431] : memref<33x128xi32, #tpu.memory_space<vmem>> -> memref<1x128xi32, #tpu.memory_space<vmem>>
        %dma_wait3A_433 = tpu.memref_squeeze %dma_wait3A_432 : memref<1x128xi32, #tpu.memory_space<vmem>> -> memref<128xi32, #tpu.memory_space<vmem>>
        %dma_wait3A_434 = arith.constant 0 : i32
        %dma_wait3A_435 = tpu.memref_slice %arg5[%dma_wait3A_434] : memref<1048640xf32, #tpu.memory_space<vmem_shared>> -> memref<1048640xf32, #tpu.memory_space<vmem_shared>>
        tpu.wait_indirect_dma semaphore(%arg12 : memref<!tpu.dma_semaphore, #tpu.memory_space<semaphore_mem>>) src(%dma_wait3A_430 : memref<128xf32, #tpu.memory_space<vmem>>) dst(%dma_wait3A_435 : memref<1048640xf32, #tpu.memory_space<vmem_shared>>)
      } else {
      }
      %gt3A_292 = arith.constant 6 : i32
      %gt3A_293 = arith.cmpi sgt, %select_n3A, %gt3A_292 : i32
      %convert_element_type3A_294 = arith.extui %gt3A_293 : i1 to i32
      %cond3A_295 = arith.constant 0 : i32
      %cond3A_296 = arith.cmpi ne, %convert_element_type3A_294, %cond3A_295 : i32
      scf.if %cond3A_296 {
        %dma_wait3A_428 = arith.constant 6 : i32
        %dma_wait3A_429 = arith.constant 768 : i32
        %dma_wait3A_430 = tpu.memref_slice %arg9[%dma_wait3A_429] : memref<4224xf32, #tpu.memory_space<vmem>> -> memref<128xf32, #tpu.memory_space<vmem>>
        %dma_wait3A_431 = arith.constant 0 : i32
        %dma_wait3A_432 = tpu.memref_slice %arg10[%dma_wait3A_428, %dma_wait3A_431] : memref<33x128xi32, #tpu.memory_space<vmem>> -> memref<1x128xi32, #tpu.memory_space<vmem>>
        %dma_wait3A_433 = tpu.memref_squeeze %dma_wait3A_432 : memref<1x128xi32, #tpu.memory_space<vmem>> -> memref<128xi32, #tpu.memory_space<vmem>>
        %dma_wait3A_434 = arith.constant 0 : i32
        %dma_wait3A_435 = tpu.memref_slice %arg5[%dma_wait3A_434] : memref<1048640xf32, #tpu.memory_space<vmem_shared>> -> memref<1048640xf32, #tpu.memory_space<vmem_shared>>
        tpu.wait_indirect_dma semaphore(%arg12 : memref<!tpu.dma_semaphore, #tpu.memory_space<semaphore_mem>>) src(%dma_wait3A_430 : memref<128xf32, #tpu.memory_space<vmem>>) dst(%dma_wait3A_435 : memref<1048640xf32, #tpu.memory_space<vmem_shared>>)
      } else {
      }
      %gt3A_297 = arith.constant 7 : i32
      %gt3A_298 = arith.cmpi sgt, %select_n3A, %gt3A_297 : i32
      %convert_element_type3A_299 = arith.extui %gt3A_298 : i1 to i32
      %cond3A_300 = arith.constant 0 : i32
      %cond3A_301 = arith.cmpi ne, %convert_element_type3A_299, %cond3A_300 : i32
      scf.if %cond3A_301 {
        %dma_wait3A_428 = arith.constant 7 : i32
        %dma_wait3A_429 = arith.constant 896 : i32
        %dma_wait3A_430 = tpu.memref_slice %arg9[%dma_wait3A_429] : memref<4224xf32, #tpu.memory_space<vmem>> -> memref<128xf32, #tpu.memory_space<vmem>>
        %dma_wait3A_431 = arith.constant 0 : i32
        %dma_wait3A_432 = tpu.memref_slice %arg10[%dma_wait3A_428, %dma_wait3A_431] : memref<33x128xi32, #tpu.memory_space<vmem>> -> memref<1x128xi32, #tpu.memory_space<vmem>>
        %dma_wait3A_433 = tpu.memref_squeeze %dma_wait3A_432 : memref<1x128xi32, #tpu.memory_space<vmem>> -> memref<128xi32, #tpu.memory_space<vmem>>
        %dma_wait3A_434 = arith.constant 0 : i32
        %dma_wait3A_435 = tpu.memref_slice %arg5[%dma_wait3A_434] : memref<1048640xf32, #tpu.memory_space<vmem_shared>> -> memref<1048640xf32, #tpu.memory_space<vmem_shared>>
        tpu.wait_indirect_dma semaphore(%arg12 : memref<!tpu.dma_semaphore, #tpu.memory_space<semaphore_mem>>) src(%dma_wait3A_430 : memref<128xf32, #tpu.memory_space<vmem>>) dst(%dma_wait3A_435 : memref<1048640xf32, #tpu.memory_space<vmem_shared>>)
      } else {
      }
      %gt3A_302 = arith.constant 8 : i32
      %gt3A_303 = arith.cmpi sgt, %select_n3A, %gt3A_302 : i32
      %convert_element_type3A_304 = arith.extui %gt3A_303 : i1 to i32
      %cond3A_305 = arith.constant 0 : i32
      %cond3A_306 = arith.cmpi ne, %convert_element_type3A_304, %cond3A_305 : i32
      scf.if %cond3A_306 {
        %dma_wait3A_428 = arith.constant 8 : i32
        %dma_wait3A_429 = arith.constant 1024 : i32
        %dma_wait3A_430 = tpu.memref_slice %arg9[%dma_wait3A_429] : memref<4224xf32, #tpu.memory_space<vmem>> -> memref<128xf32, #tpu.memory_space<vmem>>
        %dma_wait3A_431 = arith.constant 0 : i32
        %dma_wait3A_432 = tpu.memref_slice %arg10[%dma_wait3A_428, %dma_wait3A_431] : memref<33x128xi32, #tpu.memory_space<vmem>> -> memref<1x128xi32, #tpu.memory_space<vmem>>
        %dma_wait3A_433 = tpu.memref_squeeze %dma_wait3A_432 : memref<1x128xi32, #tpu.memory_space<vmem>> -> memref<128xi32, #tpu.memory_space<vmem>>
        %dma_wait3A_434 = arith.constant 0 : i32
        %dma_wait3A_435 = tpu.memref_slice %arg5[%dma_wait3A_434] : memref<1048640xf32, #tpu.memory_space<vmem_shared>> -> memref<1048640xf32, #tpu.memory_space<vmem_shared>>
        tpu.wait_indirect_dma semaphore(%arg12 : memref<!tpu.dma_semaphore, #tpu.memory_space<semaphore_mem>>) src(%dma_wait3A_430 : memref<128xf32, #tpu.memory_space<vmem>>) dst(%dma_wait3A_435 : memref<1048640xf32, #tpu.memory_space<vmem_shared>>)
      } else {
      }
      %gt3A_307 = arith.constant 9 : i32
      %gt3A_308 = arith.cmpi sgt, %select_n3A, %gt3A_307 : i32
      %convert_element_type3A_309 = arith.extui %gt3A_308 : i1 to i32
      %cond3A_310 = arith.constant 0 : i32
      %cond3A_311 = arith.cmpi ne, %convert_element_type3A_309, %cond3A_310 : i32
      scf.if %cond3A_311 {
        %dma_wait3A_428 = arith.constant 9 : i32
        %dma_wait3A_429 = arith.constant 1152 : i32
        %dma_wait3A_430 = tpu.memref_slice %arg9[%dma_wait3A_429] : memref<4224xf32, #tpu.memory_space<vmem>> -> memref<128xf32, #tpu.memory_space<vmem>>
        %dma_wait3A_431 = arith.constant 0 : i32
        %dma_wait3A_432 = tpu.memref_slice %arg10[%dma_wait3A_428, %dma_wait3A_431] : memref<33x128xi32, #tpu.memory_space<vmem>> -> memref<1x128xi32, #tpu.memory_space<vmem>>
        %dma_wait3A_433 = tpu.memref_squeeze %dma_wait3A_432 : memref<1x128xi32, #tpu.memory_space<vmem>> -> memref<128xi32, #tpu.memory_space<vmem>>
        %dma_wait3A_434 = arith.constant 0 : i32
        %dma_wait3A_435 = tpu.memref_slice %arg5[%dma_wait3A_434] : memref<1048640xf32, #tpu.memory_space<vmem_shared>> -> memref<1048640xf32, #tpu.memory_space<vmem_shared>>
        tpu.wait_indirect_dma semaphore(%arg12 : memref<!tpu.dma_semaphore, #tpu.memory_space<semaphore_mem>>) src(%dma_wait3A_430 : memref<128xf32, #tpu.memory_space<vmem>>) dst(%dma_wait3A_435 : memref<1048640xf32, #tpu.memory_space<vmem_shared>>)
      } else {
      }
      %gt3A_312 = arith.constant 10 : i32
      %gt3A_313 = arith.cmpi sgt, %select_n3A, %gt3A_312 : i32
      %convert_element_type3A_314 = arith.extui %gt3A_313 : i1 to i32
      %cond3A_315 = arith.constant 0 : i32
      %cond3A_316 = arith.cmpi ne, %convert_element_type3A_314, %cond3A_315 : i32
      scf.if %cond3A_316 {
        %dma_wait3A_428 = arith.constant 10 : i32
        %dma_wait3A_429 = arith.constant 1280 : i32
        %dma_wait3A_430 = tpu.memref_slice %arg9[%dma_wait3A_429] : memref<4224xf32, #tpu.memory_space<vmem>> -> memref<128xf32, #tpu.memory_space<vmem>>
        %dma_wait3A_431 = arith.constant 0 : i32
        %dma_wait3A_432 = tpu.memref_slice %arg10[%dma_wait3A_428, %dma_wait3A_431] : memref<33x128xi32, #tpu.memory_space<vmem>> -> memref<1x128xi32, #tpu.memory_space<vmem>>
        %dma_wait3A_433 = tpu.memref_squeeze %dma_wait3A_432 : memref<1x128xi32, #tpu.memory_space<vmem>> -> memref<128xi32, #tpu.memory_space<vmem>>
        %dma_wait3A_434 = arith.constant 0 : i32
        %dma_wait3A_435 = tpu.memref_slice %arg5[%dma_wait3A_434] : memref<1048640xf32, #tpu.memory_space<vmem_shared>> -> memref<1048640xf32, #tpu.memory_space<vmem_shared>>
        tpu.wait_indirect_dma semaphore(%arg12 : memref<!tpu.dma_semaphore, #tpu.memory_space<semaphore_mem>>) src(%dma_wait3A_430 : memref<128xf32, #tpu.memory_space<vmem>>) dst(%dma_wait3A_435 : memref<1048640xf32, #tpu.memory_space<vmem_shared>>)
      } else {
      }
      %gt3A_317 = arith.constant 11 : i32
      %gt3A_318 = arith.cmpi sgt, %select_n3A, %gt3A_317 : i32
      %convert_element_type3A_319 = arith.extui %gt3A_318 : i1 to i32
      %cond3A_320 = arith.constant 0 : i32
      %cond3A_321 = arith.cmpi ne, %convert_element_type3A_319, %cond3A_320 : i32
      scf.if %cond3A_321 {
        %dma_wait3A_428 = arith.constant 11 : i32
        %dma_wait3A_429 = arith.constant 1408 : i32
        %dma_wait3A_430 = tpu.memref_slice %arg9[%dma_wait3A_429] : memref<4224xf32, #tpu.memory_space<vmem>> -> memref<128xf32, #tpu.memory_space<vmem>>
        %dma_wait3A_431 = arith.constant 0 : i32
        %dma_wait3A_432 = tpu.memref_slice %arg10[%dma_wait3A_428, %dma_wait3A_431] : memref<33x128xi32, #tpu.memory_space<vmem>> -> memref<1x128xi32, #tpu.memory_space<vmem>>
        %dma_wait3A_433 = tpu.memref_squeeze %dma_wait3A_432 : memref<1x128xi32, #tpu.memory_space<vmem>> -> memref<128xi32, #tpu.memory_space<vmem>>
        %dma_wait3A_434 = arith.constant 0 : i32
        %dma_wait3A_435 = tpu.memref_slice %arg5[%dma_wait3A_434] : memref<1048640xf32, #tpu.memory_space<vmem_shared>> -> memref<1048640xf32, #tpu.memory_space<vmem_shared>>
        tpu.wait_indirect_dma semaphore(%arg12 : memref<!tpu.dma_semaphore, #tpu.memory_space<semaphore_mem>>) src(%dma_wait3A_430 : memref<128xf32, #tpu.memory_space<vmem>>) dst(%dma_wait3A_435 : memref<1048640xf32, #tpu.memory_space<vmem_shared>>)
      } else {
      }
      %gt3A_322 = arith.constant 12 : i32
      %gt3A_323 = arith.cmpi sgt, %select_n3A, %gt3A_322 : i32
      %convert_element_type3A_324 = arith.extui %gt3A_323 : i1 to i32
      %cond3A_325 = arith.constant 0 : i32
      %cond3A_326 = arith.cmpi ne, %convert_element_type3A_324, %cond3A_325 : i32
      scf.if %cond3A_326 {
        %dma_wait3A_428 = arith.constant 12 : i32
        %dma_wait3A_429 = arith.constant 1536 : i32
        %dma_wait3A_430 = tpu.memref_slice %arg9[%dma_wait3A_429] : memref<4224xf32, #tpu.memory_space<vmem>> -> memref<128xf32, #tpu.memory_space<vmem>>
        %dma_wait3A_431 = arith.constant 0 : i32
        %dma_wait3A_432 = tpu.memref_slice %arg10[%dma_wait3A_428, %dma_wait3A_431] : memref<33x128xi32, #tpu.memory_space<vmem>> -> memref<1x128xi32, #tpu.memory_space<vmem>>
        %dma_wait3A_433 = tpu.memref_squeeze %dma_wait3A_432 : memref<1x128xi32, #tpu.memory_space<vmem>> -> memref<128xi32, #tpu.memory_space<vmem>>
        %dma_wait3A_434 = arith.constant 0 : i32
        %dma_wait3A_435 = tpu.memref_slice %arg5[%dma_wait3A_434] : memref<1048640xf32, #tpu.memory_space<vmem_shared>> -> memref<1048640xf32, #tpu.memory_space<vmem_shared>>
        tpu.wait_indirect_dma semaphore(%arg12 : memref<!tpu.dma_semaphore, #tpu.memory_space<semaphore_mem>>) src(%dma_wait3A_430 : memref<128xf32, #tpu.memory_space<vmem>>) dst(%dma_wait3A_435 : memref<1048640xf32, #tpu.memory_space<vmem_shared>>)
      } else {
      }
      %gt3A_327 = arith.constant 13 : i32
      %gt3A_328 = arith.cmpi sgt, %select_n3A, %gt3A_327 : i32
      %convert_element_type3A_329 = arith.extui %gt3A_328 : i1 to i32
      %cond3A_330 = arith.constant 0 : i32
      %cond3A_331 = arith.cmpi ne, %convert_element_type3A_329, %cond3A_330 : i32
      scf.if %cond3A_331 {
        %dma_wait3A_428 = arith.constant 13 : i32
        %dma_wait3A_429 = arith.constant 1664 : i32
        %dma_wait3A_430 = tpu.memref_slice %arg9[%dma_wait3A_429] : memref<4224xf32, #tpu.memory_space<vmem>> -> memref<128xf32, #tpu.memory_space<vmem>>
        %dma_wait3A_431 = arith.constant 0 : i32
        %dma_wait3A_432 = tpu.memref_slice %arg10[%dma_wait3A_428, %dma_wait3A_431] : memref<33x128xi32, #tpu.memory_space<vmem>> -> memref<1x128xi32, #tpu.memory_space<vmem>>
        %dma_wait3A_433 = tpu.memref_squeeze %dma_wait3A_432 : memref<1x128xi32, #tpu.memory_space<vmem>> -> memref<128xi32, #tpu.memory_space<vmem>>
        %dma_wait3A_434 = arith.constant 0 : i32
        %dma_wait3A_435 = tpu.memref_slice %arg5[%dma_wait3A_434] : memref<1048640xf32, #tpu.memory_space<vmem_shared>> -> memref<1048640xf32, #tpu.memory_space<vmem_shared>>
        tpu.wait_indirect_dma semaphore(%arg12 : memref<!tpu.dma_semaphore, #tpu.memory_space<semaphore_mem>>) src(%dma_wait3A_430 : memref<128xf32, #tpu.memory_space<vmem>>) dst(%dma_wait3A_435 : memref<1048640xf32, #tpu.memory_space<vmem_shared>>)
      } else {
      }
      %gt3A_332 = arith.constant 14 : i32
      %gt3A_333 = arith.cmpi sgt, %select_n3A, %gt3A_332 : i32
      %convert_element_type3A_334 = arith.extui %gt3A_333 : i1 to i32
      %cond3A_335 = arith.constant 0 : i32
      %cond3A_336 = arith.cmpi ne, %convert_element_type3A_334, %cond3A_335 : i32
      scf.if %cond3A_336 {
        %dma_wait3A_428 = arith.constant 14 : i32
        %dma_wait3A_429 = arith.constant 1792 : i32
        %dma_wait3A_430 = tpu.memref_slice %arg9[%dma_wait3A_429] : memref<4224xf32, #tpu.memory_space<vmem>> -> memref<128xf32, #tpu.memory_space<vmem>>
        %dma_wait3A_431 = arith.constant 0 : i32
        %dma_wait3A_432 = tpu.memref_slice %arg10[%dma_wait3A_428, %dma_wait3A_431] : memref<33x128xi32, #tpu.memory_space<vmem>> -> memref<1x128xi32, #tpu.memory_space<vmem>>
        %dma_wait3A_433 = tpu.memref_squeeze %dma_wait3A_432 : memref<1x128xi32, #tpu.memory_space<vmem>> -> memref<128xi32, #tpu.memory_space<vmem>>
        %dma_wait3A_434 = arith.constant 0 : i32
        %dma_wait3A_435 = tpu.memref_slice %arg5[%dma_wait3A_434] : memref<1048640xf32, #tpu.memory_space<vmem_shared>> -> memref<1048640xf32, #tpu.memory_space<vmem_shared>>
        tpu.wait_indirect_dma semaphore(%arg12 : memref<!tpu.dma_semaphore, #tpu.memory_space<semaphore_mem>>) src(%dma_wait3A_430 : memref<128xf32, #tpu.memory_space<vmem>>) dst(%dma_wait3A_435 : memref<1048640xf32, #tpu.memory_space<vmem_shared>>)
      } else {
      }
      %gt3A_337 = arith.constant 15 : i32
      %gt3A_338 = arith.cmpi sgt, %select_n3A, %gt3A_337 : i32
      %convert_element_type3A_339 = arith.extui %gt3A_338 : i1 to i32
      %cond3A_340 = arith.constant 0 : i32
      %cond3A_341 = arith.cmpi ne, %convert_element_type3A_339, %cond3A_340 : i32
      scf.if %cond3A_341 {
        %dma_wait3A_428 = arith.constant 15 : i32
        %dma_wait3A_429 = arith.constant 1920 : i32
        %dma_wait3A_430 = tpu.memref_slice %arg9[%dma_wait3A_429] : memref<4224xf32, #tpu.memory_space<vmem>> -> memref<128xf32, #tpu.memory_space<vmem>>
        %dma_wait3A_431 = arith.constant 0 : i32
        %dma_wait3A_432 = tpu.memref_slice %arg10[%dma_wait3A_428, %dma_wait3A_431] : memref<33x128xi32, #tpu.memory_space<vmem>> -> memref<1x128xi32, #tpu.memory_space<vmem>>
        %dma_wait3A_433 = tpu.memref_squeeze %dma_wait3A_432 : memref<1x128xi32, #tpu.memory_space<vmem>> -> memref<128xi32, #tpu.memory_space<vmem>>
        %dma_wait3A_434 = arith.constant 0 : i32
        %dma_wait3A_435 = tpu.memref_slice %arg5[%dma_wait3A_434] : memref<1048640xf32, #tpu.memory_space<vmem_shared>> -> memref<1048640xf32, #tpu.memory_space<vmem_shared>>
        tpu.wait_indirect_dma semaphore(%arg12 : memref<!tpu.dma_semaphore, #tpu.memory_space<semaphore_mem>>) src(%dma_wait3A_430 : memref<128xf32, #tpu.memory_space<vmem>>) dst(%dma_wait3A_435 : memref<1048640xf32, #tpu.memory_space<vmem_shared>>)
      } else {
      }
      %gt3A_342 = arith.constant 16 : i32
      %gt3A_343 = arith.cmpi sgt, %select_n3A, %gt3A_342 : i32
      %convert_element_type3A_344 = arith.extui %gt3A_343 : i1 to i32
      %cond3A_345 = arith.constant 0 : i32
      %cond3A_346 = arith.cmpi ne, %convert_element_type3A_344, %cond3A_345 : i32
      scf.if %cond3A_346 {
        %dma_wait3A_428 = arith.constant 16 : i32
        %dma_wait3A_429 = arith.constant 2048 : i32
        %dma_wait3A_430 = tpu.memref_slice %arg9[%dma_wait3A_429] : memref<4224xf32, #tpu.memory_space<vmem>> -> memref<128xf32, #tpu.memory_space<vmem>>
        %dma_wait3A_431 = arith.constant 0 : i32
        %dma_wait3A_432 = tpu.memref_slice %arg10[%dma_wait3A_428, %dma_wait3A_431] : memref<33x128xi32, #tpu.memory_space<vmem>> -> memref<1x128xi32, #tpu.memory_space<vmem>>
        %dma_wait3A_433 = tpu.memref_squeeze %dma_wait3A_432 : memref<1x128xi32, #tpu.memory_space<vmem>> -> memref<128xi32, #tpu.memory_space<vmem>>
        %dma_wait3A_434 = arith.constant 0 : i32
        %dma_wait3A_435 = tpu.memref_slice %arg5[%dma_wait3A_434] : memref<1048640xf32, #tpu.memory_space<vmem_shared>> -> memref<1048640xf32, #tpu.memory_space<vmem_shared>>
        tpu.wait_indirect_dma semaphore(%arg12 : memref<!tpu.dma_semaphore, #tpu.memory_space<semaphore_mem>>) src(%dma_wait3A_430 : memref<128xf32, #tpu.memory_space<vmem>>) dst(%dma_wait3A_435 : memref<1048640xf32, #tpu.memory_space<vmem_shared>>)
      } else {
      }
      %gt3A_347 = arith.constant 17 : i32
      %gt3A_348 = arith.cmpi sgt, %select_n3A, %gt3A_347 : i32
      %convert_element_type3A_349 = arith.extui %gt3A_348 : i1 to i32
      %cond3A_350 = arith.constant 0 : i32
      %cond3A_351 = arith.cmpi ne, %convert_element_type3A_349, %cond3A_350 : i32
      scf.if %cond3A_351 {
        %dma_wait3A_428 = arith.constant 17 : i32
        %dma_wait3A_429 = arith.constant 2176 : i32
        %dma_wait3A_430 = tpu.memref_slice %arg9[%dma_wait3A_429] : memref<4224xf32, #tpu.memory_space<vmem>> -> memref<128xf32, #tpu.memory_space<vmem>>
        %dma_wait3A_431 = arith.constant 0 : i32
        %dma_wait3A_432 = tpu.memref_slice %arg10[%dma_wait3A_428, %dma_wait3A_431] : memref<33x128xi32, #tpu.memory_space<vmem>> -> memref<1x128xi32, #tpu.memory_space<vmem>>
        %dma_wait3A_433 = tpu.memref_squeeze %dma_wait3A_432 : memref<1x128xi32, #tpu.memory_space<vmem>> -> memref<128xi32, #tpu.memory_space<vmem>>
        %dma_wait3A_434 = arith.constant 0 : i32
        %dma_wait3A_435 = tpu.memref_slice %arg5[%dma_wait3A_434] : memref<1048640xf32, #tpu.memory_space<vmem_shared>> -> memref<1048640xf32, #tpu.memory_space<vmem_shared>>
        tpu.wait_indirect_dma semaphore(%arg12 : memref<!tpu.dma_semaphore, #tpu.memory_space<semaphore_mem>>) src(%dma_wait3A_430 : memref<128xf32, #tpu.memory_space<vmem>>) dst(%dma_wait3A_435 : memref<1048640xf32, #tpu.memory_space<vmem_shared>>)
      } else {
      }
      %gt3A_352 = arith.constant 18 : i32
      %gt3A_353 = arith.cmpi sgt, %select_n3A, %gt3A_352 : i32
      %convert_element_type3A_354 = arith.extui %gt3A_353 : i1 to i32
      %cond3A_355 = arith.constant 0 : i32
      %cond3A_356 = arith.cmpi ne, %convert_element_type3A_354, %cond3A_355 : i32
      scf.if %cond3A_356 {
        %dma_wait3A_428 = arith.constant 18 : i32
        %dma_wait3A_429 = arith.constant 2304 : i32
        %dma_wait3A_430 = tpu.memref_slice %arg9[%dma_wait3A_429] : memref<4224xf32, #tpu.memory_space<vmem>> -> memref<128xf32, #tpu.memory_space<vmem>>
        %dma_wait3A_431 = arith.constant 0 : i32
        %dma_wait3A_432 = tpu.memref_slice %arg10[%dma_wait3A_428, %dma_wait3A_431] : memref<33x128xi32, #tpu.memory_space<vmem>> -> memref<1x128xi32, #tpu.memory_space<vmem>>
        %dma_wait3A_433 = tpu.memref_squeeze %dma_wait3A_432 : memref<1x128xi32, #tpu.memory_space<vmem>> -> memref<128xi32, #tpu.memory_space<vmem>>
        %dma_wait3A_434 = arith.constant 0 : i32
        %dma_wait3A_435 = tpu.memref_slice %arg5[%dma_wait3A_434] : memref<1048640xf32, #tpu.memory_space<vmem_shared>> -> memref<1048640xf32, #tpu.memory_space<vmem_shared>>
        tpu.wait_indirect_dma semaphore(%arg12 : memref<!tpu.dma_semaphore, #tpu.memory_space<semaphore_mem>>) src(%dma_wait3A_430 : memref<128xf32, #tpu.memory_space<vmem>>) dst(%dma_wait3A_435 : memref<1048640xf32, #tpu.memory_space<vmem_shared>>)
      } else {
      }
      %gt3A_357 = arith.constant 19 : i32
      %gt3A_358 = arith.cmpi sgt, %select_n3A, %gt3A_357 : i32
      %convert_element_type3A_359 = arith.extui %gt3A_358 : i1 to i32
      %cond3A_360 = arith.constant 0 : i32
      %cond3A_361 = arith.cmpi ne, %convert_element_type3A_359, %cond3A_360 : i32
      scf.if %cond3A_361 {
        %dma_wait3A_428 = arith.constant 19 : i32
        %dma_wait3A_429 = arith.constant 2432 : i32
        %dma_wait3A_430 = tpu.memref_slice %arg9[%dma_wait3A_429] : memref<4224xf32, #tpu.memory_space<vmem>> -> memref<128xf32, #tpu.memory_space<vmem>>
        %dma_wait3A_431 = arith.constant 0 : i32
        %dma_wait3A_432 = tpu.memref_slice %arg10[%dma_wait3A_428, %dma_wait3A_431] : memref<33x128xi32, #tpu.memory_space<vmem>> -> memref<1x128xi32, #tpu.memory_space<vmem>>
        %dma_wait3A_433 = tpu.memref_squeeze %dma_wait3A_432 : memref<1x128xi32, #tpu.memory_space<vmem>> -> memref<128xi32, #tpu.memory_space<vmem>>
        %dma_wait3A_434 = arith.constant 0 : i32
        %dma_wait3A_435 = tpu.memref_slice %arg5[%dma_wait3A_434] : memref<1048640xf32, #tpu.memory_space<vmem_shared>> -> memref<1048640xf32, #tpu.memory_space<vmem_shared>>
        tpu.wait_indirect_dma semaphore(%arg12 : memref<!tpu.dma_semaphore, #tpu.memory_space<semaphore_mem>>) src(%dma_wait3A_430 : memref<128xf32, #tpu.memory_space<vmem>>) dst(%dma_wait3A_435 : memref<1048640xf32, #tpu.memory_space<vmem_shared>>)
      } else {
      }
      %gt3A_362 = arith.constant 20 : i32
      %gt3A_363 = arith.cmpi sgt, %select_n3A, %gt3A_362 : i32
      %convert_element_type3A_364 = arith.extui %gt3A_363 : i1 to i32
      %cond3A_365 = arith.constant 0 : i32
      %cond3A_366 = arith.cmpi ne, %convert_element_type3A_364, %cond3A_365 : i32
      scf.if %cond3A_366 {
        %dma_wait3A_428 = arith.constant 20 : i32
        %dma_wait3A_429 = arith.constant 2560 : i32
        %dma_wait3A_430 = tpu.memref_slice %arg9[%dma_wait3A_429] : memref<4224xf32, #tpu.memory_space<vmem>> -> memref<128xf32, #tpu.memory_space<vmem>>
        %dma_wait3A_431 = arith.constant 0 : i32
        %dma_wait3A_432 = tpu.memref_slice %arg10[%dma_wait3A_428, %dma_wait3A_431] : memref<33x128xi32, #tpu.memory_space<vmem>> -> memref<1x128xi32, #tpu.memory_space<vmem>>
        %dma_wait3A_433 = tpu.memref_squeeze %dma_wait3A_432 : memref<1x128xi32, #tpu.memory_space<vmem>> -> memref<128xi32, #tpu.memory_space<vmem>>
        %dma_wait3A_434 = arith.constant 0 : i32
        %dma_wait3A_435 = tpu.memref_slice %arg5[%dma_wait3A_434] : memref<1048640xf32, #tpu.memory_space<vmem_shared>> -> memref<1048640xf32, #tpu.memory_space<vmem_shared>>
        tpu.wait_indirect_dma semaphore(%arg12 : memref<!tpu.dma_semaphore, #tpu.memory_space<semaphore_mem>>) src(%dma_wait3A_430 : memref<128xf32, #tpu.memory_space<vmem>>) dst(%dma_wait3A_435 : memref<1048640xf32, #tpu.memory_space<vmem_shared>>)
      } else {
      }
      %gt3A_367 = arith.constant 21 : i32
      %gt3A_368 = arith.cmpi sgt, %select_n3A, %gt3A_367 : i32
      %convert_element_type3A_369 = arith.extui %gt3A_368 : i1 to i32
      %cond3A_370 = arith.constant 0 : i32
      %cond3A_371 = arith.cmpi ne, %convert_element_type3A_369, %cond3A_370 : i32
      scf.if %cond3A_371 {
        %dma_wait3A_428 = arith.constant 21 : i32
        %dma_wait3A_429 = arith.constant 2688 : i32
        %dma_wait3A_430 = tpu.memref_slice %arg9[%dma_wait3A_429] : memref<4224xf32, #tpu.memory_space<vmem>> -> memref<128xf32, #tpu.memory_space<vmem>>
        %dma_wait3A_431 = arith.constant 0 : i32
        %dma_wait3A_432 = tpu.memref_slice %arg10[%dma_wait3A_428, %dma_wait3A_431] : memref<33x128xi32, #tpu.memory_space<vmem>> -> memref<1x128xi32, #tpu.memory_space<vmem>>
        %dma_wait3A_433 = tpu.memref_squeeze %dma_wait3A_432 : memref<1x128xi32, #tpu.memory_space<vmem>> -> memref<128xi32, #tpu.memory_space<vmem>>
        %dma_wait3A_434 = arith.constant 0 : i32
        %dma_wait3A_435 = tpu.memref_slice %arg5[%dma_wait3A_434] : memref<1048640xf32, #tpu.memory_space<vmem_shared>> -> memref<1048640xf32, #tpu.memory_space<vmem_shared>>
        tpu.wait_indirect_dma semaphore(%arg12 : memref<!tpu.dma_semaphore, #tpu.memory_space<semaphore_mem>>) src(%dma_wait3A_430 : memref<128xf32, #tpu.memory_space<vmem>>) dst(%dma_wait3A_435 : memref<1048640xf32, #tpu.memory_space<vmem_shared>>)
      } else {
      }
      %gt3A_372 = arith.constant 22 : i32
      %gt3A_373 = arith.cmpi sgt, %select_n3A, %gt3A_372 : i32
      %convert_element_type3A_374 = arith.extui %gt3A_373 : i1 to i32
      %cond3A_375 = arith.constant 0 : i32
      %cond3A_376 = arith.cmpi ne, %convert_element_type3A_374, %cond3A_375 : i32
      scf.if %cond3A_376 {
        %dma_wait3A_428 = arith.constant 22 : i32
        %dma_wait3A_429 = arith.constant 2816 : i32
        %dma_wait3A_430 = tpu.memref_slice %arg9[%dma_wait3A_429] : memref<4224xf32, #tpu.memory_space<vmem>> -> memref<128xf32, #tpu.memory_space<vmem>>
        %dma_wait3A_431 = arith.constant 0 : i32
        %dma_wait3A_432 = tpu.memref_slice %arg10[%dma_wait3A_428, %dma_wait3A_431] : memref<33x128xi32, #tpu.memory_space<vmem>> -> memref<1x128xi32, #tpu.memory_space<vmem>>
        %dma_wait3A_433 = tpu.memref_squeeze %dma_wait3A_432 : memref<1x128xi32, #tpu.memory_space<vmem>> -> memref<128xi32, #tpu.memory_space<vmem>>
        %dma_wait3A_434 = arith.constant 0 : i32
        %dma_wait3A_435 = tpu.memref_slice %arg5[%dma_wait3A_434] : memref<1048640xf32, #tpu.memory_space<vmem_shared>> -> memref<1048640xf32, #tpu.memory_space<vmem_shared>>
        tpu.wait_indirect_dma semaphore(%arg12 : memref<!tpu.dma_semaphore, #tpu.memory_space<semaphore_mem>>) src(%dma_wait3A_430 : memref<128xf32, #tpu.memory_space<vmem>>) dst(%dma_wait3A_435 : memref<1048640xf32, #tpu.memory_space<vmem_shared>>)
      } else {
      }
      %gt3A_377 = arith.constant 23 : i32
      %gt3A_378 = arith.cmpi sgt, %select_n3A, %gt3A_377 : i32
      %convert_element_type3A_379 = arith.extui %gt3A_378 : i1 to i32
      %cond3A_380 = arith.constant 0 : i32
      %cond3A_381 = arith.cmpi ne, %convert_element_type3A_379, %cond3A_380 : i32
      scf.if %cond3A_381 {
        %dma_wait3A_428 = arith.constant 23 : i32
        %dma_wait3A_429 = arith.constant 2944 : i32
        %dma_wait3A_430 = tpu.memref_slice %arg9[%dma_wait3A_429] : memref<4224xf32, #tpu.memory_space<vmem>> -> memref<128xf32, #tpu.memory_space<vmem>>
        %dma_wait3A_431 = arith.constant 0 : i32
        %dma_wait3A_432 = tpu.memref_slice %arg10[%dma_wait3A_428, %dma_wait3A_431] : memref<33x128xi32, #tpu.memory_space<vmem>> -> memref<1x128xi32, #tpu.memory_space<vmem>>
        %dma_wait3A_433 = tpu.memref_squeeze %dma_wait3A_432 : memref<1x128xi32, #tpu.memory_space<vmem>> -> memref<128xi32, #tpu.memory_space<vmem>>
        %dma_wait3A_434 = arith.constant 0 : i32
        %dma_wait3A_435 = tpu.memref_slice %arg5[%dma_wait3A_434] : memref<1048640xf32, #tpu.memory_space<vmem_shared>> -> memref<1048640xf32, #tpu.memory_space<vmem_shared>>
        tpu.wait_indirect_dma semaphore(%arg12 : memref<!tpu.dma_semaphore, #tpu.memory_space<semaphore_mem>>) src(%dma_wait3A_430 : memref<128xf32, #tpu.memory_space<vmem>>) dst(%dma_wait3A_435 : memref<1048640xf32, #tpu.memory_space<vmem_shared>>)
      } else {
      }
      %gt3A_382 = arith.constant 24 : i32
      %gt3A_383 = arith.cmpi sgt, %select_n3A, %gt3A_382 : i32
      %convert_element_type3A_384 = arith.extui %gt3A_383 : i1 to i32
      %cond3A_385 = arith.constant 0 : i32
      %cond3A_386 = arith.cmpi ne, %convert_element_type3A_384, %cond3A_385 : i32
      scf.if %cond3A_386 {
        %dma_wait3A_428 = arith.constant 24 : i32
        %dma_wait3A_429 = arith.constant 3072 : i32
        %dma_wait3A_430 = tpu.memref_slice %arg9[%dma_wait3A_429] : memref<4224xf32, #tpu.memory_space<vmem>> -> memref<128xf32, #tpu.memory_space<vmem>>
        %dma_wait3A_431 = arith.constant 0 : i32
        %dma_wait3A_432 = tpu.memref_slice %arg10[%dma_wait3A_428, %dma_wait3A_431] : memref<33x128xi32, #tpu.memory_space<vmem>> -> memref<1x128xi32, #tpu.memory_space<vmem>>
        %dma_wait3A_433 = tpu.memref_squeeze %dma_wait3A_432 : memref<1x128xi32, #tpu.memory_space<vmem>> -> memref<128xi32, #tpu.memory_space<vmem>>
        %dma_wait3A_434 = arith.constant 0 : i32
        %dma_wait3A_435 = tpu.memref_slice %arg5[%dma_wait3A_434] : memref<1048640xf32, #tpu.memory_space<vmem_shared>> -> memref<1048640xf32, #tpu.memory_space<vmem_shared>>
        tpu.wait_indirect_dma semaphore(%arg12 : memref<!tpu.dma_semaphore, #tpu.memory_space<semaphore_mem>>) src(%dma_wait3A_430 : memref<128xf32, #tpu.memory_space<vmem>>) dst(%dma_wait3A_435 : memref<1048640xf32, #tpu.memory_space<vmem_shared>>)
      } else {
      }
      %gt3A_387 = arith.constant 25 : i32
      %gt3A_388 = arith.cmpi sgt, %select_n3A, %gt3A_387 : i32
      %convert_element_type3A_389 = arith.extui %gt3A_388 : i1 to i32
      %cond3A_390 = arith.constant 0 : i32
      %cond3A_391 = arith.cmpi ne, %convert_element_type3A_389, %cond3A_390 : i32
      scf.if %cond3A_391 {
        %dma_wait3A_428 = arith.constant 25 : i32
        %dma_wait3A_429 = arith.constant 3200 : i32
        %dma_wait3A_430 = tpu.memref_slice %arg9[%dma_wait3A_429] : memref<4224xf32, #tpu.memory_space<vmem>> -> memref<128xf32, #tpu.memory_space<vmem>>
        %dma_wait3A_431 = arith.constant 0 : i32
        %dma_wait3A_432 = tpu.memref_slice %arg10[%dma_wait3A_428, %dma_wait3A_431] : memref<33x128xi32, #tpu.memory_space<vmem>> -> memref<1x128xi32, #tpu.memory_space<vmem>>
        %dma_wait3A_433 = tpu.memref_squeeze %dma_wait3A_432 : memref<1x128xi32, #tpu.memory_space<vmem>> -> memref<128xi32, #tpu.memory_space<vmem>>
        %dma_wait3A_434 = arith.constant 0 : i32
        %dma_wait3A_435 = tpu.memref_slice %arg5[%dma_wait3A_434] : memref<1048640xf32, #tpu.memory_space<vmem_shared>> -> memref<1048640xf32, #tpu.memory_space<vmem_shared>>
        tpu.wait_indirect_dma semaphore(%arg12 : memref<!tpu.dma_semaphore, #tpu.memory_space<semaphore_mem>>) src(%dma_wait3A_430 : memref<128xf32, #tpu.memory_space<vmem>>) dst(%dma_wait3A_435 : memref<1048640xf32, #tpu.memory_space<vmem_shared>>)
      } else {
      }
      %gt3A_392 = arith.constant 26 : i32
      %gt3A_393 = arith.cmpi sgt, %select_n3A, %gt3A_392 : i32
      %convert_element_type3A_394 = arith.extui %gt3A_393 : i1 to i32
      %cond3A_395 = arith.constant 0 : i32
      %cond3A_396 = arith.cmpi ne, %convert_element_type3A_394, %cond3A_395 : i32
      scf.if %cond3A_396 {
        %dma_wait3A_428 = arith.constant 26 : i32
        %dma_wait3A_429 = arith.constant 3328 : i32
        %dma_wait3A_430 = tpu.memref_slice %arg9[%dma_wait3A_429] : memref<4224xf32, #tpu.memory_space<vmem>> -> memref<128xf32, #tpu.memory_space<vmem>>
        %dma_wait3A_431 = arith.constant 0 : i32
        %dma_wait3A_432 = tpu.memref_slice %arg10[%dma_wait3A_428, %dma_wait3A_431] : memref<33x128xi32, #tpu.memory_space<vmem>> -> memref<1x128xi32, #tpu.memory_space<vmem>>
        %dma_wait3A_433 = tpu.memref_squeeze %dma_wait3A_432 : memref<1x128xi32, #tpu.memory_space<vmem>> -> memref<128xi32, #tpu.memory_space<vmem>>
        %dma_wait3A_434 = arith.constant 0 : i32
        %dma_wait3A_435 = tpu.memref_slice %arg5[%dma_wait3A_434] : memref<1048640xf32, #tpu.memory_space<vmem_shared>> -> memref<1048640xf32, #tpu.memory_space<vmem_shared>>
        tpu.wait_indirect_dma semaphore(%arg12 : memref<!tpu.dma_semaphore, #tpu.memory_space<semaphore_mem>>) src(%dma_wait3A_430 : memref<128xf32, #tpu.memory_space<vmem>>) dst(%dma_wait3A_435 : memref<1048640xf32, #tpu.memory_space<vmem_shared>>)
      } else {
      }
      %gt3A_397 = arith.constant 27 : i32
      %gt3A_398 = arith.cmpi sgt, %select_n3A, %gt3A_397 : i32
      %convert_element_type3A_399 = arith.extui %gt3A_398 : i1 to i32
      %cond3A_400 = arith.constant 0 : i32
      %cond3A_401 = arith.cmpi ne, %convert_element_type3A_399, %cond3A_400 : i32
      scf.if %cond3A_401 {
        %dma_wait3A_428 = arith.constant 27 : i32
        %dma_wait3A_429 = arith.constant 3456 : i32
        %dma_wait3A_430 = tpu.memref_slice %arg9[%dma_wait3A_429] : memref<4224xf32, #tpu.memory_space<vmem>> -> memref<128xf32, #tpu.memory_space<vmem>>
        %dma_wait3A_431 = arith.constant 0 : i32
        %dma_wait3A_432 = tpu.memref_slice %arg10[%dma_wait3A_428, %dma_wait3A_431] : memref<33x128xi32, #tpu.memory_space<vmem>> -> memref<1x128xi32, #tpu.memory_space<vmem>>
        %dma_wait3A_433 = tpu.memref_squeeze %dma_wait3A_432 : memref<1x128xi32, #tpu.memory_space<vmem>> -> memref<128xi32, #tpu.memory_space<vmem>>
        %dma_wait3A_434 = arith.constant 0 : i32
        %dma_wait3A_435 = tpu.memref_slice %arg5[%dma_wait3A_434] : memref<1048640xf32, #tpu.memory_space<vmem_shared>> -> memref<1048640xf32, #tpu.memory_space<vmem_shared>>
        tpu.wait_indirect_dma semaphore(%arg12 : memref<!tpu.dma_semaphore, #tpu.memory_space<semaphore_mem>>) src(%dma_wait3A_430 : memref<128xf32, #tpu.memory_space<vmem>>) dst(%dma_wait3A_435 : memref<1048640xf32, #tpu.memory_space<vmem_shared>>)
      } else {
      }
      %gt3A_402 = arith.constant 28 : i32
      %gt3A_403 = arith.cmpi sgt, %select_n3A, %gt3A_402 : i32
      %convert_element_type3A_404 = arith.extui %gt3A_403 : i1 to i32
      %cond3A_405 = arith.constant 0 : i32
      %cond3A_406 = arith.cmpi ne, %convert_element_type3A_404, %cond3A_405 : i32
      scf.if %cond3A_406 {
        %dma_wait3A_428 = arith.constant 28 : i32
        %dma_wait3A_429 = arith.constant 3584 : i32
        %dma_wait3A_430 = tpu.memref_slice %arg9[%dma_wait3A_429] : memref<4224xf32, #tpu.memory_space<vmem>> -> memref<128xf32, #tpu.memory_space<vmem>>
        %dma_wait3A_431 = arith.constant 0 : i32
        %dma_wait3A_432 = tpu.memref_slice %arg10[%dma_wait3A_428, %dma_wait3A_431] : memref<33x128xi32, #tpu.memory_space<vmem>> -> memref<1x128xi32, #tpu.memory_space<vmem>>
        %dma_wait3A_433 = tpu.memref_squeeze %dma_wait3A_432 : memref<1x128xi32, #tpu.memory_space<vmem>> -> memref<128xi32, #tpu.memory_space<vmem>>
        %dma_wait3A_434 = arith.constant 0 : i32
        %dma_wait3A_435 = tpu.memref_slice %arg5[%dma_wait3A_434] : memref<1048640xf32, #tpu.memory_space<vmem_shared>> -> memref<1048640xf32, #tpu.memory_space<vmem_shared>>
        tpu.wait_indirect_dma semaphore(%arg12 : memref<!tpu.dma_semaphore, #tpu.memory_space<semaphore_mem>>) src(%dma_wait3A_430 : memref<128xf32, #tpu.memory_space<vmem>>) dst(%dma_wait3A_435 : memref<1048640xf32, #tpu.memory_space<vmem_shared>>)
      } else {
      }
      %gt3A_407 = arith.constant 29 : i32
      %gt3A_408 = arith.cmpi sgt, %select_n3A, %gt3A_407 : i32
      %convert_element_type3A_409 = arith.extui %gt3A_408 : i1 to i32
      %cond3A_410 = arith.constant 0 : i32
      %cond3A_411 = arith.cmpi ne, %convert_element_type3A_409, %cond3A_410 : i32
      scf.if %cond3A_411 {
        %dma_wait3A_428 = arith.constant 29 : i32
        %dma_wait3A_429 = arith.constant 3712 : i32
        %dma_wait3A_430 = tpu.memref_slice %arg9[%dma_wait3A_429] : memref<4224xf32, #tpu.memory_space<vmem>> -> memref<128xf32, #tpu.memory_space<vmem>>
        %dma_wait3A_431 = arith.constant 0 : i32
        %dma_wait3A_432 = tpu.memref_slice %arg10[%dma_wait3A_428, %dma_wait3A_431] : memref<33x128xi32, #tpu.memory_space<vmem>> -> memref<1x128xi32, #tpu.memory_space<vmem>>
        %dma_wait3A_433 = tpu.memref_squeeze %dma_wait3A_432 : memref<1x128xi32, #tpu.memory_space<vmem>> -> memref<128xi32, #tpu.memory_space<vmem>>
        %dma_wait3A_434 = arith.constant 0 : i32
        %dma_wait3A_435 = tpu.memref_slice %arg5[%dma_wait3A_434] : memref<1048640xf32, #tpu.memory_space<vmem_shared>> -> memref<1048640xf32, #tpu.memory_space<vmem_shared>>
        tpu.wait_indirect_dma semaphore(%arg12 : memref<!tpu.dma_semaphore, #tpu.memory_space<semaphore_mem>>) src(%dma_wait3A_430 : memref<128xf32, #tpu.memory_space<vmem>>) dst(%dma_wait3A_435 : memref<1048640xf32, #tpu.memory_space<vmem_shared>>)
      } else {
      }
      %gt3A_412 = arith.constant 30 : i32
      %gt3A_413 = arith.cmpi sgt, %select_n3A, %gt3A_412 : i32
      %convert_element_type3A_414 = arith.extui %gt3A_413 : i1 to i32
      %cond3A_415 = arith.constant 0 : i32
      %cond3A_416 = arith.cmpi ne, %convert_element_type3A_414, %cond3A_415 : i32
      scf.if %cond3A_416 {
        %dma_wait3A_428 = arith.constant 30 : i32
        %dma_wait3A_429 = arith.constant 3840 : i32
        %dma_wait3A_430 = tpu.memref_slice %arg9[%dma_wait3A_429] : memref<4224xf32, #tpu.memory_space<vmem>> -> memref<128xf32, #tpu.memory_space<vmem>>
        %dma_wait3A_431 = arith.constant 0 : i32
        %dma_wait3A_432 = tpu.memref_slice %arg10[%dma_wait3A_428, %dma_wait3A_431] : memref<33x128xi32, #tpu.memory_space<vmem>> -> memref<1x128xi32, #tpu.memory_space<vmem>>
        %dma_wait3A_433 = tpu.memref_squeeze %dma_wait3A_432 : memref<1x128xi32, #tpu.memory_space<vmem>> -> memref<128xi32, #tpu.memory_space<vmem>>
        %dma_wait3A_434 = arith.constant 0 : i32
        %dma_wait3A_435 = tpu.memref_slice %arg5[%dma_wait3A_434] : memref<1048640xf32, #tpu.memory_space<vmem_shared>> -> memref<1048640xf32, #tpu.memory_space<vmem_shared>>
        tpu.wait_indirect_dma semaphore(%arg12 : memref<!tpu.dma_semaphore, #tpu.memory_space<semaphore_mem>>) src(%dma_wait3A_430 : memref<128xf32, #tpu.memory_space<vmem>>) dst(%dma_wait3A_435 : memref<1048640xf32, #tpu.memory_space<vmem_shared>>)
      } else {
      }
      %gt3A_417 = arith.constant 31 : i32
      %gt3A_418 = arith.cmpi sgt, %select_n3A, %gt3A_417 : i32
      %convert_element_type3A_419 = arith.extui %gt3A_418 : i1 to i32
      %cond3A_420 = arith.constant 0 : i32
      %cond3A_421 = arith.cmpi ne, %convert_element_type3A_419, %cond3A_420 : i32
      scf.if %cond3A_421 {
        %dma_wait3A_428 = arith.constant 31 : i32
        %dma_wait3A_429 = arith.constant 3968 : i32
        %dma_wait3A_430 = tpu.memref_slice %arg9[%dma_wait3A_429] : memref<4224xf32, #tpu.memory_space<vmem>> -> memref<128xf32, #tpu.memory_space<vmem>>
        %dma_wait3A_431 = arith.constant 0 : i32
        %dma_wait3A_432 = tpu.memref_slice %arg10[%dma_wait3A_428, %dma_wait3A_431] : memref<33x128xi32, #tpu.memory_space<vmem>> -> memref<1x128xi32, #tpu.memory_space<vmem>>
        %dma_wait3A_433 = tpu.memref_squeeze %dma_wait3A_432 : memref<1x128xi32, #tpu.memory_space<vmem>> -> memref<128xi32, #tpu.memory_space<vmem>>
        %dma_wait3A_434 = arith.constant 0 : i32
        %dma_wait3A_435 = tpu.memref_slice %arg5[%dma_wait3A_434] : memref<1048640xf32, #tpu.memory_space<vmem_shared>> -> memref<1048640xf32, #tpu.memory_space<vmem_shared>>
        tpu.wait_indirect_dma semaphore(%arg12 : memref<!tpu.dma_semaphore, #tpu.memory_space<semaphore_mem>>) src(%dma_wait3A_430 : memref<128xf32, #tpu.memory_space<vmem>>) dst(%dma_wait3A_435 : memref<1048640xf32, #tpu.memory_space<vmem_shared>>)
      } else {
      }
      %gt3A_422 = arith.constant 32 : i32
      %gt3A_423 = arith.cmpi sgt, %select_n3A, %gt3A_422 : i32
      %convert_element_type3A_424 = arith.extui %gt3A_423 : i1 to i32
      %cond3A_425 = arith.constant 0 : i32
      %cond3A_426 = arith.cmpi ne, %convert_element_type3A_424, %cond3A_425 : i32
      scf.if %cond3A_426 {
        %dma_wait3A_428 = arith.constant 32 : i32
        %dma_wait3A_429 = arith.constant 4096 : i32
        %dma_wait3A_430 = tpu.memref_slice %arg9[%dma_wait3A_429] : memref<4224xf32, #tpu.memory_space<vmem>> -> memref<128xf32, #tpu.memory_space<vmem>>
        %dma_wait3A_431 = arith.constant 0 : i32
        %dma_wait3A_432 = tpu.memref_slice %arg10[%dma_wait3A_428, %dma_wait3A_431] : memref<33x128xi32, #tpu.memory_space<vmem>> -> memref<1x128xi32, #tpu.memory_space<vmem>>
        %dma_wait3A_433 = tpu.memref_squeeze %dma_wait3A_432 : memref<1x128xi32, #tpu.memory_space<vmem>> -> memref<128xi32, #tpu.memory_space<vmem>>
        %dma_wait3A_434 = arith.constant 0 : i32
        %dma_wait3A_435 = tpu.memref_slice %arg5[%dma_wait3A_434] : memref<1048640xf32, #tpu.memory_space<vmem_shared>> -> memref<1048640xf32, #tpu.memory_space<vmem_shared>>
        tpu.wait_indirect_dma semaphore(%arg12 : memref<!tpu.dma_semaphore, #tpu.memory_space<semaphore_mem>>) src(%dma_wait3A_430 : memref<128xf32, #tpu.memory_space<vmem>>) dst(%dma_wait3A_435 : memref<1048640xf32, #tpu.memory_space<vmem_shared>>)
      } else {
      }
      %scan3A_427 = arith.constant 0 : i32
      scf.yield %scan3A_427 : i32
    }
    %scan3A_28 = arith.constant 8 : i32
    %barrier3A_29 = arith.constant 0 : index
    tpu.barrier barrier_id(%barrier3A_29)
    %mul3A_30 = arith.constant 65536 : i32
    %mul3A_31 = arith.muli %arg1, %mul3A_30 : i32
    %mul3A_32 = arith.constant 65536 : i32
    %mul3A_33 = arith.muli %arg1, %mul3A_32 : i32
    %add3A = arith.addi %mul3A_0, %mul3A_33 : i32
    "tpu.region"() ({
      %run_scoped3A = tpu.sem_alloc : memref<!tpu.dma_semaphore, #tpu.memory_space<semaphore_mem>>
      %dma_start3A = tpu.memref_slice %arg4[%add3A] : memref<2097152xf32, #tpu.memory_space<hbm>> -> memref<65536xf32, #tpu.memory_space<hbm>>
      %dma_start3A_34 = tpu.memref_slice %arg5[%mul3A_31] : memref<1048640xf32, #tpu.memory_space<vmem_shared>> -> memref<65536xf32, #tpu.memory_space<vmem_shared>>
      tpu.enqueue_dma source(%dma_start3A_34 : memref<65536xf32, #tpu.memory_space<vmem_shared>>) target(%dma_start3A : memref<65536xf32, #tpu.memory_space<hbm>>) target_semaphore(%run_scoped3A : memref<!tpu.dma_semaphore, #tpu.memory_space<semaphore_mem>>)
      %dma_wait3A = tpu.memref_slice %arg4[%add3A] : memref<2097152xf32, #tpu.memory_space<hbm>> -> memref<65536xf32, #tpu.memory_space<hbm>>
      %dma_wait3A_35 = tpu.memref_slice %arg5[%mul3A_31] : memref<1048640xf32, #tpu.memory_space<vmem_shared>> -> memref<65536xf32, #tpu.memory_space<vmem_shared>>
      tpu.wait_dma2 semaphore(%run_scoped3A : memref<!tpu.dma_semaphore, #tpu.memory_space<semaphore_mem>>) src(%dma_wait3A_35 : memref<65536xf32, #tpu.memory_space<vmem_shared>>) dst(%dma_wait3A : memref<65536xf32, #tpu.memory_space<hbm>>)
      tpu.yield
    }) : () -> ()
    return
  }
}

module attributes {stable_mosaic.version = 14 : i64} {
  func.func @_graph_body(%arg0: i32, %arg1: memref<512x128xf32, #tpu.memory_space<vmem>>, %arg2: memref<65536xf32, #tpu.memory_space<vmem>>, %arg3: memref<128x128xf32, #tpu.memory_space<vmem>>, %arg4: memref<1x128xf32, #tpu.memory_space<vmem>>, %arg5: memref<128x256xf32, #tpu.memory_space<vmem>>, %arg6: memref<256x256xf32, #tpu.memory_space<vmem>>, %arg7: memref<256x256xf32, #tpu.memory_space<vmem>>, %arg8: memref<256x256xf32, #tpu.memory_space<vmem>>, %arg9: memref<256x256xf32, #tpu.memory_space<vmem>>, %arg10: memref<384x256xf32, #tpu.memory_space<vmem>>, %arg11: memref<256x256xf32, #tpu.memory_space<vmem>>, %arg12: memref<256x256xf32, #tpu.memory_space<vmem>>, %arg13: memref<384x256xf32, #tpu.memory_space<vmem>>, %arg14: memref<1x768xf32, #tpu.memory_space<vmem>>, %arg15: memref<1x768xf32, #tpu.memory_space<vmem>>, %arg16: memref<4x1x768xf32, #tpu.memory_space<vmem>>) attributes {dimension_semantics = [#tpu.dimension_semantics<arbitrary>], iteration_bounds = array<i64: 32>, scalar_prefetch = 0 : i64, scratch_operands = 0 : i64, tpu.core_type = #tpu.core_type<tc>, window_params = [{transform_indices = @transform_0, window_bounds = array<i64: 512, 128>}, {transform_indices = @transform_1, window_bounds = array<i64: 65536>}, {pipeline_mode = #tpu.pipeline_mode<synchronous>, transform_indices = @transform_2, window_bounds = array<i64: 128, 128>}, {pipeline_mode = #tpu.pipeline_mode<synchronous>, transform_indices = @transform_3, window_bounds = array<i64: 1, 128>}, {pipeline_mode = #tpu.pipeline_mode<synchronous>, transform_indices = @transform_4, window_bounds = array<i64: 128, 256>}, {pipeline_mode = #tpu.pipeline_mode<synchronous>, transform_indices = @transform_5, window_bounds = array<i64: 256, 256>}, {pipeline_mode = #tpu.pipeline_mode<synchronous>, transform_indices = @transform_6, window_bounds = array<i64: 256, 256>}, {pipeline_mode = #tpu.pipeline_mode<synchronous>, transform_indices = @transform_7, window_bounds = array<i64: 256, 256>}, {pipeline_mode = #tpu.pipeline_mode<synchronous>, transform_indices = @transform_8, window_bounds = array<i64: 256, 256>}, {pipeline_mode = #tpu.pipeline_mode<synchronous>, transform_indices = @transform_9, window_bounds = array<i64: 384, 256>}, {pipeline_mode = #tpu.pipeline_mode<synchronous>, transform_indices = @transform_10, window_bounds = array<i64: 256, 256>}, {pipeline_mode = #tpu.pipeline_mode<synchronous>, transform_indices = @transform_11, window_bounds = array<i64: 256, 256>}, {pipeline_mode = #tpu.pipeline_mode<synchronous>, transform_indices = @transform_12, window_bounds = array<i64: 384, 256>}, {pipeline_mode = #tpu.pipeline_mode<synchronous>, transform_indices = @transform_13, window_bounds = array<i64: 1, 768>}, {pipeline_mode = #tpu.pipeline_mode<synchronous>, transform_indices = @transform_14, window_bounds = array<i64: 1, 768>}, {transform_indices = @transform_15, window_bounds = array<i64: 4, 1, 768>}]} {
    %get3A = arith.constant 0 : index
    %get3A_0 = arith.constant 0 : index
    %get3A_1 = vector.load %arg1[%get3A, %get3A_0] : memref<512x128xf32, #tpu.memory_space<vmem>>, vector<512x128xf32>
    %get3A_2 = arith.constant 0 : index
    %get3A_3 = vector.load %arg2[%get3A_2] : memref<65536xf32, #tpu.memory_space<vmem>>, vector<65536xf32>
    %reshape3A = vector.shape_cast %get3A_3 : vector<65536xf32> to vector<512x128xf32>
    %get3A_4 = arith.constant 0 : index
    %get3A_5 = arith.constant 0 : index
    %get3A_6 = vector.load %arg3[%get3A_4, %get3A_5] : memref<128x128xf32, #tpu.memory_space<vmem>>, vector<128x128xf32>
    %convert_element_type3A = arith.truncf %get3A_1 : vector<512x128xf32> to vector<512x128xbf16>
    %convert_element_type3A_7 = arith.truncf %get3A_6 : vector<128x128xf32> to vector<128x128xbf16>
    %dot_general3A = arith.constant dense<0.000000e+00> : vector<512x128xf32>
    %dot_general3A_8 = tpu.matmul %convert_element_type3A, %convert_element_type3A_7, %dot_general3A {dimension_numbers = #tpu.dot_dimension_numbers<[1], [0], [0], [1], [0, 0, 1, 1], [], []>, transpose_lhs_hint = false} : vector<512x128xbf16>, vector<128x128xbf16>, vector<512x128xf32> -> vector<512x128xf32>
    %get3A_9 = arith.constant 0 : index
    %get3A_10 = arith.constant 0 : index
    %get3A_11 = vector.load %arg4[%get3A_9, %get3A_10] : memref<1x128xf32, #tpu.memory_space<vmem>>, vector<1x128xf32>
    %add3A = vector.broadcast %get3A_11 : vector<1x128xf32> to vector<512x128xf32>
    %add3A_12 = arith.addf %dot_general3A_8, %add3A : vector<512x128xf32>
    %max3A = arith.constant 0.000000e+00 : f32
    %max3A_13 = vector.broadcast %max3A : f32 to vector<512x128xf32>
    %max3A_14 = arith.maximumf %add3A_12, %max3A_13 : vector<512x128xf32>
    %get3A_15 = arith.constant 0 : index
    %get3A_16 = arith.constant 0 : index
    %get3A_17 = vector.load %arg5[%get3A_15, %get3A_16] : memref<128x256xf32, #tpu.memory_space<vmem>>, vector<128x256xf32>
    %convert_element_type3A_18 = arith.truncf %max3A_14 : vector<512x128xf32> to vector<512x128xbf16>
    %convert_element_type3A_19 = arith.truncf %get3A_17 : vector<128x256xf32> to vector<128x256xbf16>
    %dot_general3A_20 = arith.constant dense<0.000000e+00> : vector<512x256xf32>
    %dot_general3A_21 = tpu.matmul %convert_element_type3A_18, %convert_element_type3A_19, %dot_general3A_20 {dimension_numbers = #tpu.dot_dimension_numbers<[1], [0], [0], [1], [0, 0, 1, 1], [], []>, transpose_lhs_hint = false} : vector<512x128xbf16>, vector<128x256xbf16>, vector<512x256xf32> -> vector<512x256xf32>
    %slice3A = vector.extract_strided_slice %reshape3A {offsets = [0, 0], sizes = [128, 128], strides = [1, 1]} : vector<512x128xf32> to vector<128x128xf32>
    %slice3A_22 = vector.extract_strided_slice %dot_general3A_21 {offsets = [0, 0], sizes = [128, 256], strides = [1, 1]} : vector<512x256xf32> to vector<128x256xf32>
    %convert_element_type3A_23 = arith.truncf %slice3A : vector<128x128xf32> to vector<128x128xbf16>
    %convert_element_type3A_24 = arith.truncf %slice3A_22 : vector<128x256xf32> to vector<128x256xbf16>
    %dot_general3A_25 = arith.constant dense<0.000000e+00> : vector<128x256xf32>
    %dot_general3A_26 = tpu.matmul %convert_element_type3A_23, %convert_element_type3A_24, %dot_general3A_25 {dimension_numbers = #tpu.dot_dimension_numbers<[1], [0], [0], [1], [0, 0, 1, 1], [], []>, transpose_lhs_hint = false} : vector<128x128xbf16>, vector<128x256xbf16>, vector<128x256xf32> -> vector<128x256xf32>
    %slice3A_27 = vector.extract_strided_slice %reshape3A {offsets = [128, 0], sizes = [128, 128], strides = [1, 1]} : vector<512x128xf32> to vector<128x128xf32>
    %slice3A_28 = vector.extract_strided_slice %dot_general3A_21 {offsets = [128, 0], sizes = [128, 256], strides = [1, 1]} : vector<512x256xf32> to vector<128x256xf32>
    %convert_element_type3A_29 = arith.truncf %slice3A_27 : vector<128x128xf32> to vector<128x128xbf16>
    %convert_element_type3A_30 = arith.truncf %slice3A_28 : vector<128x256xf32> to vector<128x256xbf16>
    %dot_general3A_31 = arith.constant dense<0.000000e+00> : vector<128x256xf32>
    %dot_general3A_32 = tpu.matmul %convert_element_type3A_29, %convert_element_type3A_30, %dot_general3A_31 {dimension_numbers = #tpu.dot_dimension_numbers<[1], [0], [0], [1], [0, 0, 1, 1], [], []>, transpose_lhs_hint = false} : vector<128x128xbf16>, vector<128x256xbf16>, vector<128x256xf32> -> vector<128x256xf32>
    %slice3A_33 = vector.extract_strided_slice %reshape3A {offsets = [256, 0], sizes = [128, 128], strides = [1, 1]} : vector<512x128xf32> to vector<128x128xf32>
    %slice3A_34 = vector.extract_strided_slice %dot_general3A_21 {offsets = [256, 0], sizes = [128, 256], strides = [1, 1]} : vector<512x256xf32> to vector<128x256xf32>
    %convert_element_type3A_35 = arith.truncf %slice3A_33 : vector<128x128xf32> to vector<128x128xbf16>
    %convert_element_type3A_36 = arith.truncf %slice3A_34 : vector<128x256xf32> to vector<128x256xbf16>
    %dot_general3A_37 = arith.constant dense<0.000000e+00> : vector<128x256xf32>
    %dot_general3A_38 = tpu.matmul %convert_element_type3A_35, %convert_element_type3A_36, %dot_general3A_37 {dimension_numbers = #tpu.dot_dimension_numbers<[1], [0], [0], [1], [0, 0, 1, 1], [], []>, transpose_lhs_hint = false} : vector<128x128xbf16>, vector<128x256xbf16>, vector<128x256xf32> -> vector<128x256xf32>
    %slice3A_39 = vector.extract_strided_slice %reshape3A {offsets = [384, 0], sizes = [128, 128], strides = [1, 1]} : vector<512x128xf32> to vector<128x128xf32>
    %slice3A_40 = vector.extract_strided_slice %dot_general3A_21 {offsets = [384, 0], sizes = [128, 256], strides = [1, 1]} : vector<512x256xf32> to vector<128x256xf32>
    %convert_element_type3A_41 = arith.truncf %slice3A_39 : vector<128x128xf32> to vector<128x128xbf16>
    %convert_element_type3A_42 = arith.truncf %slice3A_40 : vector<128x256xf32> to vector<128x256xbf16>
    %dot_general3A_43 = arith.constant dense<0.000000e+00> : vector<128x256xf32>
    %dot_general3A_44 = tpu.matmul %convert_element_type3A_41, %convert_element_type3A_42, %dot_general3A_43 {dimension_numbers = #tpu.dot_dimension_numbers<[1], [0], [0], [1], [0, 0, 1, 1], [], []>, transpose_lhs_hint = false} : vector<128x128xbf16>, vector<128x256xbf16>, vector<128x256xf32> -> vector<128x256xf32>
    %concatenate3A = tpu.concatenate %dot_general3A_26, %dot_general3A_32, %dot_general3A_38, %dot_general3A_44 in 0 : vector<128x256xf32>, vector<128x256xf32>, vector<128x256xf32>, vector<128x256xf32> -> vector<512x256xf32>
    %get3A_45 = arith.constant 0 : index
    %get3A_46 = arith.constant 0 : index
    %get3A_47 = vector.load %arg7[%get3A_45, %get3A_46] : memref<256x256xf32, #tpu.memory_space<vmem>>, vector<256x256xf32>
    %slice3A_48 = vector.extract_strided_slice %get3A_47 {offsets = [0, 0], sizes = [128, 256], strides = [1, 1]} : vector<256x256xf32> to vector<128x256xf32>
    %convert_element_type3A_49 = arith.truncf %max3A_14 : vector<512x128xf32> to vector<512x128xbf16>
    %convert_element_type3A_50 = arith.truncf %slice3A_48 : vector<128x256xf32> to vector<128x256xbf16>
    %dot_general3A_51 = arith.constant dense<0.000000e+00> : vector<512x256xf32>
    %dot_general3A_52 = tpu.matmul %convert_element_type3A_49, %convert_element_type3A_50, %dot_general3A_51 {dimension_numbers = #tpu.dot_dimension_numbers<[1], [0], [0], [1], [0, 0, 1, 1], [], []>, transpose_lhs_hint = false} : vector<512x128xbf16>, vector<128x256xbf16>, vector<512x256xf32> -> vector<512x256xf32>
    %slice3A_53 = vector.extract_strided_slice %get3A_47 {offsets = [128, 0], sizes = [128, 256], strides = [1, 1]} : vector<256x256xf32> to vector<128x256xf32>
    %convert_element_type3A_54 = arith.truncf %get3A_1 : vector<512x128xf32> to vector<512x128xbf16>
    %convert_element_type3A_55 = arith.truncf %slice3A_53 : vector<128x256xf32> to vector<128x256xbf16>
    %dot_general3A_56 = arith.constant dense<0.000000e+00> : vector<512x256xf32>
    %dot_general3A_57 = tpu.matmul %convert_element_type3A_54, %convert_element_type3A_55, %dot_general3A_56 {dimension_numbers = #tpu.dot_dimension_numbers<[1], [0], [0], [1], [0, 0, 1, 1], [], []>, transpose_lhs_hint = false} : vector<512x128xbf16>, vector<128x256xbf16>, vector<512x256xf32> -> vector<512x256xf32>
    %add3A_58 = arith.addf %dot_general3A_52, %dot_general3A_57 : vector<512x256xf32>
    %get3A_59 = arith.constant 0 : index
    %get3A_60 = arith.constant 0 : index
    %get3A_61 = vector.load %arg6[%get3A_59, %get3A_60] : memref<256x256xf32, #tpu.memory_space<vmem>>, vector<256x256xf32>
    %convert_element_type3A_62 = arith.truncf %concatenate3A : vector<512x256xf32> to vector<512x256xbf16>
    %convert_element_type3A_63 = arith.truncf %get3A_61 : vector<256x256xf32> to vector<256x256xbf16>
    %dot_general3A_64 = arith.constant dense<0.000000e+00> : vector<512x256xf32>
    %dot_general3A_65 = tpu.matmul %convert_element_type3A_62, %convert_element_type3A_63, %dot_general3A_64 {dimension_numbers = #tpu.dot_dimension_numbers<[1], [0], [0], [1], [0, 0, 1, 1], [], []>, transpose_lhs_hint = false} : vector<512x256xbf16>, vector<256x256xbf16>, vector<512x256xf32> -> vector<512x256xf32>
    %add3A_66 = arith.addf %dot_general3A_65, %add3A_58 : vector<512x256xf32>
    %tanh3A = math.tanh %add3A_66 : vector<512x256xf32>
    %get3A_67 = arith.constant 0 : index
    %get3A_68 = arith.constant 0 : index
    %get3A_69 = vector.load %arg8[%get3A_67, %get3A_68] : memref<256x256xf32, #tpu.memory_space<vmem>>, vector<256x256xf32>
    %convert_element_type3A_70 = arith.truncf %tanh3A : vector<512x256xf32> to vector<512x256xbf16>
    %convert_element_type3A_71 = arith.truncf %get3A_69 : vector<256x256xf32> to vector<256x256xbf16>
    %dot_general3A_72 = arith.constant dense<0.000000e+00> : vector<512x256xf32>
    %dot_general3A_73 = tpu.matmul %convert_element_type3A_70, %convert_element_type3A_71, %dot_general3A_72 {dimension_numbers = #tpu.dot_dimension_numbers<[1], [0], [0], [1], [0, 0, 1, 1], [], []>, transpose_lhs_hint = false} : vector<512x256xbf16>, vector<256x256xbf16>, vector<512x256xf32> -> vector<512x256xf32>
    %slice3A_74 = vector.extract_strided_slice %reshape3A {offsets = [0, 0], sizes = [128, 128], strides = [1, 1]} : vector<512x128xf32> to vector<128x128xf32>
    %slice3A_75 = vector.extract_strided_slice %dot_general3A_73 {offsets = [0, 0], sizes = [128, 256], strides = [1, 1]} : vector<512x256xf32> to vector<128x256xf32>
    %convert_element_type3A_76 = arith.truncf %slice3A_74 : vector<128x128xf32> to vector<128x128xbf16>
    %convert_element_type3A_77 = arith.truncf %slice3A_75 : vector<128x256xf32> to vector<128x256xbf16>
    %dot_general3A_78 = arith.constant dense<0.000000e+00> : vector<128x256xf32>
    %dot_general3A_79 = tpu.matmul %convert_element_type3A_76, %convert_element_type3A_77, %dot_general3A_78 {dimension_numbers = #tpu.dot_dimension_numbers<[1], [0], [0], [1], [0, 0, 1, 1], [], []>, transpose_lhs_hint = false} : vector<128x128xbf16>, vector<128x256xbf16>, vector<128x256xf32> -> vector<128x256xf32>
    %slice3A_80 = vector.extract_strided_slice %reshape3A {offsets = [128, 0], sizes = [128, 128], strides = [1, 1]} : vector<512x128xf32> to vector<128x128xf32>
    %slice3A_81 = vector.extract_strided_slice %dot_general3A_73 {offsets = [128, 0], sizes = [128, 256], strides = [1, 1]} : vector<512x256xf32> to vector<128x256xf32>
    %convert_element_type3A_82 = arith.truncf %slice3A_80 : vector<128x128xf32> to vector<128x128xbf16>
    %convert_element_type3A_83 = arith.truncf %slice3A_81 : vector<128x256xf32> to vector<128x256xbf16>
    %dot_general3A_84 = arith.constant dense<0.000000e+00> : vector<128x256xf32>
    %dot_general3A_85 = tpu.matmul %convert_element_type3A_82, %convert_element_type3A_83, %dot_general3A_84 {dimension_numbers = #tpu.dot_dimension_numbers<[1], [0], [0], [1], [0, 0, 1, 1], [], []>, transpose_lhs_hint = false} : vector<128x128xbf16>, vector<128x256xbf16>, vector<128x256xf32> -> vector<128x256xf32>
    %slice3A_86 = vector.extract_strided_slice %reshape3A {offsets = [256, 0], sizes = [128, 128], strides = [1, 1]} : vector<512x128xf32> to vector<128x128xf32>
    %slice3A_87 = vector.extract_strided_slice %dot_general3A_73 {offsets = [256, 0], sizes = [128, 256], strides = [1, 1]} : vector<512x256xf32> to vector<128x256xf32>
    %convert_element_type3A_88 = arith.truncf %slice3A_86 : vector<128x128xf32> to vector<128x128xbf16>
    %convert_element_type3A_89 = arith.truncf %slice3A_87 : vector<128x256xf32> to vector<128x256xbf16>
    %dot_general3A_90 = arith.constant dense<0.000000e+00> : vector<128x256xf32>
    %dot_general3A_91 = tpu.matmul %convert_element_type3A_88, %convert_element_type3A_89, %dot_general3A_90 {dimension_numbers = #tpu.dot_dimension_numbers<[1], [0], [0], [1], [0, 0, 1, 1], [], []>, transpose_lhs_hint = false} : vector<128x128xbf16>, vector<128x256xbf16>, vector<128x256xf32> -> vector<128x256xf32>
    %slice3A_92 = vector.extract_strided_slice %reshape3A {offsets = [384, 0], sizes = [128, 128], strides = [1, 1]} : vector<512x128xf32> to vector<128x128xf32>
    %slice3A_93 = vector.extract_strided_slice %dot_general3A_73 {offsets = [384, 0], sizes = [128, 256], strides = [1, 1]} : vector<512x256xf32> to vector<128x256xf32>
    %convert_element_type3A_94 = arith.truncf %slice3A_92 : vector<128x128xf32> to vector<128x128xbf16>
    %convert_element_type3A_95 = arith.truncf %slice3A_93 : vector<128x256xf32> to vector<128x256xbf16>
    %dot_general3A_96 = arith.constant dense<0.000000e+00> : vector<128x256xf32>
    %dot_general3A_97 = tpu.matmul %convert_element_type3A_94, %convert_element_type3A_95, %dot_general3A_96 {dimension_numbers = #tpu.dot_dimension_numbers<[1], [0], [0], [1], [0, 0, 1, 1], [], []>, transpose_lhs_hint = false} : vector<128x128xbf16>, vector<128x256xbf16>, vector<128x256xf32> -> vector<128x256xf32>
    %concatenate3A_98 = tpu.concatenate %dot_general3A_79, %dot_general3A_85, %dot_general3A_91, %dot_general3A_97 in 0 : vector<128x256xf32>, vector<128x256xf32>, vector<128x256xf32>, vector<128x256xf32> -> vector<512x256xf32>
    %get3A_99 = arith.constant 0 : index
    %get3A_100 = arith.constant 0 : index
    %get3A_101 = vector.load %arg10[%get3A_99, %get3A_100] : memref<384x256xf32, #tpu.memory_space<vmem>>, vector<384x256xf32>
    %slice3A_102 = vector.extract_strided_slice %get3A_101 {offsets = [0, 0], sizes = [256, 256], strides = [1, 1]} : vector<384x256xf32> to vector<256x256xf32>
    %convert_element_type3A_103 = arith.truncf %tanh3A : vector<512x256xf32> to vector<512x256xbf16>
    %convert_element_type3A_104 = arith.truncf %slice3A_102 : vector<256x256xf32> to vector<256x256xbf16>
    %dot_general3A_105 = arith.constant dense<0.000000e+00> : vector<512x256xf32>
    %dot_general3A_106 = tpu.matmul %convert_element_type3A_103, %convert_element_type3A_104, %dot_general3A_105 {dimension_numbers = #tpu.dot_dimension_numbers<[1], [0], [0], [1], [0, 0, 1, 1], [], []>, transpose_lhs_hint = false} : vector<512x256xbf16>, vector<256x256xbf16>, vector<512x256xf32> -> vector<512x256xf32>
    %slice3A_107 = vector.extract_strided_slice %get3A_101 {offsets = [256, 0], sizes = [128, 256], strides = [1, 1]} : vector<384x256xf32> to vector<128x256xf32>
    %convert_element_type3A_108 = arith.truncf %get3A_1 : vector<512x128xf32> to vector<512x128xbf16>
    %convert_element_type3A_109 = arith.truncf %slice3A_107 : vector<128x256xf32> to vector<128x256xbf16>
    %dot_general3A_110 = arith.constant dense<0.000000e+00> : vector<512x256xf32>
    %dot_general3A_111 = tpu.matmul %convert_element_type3A_108, %convert_element_type3A_109, %dot_general3A_110 {dimension_numbers = #tpu.dot_dimension_numbers<[1], [0], [0], [1], [0, 0, 1, 1], [], []>, transpose_lhs_hint = false} : vector<512x128xbf16>, vector<128x256xbf16>, vector<512x256xf32> -> vector<512x256xf32>
    %add3A_112 = arith.addf %dot_general3A_106, %dot_general3A_111 : vector<512x256xf32>
    %get3A_113 = arith.constant 0 : index
    %get3A_114 = arith.constant 0 : index
    %get3A_115 = vector.load %arg9[%get3A_113, %get3A_114] : memref<256x256xf32, #tpu.memory_space<vmem>>, vector<256x256xf32>
    %convert_element_type3A_116 = arith.truncf %concatenate3A_98 : vector<512x256xf32> to vector<512x256xbf16>
    %convert_element_type3A_117 = arith.truncf %get3A_115 : vector<256x256xf32> to vector<256x256xbf16>
    %dot_general3A_118 = arith.constant dense<0.000000e+00> : vector<512x256xf32>
    %dot_general3A_119 = tpu.matmul %convert_element_type3A_116, %convert_element_type3A_117, %dot_general3A_118 {dimension_numbers = #tpu.dot_dimension_numbers<[1], [0], [0], [1], [0, 0, 1, 1], [], []>, transpose_lhs_hint = false} : vector<512x256xbf16>, vector<256x256xbf16>, vector<512x256xf32> -> vector<512x256xf32>
    %add3A_120 = arith.addf %dot_general3A_119, %add3A_112 : vector<512x256xf32>
    %tanh3A_121 = math.tanh %add3A_120 : vector<512x256xf32>
    %get3A_122 = arith.constant 0 : index
    %get3A_123 = arith.constant 0 : index
    %get3A_124 = vector.load %arg11[%get3A_122, %get3A_123] : memref<256x256xf32, #tpu.memory_space<vmem>>, vector<256x256xf32>
    %convert_element_type3A_125 = arith.truncf %tanh3A_121 : vector<512x256xf32> to vector<512x256xbf16>
    %convert_element_type3A_126 = arith.truncf %get3A_124 : vector<256x256xf32> to vector<256x256xbf16>
    %dot_general3A_127 = arith.constant dense<0.000000e+00> : vector<512x256xf32>
    %dot_general3A_128 = tpu.matmul %convert_element_type3A_125, %convert_element_type3A_126, %dot_general3A_127 {dimension_numbers = #tpu.dot_dimension_numbers<[1], [0], [0], [1], [0, 0, 1, 1], [], []>, transpose_lhs_hint = false} : vector<512x256xbf16>, vector<256x256xbf16>, vector<512x256xf32> -> vector<512x256xf32>
    %slice3A_129 = vector.extract_strided_slice %reshape3A {offsets = [0, 0], sizes = [128, 128], strides = [1, 1]} : vector<512x128xf32> to vector<128x128xf32>
    %slice3A_130 = vector.extract_strided_slice %dot_general3A_128 {offsets = [0, 0], sizes = [128, 256], strides = [1, 1]} : vector<512x256xf32> to vector<128x256xf32>
    %convert_element_type3A_131 = arith.truncf %slice3A_129 : vector<128x128xf32> to vector<128x128xbf16>
    %convert_element_type3A_132 = arith.truncf %slice3A_130 : vector<128x256xf32> to vector<128x256xbf16>
    %dot_general3A_133 = arith.constant dense<0.000000e+00> : vector<128x256xf32>
    %dot_general3A_134 = tpu.matmul %convert_element_type3A_131, %convert_element_type3A_132, %dot_general3A_133 {dimension_numbers = #tpu.dot_dimension_numbers<[1], [0], [0], [1], [0, 0, 1, 1], [], []>, transpose_lhs_hint = false} : vector<128x128xbf16>, vector<128x256xbf16>, vector<128x256xf32> -> vector<128x256xf32>
    %slice3A_135 = vector.extract_strided_slice %reshape3A {offsets = [128, 0], sizes = [128, 128], strides = [1, 1]} : vector<512x128xf32> to vector<128x128xf32>
    %slice3A_136 = vector.extract_strided_slice %dot_general3A_128 {offsets = [128, 0], sizes = [128, 256], strides = [1, 1]} : vector<512x256xf32> to vector<128x256xf32>
    %convert_element_type3A_137 = arith.truncf %slice3A_135 : vector<128x128xf32> to vector<128x128xbf16>
    %convert_element_type3A_138 = arith.truncf %slice3A_136 : vector<128x256xf32> to vector<128x256xbf16>
    %dot_general3A_139 = arith.constant dense<0.000000e+00> : vector<128x256xf32>
    %dot_general3A_140 = tpu.matmul %convert_element_type3A_137, %convert_element_type3A_138, %dot_general3A_139 {dimension_numbers = #tpu.dot_dimension_numbers<[1], [0], [0], [1], [0, 0, 1, 1], [], []>, transpose_lhs_hint = false} : vector<128x128xbf16>, vector<128x256xbf16>, vector<128x256xf32> -> vector<128x256xf32>
    %slice3A_141 = vector.extract_strided_slice %reshape3A {offsets = [256, 0], sizes = [128, 128], strides = [1, 1]} : vector<512x128xf32> to vector<128x128xf32>
    %slice3A_142 = vector.extract_strided_slice %dot_general3A_128 {offsets = [256, 0], sizes = [128, 256], strides = [1, 1]} : vector<512x256xf32> to vector<128x256xf32>
    %convert_element_type3A_143 = arith.truncf %slice3A_141 : vector<128x128xf32> to vector<128x128xbf16>
    %convert_element_type3A_144 = arith.truncf %slice3A_142 : vector<128x256xf32> to vector<128x256xbf16>
    %dot_general3A_145 = arith.constant dense<0.000000e+00> : vector<128x256xf32>
    %dot_general3A_146 = tpu.matmul %convert_element_type3A_143, %convert_element_type3A_144, %dot_general3A_145 {dimension_numbers = #tpu.dot_dimension_numbers<[1], [0], [0], [1], [0, 0, 1, 1], [], []>, transpose_lhs_hint = false} : vector<128x128xbf16>, vector<128x256xbf16>, vector<128x256xf32> -> vector<128x256xf32>
    %slice3A_147 = vector.extract_strided_slice %reshape3A {offsets = [384, 0], sizes = [128, 128], strides = [1, 1]} : vector<512x128xf32> to vector<128x128xf32>
    %slice3A_148 = vector.extract_strided_slice %dot_general3A_128 {offsets = [384, 0], sizes = [128, 256], strides = [1, 1]} : vector<512x256xf32> to vector<128x256xf32>
    %convert_element_type3A_149 = arith.truncf %slice3A_147 : vector<128x128xf32> to vector<128x128xbf16>
    %convert_element_type3A_150 = arith.truncf %slice3A_148 : vector<128x256xf32> to vector<128x256xbf16>
    %dot_general3A_151 = arith.constant dense<0.000000e+00> : vector<128x256xf32>
    %dot_general3A_152 = tpu.matmul %convert_element_type3A_149, %convert_element_type3A_150, %dot_general3A_151 {dimension_numbers = #tpu.dot_dimension_numbers<[1], [0], [0], [1], [0, 0, 1, 1], [], []>, transpose_lhs_hint = false} : vector<128x128xbf16>, vector<128x256xbf16>, vector<128x256xf32> -> vector<128x256xf32>
    %concatenate3A_153 = tpu.concatenate %dot_general3A_134, %dot_general3A_140, %dot_general3A_146, %dot_general3A_152 in 0 : vector<128x256xf32>, vector<128x256xf32>, vector<128x256xf32>, vector<128x256xf32> -> vector<512x256xf32>
    %get3A_154 = arith.constant 0 : index
    %get3A_155 = arith.constant 0 : index
    %get3A_156 = vector.load %arg13[%get3A_154, %get3A_155] : memref<384x256xf32, #tpu.memory_space<vmem>>, vector<384x256xf32>
    %slice3A_157 = vector.extract_strided_slice %get3A_156 {offsets = [0, 0], sizes = [256, 256], strides = [1, 1]} : vector<384x256xf32> to vector<256x256xf32>
    %convert_element_type3A_158 = arith.truncf %tanh3A_121 : vector<512x256xf32> to vector<512x256xbf16>
    %convert_element_type3A_159 = arith.truncf %slice3A_157 : vector<256x256xf32> to vector<256x256xbf16>
    %dot_general3A_160 = arith.constant dense<0.000000e+00> : vector<512x256xf32>
    %dot_general3A_161 = tpu.matmul %convert_element_type3A_158, %convert_element_type3A_159, %dot_general3A_160 {dimension_numbers = #tpu.dot_dimension_numbers<[1], [0], [0], [1], [0, 0, 1, 1], [], []>, transpose_lhs_hint = false} : vector<512x256xbf16>, vector<256x256xbf16>, vector<512x256xf32> -> vector<512x256xf32>
    %slice3A_162 = vector.extract_strided_slice %get3A_156 {offsets = [256, 0], sizes = [128, 256], strides = [1, 1]} : vector<384x256xf32> to vector<128x256xf32>
    %convert_element_type3A_163 = arith.truncf %get3A_1 : vector<512x128xf32> to vector<512x128xbf16>
    %convert_element_type3A_164 = arith.truncf %slice3A_162 : vector<128x256xf32> to vector<128x256xbf16>
    %dot_general3A_165 = arith.constant dense<0.000000e+00> : vector<512x256xf32>
    %dot_general3A_166 = tpu.matmul %convert_element_type3A_163, %convert_element_type3A_164, %dot_general3A_165 {dimension_numbers = #tpu.dot_dimension_numbers<[1], [0], [0], [1], [0, 0, 1, 1], [], []>, transpose_lhs_hint = false} : vector<512x128xbf16>, vector<128x256xbf16>, vector<512x256xf32> -> vector<512x256xf32>
    %add3A_167 = arith.addf %dot_general3A_161, %dot_general3A_166 : vector<512x256xf32>
    %get3A_168 = arith.constant 0 : index
    %get3A_169 = arith.constant 0 : index
    %get3A_170 = vector.load %arg12[%get3A_168, %get3A_169] : memref<256x256xf32, #tpu.memory_space<vmem>>, vector<256x256xf32>
    %convert_element_type3A_171 = arith.truncf %concatenate3A_153 : vector<512x256xf32> to vector<512x256xbf16>
    %convert_element_type3A_172 = arith.truncf %get3A_170 : vector<256x256xf32> to vector<256x256xbf16>
    %dot_general3A_173 = arith.constant dense<0.000000e+00> : vector<512x256xf32>
    %dot_general3A_174 = tpu.matmul %convert_element_type3A_171, %convert_element_type3A_172, %dot_general3A_173 {dimension_numbers = #tpu.dot_dimension_numbers<[1], [0], [0], [1], [0, 0, 1, 1], [], []>, transpose_lhs_hint = false} : vector<512x256xbf16>, vector<256x256xbf16>, vector<512x256xf32> -> vector<512x256xf32>
    %add3A_175 = arith.addf %dot_general3A_174, %add3A_167 : vector<512x256xf32>
    %tanh3A_176 = math.tanh %add3A_175 : vector<512x256xf32>
    %get3A_177 = arith.constant 0 : index
    %get3A_178 = arith.constant 0 : index
    %get3A_179 = vector.load %arg14[%get3A_177, %get3A_178] : memref<1x768xf32, #tpu.memory_space<vmem>>, vector<1x768xf32>
    %mul3A = arith.constant 0.999994993 : f32
    %mul3A_180 = vector.broadcast %mul3A : f32 to vector<1x768xf32>
    %mul3A_181 = arith.mulf %get3A_179, %mul3A_180 : vector<1x768xf32>
    %get3A_182 = arith.constant 0 : index
    %get3A_183 = arith.constant 0 : index
    %get3A_184 = vector.load %arg15[%get3A_182, %get3A_183] : memref<1x768xf32, #tpu.memory_space<vmem>>, vector<1x768xf32>
    %slice3A_185 = vector.extract_strided_slice %tanh3A {offsets = [0, 0], sizes = [128, 256], strides = [1, 1]} : vector<512x256xf32> to vector<128x256xf32>
    %reduce_sum3A = arith.constant dense<0.000000e+00> : vector<256xf32>
    %reduce_sum3A_186 = vector.multi_reduction <add>, %slice3A_185, %reduce_sum3A [0] : vector<128x256xf32> to vector<256xf32>
    %broadcast_in_dim3A = vector.shape_cast %reduce_sum3A_186 : vector<256xf32> to vector<1x256xf32>
    %div3A = arith.constant 1.280000e+02 : f32
    %div3A_187 = vector.broadcast %div3A : f32 to vector<1x256xf32>
    %div3A_188 = arith.divf %broadcast_in_dim3A, %div3A_187 : vector<1x256xf32>
    %slice3A_189 = vector.extract_strided_slice %tanh3A_121 {offsets = [0, 0], sizes = [128, 256], strides = [1, 1]} : vector<512x256xf32> to vector<128x256xf32>
    %reduce_sum3A_190 = arith.constant dense<0.000000e+00> : vector<256xf32>
    %reduce_sum3A_191 = vector.multi_reduction <add>, %slice3A_189, %reduce_sum3A_190 [0] : vector<128x256xf32> to vector<256xf32>
    %broadcast_in_dim3A_192 = vector.shape_cast %reduce_sum3A_191 : vector<256xf32> to vector<1x256xf32>
    %div3A_193 = arith.constant 1.280000e+02 : f32
    %div3A_194 = vector.broadcast %div3A_193 : f32 to vector<1x256xf32>
    %div3A_195 = arith.divf %broadcast_in_dim3A_192, %div3A_194 : vector<1x256xf32>
    %slice3A_196 = vector.extract_strided_slice %tanh3A_176 {offsets = [0, 0], sizes = [128, 256], strides = [1, 1]} : vector<512x256xf32> to vector<128x256xf32>
    %reduce_sum3A_197 = arith.constant dense<0.000000e+00> : vector<256xf32>
    %reduce_sum3A_198 = vector.multi_reduction <add>, %slice3A_196, %reduce_sum3A_197 [0] : vector<128x256xf32> to vector<256xf32>
    %broadcast_in_dim3A_199 = vector.shape_cast %reduce_sum3A_198 : vector<256xf32> to vector<1x256xf32>
    %div3A_200 = arith.constant 1.280000e+02 : f32
    %div3A_201 = vector.broadcast %div3A_200 : f32 to vector<1x256xf32>
    %div3A_202 = arith.divf %broadcast_in_dim3A_199, %div3A_201 : vector<1x256xf32>
    %concatenate3A_203 = tpu.concatenate %div3A_188, %div3A_195, %div3A_202 in 1 : vector<1x256xf32>, vector<1x256xf32>, vector<1x256xf32> -> vector<1x768xf32>
    %mul3A_204 = arith.mulf %concatenate3A_203, %mul3A_181 : vector<1x768xf32>
    %add3A_205 = arith.addf %mul3A_204, %get3A_184 : vector<1x768xf32>
    %swap3A = arith.constant 0 : index
    %swap3A_206 = arith.constant 0 : index
    %swap3A_207 = arith.constant 0 : index
    %swap3A_208 = vector.load %arg16[%swap3A, %swap3A_206, %swap3A_207] : memref<4x1x768xf32, #tpu.memory_space<vmem>>, vector<1x1x768xf32>
    %swap3A_209 = vector.shape_cast %swap3A_208 : vector<1x1x768xf32> to vector<1x768xf32>
    %swap3A_210 = vector.shape_cast %add3A_205 : vector<1x768xf32> to vector<1x1x768xf32>
    tpu.vector_store %arg16[%swap3A, %swap3A_206, %swap3A_207], %swap3A_210 {strides = array<i32>} : memref<4x1x768xf32, #tpu.memory_space<vmem>>, vector<1x1x768xf32>,
    %slice3A_211 = vector.extract_strided_slice %tanh3A {offsets = [128, 0], sizes = [128, 256], strides = [1, 1]} : vector<512x256xf32> to vector<128x256xf32>
    %reduce_sum3A_212 = arith.constant dense<0.000000e+00> : vector<256xf32>
    %reduce_sum3A_213 = vector.multi_reduction <add>, %slice3A_211, %reduce_sum3A_212 [0] : vector<128x256xf32> to vector<256xf32>
    %broadcast_in_dim3A_214 = vector.shape_cast %reduce_sum3A_213 : vector<256xf32> to vector<1x256xf32>
    %div3A_215 = arith.constant 1.280000e+02 : f32
    %div3A_216 = vector.broadcast %div3A_215 : f32 to vector<1x256xf32>
    %div3A_217 = arith.divf %broadcast_in_dim3A_214, %div3A_216 : vector<1x256xf32>
    %slice3A_218 = vector.extract_strided_slice %tanh3A_121 {offsets = [128, 0], sizes = [128, 256], strides = [1, 1]} : vector<512x256xf32> to vector<128x256xf32>
    %reduce_sum3A_219 = arith.constant dense<0.000000e+00> : vector<256xf32>
    %reduce_sum3A_220 = vector.multi_reduction <add>, %slice3A_218, %reduce_sum3A_219 [0] : vector<128x256xf32> to vector<256xf32>
    %broadcast_in_dim3A_221 = vector.shape_cast %reduce_sum3A_220 : vector<256xf32> to vector<1x256xf32>
    %div3A_222 = arith.constant 1.280000e+02 : f32
    %div3A_223 = vector.broadcast %div3A_222 : f32 to vector<1x256xf32>
    %div3A_224 = arith.divf %broadcast_in_dim3A_221, %div3A_223 : vector<1x256xf32>
    %slice3A_225 = vector.extract_strided_slice %tanh3A_176 {offsets = [128, 0], sizes = [128, 256], strides = [1, 1]} : vector<512x256xf32> to vector<128x256xf32>
    %reduce_sum3A_226 = arith.constant dense<0.000000e+00> : vector<256xf32>
    %reduce_sum3A_227 = vector.multi_reduction <add>, %slice3A_225, %reduce_sum3A_226 [0] : vector<128x256xf32> to vector<256xf32>
    %broadcast_in_dim3A_228 = vector.shape_cast %reduce_sum3A_227 : vector<256xf32> to vector<1x256xf32>
    %div3A_229 = arith.constant 1.280000e+02 : f32
    %div3A_230 = vector.broadcast %div3A_229 : f32 to vector<1x256xf32>
    %div3A_231 = arith.divf %broadcast_in_dim3A_228, %div3A_230 : vector<1x256xf32>
    %concatenate3A_232 = tpu.concatenate %div3A_217, %div3A_224, %div3A_231 in 1 : vector<1x256xf32>, vector<1x256xf32>, vector<1x256xf32> -> vector<1x768xf32>
    %mul3A_233 = arith.mulf %concatenate3A_232, %mul3A_181 : vector<1x768xf32>
    %add3A_234 = arith.addf %mul3A_233, %get3A_184 : vector<1x768xf32>
    %swap3A_235 = arith.constant 1 : index
    %swap3A_236 = arith.constant 0 : index
    %swap3A_237 = arith.constant 0 : index
    %swap3A_238 = vector.load %arg16[%swap3A_235, %swap3A_236, %swap3A_237] : memref<4x1x768xf32, #tpu.memory_space<vmem>>, vector<1x1x768xf32>
    %swap3A_239 = vector.shape_cast %swap3A_238 : vector<1x1x768xf32> to vector<1x768xf32>
    %swap3A_240 = vector.shape_cast %add3A_234 : vector<1x768xf32> to vector<1x1x768xf32>
    tpu.vector_store %arg16[%swap3A_235, %swap3A_236, %swap3A_237], %swap3A_240 {strides = array<i32>} : memref<4x1x768xf32, #tpu.memory_space<vmem>>, vector<1x1x768xf32>,
    %slice3A_241 = vector.extract_strided_slice %tanh3A {offsets = [256, 0], sizes = [128, 256], strides = [1, 1]} : vector<512x256xf32> to vector<128x256xf32>
    %reduce_sum3A_242 = arith.constant dense<0.000000e+00> : vector<256xf32>
    %reduce_sum3A_243 = vector.multi_reduction <add>, %slice3A_241, %reduce_sum3A_242 [0] : vector<128x256xf32> to vector<256xf32>
    %broadcast_in_dim3A_244 = vector.shape_cast %reduce_sum3A_243 : vector<256xf32> to vector<1x256xf32>
    %div3A_245 = arith.constant 1.280000e+02 : f32
    %div3A_246 = vector.broadcast %div3A_245 : f32 to vector<1x256xf32>
    %div3A_247 = arith.divf %broadcast_in_dim3A_244, %div3A_246 : vector<1x256xf32>
    %slice3A_248 = vector.extract_strided_slice %tanh3A_121 {offsets = [256, 0], sizes = [128, 256], strides = [1, 1]} : vector<512x256xf32> to vector<128x256xf32>
    %reduce_sum3A_249 = arith.constant dense<0.000000e+00> : vector<256xf32>
    %reduce_sum3A_250 = vector.multi_reduction <add>, %slice3A_248, %reduce_sum3A_249 [0] : vector<128x256xf32> to vector<256xf32>
    %broadcast_in_dim3A_251 = vector.shape_cast %reduce_sum3A_250 : vector<256xf32> to vector<1x256xf32>
    %div3A_252 = arith.constant 1.280000e+02 : f32
    %div3A_253 = vector.broadcast %div3A_252 : f32 to vector<1x256xf32>
    %div3A_254 = arith.divf %broadcast_in_dim3A_251, %div3A_253 : vector<1x256xf32>
    %slice3A_255 = vector.extract_strided_slice %tanh3A_176 {offsets = [256, 0], sizes = [128, 256], strides = [1, 1]} : vector<512x256xf32> to vector<128x256xf32>
    %reduce_sum3A_256 = arith.constant dense<0.000000e+00> : vector<256xf32>
    %reduce_sum3A_257 = vector.multi_reduction <add>, %slice3A_255, %reduce_sum3A_256 [0] : vector<128x256xf32> to vector<256xf32>
    %broadcast_in_dim3A_258 = vector.shape_cast %reduce_sum3A_257 : vector<256xf32> to vector<1x256xf32>
    %div3A_259 = arith.constant 1.280000e+02 : f32
    %div3A_260 = vector.broadcast %div3A_259 : f32 to vector<1x256xf32>
    %div3A_261 = arith.divf %broadcast_in_dim3A_258, %div3A_260 : vector<1x256xf32>
    %concatenate3A_262 = tpu.concatenate %div3A_247, %div3A_254, %div3A_261 in 1 : vector<1x256xf32>, vector<1x256xf32>, vector<1x256xf32> -> vector<1x768xf32>
    %mul3A_263 = arith.mulf %concatenate3A_262, %mul3A_181 : vector<1x768xf32>
    %add3A_264 = arith.addf %mul3A_263, %get3A_184 : vector<1x768xf32>
    %swap3A_265 = arith.constant 2 : index
    %swap3A_266 = arith.constant 0 : index
    %swap3A_267 = arith.constant 0 : index
    %swap3A_268 = vector.load %arg16[%swap3A_265, %swap3A_266, %swap3A_267] : memref<4x1x768xf32, #tpu.memory_space<vmem>>, vector<1x1x768xf32>
    %swap3A_269 = vector.shape_cast %swap3A_268 : vector<1x1x768xf32> to vector<1x768xf32>
    %swap3A_270 = vector.shape_cast %add3A_264 : vector<1x768xf32> to vector<1x1x768xf32>
    tpu.vector_store %arg16[%swap3A_265, %swap3A_266, %swap3A_267], %swap3A_270 {strides = array<i32>} : memref<4x1x768xf32, #tpu.memory_space<vmem>>, vector<1x1x768xf32>,
    %slice3A_271 = vector.extract_strided_slice %tanh3A {offsets = [384, 0], sizes = [128, 256], strides = [1, 1]} : vector<512x256xf32> to vector<128x256xf32>
    %reduce_sum3A_272 = arith.constant dense<0.000000e+00> : vector<256xf32>
    %reduce_sum3A_273 = vector.multi_reduction <add>, %slice3A_271, %reduce_sum3A_272 [0] : vector<128x256xf32> to vector<256xf32>
    %broadcast_in_dim3A_274 = vector.shape_cast %reduce_sum3A_273 : vector<256xf32> to vector<1x256xf32>
    %div3A_275 = arith.constant 1.280000e+02 : f32
    %div3A_276 = vector.broadcast %div3A_275 : f32 to vector<1x256xf32>
    %div3A_277 = arith.divf %broadcast_in_dim3A_274, %div3A_276 : vector<1x256xf32>
    %slice3A_278 = vector.extract_strided_slice %tanh3A_121 {offsets = [384, 0], sizes = [128, 256], strides = [1, 1]} : vector<512x256xf32> to vector<128x256xf32>
    %reduce_sum3A_279 = arith.constant dense<0.000000e+00> : vector<256xf32>
    %reduce_sum3A_280 = vector.multi_reduction <add>, %slice3A_278, %reduce_sum3A_279 [0] : vector<128x256xf32> to vector<256xf32>
    %broadcast_in_dim3A_281 = vector.shape_cast %reduce_sum3A_280 : vector<256xf32> to vector<1x256xf32>
    %div3A_282 = arith.constant 1.280000e+02 : f32
    %div3A_283 = vector.broadcast %div3A_282 : f32 to vector<1x256xf32>
    %div3A_284 = arith.divf %broadcast_in_dim3A_281, %div3A_283 : vector<1x256xf32>
    %slice3A_285 = vector.extract_strided_slice %tanh3A_176 {offsets = [384, 0], sizes = [128, 256], strides = [1, 1]} : vector<512x256xf32> to vector<128x256xf32>
    %reduce_sum3A_286 = arith.constant dense<0.000000e+00> : vector<256xf32>
    %reduce_sum3A_287 = vector.multi_reduction <add>, %slice3A_285, %reduce_sum3A_286 [0] : vector<128x256xf32> to vector<256xf32>
    %broadcast_in_dim3A_288 = vector.shape_cast %reduce_sum3A_287 : vector<256xf32> to vector<1x256xf32>
    %div3A_289 = arith.constant 1.280000e+02 : f32
    %div3A_290 = vector.broadcast %div3A_289 : f32 to vector<1x256xf32>
    %div3A_291 = arith.divf %broadcast_in_dim3A_288, %div3A_290 : vector<1x256xf32>
    %concatenate3A_292 = tpu.concatenate %div3A_277, %div3A_284, %div3A_291 in 1 : vector<1x256xf32>, vector<1x256xf32>, vector<1x256xf32> -> vector<1x768xf32>
    %mul3A_293 = arith.mulf %concatenate3A_292, %mul3A_181 : vector<1x768xf32>
    %add3A_294 = arith.addf %mul3A_293, %get3A_184 : vector<1x768xf32>
    %swap3A_295 = arith.constant 3 : index
    %swap3A_296 = arith.constant 0 : index
    %swap3A_297 = arith.constant 0 : index
    %swap3A_298 = vector.load %arg16[%swap3A_295, %swap3A_296, %swap3A_297] : memref<4x1x768xf32, #tpu.memory_space<vmem>>, vector<1x1x768xf32>
    %swap3A_299 = vector.shape_cast %swap3A_298 : vector<1x1x768xf32> to vector<1x768xf32>
    %swap3A_300 = vector.shape_cast %add3A_294 : vector<1x768xf32> to vector<1x1x768xf32>
    tpu.vector_store %arg16[%swap3A_295, %swap3A_296, %swap3A_297], %swap3A_300 {strides = array<i32>} : memref<4x1x768xf32, #tpu.memory_space<vmem>>, vector<1x1x768xf32>,
    return
  }
  func.func @transform_0(%arg0: i32) -> (i32, i32) {
    %c0_i32 = arith.constant 0 : i32
    %c0_i32_0 = arith.constant 0 : i32
    return %arg0, %c0_i32 : i32, i32
  }
  func.func @transform_1(%arg0: i32) -> i32 {
    %c0_i32 = arith.constant 0 : i32
    return %arg0 : i32
  }
  func.func @transform_2(%arg0: i32) -> (i32, i32) {
    %c0_i32 = arith.constant 0 : i32
    %c0_i32_0 = arith.constant 0 : i32
    %c0_i32_1 = arith.constant 0 : i32
    return %c0_i32, %c0_i32_0 : i32, i32
  }
  func.func @transform_3(%arg0: i32) -> (i32, i32) {
    %c0_i32 = arith.constant 0 : i32
    %c0_i32_0 = arith.constant 0 : i32
    %c0_i32_1 = arith.constant 0 : i32
    return %c0_i32, %c0_i32_0 : i32, i32
  }
  func.func @transform_4(%arg0: i32) -> (i32, i32) {
    %c0_i32 = arith.constant 0 : i32
    %c0_i32_0 = arith.constant 0 : i32
    %c0_i32_1 = arith.constant 0 : i32
    return %c0_i32, %c0_i32_0 : i32, i32
  }
  func.func @transform_5(%arg0: i32) -> (i32, i32) {
    %c0_i32 = arith.constant 0 : i32
    %c0_i32_0 = arith.constant 0 : i32
    %c0_i32_1 = arith.constant 0 : i32
    return %c0_i32, %c0_i32_0 : i32, i32
  }
  func.func @transform_6(%arg0: i32) -> (i32, i32) {
    %c0_i32 = arith.constant 0 : i32
    %c0_i32_0 = arith.constant 0 : i32
    %c0_i32_1 = arith.constant 0 : i32
    return %c0_i32, %c0_i32_0 : i32, i32
  }
  func.func @transform_7(%arg0: i32) -> (i32, i32) {
    %c0_i32 = arith.constant 0 : i32
    %c0_i32_0 = arith.constant 0 : i32
    %c0_i32_1 = arith.constant 0 : i32
    return %c0_i32, %c0_i32_0 : i32, i32
  }
  func.func @transform_8(%arg0: i32) -> (i32, i32) {
    %c0_i32 = arith.constant 0 : i32
    %c0_i32_0 = arith.constant 0 : i32
    %c0_i32_1 = arith.constant 0 : i32
    return %c0_i32, %c0_i32_0 : i32, i32
  }
  func.func @transform_9(%arg0: i32) -> (i32, i32) {
    %c0_i32 = arith.constant 0 : i32
    %c0_i32_0 = arith.constant 0 : i32
    %c0_i32_1 = arith.constant 0 : i32
    return %c0_i32, %c0_i32_0 : i32, i32
  }
  func.func @transform_10(%arg0: i32) -> (i32, i32) {
    %c0_i32 = arith.constant 0 : i32
    %c0_i32_0 = arith.constant 0 : i32
    %c0_i32_1 = arith.constant 0 : i32
    return %c0_i32, %c0_i32_0 : i32, i32
  }
  func.func @transform_11(%arg0: i32) -> (i32, i32) {
    %c0_i32 = arith.constant 0 : i32
    %c0_i32_0 = arith.constant 0 : i32
    %c0_i32_1 = arith.constant 0 : i32
    return %c0_i32, %c0_i32_0 : i32, i32
  }
  func.func @transform_12(%arg0: i32) -> (i32, i32) {
    %c0_i32 = arith.constant 0 : i32
    %c0_i32_0 = arith.constant 0 : i32
    %c0_i32_1 = arith.constant 0 : i32
    return %c0_i32, %c0_i32_0 : i32, i32
  }
  func.func @transform_13(%arg0: i32) -> (i32, i32) {
    %c0_i32 = arith.constant 0 : i32
    %c0_i32_0 = arith.constant 0 : i32
    %c0_i32_1 = arith.constant 0 : i32
    return %c0_i32, %c0_i32_0 : i32, i32
  }
  func.func @transform_14(%arg0: i32) -> (i32, i32) {
    %c0_i32 = arith.constant 0 : i32
    %c0_i32_0 = arith.constant 0 : i32
    %c0_i32_1 = arith.constant 0 : i32
    return %c0_i32, %c0_i32_0 : i32, i32
  }
  func.func @transform_15(%arg0: i32) -> (i32, i32, i32) {
    %c0_i32 = arith.constant 0 : i32
    %c0_i32_0 = arith.constant 0 : i32
    %c0_i32_1 = arith.constant 0 : i32
    return %arg0, %c0_i32, %c0_i32_0 : i32, i32, i32
  }
}

module attributes {stable_mosaic.version = 14 : i64} {
  func.func @_head_body(%arg0: memref<128x8128xf32, #tpu.memory_space<vmem>>, %arg1: memref<128x768xf32, #tpu.memory_space<vmem>>, %arg2: memref<1x8128xf32, #tpu.memory_space<vmem>>, %arg3: memref<1x8128xf32, #tpu.memory_space<vmem>>, %arg4: memref<8896x512xf32, #tpu.memory_space<vmem>>, %arg5: memref<1x512xf32, #tpu.memory_space<vmem>>, %arg6: memref<1x512xf32, #tpu.memory_space<vmem>>, %arg7: memref<1x512xf32, #tpu.memory_space<vmem>>, %arg8: memref<512x256xf32, #tpu.memory_space<vmem>>, %arg9: memref<1x256xf32, #tpu.memory_space<vmem>>, %arg10: memref<1x256xf32, #tpu.memory_space<vmem>>, %arg11: memref<1x256xf32, #tpu.memory_space<vmem>>, %arg12: memref<256x256xf32, #tpu.memory_space<vmem>>, %arg13: memref<1x256xf32, #tpu.memory_space<vmem>>, %arg14: memref<1x256xf32, #tpu.memory_space<vmem>>, %arg15: memref<1x256xf32, #tpu.memory_space<vmem>>, %arg16: memref<256x8xf32, #tpu.memory_space<vmem>>, %arg17: memref<1x8xf32, #tpu.memory_space<vmem>>, %arg18: memref<128x8xf32, #tpu.memory_space<vmem>>) attributes {dimension_semantics = [], scalar_prefetch = 0 : i64, scratch_operands = 0 : i64, tpu.core_type = #tpu.core_type<tc>} {
    %get3A = arith.constant 0 : index
    %get3A_0 = arith.constant 0 : index
    %get3A_1 = vector.load %arg0[%get3A, %get3A_0] : memref<128x8128xf32, #tpu.memory_space<vmem>>, vector<128x8128xf32>
    %get3A_2 = arith.constant 0 : index
    %get3A_3 = arith.constant 0 : index
    %get3A_4 = vector.load %arg2[%get3A_2, %get3A_3] : memref<1x8128xf32, #tpu.memory_space<vmem>>, vector<1x8128xf32>
    %mul3A = arith.constant 0.999994993 : f32
    %mul3A_5 = vector.broadcast %mul3A : f32 to vector<1x8128xf32>
    %mul3A_6 = arith.mulf %get3A_4, %mul3A_5 : vector<1x8128xf32>
    %mul3A_7 = vector.broadcast %mul3A_6 : vector<1x8128xf32> to vector<128x8128xf32>
    %mul3A_8 = arith.mulf %get3A_1, %mul3A_7 : vector<128x8128xf32>
    %get3A_9 = arith.constant 0 : index
    %get3A_10 = arith.constant 0 : index
    %get3A_11 = vector.load %arg3[%get3A_9, %get3A_10] : memref<1x8128xf32, #tpu.memory_space<vmem>>, vector<1x8128xf32>
    %add3A = vector.broadcast %get3A_11 : vector<1x8128xf32> to vector<128x8128xf32>
    %add3A_12 = arith.addf %mul3A_8, %add3A : vector<128x8128xf32>
    %get3A_13 = arith.constant 0 : index
    %get3A_14 = arith.constant 0 : index
    %get3A_15 = vector.load %arg4[%get3A_13, %get3A_14] : memref<8896x512xf32, #tpu.memory_space<vmem>>, vector<8896x512xf32>
    %slice3A = vector.extract_strided_slice %get3A_15 {offsets = [0, 0], sizes = [8128, 512], strides = [1, 1]} : vector<8896x512xf32> to vector<8128x512xf32>
    %dot_general3A = arith.constant dense<0.000000e+00> : vector<128x512xf32>
    %dot_general3A_16 = tpu.matmul %add3A_12, %slice3A, %dot_general3A {dimension_numbers = #tpu.dot_dimension_numbers<[1], [0], [0], [1], [0, 0, 1, 1], [], []>, transpose_lhs_hint = false} : vector<128x8128xf32>, vector<8128x512xf32>, vector<128x512xf32> -> vector<128x512xf32>
    %get3A_17 = arith.constant 0 : index
    %get3A_18 = arith.constant 0 : index
    %get3A_19 = vector.load %arg1[%get3A_17, %get3A_18] : memref<128x768xf32, #tpu.memory_space<vmem>>, vector<128x768xf32>
    %slice3A_20 = vector.extract_strided_slice %get3A_15 {offsets = [8128, 0], sizes = [768, 512], strides = [1, 1]} : vector<8896x512xf32> to vector<768x512xf32>
    %dot_general3A_21 = arith.constant dense<0.000000e+00> : vector<128x512xf32>
    %dot_general3A_22 = tpu.matmul %get3A_19, %slice3A_20, %dot_general3A_21 {dimension_numbers = #tpu.dot_dimension_numbers<[1], [0], [0], [1], [0, 0, 1, 1], [], []>, transpose_lhs_hint = false} : vector<128x768xf32>, vector<768x512xf32>, vector<128x512xf32> -> vector<128x512xf32>
    %add3A_23 = arith.addf %dot_general3A_16, %dot_general3A_22 : vector<128x512xf32>
    %get3A_24 = arith.constant 0 : index
    %get3A_25 = arith.constant 0 : index
    %get3A_26 = vector.load %arg5[%get3A_24, %get3A_25] : memref<1x512xf32, #tpu.memory_space<vmem>>, vector<1x512xf32>
    %add3A_27 = vector.broadcast %get3A_26 : vector<1x512xf32> to vector<128x512xf32>
    %add3A_28 = arith.addf %add3A_23, %add3A_27 : vector<128x512xf32>
    %get3A_29 = arith.constant 0 : index
    %get3A_30 = arith.constant 0 : index
    %get3A_31 = vector.load %arg6[%get3A_29, %get3A_30] : memref<1x512xf32, #tpu.memory_space<vmem>>, vector<1x512xf32>
    %mul3A_32 = arith.constant 0.999994993 : f32
    %mul3A_33 = vector.broadcast %mul3A_32 : f32 to vector<1x512xf32>
    %mul3A_34 = arith.mulf %get3A_31, %mul3A_33 : vector<1x512xf32>
    %mul3A_35 = vector.broadcast %mul3A_34 : vector<1x512xf32> to vector<128x512xf32>
    %mul3A_36 = arith.mulf %add3A_28, %mul3A_35 : vector<128x512xf32>
    %get3A_37 = arith.constant 0 : index
    %get3A_38 = arith.constant 0 : index
    %get3A_39 = vector.load %arg7[%get3A_37, %get3A_38] : memref<1x512xf32, #tpu.memory_space<vmem>>, vector<1x512xf32>
    %add3A_40 = vector.broadcast %get3A_39 : vector<1x512xf32> to vector<128x512xf32>
    %add3A_41 = arith.addf %mul3A_36, %add3A_40 : vector<128x512xf32>
    %max3A = arith.constant 0.000000e+00 : f32
    %max3A_42 = vector.broadcast %max3A : f32 to vector<128x512xf32>
    %max3A_43 = arith.maximumf %add3A_41, %max3A_42 : vector<128x512xf32>
    %get3A_44 = arith.constant 0 : index
    %get3A_45 = arith.constant 0 : index
    %get3A_46 = vector.load %arg8[%get3A_44, %get3A_45] : memref<512x256xf32, #tpu.memory_space<vmem>>, vector<512x256xf32>
    %dot_general3A_47 = arith.constant dense<0.000000e+00> : vector<128x256xf32>
    %dot_general3A_48 = tpu.matmul %max3A_43, %get3A_46, %dot_general3A_47 {dimension_numbers = #tpu.dot_dimension_numbers<[1], [0], [0], [1], [0, 0, 1, 1], [], []>, transpose_lhs_hint = false} : vector<128x512xf32>, vector<512x256xf32>, vector<128x256xf32> -> vector<128x256xf32>
    %get3A_49 = arith.constant 0 : index
    %get3A_50 = arith.constant 0 : index
    %get3A_51 = vector.load %arg9[%get3A_49, %get3A_50] : memref<1x256xf32, #tpu.memory_space<vmem>>, vector<1x256xf32>
    %add3A_52 = vector.broadcast %get3A_51 : vector<1x256xf32> to vector<128x256xf32>
    %add3A_53 = arith.addf %dot_general3A_48, %add3A_52 : vector<128x256xf32>
    %get3A_54 = arith.constant 0 : index
    %get3A_55 = arith.constant 0 : index
    %get3A_56 = vector.load %arg10[%get3A_54, %get3A_55] : memref<1x256xf32, #tpu.memory_space<vmem>>, vector<1x256xf32>
    %mul3A_57 = arith.constant 0.999994993 : f32
    %mul3A_58 = vector.broadcast %mul3A_57 : f32 to vector<1x256xf32>
    %mul3A_59 = arith.mulf %get3A_56, %mul3A_58 : vector<1x256xf32>
    %mul3A_60 = vector.broadcast %mul3A_59 : vector<1x256xf32> to vector<128x256xf32>
    %mul3A_61 = arith.mulf %add3A_53, %mul3A_60 : vector<128x256xf32>
    %get3A_62 = arith.constant 0 : index
    %get3A_63 = arith.constant 0 : index
    %get3A_64 = vector.load %arg11[%get3A_62, %get3A_63] : memref<1x256xf32, #tpu.memory_space<vmem>>, vector<1x256xf32>
    %add3A_65 = vector.broadcast %get3A_64 : vector<1x256xf32> to vector<128x256xf32>
    %add3A_66 = arith.addf %mul3A_61, %add3A_65 : vector<128x256xf32>
    %max3A_67 = arith.constant 0.000000e+00 : f32
    %max3A_68 = vector.broadcast %max3A_67 : f32 to vector<128x256xf32>
    %max3A_69 = arith.maximumf %add3A_66, %max3A_68 : vector<128x256xf32>
    %get3A_70 = arith.constant 0 : index
    %get3A_71 = arith.constant 0 : index
    %get3A_72 = vector.load %arg12[%get3A_70, %get3A_71] : memref<256x256xf32, #tpu.memory_space<vmem>>, vector<256x256xf32>
    %dot_general3A_73 = arith.constant dense<0.000000e+00> : vector<128x256xf32>
    %dot_general3A_74 = tpu.matmul %max3A_69, %get3A_72, %dot_general3A_73 {dimension_numbers = #tpu.dot_dimension_numbers<[1], [0], [0], [1], [0, 0, 1, 1], [], []>, transpose_lhs_hint = false} : vector<128x256xf32>, vector<256x256xf32>, vector<128x256xf32> -> vector<128x256xf32>
    %get3A_75 = arith.constant 0 : index
    %get3A_76 = arith.constant 0 : index
    %get3A_77 = vector.load %arg13[%get3A_75, %get3A_76] : memref<1x256xf32, #tpu.memory_space<vmem>>, vector<1x256xf32>
    %add3A_78 = vector.broadcast %get3A_77 : vector<1x256xf32> to vector<128x256xf32>
    %add3A_79 = arith.addf %dot_general3A_74, %add3A_78 : vector<128x256xf32>
    %get3A_80 = arith.constant 0 : index
    %get3A_81 = arith.constant 0 : index
    %get3A_82 = vector.load %arg14[%get3A_80, %get3A_81] : memref<1x256xf32, #tpu.memory_space<vmem>>, vector<1x256xf32>
    %mul3A_83 = arith.constant 0.999994993 : f32
    %mul3A_84 = vector.broadcast %mul3A_83 : f32 to vector<1x256xf32>
    %mul3A_85 = arith.mulf %get3A_82, %mul3A_84 : vector<1x256xf32>
    %mul3A_86 = vector.broadcast %mul3A_85 : vector<1x256xf32> to vector<128x256xf32>
    %mul3A_87 = arith.mulf %add3A_79, %mul3A_86 : vector<128x256xf32>
    %get3A_88 = arith.constant 0 : index
    %get3A_89 = arith.constant 0 : index
    %get3A_90 = vector.load %arg15[%get3A_88, %get3A_89] : memref<1x256xf32, #tpu.memory_space<vmem>>, vector<1x256xf32>
    %add3A_91 = vector.broadcast %get3A_90 : vector<1x256xf32> to vector<128x256xf32>
    %add3A_92 = arith.addf %mul3A_87, %add3A_91 : vector<128x256xf32>
    %max3A_93 = arith.constant 0.000000e+00 : f32
    %max3A_94 = vector.broadcast %max3A_93 : f32 to vector<128x256xf32>
    %max3A_95 = arith.maximumf %add3A_92, %max3A_94 : vector<128x256xf32>
    %get3A_96 = arith.constant 0 : index
    %get3A_97 = arith.constant 0 : index
    %get3A_98 = vector.load %arg16[%get3A_96, %get3A_97] : memref<256x8xf32, #tpu.memory_space<vmem>>, vector<256x8xf32>
    %dot_general3A_99 = arith.constant dense<0.000000e+00> : vector<128x8xf32>
    %dot_general3A_100 = tpu.matmul %max3A_95, %get3A_98, %dot_general3A_99 {dimension_numbers = #tpu.dot_dimension_numbers<[1], [0], [0], [1], [0, 0, 1, 1], [], []>, transpose_lhs_hint = false} : vector<128x256xf32>, vector<256x8xf32>, vector<128x8xf32> -> vector<128x8xf32>
    %get3A_101 = arith.constant 0 : index
    %get3A_102 = arith.constant 0 : index
    %get3A_103 = vector.load %arg17[%get3A_101, %get3A_102] : memref<1x8xf32, #tpu.memory_space<vmem>>, vector<1x8xf32>
    %add3A_104 = vector.broadcast %get3A_103 : vector<1x8xf32> to vector<128x8xf32>
    %add3A_105 = arith.addf %dot_general3A_100, %add3A_104 : vector<128x8xf32>
    %reduce_max3A = arith.constant dense<0xFF800000> : vector<128xf32>
    %reduce_max3A_106 = vector.multi_reduction <maximumf>, %add3A_105, %reduce_max3A [1] : vector<128x8xf32> to vector<128xf32>
    %broadcast_in_dim3A = vector.shape_cast %reduce_max3A_106 : vector<128xf32> to vector<128x1xf32>
    %sub3A = vector.broadcast %broadcast_in_dim3A : vector<128x1xf32> to vector<128x8xf32>
    %sub3A_107 = arith.subf %add3A_105, %sub3A : vector<128x8xf32>
    %exp3A = math.exp %sub3A_107 : vector<128x8xf32>
    %reduce_sum3A = arith.constant dense<0.000000e+00> : vector<128xf32>
    %reduce_sum3A_108 = vector.multi_reduction <add>, %exp3A, %reduce_sum3A [1] : vector<128x8xf32> to vector<128xf32>
    %broadcast_in_dim3A_109 = vector.shape_cast %reduce_sum3A_108 : vector<128xf32> to vector<128x1xf32>
    %log3A = math.log %broadcast_in_dim3A_109 : vector<128x1xf32>
    %add3A_110 = arith.addf %broadcast_in_dim3A, %log3A : vector<128x1xf32>
    %sub3A_111 = vector.broadcast %add3A_110 : vector<128x1xf32> to vector<128x8xf32>
    %sub3A_112 = arith.subf %add3A_105, %sub3A_111 : vector<128x8xf32>
    %swap3A = arith.constant 0 : index
    %swap3A_113 = arith.constant 0 : index
    %swap3A_114 = vector.load %arg18[%swap3A, %swap3A_113] : memref<128x8xf32, #tpu.memory_space<vmem>>, vector<128x8xf32>
    tpu.vector_store %arg18[%swap3A, %swap3A_113], %sub3A_112 {strides = array<i32>} : memref<128x8xf32, #tpu.memory_space<vmem>>, vector<128x8xf32>,
    return
  }
}

module attributes {stable_mosaic.version = 14 : i64} {
  func.func @_edge_body(%arg0: i32, %arg1: memref<3x16384xf32, #tpu.memory_space<vmem>>, %arg2: memref<16384xf32, #tpu.memory_space<vmem>>, %arg3: memref<2x16384xi32, #tpu.memory_space<vmem>>, %arg4: memref<16384xf32, #tpu.memory_space<vmem>>, %arg5: memref<16384xi32, #tpu.memory_space<vmem>>) attributes {dimension_semantics = [#tpu.dimension_semantics<arbitrary>], iteration_bounds = array<i64: 32>, scalar_prefetch = 0 : i64, scratch_operands = 0 : i64, tpu.core_type = #tpu.core_type<tc>, window_params = [{transform_indices = @transform_0, window_bounds = array<i64: 3, 16384>}, {transform_indices = @transform_1, window_bounds = array<i64: 16384>}, {transform_indices = @transform_2, window_bounds = array<i64: 2, 16384>}, {transform_indices = @transform_3, window_bounds = array<i64: 16384>}, {transform_indices = @transform_4, window_bounds = array<i64: 16384>}]} {
    %get3A = arith.constant 0 : index
    %get3A_0 = arith.constant 0 : index
    %get3A_1 = vector.load %arg1[%get3A, %get3A_0] : memref<3x16384xf32, #tpu.memory_space<vmem>>, vector<1x16384xf32>
    %get3A_2 = vector.shape_cast %get3A_1 : vector<1x16384xf32> to vector<16384xf32>
    %get3A_3 = arith.constant 1 : index
    %get3A_4 = arith.constant 0 : index
    %get3A_5 = vector.load %arg1[%get3A_3, %get3A_4] : memref<3x16384xf32, #tpu.memory_space<vmem>>, vector<1x16384xf32>
    %get3A_6 = vector.shape_cast %get3A_5 : vector<1x16384xf32> to vector<16384xf32>
    %get3A_7 = arith.constant 2 : index
    %get3A_8 = arith.constant 0 : index
    %get3A_9 = vector.load %arg1[%get3A_7, %get3A_8] : memref<3x16384xf32, #tpu.memory_space<vmem>>, vector<1x16384xf32>
    %get3A_10 = vector.shape_cast %get3A_9 : vector<1x16384xf32> to vector<16384xf32>
    %mul3A = arith.mulf %get3A_2, %get3A_2 : vector<16384xf32>
    %mul3A_11 = arith.mulf %get3A_6, %get3A_6 : vector<16384xf32>
    %add3A = arith.addf %mul3A, %mul3A_11 : vector<16384xf32>
    %mul3A_12 = arith.mulf %get3A_10, %get3A_10 : vector<16384xf32>
    %add3A_13 = arith.addf %add3A, %mul3A_12 : vector<16384xf32>
    %sqrt3A = math.sqrt %add3A_13 : vector<16384xf32>
    %get3A_14 = arith.constant 0 : index
    %get3A_15 = vector.load %arg2[%get3A_14] : memref<16384xf32, #tpu.memory_space<vmem>>, vector<16384xf32>
    %neg3A = arith.constant 0.000000e+00 : f32
    %neg3A_16 = vector.broadcast %neg3A : f32 to vector<16384xf32>
    %neg3A_17 = arith.subf %neg3A_16, %sqrt3A : vector<16384xf32>
    %exp3A = math.exp %neg3A_17 : vector<16384xf32>
    %mul3A_18 = arith.mulf %get3A_15, %exp3A : vector<16384xf32>
    %mul3A_19 = arith.constant 1.000000e-01 : f32
    %mul3A_20 = vector.broadcast %mul3A_19 : f32 to vector<16384xf32>
    %mul3A_21 = arith.mulf %mul3A_18, %mul3A_20 : vector<16384xf32>
    %swap3A = arith.constant 0 : index
    %swap3A_22 = vector.load %arg4[%swap3A] : memref<16384xf32, #tpu.memory_space<vmem>>, vector<16384xf32>
    tpu.vector_store %arg4[%swap3A], %mul3A_21 {strides = array<i32>} : memref<16384xf32, #tpu.memory_space<vmem>>, vector<16384xf32>,
    %get3A_23 = arith.constant 0 : index
    %get3A_24 = arith.constant 0 : index
    %get3A_25 = vector.load %arg3[%get3A_23, %get3A_24] : memref<2x16384xi32, #tpu.memory_space<vmem>>, vector<1x16384xi32>
    %get3A_26 = vector.shape_cast %get3A_25 : vector<1x16384xi32> to vector<16384xi32>
    %get3A_27 = arith.constant 1 : index
    %get3A_28 = arith.constant 0 : index
    %get3A_29 = vector.load %arg3[%get3A_27, %get3A_28] : memref<2x16384xi32, #tpu.memory_space<vmem>>, vector<1x16384xi32>
    %get3A_30 = vector.shape_cast %get3A_29 : vector<1x16384xi32> to vector<16384xi32>
    %mul3A_31 = arith.constant 128 : i32
    %mul3A_32 = vector.broadcast %mul3A_31 : i32 to vector<16384xi32>
    %mul3A_33 = arith.muli %get3A_30, %mul3A_32 : vector<16384xi32>
    %and3A = arith.constant 127 : i32
    %and3A_34 = vector.broadcast %and3A : i32 to vector<16384xi32>
    %and3A_35 = arith.andi %get3A_26, %and3A_34 : vector<16384xi32>
    %add3A_36 = arith.addi %mul3A_33, %and3A_35 : vector<16384xi32>
    %swap3A_37 = arith.constant 0 : index
    %swap3A_38 = vector.load %arg5[%swap3A_37] : memref<16384xi32, #tpu.memory_space<vmem>>, vector<16384xi32>
    tpu.vector_store %arg5[%swap3A_37], %add3A_36 {strides = array<i32>} : memref<16384xi32, #tpu.memory_space<vmem>>, vector<16384xi32>,
    return
  }
  func.func @transform_0(%arg0: i32) -> (i32, i32) {
    %c0_i32 = arith.constant 0 : i32
    %c0_i32_0 = arith.constant 0 : i32
    return %c0_i32, %arg0 : i32, i32
  }
  func.func @transform_1(%arg0: i32) -> i32 {
    %c0_i32 = arith.constant 0 : i32
    return %arg0 : i32
  }
  func.func @transform_2(%arg0: i32) -> (i32, i32) {
    %c0_i32 = arith.constant 0 : i32
    %c0_i32_0 = arith.constant 0 : i32
    return %c0_i32, %arg0 : i32, i32
  }
  func.func @transform_3(%arg0: i32) -> i32 {
    %c0_i32 = arith.constant 0 : i32
    return %arg0 : i32
  }
  func.func @transform_4(%arg0: i32) -> i32 {
    %c0_i32 = arith.constant 0 : i32
    return %arg0 : i32
  }
}

</mosaic_0001>

<sc_bundles>
// kernel: kernel.10.cloned.1.call-start
scs
__scs_entry_jumppad:
0x0: {  	(pc) =	sbr.rel $0x88, $3  }
0x1: {  	(tag) =	ssettag $0x0;
	lr =	simm.s32 $0x1  }
0x2: {  	[smem:$0x3F80] =	sst lr;
	_ =	strace $0xD0000000  }
0x3: {  	_ = 	snop  }
0x4: {  	_ = 	snop  }
0x5: {  	_ = 	snop  }
0x6: {  	_ = 	snop  }
0x7: {  	_ = 	snop  }
__scs_overlays_trampoline_lowered:
0x8: {  	[smem:$0x3F8F] =	sst s0  }
0x9: {  	[smem:$0x3F90] =	sst s1  }
0xa: {  	[smem:$0x3F91] =	sst s2  }
0xb: {  	[smem:$0x3F92] =	sst s3  }
0xc: {  	[smem:$0x3F93] =	sst s4  }
0xd: {  	[smem:$0x3F94] =	sst s5  }
0xe: {  	[smem:$0x3F95] =	sst s6  }
0xf: {  	[smem:$0x3F96] =	sst s7  }
0x10: {  	[smem:$0x3F97] =	sst s8  }
0x11: {  	[smem:$0x3F98] =	sst s9;
	s0 =	simm.s32 @!p0 $0x0  }
0x12: {  	s1 =	sld [smem:$0x3F7E];
	s0 =	simm.s32 @p0 $0x1  }
0x13: {  	[smem:$0x3F99] =	sst s0;
	s0 =	simm.s32 @!p1 $0x0  }
0x14: {  	s2 =	sld [smem:$0x3F7D];
	s0 =	simm.s32 @p1 $0x1  }
0x15: {  	[smem:$0x3F9A] =	sst s0;
	s0 =	simm.s32 @!p2 $0x0  }
0x16: {  	s3 =	sld [smem:$0x3FDB];
	s0 =	simm.s32 @p2 $0x1  }
0x17: {  	s4 =	simm.s32 $0x1BF5;
	[smem:$0x3F9C] =	sst s0  }
0x18: {  	s0 =	sld [smem:$0x3F7F];
	_ =	swait.ge [sflag:s4], $0x0  }
0x19: {  	s7 =	sld [smem:$0x3F80]  }
0x1a: {  	s8 =	sadd.s32 $0xFFFFE003, lr  }
0x1b: {  	s9 =	sadd.s32 $0xFFFFFEF7, lr;
	s5 =	simm.s32 $0xFFFFFFFF;
	p2 =	slt.u32 s8, $0xFFFFF086  }
0x1c: {  	p1 =	slt.u32 s9, $0xF7A;
	s5 =	simm.s32 @!p2 $0x0  }
0x1d: {  	s5 =	simm.s32 @p1 $0x1;
	p0 =	seq.s32 s7, s2  }
0x1e: {  	s7 =	smul.u32 @!p0 $0xF7A, s2;
	p2 =	seq.s32 @!p0 s5, $0x0  }
0x1f: {  	s9 =	smul.u32 $0xF7A, s1;
	s8 =	simm.s32 @!p0 $0x1BF5;
	p2 =	por !p2, p0  }
0x20: {  	[sflag:s8] =	ssyncset.s32 @!p0 $0xFFFFF086;
	s6 =	sadd.s32 @!p0 s3, s7;
	s7 =	simm.s32 @!p0 $0x108  }
0x21: {  	s3 =	sadd.s32 s3, s9;
	s6 =	sadd.s32 @!p0 $0x88, s6;
	s7 =	simm.s32 @p2 $0x1082  }
0x22: {  	[simem:s7], [sflag:s8] =	dma.local @!p0 [hbm:s6], $0xF7A  }
0x23: {  	s9 =	sor.u32 $0xD0000000, s2;
	s6 =	simm.s32 $0x108;
	_ =	swait.ge @!p0 [sflag:s8], $0x0  }
0x24: {  	s3 =	sadd.s32 $0x88, s3;
	s6 =	simm.s32 @!p1 $0x1082;
	[sflag:s4] =	ssyncset.s32 $0xFFFFF086  }
0x25: {  	[simem:s6], [sflag:s4] =	dma.local [hbm:s3], $0xF7A  }
0x26: {  	[smem:$0x3F80] =	sst s1;
	(tag) =	ssettag s2;
	_ =	strace s9  }
0x27: {  	s1 =	sld [smem:$0x3F90]  }
0x28: {  	s2 =	sld [smem:$0x3F91]  }
0x29: {  	s4 =	sld [smem:$0x3F93]  }
0x2a: {  	p0 =	seq.s32 s5, $0x0;
	s5 =	sld [smem:$0x3F94]  }
0x2b: {  	s6 =	sld [smem:$0x3F95]  }
0x2c: {  	s7 =	sld [smem:$0x3F96]  }
0x2d: {  	s3 =	simm.s32 $0x108;
	s8 =	sld [smem:$0x3F97]  }
0x2e: {  	s3 =	simm.s32 @!p0 $0x1082;
	s9 =	sld [smem:$0x3F98]  }
0x2f: {  	lr =	sadd.s32 s0, s3;
	s0 =	sld [smem:$0x3F8F]  }
0x30: {  	s3 =	sld [smem:$0x3F92]  }
0x31: {  	[smem:$0x3F9B] =	sst s10  }
0x32: {  	s10 =	sld [smem:$0x3F99];
	_ =	sdelay $0x3  }
0x33: {  	p0 =	seq.s32 s10, $0x1;
	s10 =	sld [smem:$0x3F9B];
	_ =	sdelay $0x3  }
0x34: {  	[smem:$0x3F9B] =	sst s10  }
0x35: {  	s10 =	sld [smem:$0x3F9A];
	_ =	sdelay $0x3  }
0x36: {  	p1 =	seq.s32 s10, $0x1;
	s10 =	sld [smem:$0x3F9B];
	_ =	sdelay $0x3  }
0x37: {  	[smem:$0x3F9B] =	sst s10  }
0x38: {  	s10 =	sld [smem:$0x3F9C]  }
0x39: {  	_ = 	snop;
	(pc) =	sbr.ind lr, $3  }
0x3a: {  	_ = 	snop  }
0x3b: {  	_ = 	snop  }
0x3c: {  	p2 =	seq.s32 s10, $0x1;
	s10 =	sld [smem:$0x3F9B]  }
0x3d: {  	_ =	shalt  }
0x3e: {  	_ =	shalt  }
0x3f: {  	_ =	shalt  }
0x40: {  	_ =	shalt  }
0x41: {  	_ =	shalt  }
0x42: {  	_ =	shalt  }
0x43: {  	_ =	shalt  }
0x44: {  	_ =	shalt  }
0x45: {  	_ =	shalt  }
0x46: {  	_ =	shalt  }
0x47: {  	_ =	shalt  }
0x48: {  	_ =	shalt  }
0x49: {  	_ =	shalt  }
0x4a: {  	_ =	shalt  }
0x4b: {  	_ =	shalt  }
0x4c: {  	_ =	shalt  }
0x4d: {  	_ =	shalt  }
0x4e: {  	_ =	shalt  }
0x4f: {  	_ =	shalt  }
0x50: {  	_ =	shalt  }
0x51: {  	_ =	shalt  }
0x52: {  	_ =	shalt  }
0x53: {  	_ =	shalt  }
0x54: {  	_ =	shalt  }
0x55: {  	_ =	shalt  }
0x56: {  	_ =	shalt  }
0x57: {  	_ =	shalt  }
0x58: {  	_ =	shalt  }
0x59: {  	_ =	shalt  }
0x5a: {  	_ =	shalt  }
0x5b: {  	_ =	shalt  }
0x5c: {  	_ =	shalt  }
0x5d: {  	_ =	shalt  }
0x5e: {  	_ =	shalt  }
0x5f: {  	_ =	shalt  }
0x60: {  	_ =	shalt  }
0x61: {  	_ =	shalt  }
0x62: {  	_ =	shalt  }
0x63: {  	_ =	shalt  }
0x64: {  	_ =	shalt  }
0x65: {  	_ =	shalt  }
0x66: {  	_ =	shalt  }
0x67: {  	_ =	shalt  }
0x68: {  	_ =	shalt  }
0x69: {  	_ =	shalt  }
0x6a: {  	_ =	shalt  }
0x6b: {  	_ =	shalt  }
0x6c: {  	_ =	shalt  }
0x6d: {  	_ =	shalt  }
0x6e: {  	_ =	shalt  }
0x6f: {  	_ =	shalt  }
0x70: {  	_ =	shalt  }
0x71: {  	_ =	shalt  }
0x72: {  	_ =	shalt  }
0x73: {  	_ =	shalt  }
0x74: {  	_ =	shalt  }
0x75: {  	_ =	shalt  }
0x76: {  	_ =	shalt  }
0x77: {  	_ =	shalt  }
0x78: {  	_ =	shalt  }
0x79: {  	_ =	shalt  }
0x7a: {  	_ =	shalt  }
0x7b: {  	_ =	shalt  }
0x7c: {  	_ =	shalt  }
0x7d: {  	_ =	shalt  }
0x7e: {  	_ =	shalt  }
0x7f: {  	_ =	shalt  }
0x80: {  	_ =	shalt  }
0x81: {  	_ =	shalt  }
0x82: {  	_ =	shalt  }
0x83: {  	_ =	shalt  }
0x84: {  	_ =	shalt  }
0x85: {  	_ =	shalt  }
0x86: {  	_ =	shalt  }
0x87: {  	_ =	shalt  }
.Lfunc_end0:
.L_simem_size_0:
called_computation.1_lowered:
.L_overlay_start_0:
0x88: {  	s2 =	sld [smem:$0x3FD9]  }
0x89: {  	s3 =	sld [smem:$0x3FFE];
	_ =	sdelay $0x1  }
0x8a: {  	s1 =	srdreg.scid  }
0x8b: {  	s0 =	sand.u32 $0x1, s1  }
0x8c: {  	s17 =	sshll.u32 s0, $0xA;
	s2 =	sadd.s32 s3, s2  }
0x8d: {  	s2 =	sadd.s32 s2, s17  }
0x8e: {  	[smem:$0x3FA7] =	sst s2  }
0x8f: {  	_ = 	snop  }
0x90: {  	s18 =	sld [smem:$0x3FC9];
	(tm) =	ssettm $0x1  }
0x91: {  	s19 =	sld [smem:$0x3FFB];
	_ =	sdelay $0x3  }
0x92: {  	_ =	strace s19  }
0x93: {  	s2 =	sld [smem:$0x3FFC];
	_ =	sdelay $0x3  }
0x94: {  	_ =	strace s2  }
0x95: {  	s2 =	sld [smem:$0x3FFD];
	_ =	sdelay $0x3  }
0x96: {  	_ =	strace s2  }
0x97: {  	_ =	strace $0x8FFFFFFF  }
0x98: {  	s20 =	sld [smem:$0x3FDB];
	_ =	sdelay $0x1  }
0x99: {  	s4 =	simm.s32 $_scs_section_size  }
0x9a: {  	s5 =	simm.s32 $_size__tile_overlayer_lowered;
	s6 =	simm.s32 $_tile_overlayer_lowered  }
0x9b: {  	s7 =	simm.s32 $0x1BFF;
	s21 =	sshll.u32 s6, $0x1;
	s4 =	sadd.s32 s4, s20  }
0x9c: {  	s22 =	simm.s32 $0x0;
	s5 =	sshll.u32 s5, $0x1;
	s6 =	sadd.s32 s21, s4  }
0x9d: {  	[timem:s22], [sflag:s7] =	dma.local [hbm:s6], s5  }
0x9e: {  	_ =	swait.ge [sflag:s7], s5  }
0x9f: {  	s5 =	ssub.s32 $0x0, s5;
	[sflag:s7] =	ssyncset.done $0x0  }
0xa0: {  	[sflag:s7] =	ssyncadd.s32 s5;
	_ =	sdelay $0x1  }
0xa1: {  	s23 =	simm.s32 $0x1B8B  }
0xa2: {  	_ =	swait.ge [sflag:s23], $0x1  }
0xa3: {  	[sflag:s23] =	ssyncset.done $0x0  }
0xa4: {  	[sflag:s23] =	ssyncadd.s32 $0xFFFFFFFF  }
0xa5: {  	s5 =	sld [smem:$0x0]  }
0xa6: {  	s6 =	sand.u32 $0xFFFFFFFE, s1  }
0xa7: {  	p0 =	sne.s32 s1, s6  }
0xa8: {  	s6 =	sshll.u32 @p0 s6, $0xE  }
0xa9: {  	s6 =	sadd.s32 @p0 $0x11B8D, s6;
	s7 =	sshll.u32 @p0 s5, $0x11  }
0xaa: {  	s6 =	sor.u32 @p0 s7, s6  }
0xab: {  	[sflag:s6] =	ssyncadd.remote.s32 @p0 $0x1;
	_ =	sdelay $0x1  }
0xac: {  	s6 =	simm.s32 @p0 $0x1B8D  }
0xad: {  	_ =	swait.eq @p0 [sflag:s6], $0x1  }
0xae: {  	[sflag:s6] =	ssyncadd.s32 @p0 $0xFFFFFFFF  }
0xaf: {  	s7 =	sshll.u32 @!p0 s1, $0xE  }
0xb0: {  	s7 =	sor.u32 @!p0 $0x4000, s7;
	s6 =	simm.s32 @!p0 $0x1B8D  }
0xb1: {  	s5 =	sshll.u32 @!p0 s5, $0x11;
	s7 =	sadd.s32 @!p0 $0x11B8D, s7;
	_ =	swait.eq @!p0 [sflag:s6], $0x1  }
0xb2: {  	s5 =	sor.u32 @!p0 s5, s7;
	[sflag:s6] =	ssyncadd.s32 @!p0 $0xFFFFFFFF  }
0xb3: {  	s25 =	simm.s32 $0x1B8E;
	s24 =	sld [smem:$0x3FFE];
	[sflag:s5] =	ssyncadd.remote.s32 @!p0 $0x1  }
0xb4: {  	s26 =	simm.s32 $execute0_lowered;
	[smem:$0x3FD2] =	sst s25  }
0xb5: {  	s6 =	sshll.u32 s26, $0x1;
	_ =	strace $0x80000049;
	[dreg:$0x1] =	wrdreg $0xFFFFFFFF  }
0xb6: {  	s28 =	simm.s32 $_size_execute0_lowered;
	s4 =	sadd.s32 s4, s6;
	[dreg:$0x0] =	wrdreg $0x0  }
0xb7: {  	s6 =	sshll.u32 s28, $0x1;
	[dreg:$0x2] =	wrdreg s4  }
0xb8: {  	[dreg:$0x3] =	wrdreg s6  }
0xb9: {  	[dreg:$0x4] =	wrdreg $0xC0  }
0xba: {  	_ =	task [dreg:s22], $0x5FFFF  }
0xbb: {  	[dreg:$0x1] =	wrdreg $0xFFFFFFFF  }
0xbc: {  	[dreg:$0x0] =	wrdreg $0x60  }
0xbd: {  	[dreg:$0x2] =	wrdreg s18  }
0xbe: {  	[dreg:$0x3] =	wrdreg s24  }
0xbf: {  	[dreg:$0x4] =	wrdreg $0xA  }
0xc0: {  	_ =	task.clear_ibuf [dreg:s22], $0x5FFFF;
	_ =	strace $0x90000049  }
0xc1: {  	s29 =	simm.s32 $0xA;
	_ =	strace $0x8000004B  }
0xc2: {  	_ =	swait.ge [sflag:s29], $0x1  }
0xc3: {  	[sflag:s29] =	ssyncadd.s32 $0xFFFFFFFF  }
0xc4: {  	_ =	strace $0x9000004B  }
0xc5: {  	_ =	sfence  }
0xc6: {  	s30 =	sld [smem:$0x0];
	_ =	sdelay $0x2  }
0xc7: {  	s31 =	sshll.u32 s1, $0xD;
	s1 =	sshrl.u32 s1, $0x2  }
0xc8: {  	s4 =	sand.u32 $0x4000, s31;
	s1 =	sadd.s32 s1, s30  }
0xc9: {  	s0 =	sor.u32 s4, s0;
	s1 =	sshll.u32 s1, $0x11  }
0xca: {  	s0 =	sor.u32 s1, s0  }
0xcb: {  	s0 =	sadd.s32 $0x8F2B, s0  }
0xcc: {  	[sflag:s0] =	ssyncadd.remote.s32 $0x1  }
0xcd: {  	_ =	sfence.sel $0xFFFF  }
0xce: {  	[dreg:$0x0] =	wrdreg $0xFFFFFFFF;
	(pc) =	sbr.abs _section_cstart, $3  }
0xcf: {  	[dreg:$0x1] =	wrdreg $0xFFFFFFFF  }
0xd0: {  	_ =	task.clear_ibuf [dreg:s22], $0x2FFFF;
	_ =	strace $0x9FFFFFFF  }
0xd1: {  	(tm) =	ssettm $0x7FFFFFFF  }
tec
execute0_lowered:
.L_overlay_start_1:
0x0: {  	(tag) =	ssettag $0x1  }
0x1: {  	s12 =	rddreg [dreg:$0x0]  }
0x2: {  	s4 =	rddreg [dreg:$0x1];
	s2 =	srdreg.scid  }
0x3: {  	s0 =	rddreg [dreg:$0x2];
	s1 =	stileid.u32  }
0x4: {  	s16 =	simm.s32 $0x0;
	s3 =	sand.u32 $0x1, s2;
	s2 =	simm.s32 $0x0  }
0x5: {  	s5 =	sshll.u32 s1, $0x3;
	s13 =	sadd.s32 $0x65C00, s4;
	s6 =	sshll.u32 s3, $0x2  }
0x6: {  	[smem:$0x7FF] =	sst s2;
	s26 =	ssub.s32 $0x2, s3;
	s3 =	sadd.s32 $0x65800, s4  }
0x7: {  	s8 =	sor.u32 s6, s5;
	_ =	strace $0x8000004A;
	s28 =	sshrl.u32 s26, $0x1  }
0x8: {  	s11 =	sor.u32 $0x3, s8;
	s5 =	ssub.s32 s26, s28;
	s9 =	smul.u32 $0x3F8, s8  }
0x9: {  	s29 =	sshll.u32 s8, $0xB;
	s30 =	sor.u32 $0x1, s8;
	s14 =	sor.u32 $0x2, s8  }
0xa: {  	s7 =	smul.u32 $0x3F8, s11;
	s5 =	smax.u32 s5, $0x1;
	s6 =	sadd.s32 s12, s29  }
0xb: {  	s10 =	sshll.u32 s30, $0xB;
	s31 =	sshll.u32 s14, $0xB;
	s14 =	smul.u32 $0x3F8, s14  }
0xc: {  	s15 =	sshll.u32 s11, $0xB;
	s8 =	sadd.s32 s12, s10;
	s10 =	sadd.s32 s12, s31  }
0xd: {  	s4 =	sadd.s32 s13, s7;
	s7 =	sadd.s32 s13, s9;
	s9 =	smul.u32 $0x3F8, s30  }
0xe: {  	s12 =	sadd.s32 s12, s15;
	s15 =	simm.s32 $0x4000;
	s11 =	sadd.s32 s13, s14  }
0xf: {  	s14 =	simm.s32 $0x1;
	s9 =	sadd.s32 s13, s9;
	s13 =	simm.s32 $0x6000  }
.LBB2_1:
0x10: {  	[tilespmem:s13], [sflag:$0x1] =	stream.linear.gather [hbm4b:s3+s2], $0x2000, $0x38;
	[tilespmem:$0x8000] =	vst v63  }
0x11: {  	_ =	swait.ge [sflag:s14], $0x2000  }
0x12: {  	[sflag:s14] =	ssyncset.done $0x0  }
0x13: {  	[sflag:s14] =	ssyncadd.s32 $0xFFFFE000  }
0x14: {  	[tilespmem:s2], [sflag:$0x1] =	stream.linear.gather [hbm4b:s6+s2], $0x4000, $0x38;
	[tilespmem:$0x8000] =	vst v63  }
0x15: {  	_ =	swait.ge [sflag:s14], $0x4000  }
0x16: {  	[sflag:s14] =	ssyncset.done $0x0  }
0x17: {  	s17 =	simm.s32 $0x0;
	[sflag:s14] =	ssyncadd.s32 $0xFFFFC000  }
0x18: {  	v0 =	vld [tilespmem:s17+$0x6000];
	_ =	sdelay $0x7  }
0x19: {  	s18 =	simm.s32 $0x10;
	s19 =	simm.s32 $0x80;
	v0 =	vld.idx.msk [tilespmem:v0+s2+$0x0], $0xffff  }
.LBB2_2:
0x1a: {  	p0 =	sne.s32 s19, $0x7EC0;
	v1 =	vld [tilespmem:s18+$0x6000];
	_ =	sdelay $0x3  }
.Ltmp0:
0x1b: {  	(pc) =	sbr.rel @p0 .LBB2_2-.Ltmp0, $2  }
0x1c: {  	[tilespmem:s17+$0x4000] =	vst v0;
	s17 =	smov.u32 s18;
	_ =	sdelay $0x2  }
0x1d: {  	s18 =	sshra.s32 s19, $0x2;
	s19 =	sadd.s32 $0x40, s19;
	v0 =	vld.idx.msk [tilespmem:v1+s2+$0x0], $0xffff  }
0x1e: {  	v1 =	vld [tilespmem:s18+$0x6000];
	_ =	sdelay $0x6  }
0x1f: {  	[tilespmem:s17+$0x4000] =	vst v0  }
0x20: {  	v0 =	vld.idx.msk [tilespmem:v1+s2+$0x0], $0xffff;
	_ =	sdelay $0x4  }
0x21: {  	s31 =	simm.s32 $0x0;
	[tilespmem:s18+$0x4000] =	vst v0  }
0x22: {  	[hbm4b:s7+s31] =	stream.linear.scatter [tilespmem:s15], [sflag:$0x1], $0x1FC0, $0x38;
	[tilespmem:$0x8000] =	vst v63  }
0x23: {  	_ =	swait.ge [sflag:s14], $0x1FC0  }
0x24: {  	[sflag:s14] =	ssyncset.done $0x0  }
0x25: {  	[sflag:s14] =	ssyncadd.s32 $0xFFFFE040  }
0x26: {  	[tilespmem:s31], [sflag:$0x1] =	stream.linear.gather [hbm4b:s8+s31], $0x4000, $0x38;
	[tilespmem:$0x8000] =	vst v63  }
0x27: {  	_ =	swait.ge [sflag:s14], $0x4000  }
0x28: {  	[sflag:s14] =	ssyncset.done $0x0  }
0x29: {  	s17 =	simm.s32 $0x0;
	[sflag:s14] =	ssyncadd.s32 $0xFFFFC000  }
0x2a: {  	v0 =	vld [tilespmem:s17+$0x6000];
	_ =	sdelay $0x7  }
0x2b: {  	s19 =	simm.s32 $0x80;
	s18 =	simm.s32 $0x10;
	v0 =	vld.idx.msk [tilespmem:v0+s2+$0x0], $0xffff  }
.LBB2_4:
0x2c: {  	p0 =	sne.s32 s19, $0x7EC0;
	v1 =	vld [tilespmem:s18+$0x6000];
	_ =	sdelay $0x3  }
.Ltmp1:
0x2d: {  	(pc) =	sbr.rel @p0 .LBB2_4-.Ltmp1, $2  }
0x2e: {  	[tilespmem:s17+$0x4000] =	vst v0;
	s17 =	smov.u32 s18;
	_ =	sdelay $0x2  }
0x2f: {  	s18 =	sshra.s32 s19, $0x2;
	s19 =	sadd.s32 $0x40, s19;
	v0 =	vld.idx.msk [tilespmem:v1+s2+$0x0], $0xffff  }
0x30: {  	v1 =	vld [tilespmem:s18+$0x6000];
	_ =	sdelay $0x6  }
0x31: {  	[tilespmem:s17+$0x4000] =	vst v0  }
0x32: {  	v0 =	vld.idx.msk [tilespmem:v1+s2+$0x0], $0xffff;
	_ =	sdelay $0x4  }
0x33: {  	s31 =	simm.s32 $0x0;
	[tilespmem:s18+$0x4000] =	vst v0  }
0x34: {  	[hbm4b:s9+s31] =	stream.linear.scatter [tilespmem:s15], [sflag:$0x1], $0x1FC0, $0x38;
	[tilespmem:$0x8000] =	vst v63  }
0x35: {  	_ =	swait.ge [sflag:s14], $0x1FC0  }
0x36: {  	[sflag:s14] =	ssyncset.done $0x0  }
0x37: {  	[sflag:s14] =	ssyncadd.s32 $0xFFFFE040  }
0x38: {  	[tilespmem:s31], [sflag:$0x1] =	stream.linear.gather [hbm4b:s10+s31], $0x4000, $0x38;
	[tilespmem:$0x8000] =	vst v63  }
0x39: {  	_ =	swait.ge [sflag:s14], $0x4000  }
0x3a: {  	[sflag:s14] =	ssyncset.done $0x0  }
0x3b: {  	s17 =	simm.s32 $0x0;
	[sflag:s14] =	ssyncadd.s32 $0xFFFFC000  }
0x3c: {  	v0 =	vld [tilespmem:s17+$0x6000];
	_ =	sdelay $0x7  }
0x3d: {  	s19 =	simm.s32 $0x80;
	s18 =	simm.s32 $0x10;
	v0 =	vld.idx.msk [tilespmem:v0+s2+$0x0], $0xffff  }
.LBB2_6:
0x3e: {  	p0 =	sne.s32 s19, $0x7EC0;
	v1 =	vld [tilespmem:s18+$0x6000];
	_ =	sdelay $0x3  }
.Ltmp2:
0x3f: {  	(pc) =	sbr.rel @p0 .LBB2_6-.Ltmp2, $2  }
0x40: {  	[tilespmem:s17+$0x4000] =	vst v0;
	s17 =	smov.u32 s18;
	_ =	sdelay $0x2  }
0x41: {  	s18 =	sshra.s32 s19, $0x2;
	s19 =	sadd.s32 $0x40, s19;
	v0 =	vld.idx.msk [tilespmem:v1+s2+$0x0], $0xffff  }
0x42: {  	v1 =	vld [tilespmem:s18+$0x6000];
	_ =	sdelay $0x6  }
0x43: {  	[tilespmem:s17+$0x4000] =	vst v0  }
0x44: {  	v0 =	vld.idx.msk [tilespmem:v1+s2+$0x0], $0xffff;
	_ =	sdelay $0x4  }
0x45: {  	s31 =	simm.s32 $0x0;
	[tilespmem:s18+$0x4000] =	vst v0  }
0x46: {  	[hbm4b:s11+s31] =	stream.linear.scatter [tilespmem:s15], [sflag:$0x1], $0x1FC0, $0x38;
	[tilespmem:$0x8000] =	vst v63  }
0x47: {  	_ =	swait.ge [sflag:s14], $0x1FC0  }
0x48: {  	[sflag:s14] =	ssyncset.done $0x0  }
0x49: {  	[sflag:s14] =	ssyncadd.s32 $0xFFFFE040  }
0x4a: {  	[tilespmem:s31], [sflag:$0x1] =	stream.linear.gather [hbm4b:s12+s31], $0x4000, $0x38;
	[tilespmem:$0x8000] =	vst v63  }
0x4b: {  	_ =	swait.ge [sflag:s14], $0x4000  }
0x4c: {  	[sflag:s14] =	ssyncset.done $0x0  }
0x4d: {  	s17 =	simm.s32 $0x0;
	[sflag:s14] =	ssyncadd.s32 $0xFFFFC000  }
0x4e: {  	v0 =	vld [tilespmem:s17+$0x6000];
	_ =	sdelay $0x7  }
0x4f: {  	s19 =	simm.s32 $0x80;
	s18 =	simm.s32 $0x10;
	v0 =	vld.idx.msk [tilespmem:v0+s2+$0x0], $0xffff  }
.LBB2_8:
0x50: {  	p0 =	sne.s32 s19, $0x7EC0;
	v1 =	vld [tilespmem:s18+$0x6000];
	_ =	sdelay $0x3  }
.Ltmp3:
0x51: {  	(pc) =	sbr.rel @p0 .LBB2_8-.Ltmp3, $2  }
0x52: {  	[tilespmem:s17+$0x4000] =	vst v0;
	s17 =	smov.u32 s18;
	_ =	sdelay $0x2  }
0x53: {  	s18 =	sshra.s32 s19, $0x2;
	s19 =	sadd.s32 $0x40, s19;
	v0 =	vld.idx.msk [tilespmem:v1+s2+$0x0], $0xffff  }
0x54: {  	v1 =	vld [tilespmem:s18+$0x6000];
	_ =	sdelay $0x6  }
0x55: {  	[tilespmem:s17+$0x4000] =	vst v0  }
0x56: {  	v0 =	vld.idx.msk [tilespmem:v1+s2+$0x0], $0xffff;
	_ =	sdelay $0x2  }
0x57: {  	s16 =	sadd.s32 $0x1, s16  }
0x58: {  	p0 =	sne.s32 s16, s5  }
.Ltmp4:
0x59: {  	[tilespmem:s18+$0x4000] =	vst v0;
	(pc) =	sbr.rel @p0 .LBB2_1-.Ltmp4, $4  }
0x5a: {  	[hbm4b:s4+s2] =	stream.linear.scatter [tilespmem:s15], [sflag:$0x1], $0x1FC0, $0x38;
	[tilespmem:$0x8000] =	vst v63  }
0x5b: {  	_ =	swait.ge [sflag:s14], $0x1FC0  }
0x5c: {  	[sflag:s14] =	ssyncset.done $0x0  }
0x5d: {  	[sflag:s14] =	ssyncadd.s32 $0xFFFFE040  }
0x5e: {  	_ =	sfence.sel $0x180000  }
0x5f: {  	[bflag:$0x0] =	sbarrier.arrive $0xFFFF  }
0x60: {  	p0 =	sne.s32 s1, $0x0;
	_ =	strace $0x9000004A  }
0x61: {  	s0 =	sadd.s32 @!p0 $0x100000, s0;
	[bflag:$0x2] =	sbarrier.arrive $0xFFFF  }
0x62: {  	[sflag:s0] =	ssyncadd.tile.s32 @!p0 $0x1;
	_ =	shalt  }
.Lfunc_end2:
_tile_overlayer_lowered:
.L_overlay_start_2:
0x63: {  	(tag) =	ssettag $0x2  }
0x64: {  	s0 =	rddreg [dreg:$0x0];
	s2 =	stileid.u32  }
0x65: {  	s1 =	rddreg [dreg:$0x1];
	p0 =	sne.s32 s2, $0x0  }
0x66: {  	s3 =	rddreg [dreg:$0x2];
	[bflag:$0x3] =	sbarrier.arrive $0xFFFF;
	s2 =	simm.s32 @!p0 $0x1C01  }
0x67: {  	[timem:s3], [sflag:s2] =	dma.local @!p0 [hbm:s0], s1  }
0x68: {  	s0 =	simm.s32 @!p0 $0x1  }
0x69: {  	_ =	swait.ge @!p0 [sflag:s0], s1  }
0x6a: {  	s1 =	ssub.s32 @!p0 $0x0, s1;
	[sflag:s0] =	ssyncset.done @!p0 $0x0  }
0x6b: {  	[sflag:s0] =	ssyncadd.s32 @!p0 s1  }
0x6c: {  	[bflag:$0x3] =	sbarrier.arrive $0xFFFF  }
0x6d: {  	_ =	shalt  }

// kernel: kernel.7.cloned.1.call-start
scs
__scs_entry_jumppad:
0x0: {  	(pc) =	sbr.rel $0x88, $3  }
0x1: {  	(tag) =	ssettag $0x0;
	lr =	simm.s32 $0x1  }
0x2: {  	[smem:$0x3F80] =	sst lr;
	_ =	strace $0xD0000000  }
0x3: {  	_ = 	snop  }
0x4: {  	_ = 	snop  }
0x5: {  	_ = 	snop  }
0x6: {  	_ = 	snop  }
0x7: {  	_ = 	snop  }
__scs_overlays_trampoline_lowered:
0x8: {  	[smem:$0x3F8F] =	sst s0  }
0x9: {  	[smem:$0x3F90] =	sst s1  }
0xa: {  	[smem:$0x3F91] =	sst s2  }
0xb: {  	[smem:$0x3F92] =	sst s3  }
0xc: {  	[smem:$0x3F93] =	sst s4  }
0xd: {  	[smem:$0x3F94] =	sst s5  }
0xe: {  	[smem:$0x3F95] =	sst s6  }
0xf: {  	[smem:$0x3F96] =	sst s7  }
0x10: {  	[smem:$0x3F97] =	sst s8  }
0x11: {  	[smem:$0x3F98] =	sst s9;
	s0 =	simm.s32 @!p0 $0x0  }
0x12: {  	s1 =	sld [smem:$0x3F7E];
	s0 =	simm.s32 @p0 $0x1  }
0x13: {  	[smem:$0x3F99] =	sst s0;
	s0 =	simm.s32 @!p1 $0x0  }
0x14: {  	s2 =	sld [smem:$0x3F7D];
	s0 =	simm.s32 @p1 $0x1  }
0x15: {  	[smem:$0x3F9A] =	sst s0;
	s0 =	simm.s32 @!p2 $0x0  }
0x16: {  	s3 =	sld [smem:$0x3FDB];
	s0 =	simm.s32 @p2 $0x1  }
0x17: {  	s4 =	simm.s32 $0x1BF5;
	[smem:$0x3F9C] =	sst s0  }
0x18: {  	s0 =	sld [smem:$0x3F7F];
	_ =	swait.ge [sflag:s4], $0x0  }
0x19: {  	s7 =	sld [smem:$0x3F80]  }
0x1a: {  	s8 =	sadd.s32 $0xFFFFE003, lr  }
0x1b: {  	s9 =	sadd.s32 $0xFFFFFEF7, lr;
	s5 =	simm.s32 $0xFFFFFFFF;
	p2 =	slt.u32 s8, $0xFFFFF086  }
0x1c: {  	p1 =	slt.u32 s9, $0xF7A;
	s5 =	simm.s32 @!p2 $0x0  }
0x1d: {  	s5 =	simm.s32 @p1 $0x1;
	p0 =	seq.s32 s7, s2  }
0x1e: {  	s7 =	smul.u32 @!p0 $0xF7A, s2;
	p2 =	seq.s32 @!p0 s5, $0x0  }
0x1f: {  	s9 =	smul.u32 $0xF7A, s1;
	s8 =	simm.s32 @!p0 $0x1BF5;
	p2 =	por !p2, p0  }
0x20: {  	[sflag:s8] =	ssyncset.s32 @!p0 $0xFFFFF086;
	s6 =	sadd.s32 @!p0 s3, s7;
	s7 =	simm.s32 @!p0 $0x108  }
0x21: {  	s3 =	sadd.s32 s3, s9;
	s6 =	sadd.s32 @!p0 $0x88, s6;
	s7 =	simm.s32 @p2 $0x1082  }
0x22: {  	[simem:s7], [sflag:s8] =	dma.local @!p0 [hbm:s6], $0xF7A  }
0x23: {  	s9 =	sor.u32 $0xD0000000, s2;
	s6 =	simm.s32 $0x108;
	_ =	swait.ge @!p0 [sflag:s8], $0x0  }
0x24: {  	s3 =	sadd.s32 $0x88, s3;
	s6 =	simm.s32 @!p1 $0x1082;
	[sflag:s4] =	ssyncset.s32 $0xFFFFF086  }
0x25: {  	[simem:s6], [sflag:s4] =	dma.local [hbm:s3], $0xF7A  }
0x26: {  	[smem:$0x3F80] =	sst s1;
	(tag) =	ssettag s2;
	_ =	strace s9  }
0x27: {  	s1 =	sld [smem:$0x3F90]  }
0x28: {  	s2 =	sld [smem:$0x3F91]  }
0x29: {  	s4 =	sld [smem:$0x3F93]  }
0x2a: {  	p0 =	seq.s32 s5, $0x0;
	s5 =	sld [smem:$0x3F94]  }
0x2b: {  	s6 =	sld [smem:$0x3F95]  }
0x2c: {  	s7 =	sld [smem:$0x3F96]  }
0x2d: {  	s3 =	simm.s32 $0x108;
	s8 =	sld [smem:$0x3F97]  }
0x2e: {  	s3 =	simm.s32 @!p0 $0x1082;
	s9 =	sld [smem:$0x3F98]  }
0x2f: {  	lr =	sadd.s32 s0, s3;
	s0 =	sld [smem:$0x3F8F]  }
0x30: {  	s3 =	sld [smem:$0x3F92]  }
0x31: {  	[smem:$0x3F9B] =	sst s10  }
0x32: {  	s10 =	sld [smem:$0x3F99];
	_ =	sdelay $0x3  }
0x33: {  	p0 =	seq.s32 s10, $0x1;
	s10 =	sld [smem:$0x3F9B];
	_ =	sdelay $0x3  }
0x34: {  	[smem:$0x3F9B] =	sst s10  }
0x35: {  	s10 =	sld [smem:$0x3F9A];
	_ =	sdelay $0x3  }
0x36: {  	p1 =	seq.s32 s10, $0x1;
	s10 =	sld [smem:$0x3F9B];
	_ =	sdelay $0x3  }
0x37: {  	[smem:$0x3F9B] =	sst s10  }
0x38: {  	s10 =	sld [smem:$0x3F9C]  }
0x39: {  	_ = 	snop;
	(pc) =	sbr.ind lr, $3  }
0x3a: {  	_ = 	snop  }
0x3b: {  	_ = 	snop  }
0x3c: {  	p2 =	seq.s32 s10, $0x1;
	s10 =	sld [smem:$0x3F9B]  }
0x3d: {  	_ =	shalt  }
0x3e: {  	_ =	shalt  }
0x3f: {  	_ =	shalt  }
0x40: {  	_ =	shalt  }
0x41: {  	_ =	shalt  }
0x42: {  	_ =	shalt  }
0x43: {  	_ =	shalt  }
0x44: {  	_ =	shalt  }
0x45: {  	_ =	shalt  }
0x46: {  	_ =	shalt  }
0x47: {  	_ =	shalt  }
0x48: {  	_ =	shalt  }
0x49: {  	_ =	shalt  }
0x4a: {  	_ =	shalt  }
0x4b: {  	_ =	shalt  }
0x4c: {  	_ =	shalt  }
0x4d: {  	_ =	shalt  }
0x4e: {  	_ =	shalt  }
0x4f: {  	_ =	shalt  }
0x50: {  	_ =	shalt  }
0x51: {  	_ =	shalt  }
0x52: {  	_ =	shalt  }
0x53: {  	_ =	shalt  }
0x54: {  	_ =	shalt  }
0x55: {  	_ =	shalt  }
0x56: {  	_ =	shalt  }
0x57: {  	_ =	shalt  }
0x58: {  	_ =	shalt  }
0x59: {  	_ =	shalt  }
0x5a: {  	_ =	shalt  }
0x5b: {  	_ =	shalt  }
0x5c: {  	_ =	shalt  }
0x5d: {  	_ =	shalt  }
0x5e: {  	_ =	shalt  }
0x5f: {  	_ =	shalt  }
0x60: {  	_ =	shalt  }
0x61: {  	_ =	shalt  }
0x62: {  	_ =	shalt  }
0x63: {  	_ =	shalt  }
0x64: {  	_ =	shalt  }
0x65: {  	_ =	shalt  }
0x66: {  	_ =	shalt  }
0x67: {  	_ =	shalt  }
0x68: {  	_ =	shalt  }
0x69: {  	_ =	shalt  }
0x6a: {  	_ =	shalt  }
0x6b: {  	_ =	shalt  }
0x6c: {  	_ =	shalt  }
0x6d: {  	_ =	shalt  }
0x6e: {  	_ =	shalt  }
0x6f: {  	_ =	shalt  }
0x70: {  	_ =	shalt  }
0x71: {  	_ =	shalt  }
0x72: {  	_ =	shalt  }
0x73: {  	_ =	shalt  }
0x74: {  	_ =	shalt  }
0x75: {  	_ =	shalt  }
0x76: {  	_ =	shalt  }
0x77: {  	_ =	shalt  }
0x78: {  	_ =	shalt  }
0x79: {  	_ =	shalt  }
0x7a: {  	_ =	shalt  }
0x7b: {  	_ =	shalt  }
0x7c: {  	_ =	shalt  }
0x7d: {  	_ =	shalt  }
0x7e: {  	_ =	shalt  }
0x7f: {  	_ =	shalt  }
0x80: {  	_ =	shalt  }
0x81: {  	_ =	shalt  }
0x82: {  	_ =	shalt  }
0x83: {  	_ =	shalt  }
0x84: {  	_ =	shalt  }
0x85: {  	_ =	shalt  }
0x86: {  	_ =	shalt  }
0x87: {  	_ =	shalt  }
.Lfunc_end0:
.L_simem_size_0:
called_computation_lowered:
.L_overlay_start_0:
0x88: {  	s2 =	sld [smem:$0x3FD9]  }
0x89: {  	s3 =	sld [smem:$0x3FFE];
	_ =	sdelay $0x1  }
0x8a: {  	s1 =	srdreg.scid  }
0x8b: {  	s0 =	sand.u32 $0x1, s1  }
0x8c: {  	s16 =	sshll.u32 s0, $0xA;
	s2 =	sadd.s32 s3, s2  }
0x8d: {  	s2 =	sadd.s32 s2, s16  }
0x8e: {  	[smem:$0x3FA7] =	sst s2  }
0x8f: {  	_ = 	snop  }
0x90: {  	(tm) =	ssettm $0x1  }
0x91: {  	s17 =	sld [smem:$0x3FFB];
	_ =	sdelay $0x3  }
0x92: {  	_ =	strace s17  }
0x93: {  	s2 =	sld [smem:$0x3FFC];
	_ =	sdelay $0x3  }
0x94: {  	_ =	strace s2  }
0x95: {  	s2 =	sld [smem:$0x3FFD];
	_ =	sdelay $0x3  }
0x96: {  	_ =	strace s2  }
0x97: {  	_ =	strace $0x8FFFFFFF  }
0x98: {  	s18 =	sld [smem:$0x3FDB];
	_ =	sdelay $0x1  }
0x99: {  	s19 =	simm.s32 $_scs_section_size  }
0x9a: {  	s4 =	simm.s32 $_size__tile_overlayer_lowered;
	s5 =	simm.s32 $_tile_overlayer_lowered  }
0x9b: {  	s22 =	simm.s32 $0x1BFF;
	s21 =	sshll.u32 s5, $0x1;
	s2 =	sadd.s32 s19, s18  }
0x9c: {  	s6 =	simm.s32 $0x0;
	s20 =	sshll.u32 s4, $0x1;
	s4 =	sadd.s32 s21, s2  }
0x9d: {  	[timem:s6], [sflag:s22] =	dma.local [hbm:s4], s20  }
0x9e: {  	_ =	swait.ge [sflag:s22], s20  }
0x9f: {  	s3 =	ssub.s32 $0x0, s20;
	[sflag:s22] =	ssyncset.done $0x0  }
0xa0: {  	[sflag:s22] =	ssyncadd.s32 s3;
	_ =	sdelay $0x1  }
0xa1: {  	s23 =	simm.s32 $0x1B8B  }
0xa2: {  	_ =	swait.ge [sflag:s23], $0x1  }
0xa3: {  	[sflag:s23] =	ssyncset.done $0x0  }
0xa4: {  	s25 =	simm.s32 $0x1B8E;
	s24 =	sld [smem:$0x3FFE];
	[sflag:s23] =	ssyncadd.s32 $0xFFFFFFFF  }
0xa5: {  	s26 =	simm.s32 $execute0_lowered;
	[smem:$0x3FD2] =	sst s25  }
0xa6: {  	s4 =	sshll.u32 s26, $0x1;
	_ =	strace $0x80000046;
	[dreg:$0x1] =	wrdreg $0xFFFFFFFF  }
0xa7: {  	s28 =	simm.s32 $_size_execute0_lowered;
	s2 =	sadd.s32 s2, s4;
	[dreg:$0x0] =	wrdreg $0x0  }
0xa8: {  	s4 =	sshll.u32 s28, $0x1;
	[dreg:$0x2] =	wrdreg s2  }
0xa9: {  	[dreg:$0x3] =	wrdreg s4  }
0xaa: {  	[dreg:$0x4] =	wrdreg $0xC0  }
0xab: {  	_ =	task [dreg:s6], $0x5FFFF  }
0xac: {  	[dreg:$0x1] =	wrdreg $0xFFFFFFFF  }
0xad: {  	[dreg:$0x0] =	wrdreg $0x60  }
0xae: {  	[dreg:$0x2] =	wrdreg s24  }
0xaf: {  	[dreg:$0x3] =	wrdreg $0x0  }
0xb0: {  	[dreg:$0x4] =	wrdreg $0x9  }
0xb1: {  	_ =	task.clear_ibuf [dreg:s6], $0x5FFFF;
	_ =	strace $0x90000046  }
0xb2: {  	s29 =	simm.s32 $0x9;
	_ =	strace $0x80000048  }
0xb3: {  	_ =	swait.ge [sflag:s29], $0x1  }
0xb4: {  	[sflag:s29] =	ssyncadd.s32 $0xFFFFFFFF  }
0xb5: {  	_ =	strace $0x90000048  }
0xb6: {  	_ =	sfence  }
0xb7: {  	s30 =	sld [smem:$0x0];
	_ =	sdelay $0x2  }
0xb8: {  	s31 =	sshll.u32 s1, $0xD;
	s1 =	sshrl.u32 s1, $0x2  }
0xb9: {  	s3 =	sand.u32 $0x4000, s31;
	s1 =	sadd.s32 s1, s30  }
0xba: {  	s0 =	sor.u32 s3, s0;
	s1 =	sshll.u32 s1, $0x11  }
0xbb: {  	s0 =	sor.u32 s1, s0  }
0xbc: {  	s0 =	sadd.s32 $0x8F2B, s0  }
0xbd: {  	[sflag:s0] =	ssyncadd.remote.s32 $0x1  }
0xbe: {  	_ =	sfence.sel $0xFFFF  }
0xbf: {  	[dreg:$0x0] =	wrdreg $0xFFFFFFFF;
	(pc) =	sbr.abs _section_cstart, $3  }
0xc0: {  	[dreg:$0x1] =	wrdreg $0xFFFFFFFF  }
0xc1: {  	_ =	task.clear_ibuf [dreg:s6], $0x2FFFF;
	_ =	strace $0x9FFFFFFF  }
0xc2: {  	(tm) =	ssettm $0x7FFFFFFF  }
0xc3: {  	_ =	shalt  }
tec
execute0_lowered:
.L_overlay_start_1:
0x0: {  	(tag) =	ssettag $0x1  }
0x1: {  	s6 =	rddreg [dreg:$0x0]  }
0x2: {  	s2 =	rddreg [dreg:$0x1]  }
0x3: {  	s0 =	rddreg [dreg:$0x2];
	s4 =	srdreg.scid;
	s3 =	simm.s32 $0x0  }
0x4: {  	s1 =	stileid.u32;
	s11 =	simm.s32 $0x2;
	s12 =	simm.s32 $0x10008  }
0x5: {  	s13 =	simm.s32 $0x11008;
	s14 =	simm.s32 $0x1;
	s15 =	simm.s32 $0x80  }
0x6: {  	s16 =	simm.s32 $0x14108;
	s17 =	simm.s32 $0x13088;
	s19 =	simm.s32 $0x13108  }
0x7: {  	s20 =	simm.s32 $0x14D88;
	s21 =	simm.s32 $0x13D08;
	s22 =	simm.s32 $0x14F88  }
0x8: {  	s23 =	simm.s32 $0x13F08;
	s4 =	sand.u32 $0x1, s4;
	[smem:$0x7FF] =	sst s3  }
0x9: {  	s7 =	sshll.u32 s1, $0x10;
	s18 =	sshll.u32 s4, $0x14;
	_ =	strace $0x80000047  }
.Ltmp0:
0xa: {  	s8 =	ssub.s32 $0x2, s4;
	s4 =	sadd.s32 $0x5800, s6;
	(pc) =	sbr.rel .LBB2_1-.Ltmp0, $4  }
0xb: {  	s5 =	sor.u32 s7, s18;
	s10 =	sshrl.u32 s8, $0x1;
	v0 =	vmov s18;
	s18 =	simm.s32 $0x14188  }
0xc: {  	s9 =	sshrl.u32 s5, $0x3;
	s5 =	sadd.s32 $0x15800, s6;
	s10 =	ssub.s32 s8, s10  }
0xd: {  	s9 =	sadd.s32 s9, s6;
	s6 =	sadd.s32 s7, s2;
	s7 =	sshll.u32 s1, $0xC  }
0xe: {  	v1 =	vimm.f32 $0.0e+00;
	v2 =	vimm.s32 $0x100000;
	v3 =	vimm.s32 $0x0;
	s8 =	sadd.s32 $0x25800, s9;
	s9 =	smax.u32 s10, $0x1;
	s10 =	simm.s32 $0x15508  }
.LBB2_83:
0xf: {  	s3 =	sadd.s32 $0x1, s3  }
0x10: {  	s24 =	sshll.u32 s1, $0x6;
	[bflag:$0x0] =	sbarrier.arrive $0xFFFF;
	p0 =	sne.s32 s3, s9  }
.Ltmp1:
0x11: {  	s25 =	sshrl.u32 s6, $0x3;
	s24 =	sor.u32 $0x1C02, s24;
	(pc) =	sbr.rel @!p0 .LBB2_84-.Ltmp1, $4  }
0x12: {  	[hbm:s8], [sflag:s24] =	dma.local [spmem:s25], $0x2000  }
0x13: {  	_ =	swait.ge [sflag:s11], $0x2000  }
0x14: {  	[sflag:s11] =	ssyncset.done $0x0  }
0x15: {  	[sflag:s11] =	ssyncadd.s32 $0xFFFFE000  }
.LBB2_1:
0x16: {  	s24 =	simm.s32 $0x0  }
.LBB2_2:
0x17: {  	p0 =	sne.s32 s24, $0x1FC0  }
.Ltmp2:
0x18: {  	_ = 	snop;
	(pc) =	sbr.rel @p0 .LBB2_2-.Ltmp2, $3  }
0x19: {  	_ =	sdelay $0x1  }
0x1a: {  	s25 =	sshra.s32 s24, $0x2  }
0x1b: {  	s24 =	sadd.s32 $0x40, s24;
	[tilespmem:s25+$0x15508] =	vst v1  }
0x1c: {  	s24 =	sadd.s32 $0x0, s6  }
0x1d: {  	[spmem:s24] =	stream.linear.scatter [tilespmem:s10], [sflag:$0x2], $0x800, $0x38;
	[tilespmem:$0x15D08] =	vst v63  }
0x1e: {  	s24 =	simm.s32 $0x2000;
	_ =	swait.ge [sflag:s11], $0x800  }
.LBB2_4:
0x1f: {  	s25 =	sshra.s32 s24, $0x2;
	[sflag:s11] =	ssyncset.done $0x0;
	p0 =	sne.s32 s24, $0x3E000  }
.Ltmp3:
0x20: {  	s25 =	sadd.s32 s25, s6;
	[sflag:s11] =	ssyncadd.s32 $0xFFFFF800;
	(pc) =	sbr.rel @p0 .LBB2_4-.Ltmp3, $3  }
0x21: {  	[spmem:s25] =	stream.linear.scatter [tilespmem:s10], [sflag:$0x2], $0x800, $0x38;
	[tilespmem:$0x15D08] =	vst v63  }
0x22: {  	s24 =	sadd.s32 $0x2000, s24;
	_ =	sdelay $0x1  }
0x23: {  	_ =	swait.ge [sflag:s11], $0x800  }
0x24: {  	[sflag:s11] =	ssyncset.done $0x0  }
0x25: {  	s24 =	simm.s32 $0x0;
	[sflag:s11] =	ssyncadd.s32 $0xFFFFF800  }
0x26: {  	s25 =	simm.s32 $0x0;
	s26 =	simm.s32 $0x200;
	[bflag:$0x0] =	sbarrier.arrive $0xFFFF  }
.LBB2_6:
0x27: {  	p0 =	sne.s32 s26, $0x4000;
	[tilespmem:s25+$0x12078] =	vst v2  }
0x28: {  	[tilespmem:s25+$0x14108] =	vst v2  }
0x29: {  	[tilespmem:s25+$0x12008] =	vst v2  }
0x2a: {  	[tilespmem:s25+$0x14118] =	vst v2  }
0x2b: {  	[tilespmem:s25+$0x12018] =	vst v2  }
0x2c: {  	[tilespmem:s25+$0x14128] =	vst v2  }
0x2d: {  	[tilespmem:s25+$0x12028] =	vst v2  }
0x2e: {  	[tilespmem:s25+$0x14138] =	vst v2  }
0x2f: {  	[tilespmem:s25+$0x12038] =	vst v2  }
0x30: {  	[tilespmem:s25+$0x14148] =	vst v2  }
0x31: {  	[tilespmem:s25+$0x12048] =	vst v2  }
.Ltmp4:
0x32: {  	[tilespmem:s25+$0x14158] =	vst v2;
	(pc) =	sbr.rel @p0 .LBB2_6-.Ltmp4, $4  }
0x33: {  	[tilespmem:s25+$0x12058] =	vst v2  }
0x34: {  	[tilespmem:s25+$0x14168] =	vst v2  }
0x35: {  	[tilespmem:s25+$0x12068] =	vst v2  }
0x36: {  	[tilespmem:s25+$0x14178] =	vst v2;
	s25 =	sshra.s32 s26, $0x2;
	s26 =	sadd.s32 $0x200, s26  }
0x37: {  	[tilespmem:s25+$0x12078] =	vst v2  }
0x38: {  	[tilespmem:s25+$0x14108] =	vst v2  }
0x39: {  	[tilespmem:s25+$0x12008] =	vst v2  }
0x3a: {  	[tilespmem:s25+$0x14118] =	vst v2  }
0x3b: {  	[tilespmem:s25+$0x12018] =	vst v2  }
0x3c: {  	[tilespmem:s25+$0x14128] =	vst v2  }
0x3d: {  	[tilespmem:s25+$0x12028] =	vst v2  }
0x3e: {  	[tilespmem:s25+$0x14138] =	vst v2  }
0x3f: {  	[tilespmem:s25+$0x12038] =	vst v2  }
0x40: {  	[tilespmem:s25+$0x14148] =	vst v2  }
0x41: {  	[tilespmem:s25+$0x12048] =	vst v2  }
.Ltmp5:
0x42: {  	[tilespmem:s25+$0x14158] =	vst v2;
	(pc) =	sbr.rel .LBB2_8-.Ltmp5, $4  }
0x43: {  	[tilespmem:s25+$0x12058] =	vst v2  }
0x44: {  	[tilespmem:s25+$0x14168] =	vst v2  }
0x45: {  	[tilespmem:s25+$0x12068] =	vst v2  }
0x46: {  	[tilespmem:s25+$0x14178] =	vst v2  }
.LBB2_81:
0x47: {  	_ =	swait.ge [sflag:s14], $0x80  }
0x48: {  	[sflag:s14] =	ssyncset.done $0x0  }
0x49: {  	[sflag:s14] =	ssyncadd.s32 $0xFFFFFF80  }
.LBB2_82:
0x4a: {  	s24 =	sadd.s32 $0x1, s24  }
0x4b: {  	p0 =	sne.s32 s24, $0x8  }
.Ltmp6:
0x4c: {  	_ = 	snop;
	(pc) =	sbr.rel @!p0 .LBB2_83-.Ltmp6, $1  }
0x4d: {  	_ =	sdelay $0x3  }
.LBB2_8:
0x4e: {  	s25 =	sshll.u32 s24, $0x9  }
0x4f: {  	s25 =	sadd.s32 s7, s25  }
0x50: {  	s28 =	simm.s32 $0x0;
	s26 =	sadd.s32 s4, s25  }
0x51: {  	[tilespmem:s12], [sflag:$0x1] =	stream.linear.gather [hbm4b:s26+s28], $0x1000, $0x38;
	[tilespmem:$0x15D08] =	vst v63  }
0x52: {  	s25 =	sadd.s32 s5, s25  }
0x53: {  	[tilespmem:s13], [sflag:$0x1] =	stream.linear.gather [hbm4b:s25+s28], $0x1000, $0x38;
	[tilespmem:$0x15D08] =	vst v63  }
0x54: {  	s26 =	simm.s32 $0x0;
	s25 =	simm.s32 $0x40  }
.LBB2_9:
0x55: {  	p0 =	sne.s32 s25, $0x41C0;
	[tilespmem:s26+$0x13088] =	vst v1;
	s26 =	smov.u32 s25;
	s25 =	sadd.s32 $0x40, s25  }
.Ltmp7:
0x56: {  	(pc) =	sbr.rel @p0 .LBB2_9-.Ltmp7, $2  }
0x57: {  	_ =	sdelay $0x2  }
0x58: {  	s26 =	sshra.s32 s26, $0x2  }
0x59: {  	[tilespmem:s26+$0x13088] =	vst v1  }
0x5a: {  	_ =	swait.ge [sflag:s14], $0x1000  }
0x5b: {  	[sflag:s14] =	ssyncset.done $0x0  }
0x5c: {  	[sflag:s14] =	ssyncadd.s32 $0xFFFFF000  }
0x5d: {  	_ =	swait.ge [sflag:s14], $0x1000  }
0x5e: {  	[sflag:s14] =	ssyncset.done $0x0  }
0x5f: {  	s25 =	simm.s32 $0x0;
	[sflag:s14] =	ssyncadd.s32 $0xFFFFF000  }
0x60: {  	v4 =	vld [tilespmem:s25+$0x10008];
	_ =	sdelay $0x2  }
0x61: {  	v5 =	vld [tilespmem:s25+$0x11008];
	_ =	sdelay $0x1  }
0x62: {  	v4 =	vsub.s32 v4, v0  }
0x63: {  	s31 =	simm.s32 $0x0;
	vm0 =	vlt.u32 v4, $0x100000  }
0x64: {  	[tilespmem:s31+$0x12008] =	vst.msk vm0, v4;
	v4 =	vsel vm0, $0x1, v3  }
0x65: {  	[tilespmem:s31+$0x13088] =	vst.msk vm0, v5;
	(xrf0) =	vadd.scan.msk.s32 $0xffff, v4  }
0x66: {  	v4 =	vld [tilespmem:s25+$0x10018];
	_ =	sdelay $0x4  }
0x67: {  	v4 =	vsub.s32 v4, v0;
	v5, _, _ =	vpop (xrf0)  }
0x68: {  	vm9 =	vlt.u32 v4, $0x100000;
	(v2sf) =	vpush v5, $0xF  }
0x69: {  	v5 =	vsel vm9, $0x1, v3  }
0x6a: {  	(xrf0) =	vadd.scan.msk.s32 $0xffff, v5;
	_ =	sdelay $0x5  }
0x6b: {  	v5, _, _ =	vpop (xrf0)  }
0x6c: {  	(v2sf) =	vpush v5, $0xF;
	_ =	sdelay $0x3  }
0x6d: {  	v5 =	vld [tilespmem:s25+$0x11018];
	_ =	sdelay $0x1  }
0x6e: {  	s30 =	spop (v2sf)  }
0x6f: {  	s26 =	sadd.s32 $0x0, s30  }
0x70: {  	[tilespmem:s26+$0x12008] =	vst.msk vm9, v4  }
0x71: {  	[tilespmem:s26+$0x13088] =	vst.msk vm9, v5  }
0x72: {  	v4 =	vld [tilespmem:s25+$0x10028];
	_ =	sdelay $0x2  }
0x73: {  	v5 =	vld [tilespmem:s25+$0x11028];
	_ =	sdelay $0x1  }
0x74: {  	v4 =	vsub.s32 v4, v0;
	s28 =	spop (v2sf)  }
0x75: {  	s26 =	sadd.s32 s26, s28;
	vm10 =	vlt.u32 v4, $0x100000  }
0x76: {  	[tilespmem:s26+$0x12008] =	vst.msk vm10, v4;
	v4 =	vsel vm10, $0x1, v3  }
0x77: {  	[tilespmem:s26+$0x13088] =	vst.msk vm10, v5;
	(xrf0) =	vadd.scan.msk.s32 $0xffff, v4  }
0x78: {  	v4 =	vld [tilespmem:s25+$0x10038];
	_ =	sdelay $0x4  }
0x79: {  	v4 =	vsub.s32 v4, v0;
	v5, _, _ =	vpop (xrf0)  }
0x7a: {  	vm11 =	vlt.u32 v4, $0x100000;
	(v2sf) =	vpush v5, $0xF  }
0x7b: {  	v5 =	vsel vm11, $0x1, v3  }
0x7c: {  	(xrf0) =	vadd.scan.msk.s32 $0xffff, v5;
	_ =	sdelay $0x5  }
0x7d: {  	v5, _, _ =	vpop (xrf0)  }
0x7e: {  	(v2sf) =	vpush v5, $0xF;
	_ =	sdelay $0x3  }
0x7f: {  	v5 =	vld [tilespmem:s25+$0x11038];
	_ =	sdelay $0x1  }
0x80: {  	s28 =	spop (v2sf)  }
0x81: {  	s26 =	sadd.s32 s26, s28  }
0x82: {  	[tilespmem:s26+$0x12008] =	vst.msk vm11, v4  }
0x83: {  	[tilespmem:s26+$0x13088] =	vst.msk vm11, v5  }
0x84: {  	v4 =	vld [tilespmem:s25+$0x10048];
	_ =	sdelay $0x2  }
0x85: {  	v5 =	vld [tilespmem:s25+$0x11048];
	_ =	sdelay $0x1  }
0x86: {  	v4 =	vsub.s32 v4, v0;
	s28 =	spop (v2sf)  }
0x87: {  	s26 =	sadd.s32 s26, s28;
	vm12 =	vlt.u32 v4, $0x100000  }
0x88: {  	[tilespmem:s26+$0x12008] =	vst.msk vm12, v4;
	v4 =	vsel vm12, $0x1, v3  }
0x89: {  	[tilespmem:s26+$0x13088] =	vst.msk vm12, v5;
	(xrf0) =	vadd.scan.msk.s32 $0xffff, v4  }
0x8a: {  	v4 =	vld [tilespmem:s25+$0x10058];
	_ =	sdelay $0x4  }
0x8b: {  	v4 =	vsub.s32 v4, v0;
	v5, _, _ =	vpop (xrf0)  }
0x8c: {  	vm13 =	vlt.u32 v4, $0x100000;
	(v2sf) =	vpush v5, $0xF  }
0x8d: {  	v5 =	vsel vm13, $0x1, v3  }
0x8e: {  	(xrf0) =	vadd.scan.msk.s32 $0xffff, v5;
	_ =	sdelay $0x5  }
0x8f: {  	v5, _, _ =	vpop (xrf0)  }
0x90: {  	(v2sf) =	vpush v5, $0xF;
	_ =	sdelay $0x3  }
0x91: {  	v5 =	vld [tilespmem:s25+$0x11058];
	_ =	sdelay $0x1  }
0x92: {  	s28 =	spop (v2sf)  }
0x93: {  	s26 =	sadd.s32 s26, s28  }
0x94: {  	[tilespmem:s26+$0x12008] =	vst.msk vm13, v4  }
0x95: {  	[tilespmem:s26+$0x13088] =	vst.msk vm13, v5  }
0x96: {  	v4 =	vld [tilespmem:s25+$0x10068];
	_ =	sdelay $0x2  }
0x97: {  	v5 =	vld [tilespmem:s25+$0x11068];
	_ =	sdelay $0x1  }
0x98: {  	v4 =	vsub.s32 v4, v0;
	s28 =	spop (v2sf)  }
0x99: {  	s26 =	sadd.s32 s26, s28;
	vm14 =	vlt.u32 v4, $0x100000  }
0x9a: {  	[tilespmem:s26+$0x12008] =	vst.msk vm14, v4;
	v4 =	vsel vm14, $0x1, v3  }
0x9b: {  	[tilespmem:s26+$0x13088] =	vst.msk vm14, v5;
	(xrf0) =	vadd.scan.msk.s32 $0xffff, v4  }
0x9c: {  	v4 =	vld [tilespmem:s25+$0x10078];
	_ =	sdelay $0x4  }
0x9d: {  	v4 =	vsub.s32 v4, v0;
	v5, _, _ =	vpop (xrf0)  }
0x9e: {  	vm15 =	vlt.u32 v4, $0x100000;
	(v2sf) =	vpush v5, $0xF  }
0x9f: {  	v5 =	vsel vm15, $0x1, v3  }
0xa0: {  	(xrf0) =	vadd.scan.msk.s32 $0xffff, v5;
	_ =	sdelay $0x5  }
0xa1: {  	v5, _, _ =	vpop (xrf0)  }
0xa2: {  	(v2sf) =	vpush v5, $0xF;
	_ =	sdelay $0x3  }
0xa3: {  	v5 =	vld [tilespmem:s25+$0x11078];
	_ =	sdelay $0x1  }
0xa4: {  	s31 =	spop (v2sf)  }
0xa5: {  	s29 =	sadd.s32 s26, s31  }
0xa6: {  	[tilespmem:s29+$0x12008] =	vst.msk vm15, v4  }
0xa7: {  	s25 =	simm.s32 $0x80;
	[tilespmem:s29+$0x13088] =	vst.msk vm15, v5  }
0xa8: {  	v5 =	vld [tilespmem:s25+$0x10008];
	_ =	sdelay $0x3  }
0xa9: {  	v4 =	vld [tilespmem:s25+$0x11008]  }
0xaa: {  	s26 =	simm.s32 $0x400;
	v5 =	vsub.s32 v5, v0;
	s28 =	spop (v2sf)  }
.LBB2_11:
0xab: {  	p0 =	sne.s32 s26, $0x3E00  }
0xac: {  	vm0 =	vlt.u32 v5, $0x100000;
	s29 =	sadd.s32 s29, s28;
	s28 =	smov.u32 s26;
	s26 =	sadd.s32 $0x200, s26  }
0xad: {  	[tilespmem:s29+$0x12008] =	vst.msk vm0, v5;
	v5 =	vsel vm0, $0x1, v3  }
0xae: {  	[tilespmem:s29+$0x13088] =	vst.msk vm0, v4;
	(xrf0) =	vadd.scan.msk.s32 $0xffff, v5  }
0xaf: {  	v4 =	vld [tilespmem:s25+$0x10018];
	_ =	sdelay $0x4  }
0xb0: {  	v4 =	vsub.s32 v4, v0;
	v5, _, _ =	vpop (xrf0)  }
0xb1: {  	vm0 =	vlt.u32 v4, $0x100000;
	(v2sf) =	vpush v5, $0xF  }
0xb2: {  	v5 =	vsel vm0, $0x1, v3  }
0xb3: {  	(xrf0) =	vadd.scan.msk.s32 $0xffff, v5;
	_ =	sdelay $0x5  }
0xb4: {  	v5, _, _ =	vpop (xrf0)  }
0xb5: {  	(v2sf) =	vpush v5, $0xF;
	_ =	sdelay $0x3  }
0xb6: {  	v5 =	vld [tilespmem:s25+$0x11018];
	_ =	sdelay $0x1  }
0xb7: {  	s30 =	spop (v2sf)  }
0xb8: {  	s29 =	sadd.s32 s29, s30  }
0xb9: {  	[tilespmem:s29+$0x12008] =	vst.msk vm0, v4  }
0xba: {  	[tilespmem:s29+$0x13088] =	vst.msk vm0, v5  }
0xbb: {  	v4 =	vld [tilespmem:s25+$0x10028];
	_ =	sdelay $0x2  }
0xbc: {  	v5 =	vld [tilespmem:s25+$0x11028];
	_ =	sdelay $0x1  }
0xbd: {  	v4 =	vsub.s32 v4, v0;
	s30 =	spop (v2sf)  }
0xbe: {  	s29 =	sadd.s32 s29, s30;
	vm0 =	vlt.u32 v4, $0x100000  }
0xbf: {  	[tilespmem:s29+$0x12008] =	vst.msk vm0, v4;
	v4 =	vsel vm0, $0x1, v3  }
0xc0: {  	[tilespmem:s29+$0x13088] =	vst.msk vm0, v5;
	(xrf0) =	vadd.scan.msk.s32 $0xffff, v4  }
0xc1: {  	v4 =	vld [tilespmem:s25+$0x10038];
	_ =	sdelay $0x4  }
0xc2: {  	v4 =	vsub.s32 v4, v0;
	v5, _, _ =	vpop (xrf0)  }
0xc3: {  	vm0 =	vlt.u32 v4, $0x100000;
	(v2sf) =	vpush v5, $0xF  }
0xc4: {  	v5 =	vsel vm0, $0x1, v3  }
0xc5: {  	(xrf0) =	vadd.scan.msk.s32 $0xffff, v5;
	_ =	sdelay $0x5  }
0xc6: {  	v5, _, _ =	vpop (xrf0)  }
0xc7: {  	(v2sf) =	vpush v5, $0xF;
	_ =	sdelay $0x3  }
0xc8: {  	v5 =	vld [tilespmem:s25+$0x11038];
	_ =	sdelay $0x1  }
0xc9: {  	s30 =	spop (v2sf)  }
0xca: {  	s29 =	sadd.s32 s29, s30  }
0xcb: {  	[tilespmem:s29+$0x12008] =	vst.msk vm0, v4  }
0xcc: {  	[tilespmem:s29+$0x13088] =	vst.msk vm0, v5  }
0xcd: {  	v4 =	vld [tilespmem:s25+$0x10048];
	_ =	sdelay $0x2  }
0xce: {  	v5 =	vld [tilespmem:s25+$0x11048];
	_ =	sdelay $0x1  }
0xcf: {  	v4 =	vsub.s32 v4, v0;
	s30 =	spop (v2sf)  }
0xd0: {  	s29 =	sadd.s32 s29, s30;
	vm0 =	vlt.u32 v4, $0x100000  }
0xd1: {  	[tilespmem:s29+$0x12008] =	vst.msk vm0, v4;
	v4 =	vsel vm0, $0x1, v3  }
0xd2: {  	[tilespmem:s29+$0x13088] =	vst.msk vm0, v5;
	(xrf0) =	vadd.scan.msk.s32 $0xffff, v4  }
0xd3: {  	v4 =	vld [tilespmem:s25+$0x10058]  }
0xd4: {  	v5 =	vld [tilespmem:s25+$0x11058];
	_ =	sdelay $0x3  }
0xd5: {  	v4 =	vsub.s32 v4, v0;
	v6, _, _ =	vpop (xrf0)  }
0xd6: {  	vm0 =	vlt.u32 v4, $0x100000;
	(v2sf) =	vpush v6, $0xF  }
0xd7: {  	v6 =	vsel vm0, $0x1, v3  }
0xd8: {  	(xrf0) =	vadd.scan.msk.s32 $0xffff, v6;
	_ =	sdelay $0x5  }
0xd9: {  	v6, _, _ =	vpop (xrf0)  }
0xda: {  	(v2sf) =	vpush v6, $0xF;
	_ =	sdelay $0x5  }
0xdb: {  	s30 =	spop (v2sf)  }
0xdc: {  	s29 =	sadd.s32 s29, s30  }
0xdd: {  	[tilespmem:s29+$0x12008] =	vst.msk vm0, v4  }
0xde: {  	[tilespmem:s29+$0x13088] =	vst.msk vm0, v5  }
0xdf: {  	v4 =	vld [tilespmem:s25+$0x10068]  }
0xe0: {  	v5 =	vld [tilespmem:s25+$0x11068];
	_ =	sdelay $0x3  }
0xe1: {  	v4 =	vsub.s32 v4, v0;
	s30 =	spop (v2sf)  }
0xe2: {  	s29 =	sadd.s32 s29, s30;
	vm0 =	vlt.u32 v4, $0x100000  }
0xe3: {  	[tilespmem:s29+$0x12008] =	vst.msk vm0, v4;
	v4 =	vsel vm0, $0x1, v3  }
0xe4: {  	[tilespmem:s29+$0x13088] =	vst.msk vm0, v5;
	(xrf0) =	vadd.scan.msk.s32 $0xffff, v4  }
0xe5: {  	v4 =	vld [tilespmem:s25+$0x10078]  }
0xe6: {  	v5 =	vld [tilespmem:s25+$0x11078];
	_ =	sdelay $0x3  }
0xe7: {  	v4 =	vsub.s32 v4, v0;
	v6, _, _ =	vpop (xrf0)  }
0xe8: {  	vm0 =	vlt.u32 v4, $0x100000;
	(v2sf) =	vpush v6, $0xF  }
0xe9: {  	v6 =	vsel vm0, $0x1, v3  }
0xea: {  	(xrf0) =	vadd.scan.msk.s32 $0xffff, v6;
	_ =	sdelay $0x5  }
0xeb: {  	v6, _, _ =	vpop (xrf0)  }
0xec: {  	(v2sf) =	vpush v6, $0xF;
	_ =	sdelay $0x5  }
0xed: {  	s25 =	spop (v2sf)  }
0xee: {  	s29 =	sadd.s32 s29, s25  }
0xef: {  	[tilespmem:s29+$0x12008] =	vst.msk vm0, v4  }
0xf0: {  	s25 =	sshra.s32 s28, $0x2;
	[tilespmem:s29+$0x13088] =	vst.msk vm0, v5  }
0xf1: {  	v5 =	vld [tilespmem:s25+$0x10008]  }
.Ltmp8:
0xf2: {  	(pc) =	sbr.rel @p0 .LBB2_11-.Ltmp8, $3  }
0xf3: {  	_ = 	snop  }
0xf4: {  	v4 =	vld [tilespmem:s25+$0x11008];
	_ =	sdelay $0x1  }
0xf5: {  	v5 =	vsub.s32 v5, v0;
	s28 =	spop (v2sf)  }
0xf6: {  	vm0 =	vlt.u32 v5, $0x100000;
	s26 =	sadd.s32 s29, s28  }
0xf7: {  	[tilespmem:s26+$0x12008] =	vst.msk vm0, v5;
	v5 =	vsel vm0, $0x1, v3  }
0xf8: {  	[tilespmem:s26+$0x13088] =	vst.msk vm0, v4;
	(xrf0) =	vadd.scan.msk.s32 $0xffff, v5  }
0xf9: {  	v4 =	vld [tilespmem:s25+$0x10018];
	_ =	sdelay $0x4  }
0xfa: {  	v4 =	vsub.s32 v4, v0;
	v5, _, _ =	vpop (xrf0)  }
0xfb: {  	vm9 =	vlt.u32 v4, $0x100000;
	(v2sf) =	vpush v5, $0xF  }
0xfc: {  	v5 =	vsel vm9, $0x1, v3  }
0xfd: {  	(xrf0) =	vadd.scan.msk.s32 $0xffff, v5;
	_ =	sdelay $0x5  }
0xfe: {  	v5, _, _ =	vpop (xrf0)  }
0xff: {  	(v2sf) =	vpush v5, $0xF;
	_ =	sdelay $0x3  }
0x100: {  	v5 =	vld [tilespmem:s25+$0x11018];
	_ =	sdelay $0x1  }
0x101: {  	s29 =	spop (v2sf)  }
0x102: {  	s26 =	sadd.s32 s26, s29  }
0x103: {  	[tilespmem:s26+$0x12008] =	vst.msk vm9, v4  }
0x104: {  	[tilespmem:s26+$0x13088] =	vst.msk vm9, v5  }
0x105: {  	v4 =	vld [tilespmem:s25+$0x10028];
	_ =	sdelay $0x2  }
0x106: {  	v5 =	vld [tilespmem:s25+$0x11028];
	_ =	sdelay $0x1  }
0x107: {  	v4 =	vsub.s32 v4, v0;
	s30 =	spop (v2sf)  }
0x108: {  	s26 =	sadd.s32 s26, s30;
	vm10 =	vlt.u32 v4, $0x100000  }
0x109: {  	[tilespmem:s26+$0x12008] =	vst.msk vm10, v4;
	v4 =	vsel vm10, $0x1, v3  }
0x10a: {  	[tilespmem:s26+$0x13088] =	vst.msk vm10, v5;
	(xrf0) =	vadd.scan.msk.s32 $0xffff, v4  }
0x10b: {  	v4 =	vld [tilespmem:s25+$0x10038];
	_ =	sdelay $0x4  }
0x10c: {  	v4 =	vsub.s32 v4, v0;
	v5, _, _ =	vpop (xrf0)  }
0x10d: {  	vm11 =	vlt.u32 v4, $0x100000;
	(v2sf) =	vpush v5, $0xF  }
0x10e: {  	v5 =	vsel vm11, $0x1, v3  }
0x10f: {  	(xrf0) =	vadd.scan.msk.s32 $0xffff, v5;
	_ =	sdelay $0x5  }
0x110: {  	v5, _, _ =	vpop (xrf0)  }
0x111: {  	(v2sf) =	vpush v5, $0xF;
	_ =	sdelay $0x3  }
0x112: {  	v5 =	vld [tilespmem:s25+$0x11038];
	_ =	sdelay $0x1  }
0x113: {  	s31 =	spop (v2sf)  }
0x114: {  	s26 =	sadd.s32 s26, s31  }
0x115: {  	[tilespmem:s26+$0x12008] =	vst.msk vm11, v4  }
0x116: {  	[tilespmem:s26+$0x13088] =	vst.msk vm11, v5  }
0x117: {  	v4 =	vld [tilespmem:s25+$0x10048];
	_ =	sdelay $0x2  }
0x118: {  	v5 =	vld [tilespmem:s25+$0x11048];
	_ =	sdelay $0x1  }
0x119: {  	v4 =	vsub.s32 v4, v0;
	s29 =	spop (v2sf)  }
0x11a: {  	s26 =	sadd.s32 s26, s29;
	vm12 =	vlt.u32 v4, $0x100000  }
0x11b: {  	[tilespmem:s26+$0x12008] =	vst.msk vm12, v4;
	v4 =	vsel vm12, $0x1, v3  }
0x11c: {  	[tilespmem:s26+$0x13088] =	vst.msk vm12, v5;
	(xrf0) =	vadd.scan.msk.s32 $0xffff, v4  }
0x11d: {  	v4 =	vld [tilespmem:s25+$0x10058];
	_ =	sdelay $0x4  }
0x11e: {  	v4 =	vsub.s32 v4, v0;
	v5, _, _ =	vpop (xrf0)  }
0x11f: {  	vm13 =	vlt.u32 v4, $0x100000;
	(v2sf) =	vpush v5, $0xF  }
0x120: {  	v5 =	vsel vm13, $0x1, v3  }
0x121: {  	(xrf0) =	vadd.scan.msk.s32 $0xffff, v5;
	_ =	sdelay $0x5  }
0x122: {  	v5, _, _ =	vpop (xrf0)  }
0x123: {  	(v2sf) =	vpush v5, $0xF;
	_ =	sdelay $0x3  }
0x124: {  	v5 =	vld [tilespmem:s25+$0x11058];
	_ =	sdelay $0x1  }
0x125: {  	s30 =	spop (v2sf)  }
0x126: {  	s26 =	sadd.s32 s26, s30  }
0x127: {  	[tilespmem:s26+$0x12008] =	vst.msk vm13, v4  }
0x128: {  	[tilespmem:s26+$0x13088] =	vst.msk vm13, v5  }
0x129: {  	v4 =	vld [tilespmem:s25+$0x10068];
	_ =	sdelay $0x2  }
0x12a: {  	v5 =	vld [tilespmem:s25+$0x11068];
	_ =	sdelay $0x1  }
0x12b: {  	v4 =	vsub.s32 v4, v0;
	s31 =	spop (v2sf)  }
0x12c: {  	s26 =	sadd.s32 s26, s31;
	vm14 =	vlt.u32 v4, $0x100000  }
0x12d: {  	[tilespmem:s26+$0x12008] =	vst.msk vm14, v4  }
0x12e: {  	[tilespmem:s26+$0x13088] =	vst.msk vm14, v5  }
0x12f: {  	v4 =	vld [tilespmem:s25+$0x10078];
	_ =	sdelay $0x4  }
0x130: {  	v4 =	vsub.s32 v4, v0  }
0x131: {  	v5 =	vsel vm14, $0x1, v3;
	vm15 =	vlt.u32 v4, $0x100000  }
0x132: {  	(xrf0) =	vadd.scan.msk.s32 $0xffff, v5;
	v5 =	vsel vm15, $0x1, v3  }
0x133: {  	(xrf0) =	vadd.scan.msk.s32 $0xffff, v5;
	_ =	sdelay $0x4  }
0x134: {  	v5, _, _ =	vpop (xrf0)  }
0x135: {  	(v2sf) =	vpush v5, $0xF;
	v5, _, _ =	vpop (xrf0)  }
0x136: {  	(v2sf) =	vpush v5, $0xF;
	_ =	sdelay $0xd  }
0x137: {  	s29 =	spop (v2sf)  }
0x138: {  	s26 =	sadd.s32 s26, s29;
	s30 =	spop (v2sf)  }
0x139: {  	s28 =	sadd.s32 s26, s30  }
0x13a: {  	s28 =	sadd.s32 $0x7F, s28  }
0x13b: {  	s31 =	sand.u32 $0x7F, s28  }
0x13c: {  	s30 =	sshra.s32 s28, $0x1F;
	p1 =	slt.s32 s28, $0x1;
	p0 =	sne.s32 s31, $0x0  }
0x13d: {  	s31 =	sshrl.u32 s30, $0x19;
	p0 =	por !p1, !p0  }
0x13e: {  	v5 =	vld [tilespmem:s25+$0x11078];
	s25 =	sadd.s32 s31, s28;
	s28 =	simm.s32 $0x1;
	p0 =	por !p0, !p0  }
0x13f: {  	s25 =	sshra.s32 s25, $0x7;
	s28 =	simm.s32 @!p0 $0x0  }
0x140: {  	s25 =	ssub.s32 s25, s28  }
0x141: {  	p0 =	slt.s32 s25, $0x1  }
.Ltmp9:
0x142: {  	_ = 	snop;
	(pc) =	sbr.rel @p0 .LBB2_82-.Ltmp9, $3  }
0x143: {  	_ =	sdelay $0x1  }
0x144: {  	[tilespmem:s26+$0x12008] =	vst.msk vm15, v4  }
0x145: {  	[tilespmem:s26+$0x13088] =	vst.msk vm15, v5  }
0x146: {  	p1 =	sne.s32 s25, $0x1  }
.Ltmp10:
0x147: {  	_ = 	snop;
	(pc) =	sbr.rel @!p1 .LBB2_14-.Ltmp10, $3  }
0x148: {  	_ =	sdelay $0x1  }
0x149: {  	s28 =	simm.s32 $0x12048  }
0x14a: {  	s26 =	simm.s32 $0x14148;
	s29 =	sadd.s32 $0xFFFFFFFF, s25;
	p0 =	por $0x0, $0x0;
	v4 =	vld [tilespmem:s28+$0xFFFFFFC0]  }
0x14b: {  	_ =	sdelay $0x3  }
0x14c: {  	[tilespmem:s26+$0xFFFFFFC0] =	vst v4  }
0x14d: {  	v4 =	vld [tilespmem:s28+$0xFFFFFFD0];
	_ =	sdelay $0x4  }
0x14e: {  	[tilespmem:s26+$0xFFFFFFD0] =	vst v4  }
0x14f: {  	v4 =	vld [tilespmem:s28+$0xFFFFFFE0];
	_ =	sdelay $0x4  }
0x150: {  	[tilespmem:s26+$0xFFFFFFE0] =	vst v4  }
0x151: {  	v4 =	vld [tilespmem:s28+$0xFFFFFFF0];
	_ =	sdelay $0x4  }
0x152: {  	[tilespmem:s26+$0xFFFFFFF0] =	vst v4  }
0x153: {  	v4 =	vld [tilespmem:s28+$0x0];
	_ =	sdelay $0x4  }
0x154: {  	[tilespmem:s26+$0x0] =	vst v4  }
0x155: {  	v4 =	vld [tilespmem:s28+$0x10];
	_ =	sdelay $0x4  }
0x156: {  	[tilespmem:s26+$0x10] =	vst v4  }
0x157: {  	v4 =	vld [tilespmem:s28+$0x20];
	_ =	sdelay $0x4  }
0x158: {  	[tilespmem:s26+$0x20] =	vst v4  }
0x159: {  	v4 =	vld [tilespmem:s28+$0x30]  }
0x15a: {  	p1 =	sne.s32 s29, $0x1  }
.Ltmp11:
0x15b: {  	_ = 	snop;
	(pc) =	sbr.rel @!p1 .LBB2_16-.Ltmp11, $3  }
0x15c: {  	_ =	sdelay $0x1  }
0x15d: {  	s28 =	simm.s32 $0x120C8;
	[tilespmem:s26+$0x30] =	vst v4  }
0x15e: {  	s30 =	sadd.s32 $0xFFFFFFFF, s29;
	p0 =	por $0x1, $0x1;
	s29 =	simm.s32 $0x14148;
	v4 =	vld [tilespmem:s28+$0xFFFFFFC0]  }
.LBB2_17:
0x15f: {  	p1 =	sne.s32 s30, $0x1;
	_ =	sdelay $0x2  }
0x160: {  	s29 =	sadd.s32 $0x80, s29  }
0x161: {  	[tilespmem:s29+$0xFFFFFFC0] =	vst v4  }
0x162: {  	v4 =	vld [tilespmem:s28+$0xFFFFFFD0];
	_ =	sdelay $0x4  }
0x163: {  	[tilespmem:s29+$0xFFFFFFD0] =	vst v4  }
0x164: {  	v4 =	vld [tilespmem:s28+$0xFFFFFFE0];
	_ =	sdelay $0x4  }
0x165: {  	[tilespmem:s29+$0xFFFFFFE0] =	vst v4  }
0x166: {  	v4 =	vld [tilespmem:s28+$0xFFFFFFF0];
	_ =	sdelay $0x4  }
0x167: {  	[tilespmem:s29+$0xFFFFFFF0] =	vst v4  }
0x168: {  	v4 =	vld [tilespmem:s28+$0x0];
	_ =	sdelay $0x4  }
0x169: {  	[tilespmem:s29+$0x0] =	vst v4  }
0x16a: {  	v4 =	vld [tilespmem:s28+$0x10];
	_ =	sdelay $0x4  }
0x16b: {  	[tilespmem:s29+$0x10] =	vst v4  }
0x16c: {  	v4 =	vld [tilespmem:s28+$0x20];
	_ =	sdelay $0x4  }
0x16d: {  	[tilespmem:s29+$0x20] =	vst v4  }
0x16e: {  	v4 =	vld [tilespmem:s28+$0x30];
	_ =	sdelay $0x1  }
.Ltmp12:
0x16f: {  	(pc) =	sbr.rel @p1 .LBB2_17-.Ltmp12, $3  }
0x170: {  	_ =	sdelay $0x1  }
0x171: {  	s28 =	sadd.s32 $0x80, s28;
	[tilespmem:s29+$0x30] =	vst v4  }
0x172: {  	s30 =	sadd.s32 $0xFFFFFFFF, s30;
	v4 =	vld [tilespmem:s28+$0xFFFFFFC0]  }
.LBB2_18:
0x173: {  	_ =	sdelay $0x1  }
0x174: {  	s29 =	sadd.s32 @p0 $0x80, s29  }
0x175: {  	s26 =	smov.u32 @p0 s29  }
0x176: {  	[tilespmem:s26+$0xFFFFFFC0] =	vst v4  }
0x177: {  	v4 =	vld [tilespmem:s28+$0xFFFFFFD0];
	_ =	sdelay $0x4  }
0x178: {  	[tilespmem:s26+$0xFFFFFFD0] =	vst v4  }
0x179: {  	v4 =	vld [tilespmem:s28+$0xFFFFFFE0];
	_ =	sdelay $0x4  }
0x17a: {  	[tilespmem:s26+$0xFFFFFFE0] =	vst v4  }
0x17b: {  	v4 =	vld [tilespmem:s28+$0xFFFFFFF0];
	_ =	sdelay $0x4  }
0x17c: {  	[tilespmem:s26+$0xFFFFFFF0] =	vst v4  }
0x17d: {  	v4 =	vld [tilespmem:s28+$0x0];
	_ =	sdelay $0x4  }
0x17e: {  	[tilespmem:s26+$0x0] =	vst v4  }
0x17f: {  	v4 =	vld [tilespmem:s28+$0x10];
	_ =	sdelay $0x4  }
0x180: {  	[tilespmem:s26+$0x10] =	vst v4  }
0x181: {  	v4 =	vld [tilespmem:s28+$0x20];
	_ =	sdelay $0x4  }
0x182: {  	[tilespmem:s26+$0x20] =	vst v4  }
0x183: {  	v4 =	vld [tilespmem:s28+$0x30]  }
0x184: {  	p0 =	seq.s32 s25, $0x1  }
.Ltmp13:
0x185: {  	_ = 	snop;
	(pc) =	sbr.rel @p0 .LBB2_81-.Ltmp13, $3  }
0x186: {  	_ =	sdelay $0x1  }
0x187: {  	[tilespmem:s26+$0x30] =	vst v4  }
0x188: {  	[spmem:s2] =	stream.indirect.scatter.add.f32 [tilespmem:s17], [sflag:$0x1], $0x1, s16, s15, $0xb8;
	[tilespmem:$0x15D08] =	vst v63  }
0x189: {  	[spmem:s2] =	stream.indirect.scatter.add.f32 [tilespmem:s19], [sflag:$0x1], $0x1, s18, s15, $0xb8;
	[tilespmem:$0x15D08] =	vst v63  }
0x18a: {  	p1 =	slt.u32 s25, $0x3  }
0x18b: {  	s26 =	simm.s32 @!p1 $0x80;
	s28 =	simm.s32 @!p1 $0x14208;
	s29 =	simm.s32 @!p1 $0x13188  }
0x18c: {  	[spmem:s2] =	stream.indirect.scatter.add.f32 @!p1 [tilespmem:s29], [sflag:$0x1], $0x1, s28, s26, $0xb8;
	[tilespmem:$0x15D08] =	vst v63  }
0x18d: {  	s26 =	simm.s32 @!p1 $0x0  }
0x18e: {  	p0 =	seq.s32 @!p1 s25, $0x3;
	s26 =	simm.s32 @p1 $0x1  }
0x18f: {  	p1 =	por p1, p0;
	[smem:$0x7EB] =	sst s26  }
0x190: {  	s26 =	simm.s32 @!p1 $0x80;
	s28 =	simm.s32 @!p1 $0x14288;
	s29 =	simm.s32 @!p1 $0x13208  }
0x191: {  	[spmem:s2] =	stream.indirect.scatter.add.f32 @!p1 [tilespmem:s29], [sflag:$0x1], $0x1, s28, s26, $0xb8;
	[tilespmem:$0x15D08] =	vst v63  }
0x192: {  	s26 =	simm.s32 @!p1 $0x0  }
0x193: {  	p0 =	slt.u32 @!p1 s25, $0x5;
	s26 =	simm.s32 @p1 $0x1  }
0x194: {  	p1 =	por p1, p0;
	[smem:$0x7EC] =	sst s26  }
0x195: {  	s26 =	simm.s32 @!p1 $0x80;
	s28 =	simm.s32 @!p1 $0x14308;
	s29 =	simm.s32 @!p1 $0x13288  }
0x196: {  	[spmem:s2] =	stream.indirect.scatter.add.f32 @!p1 [tilespmem:s29], [sflag:$0x1], $0x1, s28, s26, $0xb8;
	[tilespmem:$0x15D08] =	vst v63  }
0x197: {  	s26 =	simm.s32 @!p1 $0x0  }
0x198: {  	p0 =	seq.s32 @!p1 s25, $0x5;
	s26 =	simm.s32 @p1 $0x1  }
0x199: {  	p1 =	por p1, p0;
	[smem:$0x7ED] =	sst s26  }
0x19a: {  	s26 =	simm.s32 @!p1 $0x80;
	s28 =	simm.s32 @!p1 $0x14388;
	s29 =	simm.s32 @!p1 $0x13308  }
0x19b: {  	[spmem:s2] =	stream.indirect.scatter.add.f32 @!p1 [tilespmem:s29], [sflag:$0x1], $0x1, s28, s26, $0xb8;
	[tilespmem:$0x15D08] =	vst v63  }
0x19c: {  	s26 =	simm.s32 @!p1 $0x0  }
0x19d: {  	p0 =	slt.u32 @!p1 s25, $0x7;
	s26 =	simm.s32 @p1 $0x1  }
0x19e: {  	p1 =	por p1, p0;
	[smem:$0x7EE] =	sst s26  }
0x19f: {  	s26 =	simm.s32 @!p1 $0x80;
	s28 =	simm.s32 @!p1 $0x14408;
	s29 =	simm.s32 @!p1 $0x13388  }
0x1a0: {  	[spmem:s2] =	stream.indirect.scatter.add.f32 @!p1 [tilespmem:s29], [sflag:$0x1], $0x1, s28, s26, $0xb8;
	[tilespmem:$0x15D08] =	vst v63  }
0x1a1: {  	s26 =	simm.s32 @!p1 $0x0  }
0x1a2: {  	p0 =	seq.s32 @!p1 s25, $0x7;
	s26 =	simm.s32 @p1 $0x1  }
0x1a3: {  	p1 =	por p1, p0;
	[smem:$0x7EF] =	sst s26  }
0x1a4: {  	s26 =	simm.s32 @!p1 $0x80;
	s28 =	simm.s32 @!p1 $0x14488;
	s29 =	simm.s32 @!p1 $0x13408  }
0x1a5: {  	[spmem:s2] =	stream.indirect.scatter.add.f32 @!p1 [tilespmem:s29], [sflag:$0x1], $0x1, s28, s26, $0xb8;
	[tilespmem:$0x15D08] =	vst v63  }
0x1a6: {  	s26 =	simm.s32 @!p1 $0x0  }
0x1a7: {  	p0 =	slt.u32 @!p1 s25, $0x9;
	s26 =	simm.s32 @p1 $0x1  }
0x1a8: {  	p1 =	por p1, p0;
	[smem:$0x7F0] =	sst s26  }
0x1a9: {  	s26 =	simm.s32 @!p1 $0x80;
	s28 =	simm.s32 @!p1 $0x14508;
	s29 =	simm.s32 @!p1 $0x13488  }
0x1aa: {  	[spmem:s2] =	stream.indirect.scatter.add.f32 @!p1 [tilespmem:s29], [sflag:$0x1], $0x1, s28, s26, $0xb8;
	[tilespmem:$0x15D08] =	vst v63  }
0x1ab: {  	p0 =	seq.s32 @!p1 s25, $0x9;
	s26 =	simm.s32 @!p1 $0x0  }
0x1ac: {  	s26 =	simm.s32 @p1 $0x1;
	p1 =	por p1, p0  }
0x1ad: {  	[smem:$0x7F1] =	sst s26;
	s26 =	simm.s32 @!p1 $0x80  }
0x1ae: {  	s28 =	simm.s32 @!p1 $0x14588;
	s29 =	simm.s32 @!p1 $0x13508;
	p0 =	slt.u32 @!p1 s25, $0xB  }
0x1af: {  	[spmem:s2] =	stream.indirect.scatter.add.f32 @!p1 [tilespmem:s29], [sflag:$0x1], $0x1, s28, s26, $0xb8;
	[tilespmem:$0x15D08] =	vst v63  }
0x1b0: {  	s26 =	simm.s32 @!p1 $0x0;
	p0 =	por p1, p0  }
0x1b1: {  	s26 =	simm.s32 @p1 $0x1;
	s28 =	simm.s32 @!p0 $0x14608  }
0x1b2: {  	s29 =	simm.s32 @!p0 $0x13588;
	[smem:$0x7F2] =	sst s26;
	s26 =	simm.s32 @!p0 $0x80  }
0x1b3: {  	[spmem:s2] =	stream.indirect.scatter.add.f32 @!p0 [tilespmem:s29], [sflag:$0x1], $0x1, s28, s26, $0xb8;
	[tilespmem:$0x15D08] =	vst v63  }
0x1b4: {  	s26 =	simm.s32 @!p0 $0x0  }
0x1b5: {  	p2 =	seq.s32 @!p0 s25, $0xB;
	s26 =	simm.s32 @p0 $0x1  }
0x1b6: {  	p0 =	por p0, p2;
	[smem:$0x7F3] =	sst s26  }
0x1b7: {  	s26 =	simm.s32 @!p0 $0x80;
	s28 =	simm.s32 @!p0 $0x14688;
	s29 =	simm.s32 @!p0 $0x13608  }
0x1b8: {  	[spmem:s2] =	stream.indirect.scatter.add.f32 @!p0 [tilespmem:s29], [sflag:$0x1], $0x1, s28, s26, $0xb8;
	[tilespmem:$0x15D08] =	vst v63  }
0x1b9: {  	s26 =	simm.s32 @!p0 $0x0  }
0x1ba: {  	p2 =	slt.u32 @!p0 s25, $0xD;
	s26 =	simm.s32 @p0 $0x1  }
0x1bb: {  	p0 =	por p0, p2;
	[smem:$0x7F4] =	sst s26  }
0x1bc: {  	s26 =	simm.s32 @!p0 $0x80;
	s28 =	simm.s32 @!p0 $0x14708;
	s29 =	simm.s32 @!p0 $0x13688  }
0x1bd: {  	[spmem:s2] =	stream.indirect.scatter.add.f32 @!p0 [tilespmem:s29], [sflag:$0x1], $0x1, s28, s26, $0xb8;
	[tilespmem:$0x15D08] =	vst v63  }
0x1be: {  	s26 =	simm.s32 @!p0 $0x0  }
0x1bf: {  	p3 =	seq.s32 @!p0 s25, $0xD;
	s26 =	simm.s32 @p0 $0x1  }
0x1c0: {  	p0 =	por p0, p3;
	[smem:$0x7F5] =	sst s26  }
0x1c1: {  	s26 =	simm.s32 @!p0 $0x80;
	s28 =	simm.s32 @!p0 $0x14788;
	s29 =	simm.s32 @!p0 $0x13708  }
0x1c2: {  	[spmem:s2] =	stream.indirect.scatter.add.f32 @!p0 [tilespmem:s29], [sflag:$0x1], $0x1, s28, s26, $0xb8;
	[tilespmem:$0x15D08] =	vst v63  }
0x1c3: {  	s26 =	simm.s32 @!p0 $0x0  }
0x1c4: {  	p4 =	slt.u32 @!p0 s25, $0xF;
	s26 =	simm.s32 @p0 $0x1  }
0x1c5: {  	p0 =	por p0, p4;
	[smem:$0x7F6] =	sst s26  }
0x1c6: {  	s26 =	simm.s32 @!p0 $0x80;
	s28 =	simm.s32 @!p0 $0x14808;
	s29 =	simm.s32 @!p0 $0x13788  }
0x1c7: {  	[spmem:s2] =	stream.indirect.scatter.add.f32 @!p0 [tilespmem:s29], [sflag:$0x1], $0x1, s28, s26, $0xb8;
	[tilespmem:$0x15D08] =	vst v63  }
0x1c8: {  	s26 =	simm.s32 @!p0 $0x0  }
0x1c9: {  	p4 =	seq.s32 @!p0 s25, $0xF;
	s26 =	simm.s32 @p0 $0x1  }
0x1ca: {  	p0 =	por p0, p4;
	[smem:$0x7F7] =	sst s26  }
0x1cb: {  	s26 =	simm.s32 @!p0 $0x80;
	s28 =	simm.s32 @!p0 $0x14888;
	s29 =	simm.s32 @!p0 $0x13808  }
0x1cc: {  	[spmem:s2] =	stream.indirect.scatter.add.f32 @!p0 [tilespmem:s29], [sflag:$0x1], $0x1, s28, s26, $0xb8;
	[tilespmem:$0x15D08] =	vst v63  }
0x1cd: {  	s26 =	simm.s32 @!p0 $0x0  }
0x1ce: {  	p4 =	slt.u32 @!p0 s25, $0x11;
	s26 =	simm.s32 @p0 $0x1  }
0x1cf: {  	p0 =	por p0, p4;
	[smem:$0x7F8] =	sst s26  }
0x1d0: {  	s26 =	simm.s32 @!p0 $0x80;
	s28 =	simm.s32 @!p0 $0x14908;
	s29 =	simm.s32 @!p0 $0x13888  }
0x1d1: {  	[spmem:s2] =	stream.indirect.scatter.add.f32 @!p0 [tilespmem:s29], [sflag:$0x1], $0x1, s28, s26, $0xb8;
	[tilespmem:$0x15D08] =	vst v63  }
0x1d2: {  	s26 =	simm.s32 @!p0 $0x0  }
0x1d3: {  	p4 =	seq.s32 @!p0 s25, $0x11;
	s26 =	simm.s32 @p0 $0x1  }
0x1d4: {  	p0 =	por p0, p4;
	[smem:$0x7F9] =	sst s26  }
0x1d5: {  	s26 =	simm.s32 @!p0 $0x80;
	s28 =	simm.s32 @!p0 $0x14988;
	s29 =	simm.s32 @!p0 $0x13908  }
0x1d6: {  	[spmem:s2] =	stream.indirect.scatter.add.f32 @!p0 [tilespmem:s29], [sflag:$0x1], $0x1, s28, s26, $0xb8;
	[tilespmem:$0x15D08] =	vst v63  }
0x1d7: {  	s26 =	simm.s32 @!p0 $0x0  }
0x1d8: {  	p4 =	slt.u32 @!p0 s25, $0x13;
	s26 =	simm.s32 @p0 $0x1  }
0x1d9: {  	p0 =	por p0, p4;
	[smem:$0x7FA] =	sst s26  }
0x1da: {  	s26 =	simm.s32 @!p0 $0x80;
	s28 =	simm.s32 @!p0 $0x14A08;
	s29 =	simm.s32 @!p0 $0x13988  }
0x1db: {  	[spmem:s2] =	stream.indirect.scatter.add.f32 @!p0 [tilespmem:s29], [sflag:$0x1], $0x1, s28, s26, $0xb8;
	[tilespmem:$0x15D08] =	vst v63  }
0x1dc: {  	p4 =	seq.s32 @!p0 s25, $0x13;
	s26 =	simm.s32 @!p0 $0x0  }
0x1dd: {  	p6 =	por p0, p4;
	s26 =	simm.s32 @p0 $0x1  }
0x1de: {  	s28 =	simm.s32 @!p6 $0x14A88;
	s29 =	simm.s32 @!p6 $0x13A08;
	p4 =	slt.u32 @!p6 s25, $0x15  }
0x1df: {  	[smem:$0x7FB] =	sst s26;
	s26 =	simm.s32 @!p6 $0x80;
	p0 =	por p6, p4  }
0x1e0: {  	[spmem:s2] =	stream.indirect.scatter.add.f32 @!p6 [tilespmem:s29], [sflag:$0x1], $0x1, s28, s26, $0xb8;
	[tilespmem:$0x15D08] =	vst v63  }
0x1e1: {  	s26 =	simm.s32 @!p0 $0x80;
	s28 =	simm.s32 @!p0 $0x14B08;
	s29 =	simm.s32 @!p0 $0x13A88  }
0x1e2: {  	[spmem:s2] =	stream.indirect.scatter.add.f32 @!p0 [tilespmem:s29], [sflag:$0x1], $0x1, s28, s26, $0xb8;
	[tilespmem:$0x15D08] =	vst v63  }
0x1e3: {  	p4 =	seq.s32 @!p0 s25, $0x15;
	s26 =	simm.s32 @!p0 $0x0  }
0x1e4: {  	s26 =	simm.s32 @p0 $0x1;
	p0 =	por p0, p4  }
0x1e5: {  	[smem:$0x7FC] =	sst s26;
	s26 =	simm.s32 @!p0 $0x80  }
0x1e6: {  	s28 =	simm.s32 @!p0 $0x14B88;
	s29 =	simm.s32 @!p0 $0x13B08;
	p4 =	slt.u32 @!p0 s25, $0x17  }
0x1e7: {  	[spmem:s2] =	stream.indirect.scatter.add.f32 @!p0 [tilespmem:s29], [sflag:$0x1], $0x1, s28, s26, $0xb8;
	[tilespmem:$0x15D08] =	vst v63  }
0x1e8: {  	p5 =	por p0, p4  }
0x1e9: {  	s26 =	simm.s32 @!p5 $0x80  }
0x1ea: {  	s28 =	simm.s32 @!p5 $0x14C08;
	s29 =	simm.s32 @!p5 $0x13B88;
	p4 =	seq.s32 @!p5 s25, $0x17  }
0x1eb: {  	[spmem:s2] =	stream.indirect.scatter.add.f32 @!p5 [tilespmem:s29], [sflag:$0x1], $0x1, s28, s26, $0xb8;
	[tilespmem:$0x15D08] =	vst v63  }
0x1ec: {  	p3 =	por p5, p4  }
0x1ed: {  	s26 =	simm.s32 @!p3 $0x80  }
0x1ee: {  	s28 =	simm.s32 @!p3 $0x14C88;
	s29 =	simm.s32 @!p3 $0x13C08;
	p4 =	slt.u32 @!p3 s25, $0x19  }
0x1ef: {  	[spmem:s2] =	stream.indirect.scatter.add.f32 @!p3 [tilespmem:s29], [sflag:$0x1], $0x1, s28, s26, $0xb8;
	[tilespmem:$0x15D08] =	vst v63  }
0x1f0: {  	p1 =	por p3, p4  }
0x1f1: {  	p4 =	seq.s32 @!p1 s25, $0x19  }
0x1f2: {  	s26 =	simm.s32 @!p1 $0x80;
	p4 =	por p1, p4  }
.Ltmp14:
0x1f3: {  	s28 =	simm.s32 @!p1 $0x14D08;
	s29 =	simm.s32 @!p1 $0x13C88;
	(pc) =	sbr.rel @!p4 .LBB2_20-.Ltmp14, $4  }
0x1f4: {  	[spmem:s2] =	stream.indirect.scatter.add.f32 @!p1 [tilespmem:s29], [sflag:$0x1], $0x1, s28, s26, $0xb8;
	[tilespmem:$0x15D08] =	vst v63  }
0x1f5: {  	s26 =	simm.s32 @!p1 $0x0  }
0x1f6: {  	s26 =	simm.s32 @p1 $0x1  }
0x1f7: {  	[smem:$0x7FD] =	sst s26  }
0x1f8: {  	s25 =	sld [smem:$0x7EB];
	_ =	sdelay $0x1  }
0x1f9: {  	s31 =	sld [smem:$0x7EC]  }
0x1fa: {  	s26 =	sld [smem:$0x7ED];
	p4 =	seq.s32 s25, $0x1;
	s25 =	simm.s32 @!p3 $0x0  }
0x1fb: {  	s28 =	sld [smem:$0x7EE];
	s25 =	simm.s32 @p3 $0x1  }
0x1fc: {  	p1 =	por @!p4 $0x0, $0x0;
	p3 =	por $0x0, $0x0;
	[smem:$0x7D2] =	sst s25  }
0x1fd: {  	p3 =	por @!p4 p1, p1;
	p4 =	seq.s32 s31, $0x1;
	s25 =	simm.s32 @!p6 $0x0  }
0x1fe: {  	p1 =	por @!p4 $0x0, $0x0;
	s25 =	simm.s32 @p6 $0x1;
	p6 =	por p3, p3  }
0x1ff: {  	p2 =	por @!p4 $0x1, $0x1;
	[smem:$0x7CD] =	sst s25;
	p6 =	por @!p4 p1, p1  }
0x200: {  	p1 =	seq.s32 s26, $0x1;
	s25 =	simm.s32 @!p5 $0x0;
	p3 =	por @!p4 p2, p2  }
0x201: {  	s25 =	simm.s32 @p5 $0x1;
	p5 =	por p6, p6;
	p2 =	por @!p1 $0x0, $0x0  }
0x202: {  	s29 =	sld [smem:$0x7ED];
	p5 =	por @!p1 p2, p2  }
0x203: {  	[smem:$0x7D0] =	sst s25;
	s25 =	simm.s32 @!p5 $0x0  }
0x204: {  	s30 =	sld [smem:$0x7ED];
	s25 =	simm.s32 @p5 $0x1  }
0x205: {  	[smem:$0x7DF] =	sst s25  }
0x206: {  	p2 =	por @!p1 $0x1, $0x1;
	s31 =	sld [smem:$0x7DF]  }
0x207: {  	p4 =	seq.s32 s30, $0x1;
	p3 =	por @!p1 p2, p2;
	p1 =	seq.s32 s29, $0x1  }
0x208: {  	s26 =	sld [smem:$0x7EF];
	p2 =	seq.s32 s28, $0x1;
	p1 =	por @!p1 $0x1, $0x1  }
0x209: {  	p6 =	por @!p4 p1, p1;
	p1 =	por @!p2 $0x0, $0x0;
	p4 =	seq.s32 s31, $0x1  }
0x20a: {  	p4 =	por @!p2 p1, p1;
	p1 =	por @!p2 $0x1, $0x1  }
0x20b: {  	s25 =	simm.s32 @!p0 $0x0;
	p5 =	por @!p2 p1, p1  }
0x20c: {  	p3 =	por @!p2 p1, p1;
	p6 =	por @!p2 p1, p1;
	p1 =	seq.s32 s26, $0x1  }
0x20d: {  	s25 =	simm.s32 @p0 $0x1;
	p0 =	por p4, p4;
	p2 =	por @!p1 $0x0, $0x0  }
0x20e: {  	s28 =	sld [smem:$0x7F0];
	p0 =	por @!p1 p2, p2;
	p2 =	por @!p1 $0x1, $0x1  }
0x20f: {  	[smem:$0x7D1] =	sst s25;
	p5 =	por @!p1 p2, p2;
	p2 =	por @!p1 $0x1, $0x1  }
0x210: {  	s25 =	simm.s32 @!p5 $0x0;
	p3 =	por @!p1 p2, p2;
	p6 =	por @!p1 p2, p2  }
0x211: {  	p2 =	por p0, p0;
	s25 =	simm.s32 @p5 $0x1;
	p5 =	por p6, p6  }
0x212: {  	p6 =	seq.s32 s28, $0x1;
	[smem:$0x7DC] =	sst s25;
	s25 =	simm.s32 @!p3 $0x0  }
0x213: {  	s25 =	simm.s32 @p3 $0x1;
	p3 =	por p0, p0;
	p0 =	por @!p1 $0x1, $0x1  }
0x214: {  	p4 =	por @!p1 p0, p0;
	p0 =	por @!p6 $0x0, $0x0  }
0x215: {  	s29 =	sld [smem:$0x7DC];
	p2 =	por @!p6 p0, p0  }
0x216: {  	[smem:$0x7DD] =	sst s25;
	p1 =	por @!p6 $0x1, $0x1;
	s25 =	simm.s32 @!p2 $0x0  }
0x217: {  	p3 =	por @!p6 p1, p1;
	s30 =	sld [smem:$0x7DD];
	s25 =	simm.s32 @p2 $0x1  }
0x218: {  	[smem:$0x7E0] =	sst s25;
	s25 =	simm.s32 @!p3 $0x0  }
0x219: {  	s31 =	sld [smem:$0x7F1];
	p5 =	por @!p6 p1, p1;
	s25 =	simm.s32 @p3 $0x1  }
0x21a: {  	p4 =	por @!p6 p1, p1;
	p0 =	seq.s32 s29, $0x1;
	[smem:$0x7DB] =	sst s25  }
0x21b: {  	p0 =	por @!p6 p1, p1;
	p3 =	seq.s32 s30, $0x1;
	s26 =	sld [smem:$0x7DB]  }
0x21c: {  	p3 =	por @!p6 p1, p1;
	s25 =	simm.s32 @!p5 $0x0;
	p1 =	seq.s32 s31, $0x1  }
0x21d: {  	s25 =	simm.s32 @p5 $0x1;
	p5 =	por p2, p2;
	p2 =	por @!p1 $0x0, $0x0  }
0x21e: {  	p6 =	por @!p1 $0x1, $0x1;
	p5 =	por @!p1 p2, p2;
	p2 =	seq.s32 s26, $0x1  }
0x21f: {  	p2 =	por @!p1 p6, p6  }
0x220: {  	[smem:$0x7DE] =	sst s25;
	s25 =	simm.s32 @!p2 $0x0  }
0x221: {  	s25 =	simm.s32 @p2 $0x1;
	p2 =	por @!p1 $0x1, $0x1  }
0x222: {  	p0 =	por @!p1 p2, p2  }
0x223: {  	[smem:$0x7DB] =	sst s25;
	s25 =	simm.s32 @!p0 $0x0  }
0x224: {  	s30 =	sld [smem:$0x7E0];
	p3 =	por @!p1 p2, p2;
	s25 =	simm.s32 @p0 $0x1  }
0x225: {  	[smem:$0x7DC] =	sst s25;
	s25 =	simm.s32 @!p3 $0x0  }
0x226: {  	s28 =	sld [smem:$0x7DE];
	s25 =	simm.s32 @p3 $0x1  }
0x227: {  	[smem:$0x7DD] =	sst s25;
	s25 =	simm.s32 @!p5 $0x0  }
0x228: {  	s29 =	sld [smem:$0x7F2];
	p6 =	por @!p1 $0x1, $0x1;
	s25 =	simm.s32 @p5 $0x1  }
0x229: {  	p4 =	por @!p1 p2, p2;
	p3 =	seq.s32 s28, $0x1;
	[smem:$0x7E1] =	sst s25  }
0x22a: {  	p3 =	por @!p1 p2, p2;
	p2 =	seq.s32 s30, $0x1;
	s31 =	sld [smem:$0x7E1]  }
0x22b: {  	s26 =	sld [smem:$0x7DB];
	p2 =	por @!p1 p6, p6  }
0x22c: {  	p0 =	seq.s32 s29, $0x1;
	s28 =	sld [smem:$0x7DC];
	s25 =	simm.s32 @!p2 $0x0  }
0x22d: {  	s25 =	simm.s32 @p2 $0x1;
	p2 =	por @!p0 $0x0, $0x0;
	p1 =	seq.s32 s31, $0x1  }
0x22e: {  	p6 =	por @!p0 $0x1, $0x1;
	s29 =	sld [smem:$0x7DD];
	p1 =	por @!p0 p2, p2  }
0x22f: {  	p5 =	por @!p0 p6, p6;
	[smem:$0x7E0] =	sst s25;
	s25 =	simm.s32 @!p1 $0x0  }
0x230: {  	p3 =	por @!p0 p6, p6;
	s25 =	simm.s32 @p1 $0x1;
	p1 =	seq.s32 s28, $0x1  }
0x231: {  	p4 =	por @!p0 p6, p6;
	s30 =	sld [smem:$0x7E0];
	p1 =	por @!p0 p6, p6  }
0x232: {  	p2 =	seq.s32 s26, $0x1;
	[smem:$0x7E1] =	sst s25;
	s25 =	simm.s32 @!p1 $0x0  }
0x233: {  	s31 =	sld [smem:$0x7F3];
	p2 =	por @!p0 p6, p6;
	s25 =	simm.s32 @p1 $0x1  }
0x234: {  	p1 =	seq.s32 s29, $0x1;
	[smem:$0x7DC] =	sst s25;
	s25 =	simm.s32 @!p3 $0x0  }
0x235: {  	s26 =	sld [smem:$0x7E1];
	p1 =	por @!p0 p6, p6;
	s25 =	simm.s32 @p3 $0x1  }
0x236: {  	p6 =	por @!p0 $0x1, $0x1;
	p3 =	seq.s32 s30, $0x1;
	[smem:$0x7DE] =	sst s25  }
0x237: {  	s25 =	simm.s32 @!p4 $0x0;
	p3 =	por @!p0 p6, p6;
	p0 =	seq.s32 s31, $0x1  }
0x238: {  	p6 =	seq.s32 s26, $0x1;
	s25 =	simm.s32 @p4 $0x1;
	p4 =	por @!p0 $0x0, $0x0  }
0x239: {  	p6 =	por @!p0 p4, p4  }
0x23a: {  	[smem:$0x7DF] =	sst s25;
	s25 =	simm.s32 @!p6 $0x0  }
0x23b: {  	s28 =	sld [smem:$0x7DC];
	s25 =	simm.s32 @p6 $0x1;
	p6 =	por @!p0 $0x1, $0x1  }
0x23c: {  	p2 =	por @!p0 p6, p6  }
0x23d: {  	[smem:$0x7D9] =	sst s25;
	p5 =	por @!p0 p6, p6;
	s25 =	simm.s32 @!p2 $0x0  }
0x23e: {  	p6 =	seq.s32 s28, $0x1;
	s25 =	simm.s32 @p2 $0x1;
	p2 =	por @!p0 $0x1, $0x1  }
0x23f: {  	s29 =	sld [smem:$0x7DE];
	p6 =	por @!p0 p2, p2  }
0x240: {  	[smem:$0x7DB] =	sst s25;
	s25 =	simm.s32 @!p6 $0x0  }
0x241: {  	p1 =	por @!p0 p2, p2;
	s25 =	simm.s32 @p6 $0x1  }
0x242: {  	[smem:$0x7DC] =	sst s25;
	s25 =	simm.s32 @!p1 $0x0  }
0x243: {  	s25 =	simm.s32 @p1 $0x1;
	p1 =	seq.s32 s29, $0x1  }
0x244: {  	s26 =	sld [smem:$0x7D9];
	p1 =	por @!p0 p2, p2  }
0x245: {  	[smem:$0x7DD] =	sst s25;
	s25 =	simm.s32 @!p1 $0x0  }
0x246: {  	s30 =	sld [smem:$0x7DF];
	p3 =	por @!p0 p2, p2;
	s25 =	simm.s32 @p1 $0x1  }
0x247: {  	[smem:$0x7DE] =	sst s25;
	s25 =	simm.s32 @!p3 $0x0  }
0x248: {  	s28 =	sld [smem:$0x7E1];
	p1 =	seq.s32 s26, $0x1;
	s25 =	simm.s32 @p3 $0x1  }
0x249: {  	[smem:$0x7E0] =	sst s25;
	s25 =	simm.s32 @!p1 $0x0  }
0x24a: {  	s31 =	sld [smem:$0x7F4];
	p4 =	seq.s32 s30, $0x1;
	s25 =	simm.s32 @p1 $0x1  }
0x24b: {  	p4 =	por @!p0 p2, p2;
	[smem:$0x7E2] =	sst s25  }
0x24c: {  	p6 =	por @!p0 $0x1, $0x1;
	p2 =	seq.s32 s28, $0x1;
	s29 =	sld [smem:$0x7E2]  }
0x24d: {  	p2 =	por @!p0 p6, p6  }
0x24e: {  	p3 =	seq.s32 s31, $0x1;
	s25 =	simm.s32 @!p2 $0x0  }
0x24f: {  	p0 =	por @!p3 $0x0, $0x0;
	s25 =	simm.s32 @p2 $0x1;
	p2 =	seq.s32 s29, $0x1  }
0x250: {  	s30 =	sld [smem:$0x7DB];
	p2 =	por @!p3 p0, p0  }
0x251: {  	[smem:$0x7E1] =	sst s25;
	p0 =	por @!p3 $0x1, $0x1;
	s25 =	simm.s32 @!p2 $0x0  }
0x252: {  	p1 =	por @!p3 p0, p0;
	s25 =	simm.s32 @p2 $0x1  }
0x253: {  	[smem:$0x7E2] =	sst s25;
	s25 =	simm.s32 @!p1 $0x0  }
0x254: {  	s31 =	sld [smem:$0x7DC];
	s25 =	simm.s32 @p1 $0x1;
	p1 =	seq.s32 s30, $0x1  }
0x255: {  	s28 =	sld [smem:$0x7DE];
	p1 =	por @!p3 p0, p0  }
0x256: {  	[smem:$0x7D9] =	sst s25;
	s25 =	simm.s32 @!p1 $0x0  }
0x257: {  	s25 =	simm.s32 @p1 $0x1;
	p1 =	seq.s32 s31, $0x1  }
0x258: {  	p1 =	por @!p3 p0, p0  }
0x259: {  	p2 =	seq.s32 s28, $0x1;
	[smem:$0x7DB] =	sst s25;
	s25 =	simm.s32 @!p1 $0x0  }
0x25a: {  	s26 =	sld [smem:$0x7DD];
	p2 =	por @!p3 p0, p0;
	s25 =	simm.s32 @p1 $0x1  }
0x25b: {  	[smem:$0x7DC] =	sst s25;
	s25 =	simm.s32 @!p2 $0x0  }
0x25c: {  	s29 =	sld [smem:$0x7E0];
	s25 =	simm.s32 @p2 $0x1;
	p2 =	por p4, p4  }
0x25d: {  	s30 =	sld [smem:$0x7E1];
	p2 =	por @!p3 p0, p0  }
0x25e: {  	[smem:$0x7DE] =	sst s25;
	s25 =	simm.s32 @!p2 $0x0  }
0x25f: {  	s31 =	sld [smem:$0x7F5];
	s25 =	simm.s32 @p2 $0x1;
	p2 =	seq.s32 s29, $0x1  }
0x260: {  	p1 =	seq.s32 s26, $0x1;
	s26 =	sld [smem:$0x7E2];
	p2 =	por @!p3 p0, p0  }
0x261: {  	p5 =	por @!p3 p0, p0;
	[smem:$0x7DF] =	sst s25;
	s25 =	simm.s32 @!p2 $0x0  }
0x262: {  	s28 =	sld [smem:$0x7D9];
	s25 =	simm.s32 @p2 $0x1;
	p2 =	seq.s32 s30, $0x1  }
0x263: {  	p1 =	por @!p3 p0, p0;
	p2 =	por @!p3 p0, p0;
	p0 =	seq.s32 s31, $0x1  }
0x264: {  	p3 =	por p2, p2;
	p6 =	por @!p0 $0x0, $0x0;
	p2 =	seq.s32 s26, $0x1  }
0x265: {  	s29 =	sld [smem:$0x7DB];
	p2 =	por @!p0 p6, p6  }
0x266: {  	[smem:$0x7E0] =	sst s25;
	p4 =	por @!p0 $0x1, $0x1;
	s25 =	simm.s32 @!p2 $0x0  }
0x267: {  	s30 =	sld [smem:$0x7DC];
	p5 =	por @!p0 p4, p4;
	s25 =	simm.s32 @p2 $0x1  }
0x268: {  	p2 =	seq.s32 s29, $0x1;
	[smem:$0x7D8] =	sst s25;
	s25 =	simm.s32 @!p5 $0x0  }
0x269: {  	p6 =	seq.s32 s28, $0x1;
	p2 =	por @!p0 p4, p4;
	s25 =	simm.s32 @p5 $0x1  }
0x26a: {  	p6 =	por @!p0 p4, p4;
	[smem:$0x7DA] =	sst s25;
	s25 =	simm.s32 @!p2 $0x0  }
0x26b: {  	p4 =	seq.s32 s30, $0x1;
	s25 =	simm.s32 @p2 $0x1;
	p2 =	por @!p0 $0x1, $0x1  }
0x26c: {  	s26 =	sld [smem:$0x7DF];
	p4 =	por @!p0 p2, p2  }
0x26d: {  	[smem:$0x7DB] =	sst s25;
	s25 =	simm.s32 @!p4 $0x0  }
0x26e: {  	p1 =	por @!p0 p2, p2;
	s25 =	simm.s32 @p4 $0x1  }
0x26f: {  	[smem:$0x7DC] =	sst s25;
	s25 =	simm.s32 @!p1 $0x0  }
0x270: {  	s28 =	sld [smem:$0x7E0];
	s25 =	simm.s32 @p1 $0x1;
	p1 =	seq.s32 s26, $0x1  }
0x271: {  	p1 =	por @!p0 p2, p2  }
0x272: {  	[smem:$0x7DD] =	sst s25;
	s25 =	simm.s32 @!p1 $0x0  }
0x273: {  	s31 =	sld [smem:$0x7DE];
	s25 =	simm.s32 @p1 $0x1;
	p1 =	seq.s32 s28, $0x1  }
0x274: {  	s30 =	sld [smem:$0x7D8];
	p1 =	por @!p0 p2, p2  }
0x275: {  	[smem:$0x7DF] =	sst s25;
	s25 =	simm.s32 @!p1 $0x0  }
0x276: {  	p3 =	por @!p0 p2, p2;
	s25 =	simm.s32 @p1 $0x1  }
0x277: {  	p5 =	seq.s32 s31, $0x1;
	[smem:$0x7E0] =	sst s25;
	s25 =	simm.s32 @!p3 $0x0  }
0x278: {  	s31 =	sld [smem:$0x7E2];
	p1 =	seq.s32 s30, $0x1;
	s25 =	simm.s32 @p3 $0x1  }
0x279: {  	[smem:$0x7E1] =	sst s25;
	s25 =	simm.s32 @!p1 $0x0  }
0x27a: {  	s29 =	sld [smem:$0x7F6];
	s25 =	simm.s32 @p1 $0x1  }
0x27b: {  	[smem:$0x7E3] =	sst s25  }
0x27c: {  	p4 =	por @!p0 $0x1, $0x1;
	p3 =	seq.s32 s31, $0x1;
	s26 =	sld [smem:$0x7E3]  }
0x27d: {  	p3 =	por @!p0 p4, p4  }
0x27e: {  	p5 =	por @!p0 p2, p2;
	p2 =	seq.s32 s29, $0x1;
	s25 =	simm.s32 @!p3 $0x0  }
0x27f: {  	p0 =	por @!p2 $0x0, $0x0;
	s25 =	simm.s32 @p3 $0x1;
	p3 =	seq.s32 s26, $0x1  }
0x280: {  	s29 =	sld [smem:$0x7DB];
	p3 =	por @!p2 p0, p0  }
0x281: {  	[smem:$0x7E2] =	sst s25;
	p0 =	por @!p2 $0x1, $0x1;
	s25 =	simm.s32 @!p3 $0x0  }
0x282: {  	p1 =	por @!p2 p0, p0;
	s25 =	simm.s32 @p3 $0x1  }
0x283: {  	[smem:$0x7E3] =	sst s25;
	s25 =	simm.s32 @!p1 $0x0  }
0x284: {  	s30 =	sld [smem:$0x7DC];
	s25 =	simm.s32 @p1 $0x1;
	p1 =	seq.s32 s29, $0x1  }
0x285: {  	s31 =	sld [smem:$0x7DD];
	p1 =	por @!p2 p0, p0  }
0x286: {  	[smem:$0x7D8] =	sst s25;
	s25 =	simm.s32 @!p1 $0x0  }
0x287: {  	s25 =	simm.s32 @p1 $0x1;
	p1 =	seq.s32 s30, $0x1  }
0x288: {  	s28 =	sld [smem:$0x7DA];
	p1 =	por @!p2 p0, p0  }
0x289: {  	p4 =	seq.s32 s31, $0x1;
	[smem:$0x7DB] =	sst s25;
	s25 =	simm.s32 @!p1 $0x0  }
0x28a: {  	s26 =	sld [smem:$0x7DF];
	p4 =	por @!p2 p0, p0;
	s25 =	simm.s32 @p1 $0x1  }
0x28b: {  	p5 =	por @!p2 p0, p0;
	[smem:$0x7DC] =	sst s25;
	s25 =	simm.s32 @!p4 $0x0  }
0x28c: {  	p3 =	seq.s32 s28, $0x1;
	s28 =	sld [smem:$0x7E0];
	s25 =	simm.s32 @p4 $0x1  }
0x28d: {  	p1 =	seq.s32 s26, $0x1;
	[smem:$0x7DD] =	sst s25;
	s25 =	simm.s32 @!p5 $0x0  }
0x28e: {  	p1 =	por @!p2 p0, p0;
	s25 =	simm.s32 @p5 $0x1  }
0x28f: {  	[smem:$0x7DE] =	sst s25;
	s25 =	simm.s32 @!p1 $0x0  }
0x290: {  	s29 =	sld [smem:$0x7E1];
	s25 =	simm.s32 @p1 $0x1;
	p1 =	seq.s32 s28, $0x1  }
0x291: {  	p1 =	por @!p2 p0, p0  }
0x292: {  	[smem:$0x7DF] =	sst s25;
	s25 =	simm.s32 @!p1 $0x0  }
0x293: {  	s30 =	sld [smem:$0x7E2];
	s25 =	simm.s32 @p1 $0x1;
	p1 =	seq.s32 s29, $0x1  }
0x294: {  	p1 =	por @!p2 p0, p0  }
0x295: {  	[smem:$0x7E0] =	sst s25;
	s25 =	simm.s32 @!p1 $0x0  }
0x296: {  	s31 =	sld [smem:$0x7F7];
	s25 =	simm.s32 @p1 $0x1;
	p1 =	seq.s32 s30, $0x1  }
0x297: {  	s26 =	sld [smem:$0x7E3];
	p1 =	por @!p2 p0, p0  }
0x298: {  	p6 =	por @!p2 p0, p0;
	[smem:$0x7E1] =	sst s25;
	s25 =	simm.s32 @!p1 $0x0  }
0x299: {  	s28 =	sld [smem:$0x7D8];
	s25 =	simm.s32 @p1 $0x1;
	p1 =	seq.s32 s31, $0x1  }
0x29a: {  	p3 =	por @!p2 p0, p0;
	p4 =	seq.s32 s26, $0x1;
	p0 =	por @!p1 $0x0, $0x0  }
0x29b: {  	[smem:$0x7E2] =	sst s25;
	p4 =	por @!p1 p0, p0  }
0x29c: {  	p2 =	por @!p1 $0x1, $0x1;
	p0 =	seq.s32 s28, $0x1;
	s25 =	simm.s32 @!p4 $0x0  }
0x29d: {  	p0 =	por @!p1 p2, p2;
	s25 =	simm.s32 @p4 $0x1  }
0x29e: {  	[smem:$0x7D7] =	sst s25;
	s25 =	simm.s32 @!p0 $0x0  }
0x29f: {  	s31 =	sld [smem:$0x7DD];
	p6 =	por @!p1 p2, p2;
	s25 =	simm.s32 @p0 $0x1  }
0x2a0: {  	[smem:$0x7D8] =	sst s25;
	s25 =	simm.s32 @!p6 $0x0  }
0x2a1: {  	s26 =	sld [smem:$0x7DE];
	p3 =	por @!p1 p2, p2;
	s25 =	simm.s32 @p6 $0x1  }
0x2a2: {  	p0 =	seq.s32 s31, $0x1;
	[smem:$0x7D9] =	sst s25;
	s25 =	simm.s32 @!p3 $0x0  }
0x2a3: {  	s29 =	sld [smem:$0x7DB];
	p0 =	por @!p1 p2, p2;
	s25 =	simm.s32 @p3 $0x1  }
0x2a4: {  	[smem:$0x7DA] =	sst s25;
	s25 =	simm.s32 @!p0 $0x0  }
0x2a5: {  	s28 =	sld [smem:$0x7DF];
	s25 =	simm.s32 @p0 $0x1;
	p0 =	seq.s32 s26, $0x1  }
0x2a6: {  	s30 =	sld [smem:$0x7DC];
	p0 =	por @!p1 p2, p2  }
0x2a7: {  	p4 =	seq.s32 s29, $0x1;
	[smem:$0x7DD] =	sst s25;
	s25 =	simm.s32 @!p0 $0x0  }
0x2a8: {  	s29 =	sld [smem:$0x7E0];
	s25 =	simm.s32 @p0 $0x1;
	p0 =	seq.s32 s28, $0x1  }
0x2a9: {  	p5 =	seq.s32 s30, $0x1;
	s30 =	sld [smem:$0x7E1];
	p0 =	por @!p1 p2, p2  }
0x2aa: {  	[smem:$0x7DE] =	sst s25;
	s25 =	simm.s32 @!p0 $0x0  }
0x2ab: {  	s31 =	sld [smem:$0x7E2];
	s25 =	simm.s32 @p0 $0x1;
	p0 =	seq.s32 s29, $0x1  }
0x2ac: {  	s26 =	sld [smem:$0x7F8];
	p0 =	por @!p1 p2, p2  }
0x2ad: {  	[smem:$0x7DF] =	sst s25;
	s25 =	simm.s32 @!p0 $0x0  }
0x2ae: {  	s28 =	sld [smem:$0x7D7];
	s25 =	simm.s32 @p0 $0x1;
	p0 =	seq.s32 s30, $0x1  }
0x2af: {  	p5 =	por @!p1 p2, p2;
	s29 =	sld [smem:$0x7E3];
	p0 =	por @!p1 p2, p2  }
0x2b0: {  	p4 =	por @!p1 p2, p2;
	[smem:$0x7E0] =	sst s25;
	s25 =	simm.s32 @!p0 $0x0  }
0x2b1: {  	p6 =	seq.s32 s28, $0x1;
	s25 =	simm.s32 @p0 $0x1;
	p0 =	seq.s32 s31, $0x1  }
0x2b2: {  	p3 =	seq.s32 s29, $0x1;
	s30 =	sld [smem:$0x7D7];
	p0 =	por @!p1 p2, p2  }
0x2b3: {  	p3 =	por @!p1 p2, p2;
	[smem:$0x7E1] =	sst s25;
	s25 =	simm.s32 @!p0 $0x0  }
0x2b4: {  	s31 =	sld [smem:$0x7D8];
	s25 =	simm.s32 @p0 $0x1;
	p0 =	seq.s32 s26, $0x1  }
0x2b5: {  	[smem:$0x7E2] =	sst s25;
	s25 =	simm.s32 @!p3 $0x0;
	p1 =	por @!p0 $0x0, $0x0  }
0x2b6: {  	p2 =	seq.s32 s30, $0x1;
	s25 =	simm.s32 @p3 $0x1;
	p6 =	por @!p0 p1, p1  }
0x2b7: {  	p1 =	por @!p0 $0x1, $0x1;
	[smem:$0x7E3] =	sst s25;
	s25 =	simm.s32 @!p6 $0x0  }
0x2b8: {  	p2 =	por @!p0 p1, p1;
	s25 =	simm.s32 @p6 $0x1  }
0x2b9: {  	[smem:$0x7E4] =	sst s25;
	s25 =	simm.s32 @!p2 $0x0  }
0x2ba: {  	s28 =	sld [smem:$0x7DA];
	s25 =	simm.s32 @p2 $0x1;
	p2 =	seq.s32 s31, $0x1  }
0x2bb: {  	p2 =	por @!p0 p1, p1  }
0x2bc: {  	[smem:$0x7D7] =	sst s25;
	s25 =	simm.s32 @!p2 $0x0  }
0x2bd: {  	s25 =	simm.s32 @p2 $0x1;
	p2 =	seq.s32 s28, $0x1  }
0x2be: {  	p2 =	por @!p0 p1, p1  }
0x2bf: {  	[smem:$0x7D8] =	sst s25;
	s25 =	simm.s32 @!p2 $0x0  }
0x2c0: {  	s29 =	sld [smem:$0x7DD];
	p4 =	por @!p0 p1, p1;
	s25 =	simm.s32 @p2 $0x1  }
0x2c1: {  	[smem:$0x7DA] =	sst s25;
	s25 =	simm.s32 @!p4 $0x0  }
0x2c2: {  	s30 =	sld [smem:$0x7DE];
	p5 =	por @!p0 p1, p1;
	s25 =	simm.s32 @p4 $0x1  }
0x2c3: {  	p2 =	seq.s32 s29, $0x1;
	[smem:$0x7DB] =	sst s25;
	s25 =	simm.s32 @!p5 $0x0  }
0x2c4: {  	s26 =	sld [smem:$0x7D9];
	p2 =	por @!p0 p1, p1;
	s25 =	simm.s32 @p5 $0x1  }
0x2c5: {  	[smem:$0x7DC] =	sst s25;
	s25 =	simm.s32 @!p2 $0x0  }
0x2c6: {  	s31 =	sld [smem:$0x7DF];
	s25 =	simm.s32 @p2 $0x1;
	p2 =	seq.s32 s30, $0x1  }
0x2c7: {  	p3 =	por p6, p6;
	p2 =	por @!p0 p1, p1  }
0x2c8: {  	p6 =	seq.s32 s26, $0x1;
	[smem:$0x7DD] =	sst s25;
	s25 =	simm.s32 @!p2 $0x0  }
0x2c9: {  	s26 =	sld [smem:$0x7E0];
	s25 =	simm.s32 @p2 $0x1;
	p2 =	seq.s32 s31, $0x1  }
0x2ca: {  	p2 =	por @!p0 p1, p1  }
0x2cb: {  	[smem:$0x7DE] =	sst s25;
	s25 =	simm.s32 @!p2 $0x0  }
0x2cc: {  	s28 =	sld [smem:$0x7E1];
	s25 =	simm.s32 @p2 $0x1;
	p2 =	seq.s32 s26, $0x1  }
0x2cd: {  	s29 =	sld [smem:$0x7E2];
	p2 =	por @!p0 p1, p1  }
0x2ce: {  	[smem:$0x7DF] =	sst s25;
	s25 =	simm.s32 @!p2 $0x0  }
0x2cf: {  	s30 =	sld [smem:$0x7E3];
	s25 =	simm.s32 @p2 $0x1;
	p2 =	seq.s32 s28, $0x1  }
0x2d0: {  	s31 =	sld [smem:$0x7F9];
	p2 =	por @!p0 p1, p1  }
0x2d1: {  	p6 =	por @!p0 p1, p1;
	[smem:$0x7E0] =	sst s25;
	s25 =	simm.s32 @!p2 $0x0  }
0x2d2: {  	p4 =	seq.s32 s29, $0x1;
	s25 =	simm.s32 @p2 $0x1;
	p2 =	seq.s32 s30, $0x1  }
0x2d3: {  	p4 =	por @!p0 p1, p1;
	s28 =	sld [smem:$0x7D8];
	p2 =	por @!p0 p1, p1  }
0x2d4: {  	[smem:$0x7E1] =	sst s25;
	p0 =	seq.s32 s31, $0x1;
	s25 =	simm.s32 @!p2 $0x0  }
0x2d5: {  	p1 =	por @!p0 $0x0, $0x0;
	s25 =	simm.s32 @p2 $0x1  }
0x2d6: {  	p2 =	por @!p0 $0x1, $0x1;
	p3 =	por @!p0 p1, p1;
	p1 =	seq.s32 s28, $0x1  }
0x2d7: {  	s29 =	sld [smem:$0x7DA];
	p1 =	por @!p0 p2, p2  }
0x2d8: {  	[smem:$0x7E3] =	sst s25;
	s25 =	simm.s32 @!p1 $0x0  }
0x2d9: {  	s30 =	sld [smem:$0x7DB];
	p6 =	por @!p0 p2, p2;
	s25 =	simm.s32 @p1 $0x1  }
0x2da: {  	p1 =	seq.s32 s29, $0x1;
	[smem:$0x7D8] =	sst s25;
	s25 =	simm.s32 @!p6 $0x0  }
0x2db: {  	p1 =	por @!p0 p2, p2;
	s25 =	simm.s32 @p6 $0x1  }
0x2dc: {  	[smem:$0x7D9] =	sst s25;
	s25 =	simm.s32 @!p1 $0x0  }
0x2dd: {  	s31 =	sld [smem:$0x7DC];
	s25 =	simm.s32 @p1 $0x1;
	p1 =	seq.s32 s30, $0x1  }
0x2de: {  	p1 =	por @!p0 p2, p2  }
0x2df: {  	[smem:$0x7DA] =	sst s25;
	s25 =	simm.s32 @!p1 $0x0  }
0x2e0: {  	s28 =	sld [smem:$0x7DE];
	s25 =	simm.s32 @p1 $0x1;
	p1 =	seq.s32 s31, $0x1  }
0x2e1: {  	p1 =	por @!p0 p2, p2  }
0x2e2: {  	[smem:$0x7DB] =	sst s25;
	s25 =	simm.s32 @!p1 $0x0  }
0x2e3: {  	s29 =	sld [smem:$0x7DF];
	s25 =	simm.s32 @p1 $0x1;
	p1 =	seq.s32 s28, $0x1  }
0x2e4: {  	p1 =	por @!p0 p2, p2  }
0x2e5: {  	[smem:$0x7DC] =	sst s25;
	s25 =	simm.s32 @!p1 $0x0  }
0x2e6: {  	s30 =	sld [smem:$0x7E0];
	s25 =	simm.s32 @p1 $0x1;
	p1 =	seq.s32 s29, $0x1  }
0x2e7: {  	s26 =	sld [smem:$0x7D7];
	p1 =	por @!p0 p2, p2  }
0x2e8: {  	[smem:$0x7DE] =	sst s25;
	s25 =	simm.s32 @!p1 $0x0  }
0x2e9: {  	s31 =	sld [smem:$0x7E1];
	s25 =	simm.s32 @p1 $0x1;
	p1 =	seq.s32 s30, $0x1  }
0x2ea: {  	p5 =	seq.s32 s26, $0x1;
	s26 =	sld [smem:$0x7DD];
	p1 =	por @!p0 p2, p2  }
0x2eb: {  	[smem:$0x7DF] =	sst s25;
	s25 =	simm.s32 @!p1 $0x0  }
0x2ec: {  	s25 =	simm.s32 @p1 $0x1;
	p1 =	seq.s32 s31, $0x1  }
0x2ed: {  	p6 =	seq.s32 s26, $0x1;
	s26 =	sld [smem:$0x7E3];
	p1 =	por @!p0 p2, p2  }
0x2ee: {  	[smem:$0x7E0] =	sst s25;
	s25 =	simm.s32 @!p1 $0x0  }
0x2ef: {  	p4 =	por @!p0 p2, p2;
	s25 =	simm.s32 @p1 $0x1  }
0x2f0: {  	p1 =	seq.s32 s26, $0x1;
	[smem:$0x7E1] =	sst s25;
	s25 =	simm.s32 @!p4 $0x0  }
0x2f1: {  	p1 =	por @!p0 p2, p2;
	s25 =	simm.s32 @p4 $0x1  }
0x2f2: {  	[smem:$0x7E2] =	sst s25;
	s25 =	simm.s32 @!p1 $0x0  }
0x2f3: {  	s28 =	sld [smem:$0x7FA];
	s25 =	simm.s32 @p1 $0x1  }
0x2f4: {  	[smem:$0x7E3] =	sst s25;
	s25 =	simm.s32 @!p3 $0x0  }
0x2f5: {  	s29 =	sld [smem:$0x7E4];
	s25 =	simm.s32 @p3 $0x1  }
0x2f6: {  	[smem:$0x7E5] =	sst s25  }
0x2f7: {  	s30 =	sld [smem:$0x7E5]  }
0x2f8: {  	p5 =	por @!p0 p2, p2;
	p4 =	seq.s32 s29, $0x1  }
0x2f9: {  	p6 =	por @!p0 p2, p2;
	p4 =	por @!p0 p2, p2;
	p1 =	seq.s32 s28, $0x1  }
0x2fa: {  	p2 =	por @!p1 $0x0, $0x0;
	s25 =	simm.s32 @!p4 $0x0;
	p0 =	seq.s32 s30, $0x1  }
0x2fb: {  	s25 =	simm.s32 @p4 $0x1;
	p0 =	por @!p1 p2, p2  }
0x2fc: {  	[smem:$0x7E4] =	sst s25;
	s25 =	simm.s32 @!p0 $0x0  }
0x2fd: {  	s25 =	simm.s32 @p0 $0x1;
	p0 =	por @!p1 $0x1, $0x1  }
0x2fe: {  	s31 =	sld [smem:$0x7D8];
	p3 =	por @!p1 p0, p0  }
0x2ff: {  	[smem:$0x7E5] =	sst s25;
	s25 =	simm.s32 @!p3 $0x0  }
0x300: {  	s26 =	sld [smem:$0x7D9];
	p5 =	por @!p1 p0, p0;
	s25 =	simm.s32 @p3 $0x1  }
0x301: {  	p2 =	seq.s32 s31, $0x1;
	[smem:$0x7D6] =	sst s25;
	s25 =	simm.s32 @!p5 $0x0  }
0x302: {  	p2 =	por @!p1 p0, p0;
	s25 =	simm.s32 @p5 $0x1  }
0x303: {  	[smem:$0x7D7] =	sst s25;
	s25 =	simm.s32 @!p2 $0x0  }
0x304: {  	s28 =	sld [smem:$0x7DA];
	s25 =	simm.s32 @p2 $0x1;
	p2 =	seq.s32 s26, $0x1  }
0x305: {  	p2 =	por @!p1 p0, p0  }
0x306: {  	[smem:$0x7D8] =	sst s25;
	s25 =	simm.s32 @!p2 $0x0  }
0x307: {  	s29 =	sld [smem:$0x7DB];
	s25 =	simm.s32 @p2 $0x1;
	p2 =	seq.s32 s28, $0x1  }
0x308: {  	p2 =	por @!p1 p0, p0  }
0x309: {  	[smem:$0x7D9] =	sst s25;
	s25 =	simm.s32 @!p2 $0x0  }
0x30a: {  	s30 =	sld [smem:$0x7DC];
	s25 =	simm.s32 @p2 $0x1;
	p2 =	seq.s32 s29, $0x1  }
0x30b: {  	s31 =	sld [smem:$0x7DE];
	p2 =	por @!p1 p0, p0  }
0x30c: {  	[smem:$0x7DA] =	sst s25;
	s25 =	simm.s32 @!p2 $0x0  }
0x30d: {  	s26 =	sld [smem:$0x7DF];
	s25 =	simm.s32 @p2 $0x1;
	p2 =	seq.s32 s30, $0x1  }
0x30e: {  	s28 =	sld [smem:$0x7E0];
	p2 =	por @!p1 p0, p0  }
0x30f: {  	[smem:$0x7DB] =	sst s25;
	s25 =	simm.s32 @!p2 $0x0  }
0x310: {  	p6 =	por @!p1 p0, p0;
	s29 =	sld [smem:$0x7E1];
	s25 =	simm.s32 @p2 $0x1  }
0x311: {  	p2 =	seq.s32 s31, $0x1;
	[smem:$0x7DC] =	sst s25;
	s25 =	simm.s32 @!p6 $0x0  }
0x312: {  	s30 =	sld [smem:$0x7E2];
	p2 =	por @!p1 p0, p0;
	s25 =	simm.s32 @p6 $0x1  }
0x313: {  	p4 =	seq.s32 s29, $0x1;
	[smem:$0x7DD] =	sst s25;
	s25 =	simm.s32 @!p2 $0x0  }
0x314: {  	s29 =	sld [smem:$0x7E5];
	s25 =	simm.s32 @p2 $0x1;
	p2 =	seq.s32 s26, $0x1  }
0x315: {  	s31 =	sld [smem:$0x7E3];
	p2 =	por @!p1 p0, p0  }
0x316: {  	p4 =	por @!p1 p0, p0;
	[smem:$0x7DE] =	sst s25;
	s25 =	simm.s32 @!p2 $0x0  }
0x317: {  	s26 =	sld [smem:$0x7E4];
	s25 =	simm.s32 @p2 $0x1;
	p2 =	seq.s32 s30, $0x1  }
0x318: {  	p6 =	seq.s32 s28, $0x1;
	s28 =	sld [smem:$0x7FB];
	p2 =	por @!p1 p0, p0  }
0x319: {  	p6 =	por @!p1 p0, p0;
	[smem:$0x7DF] =	sst s25;
	s25 =	simm.s32 @!p2 $0x0  }
0x31a: {  	p5 =	seq.s32 s31, $0x1;
	s25 =	simm.s32 @p2 $0x1;
	p2 =	seq.s32 s26, $0x1  }
0x31b: {  	p5 =	por @!p1 p0, p0;
	s30 =	sld [smem:$0x7D6];
	p2 =	por @!p1 p0, p0  }
0x31c: {  	[smem:$0x7E2] =	sst s25;
	p0 =	seq.s32 s28, $0x1;
	s25 =	simm.s32 @!p2 $0x0  }
0x31d: {  	p3 =	por @!p0 $0x0, $0x0;
	s25 =	simm.s32 @p2 $0x1;
	p2 =	seq.s32 s29, $0x1  }
0x31e: {  	s31 =	sld [smem:$0x7D7];
	p2 =	por @!p0 p3, p3  }
0x31f: {  	[smem:$0x7E4] =	sst s25;
	s25 =	simm.s32 @!p2 $0x0  }
0x320: {  	p1 =	por @!p0 $0x1, $0x1;
	s25 =	simm.s32 @p2 $0x1;
	p2 =	seq.s32 s30, $0x1  }
0x321: {  	p2 =	por @!p0 p1, p1  }
0x322: {  	[smem:$0x7D5] =	sst s25;
	s25 =	simm.s32 @!p2 $0x0  }
0x323: {  	s26 =	sld [smem:$0x7D8];
	s25 =	simm.s32 @p2 $0x1;
	p2 =	seq.s32 s31, $0x1  }
0x324: {  	p2 =	por @!p0 p1, p1  }
0x325: {  	[smem:$0x7D6] =	sst s25;
	s25 =	simm.s32 @!p2 $0x0  }
0x326: {  	s28 =	sld [smem:$0x7D9];
	s25 =	simm.s32 @p2 $0x1;
	p2 =	seq.s32 s26, $0x1  }
0x327: {  	p2 =	por @!p0 p1, p1  }
0x328: {  	[smem:$0x7D7] =	sst s25;
	s25 =	simm.s32 @!p2 $0x0  }
0x329: {  	s29 =	sld [smem:$0x7DA];
	s25 =	simm.s32 @p2 $0x1;
	p2 =	seq.s32 s28, $0x1  }
0x32a: {  	p2 =	por @!p0 p1, p1  }
0x32b: {  	[smem:$0x7D8] =	sst s25;
	s25 =	simm.s32 @!p2 $0x0  }
0x32c: {  	s30 =	sld [smem:$0x7DB];
	s25 =	simm.s32 @p2 $0x1;
	p2 =	seq.s32 s29, $0x1  }
0x32d: {  	p2 =	por @!p0 p1, p1  }
0x32e: {  	[smem:$0x7D9] =	sst s25;
	s25 =	simm.s32 @!p2 $0x0  }
0x32f: {  	s31 =	sld [smem:$0x7DC];
	s25 =	simm.s32 @p2 $0x1;
	p2 =	seq.s32 s30, $0x1  }
0x330: {  	p2 =	por @!p0 p1, p1  }
0x331: {  	[smem:$0x7DA] =	sst s25;
	s25 =	simm.s32 @!p2 $0x0  }
0x332: {  	s26 =	sld [smem:$0x7DD];
	s25 =	simm.s32 @p2 $0x1;
	p2 =	seq.s32 s31, $0x1  }
0x333: {  	p2 =	por @!p0 p1, p1  }
0x334: {  	[smem:$0x7DB] =	sst s25;
	s25 =	simm.s32 @!p2 $0x0  }
0x335: {  	s28 =	sld [smem:$0x7DE];
	s25 =	simm.s32 @p2 $0x1;
	p2 =	seq.s32 s26, $0x1  }
0x336: {  	p2 =	por @!p0 p1, p1  }
0x337: {  	[smem:$0x7DC] =	sst s25;
	s25 =	simm.s32 @!p2 $0x0  }
0x338: {  	s29 =	sld [smem:$0x7DF];
	s25 =	simm.s32 @p2 $0x1;
	p2 =	seq.s32 s28, $0x1  }
0x339: {  	p2 =	por @!p0 p1, p1  }
0x33a: {  	[smem:$0x7DD] =	sst s25;
	s25 =	simm.s32 @!p2 $0x0  }
0x33b: {  	s25 =	simm.s32 @p2 $0x1;
	p2 =	seq.s32 s29, $0x1  }
0x33c: {  	p2 =	por @!p0 p1, p1  }
0x33d: {  	[smem:$0x7DE] =	sst s25;
	s25 =	simm.s32 @!p2 $0x0  }
0x33e: {  	p6 =	por @!p0 p1, p1;
	s25 =	simm.s32 @p2 $0x1  }
0x33f: {  	[smem:$0x7DF] =	sst s25;
	s25 =	simm.s32 @!p6 $0x0  }
0x340: {  	p4 =	por @!p0 p1, p1;
	s31 =	sld [smem:$0x7E4];
	s25 =	simm.s32 @p6 $0x1  }
0x341: {  	[smem:$0x7E0] =	sst s25;
	s25 =	simm.s32 @!p4 $0x0  }
0x342: {  	p5 =	por @!p0 p1, p1;
	s26 =	sld [smem:$0x7CD];
	s25 =	simm.s32 @p4 $0x1  }
0x343: {  	p2 =	seq.s32 s31, $0x1;
	[smem:$0x7E1] =	sst s25;
	s25 =	simm.s32 @!p5 $0x0  }
0x344: {  	s30 =	sld [smem:$0x7E2];
	p2 =	por @!p0 p1, p1;
	s25 =	simm.s32 @p5 $0x1  }
0x345: {  	p3 =	seq.s32 s26, $0x1;
	[smem:$0x7E3] =	sst s25;
	s25 =	simm.s32 @!p2 $0x0  }
0x346: {  	s28 =	sld [smem:$0x7D5];
	s25 =	simm.s32 @p2 $0x1;
	p2 =	por @!p3 $0x0, $0x0  }
0x347: {  	[smem:$0x7E4] =	sst s25;
	s25 =	simm.s32 @!p2 $0x0  }
0x348: {  	s29 =	sld [smem:$0x7E5];
	s25 =	simm.s32 @p2 $0x1  }
0x349: {  	[smem:$0x7CE] =	sst s25  }
0x34a: {  	p4 =	seq.s32 s30, $0x1;
	s30 =	sld [smem:$0x7CE]  }
0x34b: {  	p5 =	seq.s32 s29, $0x1  }
0x34c: {  	p6 =	seq.s32 s28, $0x1;
	p4 =	por @!p0 p1, p1;
	p5 =	por @!p0 p1, p1  }
0x34d: {  	p2 =	por p6, p6;
	s25 =	simm.s32 @!p5 $0x0;
	p0 =	seq.s32 s30, $0x1  }
0x34e: {  	s31 =	sld [smem:$0x7D6];
	s25 =	simm.s32 @p5 $0x1;
	p2 =	por @!p3 p0, p0  }
0x34f: {  	[smem:$0x7E5] =	sst s25;
	p0 =	por @!p3 $0x1, $0x1;
	s25 =	simm.s32 @!p2 $0x0  }
0x350: {  	s26 =	sld [smem:$0x7D7];
	p6 =	por @!p3 p0, p0;
	s25 =	simm.s32 @p2 $0x1  }
0x351: {  	p2 =	seq.s32 s31, $0x1;
	[smem:$0x7E6] =	sst s25;
	s25 =	simm.s32 @!p6 $0x0  }
0x352: {  	p2 =	por @!p3 p0, p0;
	s25 =	simm.s32 @p6 $0x1  }
0x353: {  	[smem:$0x7D5] =	sst s25;
	s25 =	simm.s32 @!p2 $0x0  }
0x354: {  	s28 =	sld [smem:$0x7D8];
	s25 =	simm.s32 @p2 $0x1;
	p2 =	seq.s32 s26, $0x1  }
0x355: {  	p2 =	por @!p3 p0, p0  }
0x356: {  	[smem:$0x7D6] =	sst s25;
	s25 =	simm.s32 @!p2 $0x0  }
0x357: {  	s30 =	sld [smem:$0x7DA];
	s25 =	simm.s32 @p2 $0x1;
	p2 =	seq.s32 s28, $0x1  }
0x358: {  	p2 =	por @!p3 p0, p0  }
0x359: {  	[smem:$0x7D7] =	sst s25;
	s25 =	simm.s32 @!p2 $0x0  }
0x35a: {  	s26 =	sld [smem:$0x7DC];
	s25 =	simm.s32 @p2 $0x1;
	p2 =	seq.s32 s30, $0x1  }
0x35b: {  	s29 =	sld [smem:$0x7D9];
	p2 =	por @!p3 p0, p0  }
0x35c: {  	p1 =	por p3, p3;
	[smem:$0x7D8] =	sst s25;
	s25 =	simm.s32 @!p2 $0x0  }
0x35d: {  	s28 =	sld [smem:$0x7DD];
	s25 =	simm.s32 @p2 $0x1;
	p2 =	seq.s32 s26, $0x1  }
0x35e: {  	p2 =	por @!p1 p0, p0  }
0x35f: {  	p5 =	seq.s32 s29, $0x1;
	[smem:$0x7DA] =	sst s25;
	s25 =	simm.s32 @!p2 $0x0  }
0x360: {  	s29 =	sld [smem:$0x7DE];
	s25 =	simm.s32 @p2 $0x1;
	p2 =	seq.s32 s28, $0x1  }
0x361: {  	s31 =	sld [smem:$0x7DB];
	p2 =	por @!p1 p0, p0  }
0x362: {  	[smem:$0x7DC] =	sst s25;
	s25 =	simm.s32 @!p2 $0x0  }
0x363: {  	s30 =	sld [smem:$0x7DF];
	s25 =	simm.s32 @p2 $0x1;
	p2 =	seq.s32 s29, $0x1  }
0x364: {  	p5 =	por @!p3 p0, p0;
	p2 =	por @!p1 p0, p0  }
0x365: {  	p3 =	seq.s32 s31, $0x1;
	[smem:$0x7DD] =	sst s25;
	s25 =	simm.s32 @!p2 $0x0  }
0x366: {  	s31 =	sld [smem:$0x7E0];
	s25 =	simm.s32 @p2 $0x1;
	p2 =	seq.s32 s30, $0x1  }
0x367: {  	p2 =	por @!p1 p0, p0  }
0x368: {  	[smem:$0x7DE] =	sst s25;
	s25 =	simm.s32 @!p2 $0x0  }
0x369: {  	s25 =	simm.s32 @p2 $0x1;
	p2 =	seq.s32 s31, $0x1  }
0x36a: {  	s28 =	sld [smem:$0x7E3];
	p2 =	por @!p1 p0, p0  }
0x36b: {  	[smem:$0x7DF] =	sst s25;
	s25 =	simm.s32 @!p2 $0x0  }
0x36c: {  	p4 =	por @!p1 p0, p0;
	s29 =	sld [smem:$0x7E4];
	s25 =	simm.s32 @p2 $0x1  }
0x36d: {  	p2 =	seq.s32 s28, $0x1;
	[smem:$0x7E0] =	sst s25;
	s25 =	simm.s32 @!p4 $0x0  }
0x36e: {  	p2 =	por @!p1 p0, p0;
	s25 =	simm.s32 @p4 $0x1  }
0x36f: {  	[smem:$0x7E2] =	sst s25;
	s25 =	simm.s32 @!p2 $0x0  }
0x370: {  	s30 =	sld [smem:$0x7E5];
	s25 =	simm.s32 @p2 $0x1;
	p2 =	seq.s32 s29, $0x1  }
0x371: {  	s26 =	sld [smem:$0x7E1];
	p2 =	por @!p1 p0, p0  }
0x372: {  	p3 =	por @!p1 p0, p0;
	[smem:$0x7E3] =	sst s25;
	s25 =	simm.s32 @!p2 $0x0  }
0x373: {  	s31 =	sld [smem:$0x7FC];
	s25 =	simm.s32 @p2 $0x1;
	p2 =	seq.s32 s30, $0x1  }
0x374: {  	p6 =	seq.s32 s26, $0x1;
	s26 =	sld [smem:$0x7E6];
	p2 =	por @!p1 p0, p0  }
0x375: {  	p6 =	por @!p1 p0, p0;
	[smem:$0x7E4] =	sst s25;
	s25 =	simm.s32 @!p2 $0x0  }
0x376: {  	s28 =	sld [smem:$0x7D5];
	s25 =	simm.s32 @p2 $0x1;
	p2 =	seq.s32 s31, $0x1  }
0x377: {  	p4 =	seq.s32 s26, $0x1;
	s29 =	sld [smem:$0x7D6];
	p1 =	por @!p2 $0x0, $0x0  }
0x378: {  	[smem:$0x7E5] =	sst s25;
	p4 =	por @!p2 p1, p1  }
0x379: {  	p0 =	por @!p2 $0x1, $0x1;
	p1 =	seq.s32 s28, $0x1;
	s25 =	simm.s32 @!p4 $0x0  }
0x37a: {  	p1 =	por @!p2 p0, p0;
	s25 =	simm.s32 @p4 $0x1  }
0x37b: {  	[smem:$0x7D4] =	sst s25;
	s25 =	simm.s32 @!p1 $0x0  }
0x37c: {  	s30 =	sld [smem:$0x7D7];
	s25 =	simm.s32 @p1 $0x1;
	p1 =	seq.s32 s29, $0x1  }
0x37d: {  	p1 =	por @!p2 p0, p0  }
0x37e: {  	[smem:$0x7D5] =	sst s25;
	s25 =	simm.s32 @!p1 $0x0  }
0x37f: {  	s31 =	sld [smem:$0x7D8];
	s25 =	simm.s32 @p1 $0x1;
	p1 =	seq.s32 s30, $0x1  }
0x380: {  	p1 =	por @!p2 p0, p0  }
0x381: {  	[smem:$0x7D6] =	sst s25;
	s25 =	simm.s32 @!p1 $0x0  }
0x382: {  	s25 =	simm.s32 @p1 $0x1;
	p1 =	seq.s32 s31, $0x1  }
0x383: {  	s26 =	sld [smem:$0x7DA];
	p1 =	por @!p2 p0, p0  }
0x384: {  	[smem:$0x7D7] =	sst s25;
	s25 =	simm.s32 @!p1 $0x0  }
0x385: {  	p5 =	por @!p2 p0, p0;
	s25 =	simm.s32 @p1 $0x1  }
0x386: {  	p1 =	seq.s32 s26, $0x1;
	[smem:$0x7D8] =	sst s25;
	s25 =	simm.s32 @!p5 $0x0  }
0x387: {  	s30 =	sld [smem:$0x7DE];
	p1 =	por @!p2 p0, p0;
	s25 =	simm.s32 @p5 $0x1  }
0x388: {  	[smem:$0x7D9] =	sst s25;
	s25 =	simm.s32 @!p1 $0x0  }
0x389: {  	p3 =	por @!p2 p0, p0;
	s31 =	sld [smem:$0x7DF];
	s25 =	simm.s32 @p1 $0x1  }
0x38a: {  	p1 =	seq.s32 s30, $0x1;
	[smem:$0x7DA] =	sst s25;
	s25 =	simm.s32 @!p3 $0x0  }
0x38b: {  	p1 =	por @!p2 p0, p0;
	s25 =	simm.s32 @p3 $0x1  }
0x38c: {  	[smem:$0x7DB] =	sst s25;
	s25 =	simm.s32 @!p1 $0x0  }
0x38d: {  	s26 =	sld [smem:$0x7E0];
	s25 =	simm.s32 @p1 $0x1;
	p1 =	seq.s32 s31, $0x1  }
0x38e: {  	s28 =	sld [smem:$0x7DC];
	p1 =	por @!p2 p0, p0  }
0x38f: {  	[smem:$0x7DE] =	sst s25;
	s25 =	simm.s32 @!p1 $0x0  }
0x390: {  	s29 =	sld [smem:$0x7DD];
	s25 =	simm.s32 @p1 $0x1;
	p1 =	seq.s32 s26, $0x1  }
0x391: {  	p3 =	seq.s32 s28, $0x1;
	s28 =	sld [smem:$0x7E2];
	p1 =	por @!p2 p0, p0  }
0x392: {  	p6 =	por @!p2 p0, p0;
	[smem:$0x7DF] =	sst s25;
	s25 =	simm.s32 @!p1 $0x0  }
0x393: {  	p4 =	seq.s32 s29, $0x1;
	s29 =	sld [smem:$0x7E3];
	s25 =	simm.s32 @p1 $0x1  }
0x394: {  	p1 =	seq.s32 s28, $0x1;
	[smem:$0x7E0] =	sst s25;
	s25 =	simm.s32 @!p6 $0x0  }
0x395: {  	p1 =	por @!p2 p0, p0;
	s25 =	simm.s32 @p6 $0x1  }
0x396: {  	[smem:$0x7E1] =	sst s25;
	s25 =	simm.s32 @!p1 $0x0  }
0x397: {  	s30 =	sld [smem:$0x7E4];
	s25 =	simm.s32 @p1 $0x1;
	p1 =	seq.s32 s29, $0x1  }
0x398: {  	p1 =	por @!p2 p0, p0  }
0x399: {  	[smem:$0x7E2] =	sst s25;
	s25 =	simm.s32 @!p1 $0x0  }
0x39a: {  	s31 =	sld [smem:$0x7E5];
	s25 =	simm.s32 @p1 $0x1;
	p1 =	seq.s32 s30, $0x1  }
0x39b: {  	p1 =	por @!p2 p0, p0  }
0x39c: {  	[smem:$0x7E3] =	sst s25;
	s25 =	simm.s32 @!p1 $0x0  }
0x39d: {  	s26 =	sld [smem:$0x7D1];
	s25 =	simm.s32 @p1 $0x1;
	p1 =	seq.s32 s31, $0x1  }
0x39e: {  	s28 =	sld [smem:$0x7D4];
	p1 =	por @!p2 p0, p0  }
0x39f: {  	[smem:$0x7E4] =	sst s25;
	s25 =	simm.s32 @!p1 $0x0  }
0x3a0: {  	s29 =	sld [smem:$0x7E6];
	s25 =	simm.s32 @p1 $0x1;
	p1 =	seq.s32 s26, $0x1  }
0x3a1: {  	s30 =	sld [smem:$0x7FC];
	p1 =	por @!p1 $0x0, $0x0  }
0x3a2: {  	[smem:$0x7E5] =	sst s25;
	s25 =	simm.s32 @!p1 $0x0  }
0x3a3: {  	s31 =	sld [smem:$0x7D1];
	s25 =	simm.s32 @p1 $0x1  }
0x3a4: {  	p4 =	por @!p2 p0, p0;
	p3 =	por @!p2 p0, p0;
	[smem:$0x7CF] =	sst s25  }
0x3a5: {  	p2 =	seq.s32 s30, $0x1;
	p1 =	seq.s32 s29, $0x1;
	s26 =	sld [smem:$0x7CF]  }
0x3a6: {  	p6 =	seq.s32 s28, $0x1;
	p1 =	por @!p2 p0, p0  }
0x3a7: {  	p5 =	por p6, p6;
	s25 =	simm.s32 @!p1 $0x0  }
0x3a8: {  	p0 =	seq.s32 s31, $0x1;
	s25 =	simm.s32 @p1 $0x1;
	p1 =	seq.s32 s26, $0x1  }
0x3a9: {  	s28 =	sld [smem:$0x7D5];
	p5 =	por @!p0 p1, p1  }
0x3aa: {  	[smem:$0x7E6] =	sst s25;
	p1 =	por @!p0 $0x1, $0x1;
	s25 =	simm.s32 @!p5 $0x0  }
0x3ab: {  	s30 =	sld [smem:$0x7D7];
	p6 =	por @!p0 p1, p1;
	s25 =	simm.s32 @p5 $0x1  }
0x3ac: {  	p2 =	seq.s32 s28, $0x1;
	[smem:$0x7E7] =	sst s25;
	s25 =	simm.s32 @!p6 $0x0  }
0x3ad: {  	p2 =	por @!p0 p1, p1;
	s25 =	simm.s32 @p6 $0x1  }
0x3ae: {  	[smem:$0x7D4] =	sst s25;
	s25 =	simm.s32 @!p2 $0x0  }
0x3af: {  	s31 =	sld [smem:$0x7D8];
	s25 =	simm.s32 @p2 $0x1;
	p2 =	seq.s32 s30, $0x1  }
0x3b0: {  	p2 =	por @!p0 p1, p1  }
0x3b1: {  	[smem:$0x7D5] =	sst s25;
	s25 =	simm.s32 @!p2 $0x0  }
0x3b2: {  	s26 =	sld [smem:$0x7D9];
	s25 =	simm.s32 @p2 $0x1;
	p2 =	seq.s32 s31, $0x1  }
0x3b3: {  	s29 =	sld [smem:$0x7D6];
	p2 =	por @!p0 p1, p1  }
0x3b4: {  	[smem:$0x7D7] =	sst s25;
	s25 =	simm.s32 @!p2 $0x0  }
0x3b5: {  	s28 =	sld [smem:$0x7DA];
	s25 =	simm.s32 @p2 $0x1;
	p2 =	seq.s32 s26, $0x1  }
0x3b6: {  	p2 =	por @!p0 p1, p1  }
0x3b7: {  	p5 =	seq.s32 s29, $0x1;
	[smem:$0x7D8] =	sst s25;
	s25 =	simm.s32 @!p2 $0x0  }
0x3b8: {  	s29 =	sld [smem:$0x7DB];
	s25 =	simm.s32 @p2 $0x1;
	p2 =	seq.s32 s28, $0x1  }
0x3b9: {  	p2 =	por @!p0 p1, p1  }
0x3ba: {  	[smem:$0x7D9] =	sst s25;
	s25 =	simm.s32 @!p2 $0x0  }
0x3bb: {  	s25 =	simm.s32 @p2 $0x1;
	p2 =	seq.s32 s29, $0x1  }
0x3bc: {  	p2 =	por @!p0 p1, p1  }
0x3bd: {  	[smem:$0x7DA] =	sst s25;
	s25 =	simm.s32 @!p2 $0x0  }
0x3be: {  	p3 =	por @!p0 p1, p1;
	s30 =	sld [smem:$0x7DE];
	s25 =	simm.s32 @p2 $0x1  }
0x3bf: {  	[smem:$0x7DB] =	sst s25;
	s25 =	simm.s32 @!p3 $0x0  }
0x3c0: {  	p4 =	por @!p0 p1, p1;
	s26 =	sld [smem:$0x7E0];
	s25 =	simm.s32 @p3 $0x1  }
0x3c1: {  	p2 =	seq.s32 s30, $0x1;
	[smem:$0x7DC] =	sst s25;
	s25 =	simm.s32 @!p4 $0x0  }
0x3c2: {  	p2 =	por @!p0 p1, p1;
	s25 =	simm.s32 @p4 $0x1  }
0x3c3: {  	[smem:$0x7DD] =	sst s25;
	s25 =	simm.s32 @!p2 $0x0  }
0x3c4: {  	s28 =	sld [smem:$0x7E1];
	s25 =	simm.s32 @p2 $0x1;
	p2 =	seq.s32 s26, $0x1  }
0x3c5: {  	p2 =	por @!p0 p1, p1  }
0x3c6: {  	[smem:$0x7DE] =	sst s25;
	s25 =	simm.s32 @!p2 $0x0  }
0x3c7: {  	s29 =	sld [smem:$0x7E2];
	s25 =	simm.s32 @p2 $0x1;
	p2 =	seq.s32 s28, $0x1  }
0x3c8: {  	s31 =	sld [smem:$0x7DF];
	p2 =	por @!p0 p1, p1  }
0x3c9: {  	[smem:$0x7E0] =	sst s25;
	s25 =	simm.s32 @!p2 $0x0  }
0x3ca: {  	s30 =	sld [smem:$0x7E3];
	s25 =	simm.s32 @p2 $0x1;
	p2 =	seq.s32 s29, $0x1  }
0x3cb: {  	p2 =	por @!p0 p1, p1  }
0x3cc: {  	p6 =	seq.s32 s31, $0x1;
	[smem:$0x7E1] =	sst s25;
	s25 =	simm.s32 @!p2 $0x0  }
0x3cd: {  	s31 =	sld [smem:$0x7E4];
	s25 =	simm.s32 @p2 $0x1;
	p2 =	seq.s32 s30, $0x1  }
0x3ce: {  	s26 =	sld [smem:$0x7E5];
	p2 =	por @!p0 p1, p1  }
0x3cf: {  	[smem:$0x7E2] =	sst s25;
	s25 =	simm.s32 @!p2 $0x0  }
0x3d0: {  	s29 =	sld [smem:$0x7E7];
	s25 =	simm.s32 @p2 $0x1;
	p2 =	seq.s32 s31, $0x1  }
0x3d1: {  	p5 =	por @!p0 p1, p1;
	s31 =	sld [smem:$0x7D1];
	p2 =	por @!p0 p1, p1  }
0x3d2: {  	p6 =	por @!p0 p1, p1;
	[smem:$0x7E3] =	sst s25;
	s25 =	simm.s32 @!p2 $0x0  }
0x3d3: {  	s30 =	sld [smem:$0x7E6];
	s25 =	simm.s32 @p2 $0x1;
	p2 =	seq.s32 s26, $0x1  }
0x3d4: {  	s28 =	sld [smem:$0x7D0];
	p4 =	seq.s32 s29, $0x1;
	p2 =	por @!p0 p1, p1  }
0x3d5: {  	p3 =	seq.s32 s31, $0x1;
	[smem:$0x7E4] =	sst s25;
	s25 =	simm.s32 @!p2 $0x0  }
0x3d6: {  	s26 =	sld [smem:$0x7D4];
	s25 =	simm.s32 @p2 $0x1;
	p2 =	seq.s32 s30, $0x1  }
0x3d7: {  	p0 =	seq.s32 s28, $0x1;
	s28 =	sld [smem:$0x7D5];
	p2 =	por @!p3 p1, p1  }
0x3d8: {  	[smem:$0x7E5] =	sst s25;
	p1 =	por @!p0 $0x0, $0x0;
	s25 =	simm.s32 @!p2 $0x0  }
0x3d9: {  	p4 =	por @!p0 p1, p1;
	p1 =	por @!p0 $0x1, $0x1;
	s25 =	simm.s32 @p2 $0x1  }
0x3da: {  	p2 =	seq.s32 s26, $0x1;
	[smem:$0x7E6] =	sst s25;
	s25 =	simm.s32 @!p4 $0x0  }
0x3db: {  	p2 =	por @!p0 p1, p1;
	s25 =	simm.s32 @p4 $0x1  }
0x3dc: {  	[smem:$0x7E8] =	sst s25;
	s25 =	simm.s32 @!p2 $0x0  }
0x3dd: {  	s25 =	simm.s32 @p2 $0x1;
	p2 =	seq.s32 s28, $0x1  }
0x3de: {  	s31 =	sld [smem:$0x7D9];
	p2 =	por @!p0 p1, p1  }
0x3df: {  	[smem:$0x7D4] =	sst s25;
	s25 =	simm.s32 @!p2 $0x0  }
0x3e0: {  	p5 =	por @!p0 p1, p1;
	s26 =	sld [smem:$0x7DA];
	s25 =	simm.s32 @p2 $0x1  }
0x3e1: {  	p2 =	seq.s32 s31, $0x1;
	[smem:$0x7D5] =	sst s25;
	s25 =	simm.s32 @!p5 $0x0  }
0x3e2: {  	s29 =	sld [smem:$0x7D7];
	p2 =	por @!p0 p1, p1;
	s25 =	simm.s32 @p5 $0x1  }
0x3e3: {  	[smem:$0x7D6] =	sst s25;
	s25 =	simm.s32 @!p2 $0x0  }
0x3e4: {  	s28 =	sld [smem:$0x7DB];
	s25 =	simm.s32 @p2 $0x1;
	p2 =	seq.s32 s26, $0x1  }
0x3e5: {  	s30 =	sld [smem:$0x7D8];
	p2 =	por @!p0 p1, p1  }
0x3e6: {  	p5 =	seq.s32 s29, $0x1;
	[smem:$0x7D9] =	sst s25;
	s25 =	simm.s32 @!p2 $0x0  }
0x3e7: {  	s29 =	sld [smem:$0x7DC];
	s25 =	simm.s32 @p2 $0x1;
	p2 =	seq.s32 s28, $0x1  }
0x3e8: {  	p2 =	por @!p0 p1, p1  }
0x3e9: {  	p4 =	seq.s32 s30, $0x1;
	[smem:$0x7DA] =	sst s25;
	s25 =	simm.s32 @!p2 $0x0  }
0x3ea: {  	s30 =	sld [smem:$0x7DD];
	s25 =	simm.s32 @p2 $0x1;
	p2 =	seq.s32 s29, $0x1  }
0x3eb: {  	p2 =	por @!p0 p1, p1  }
0x3ec: {  	[smem:$0x7DB] =	sst s25;
	s25 =	simm.s32 @!p2 $0x0  }
0x3ed: {  	s31 =	sld [smem:$0x7DE];
	s25 =	simm.s32 @p2 $0x1;
	p2 =	seq.s32 s30, $0x1  }
0x3ee: {  	p2 =	por @!p0 p1, p1  }
0x3ef: {  	[smem:$0x7DC] =	sst s25;
	s25 =	simm.s32 @!p2 $0x0  }
0x3f0: {  	s25 =	simm.s32 @p2 $0x1;
	p2 =	seq.s32 s31, $0x1  }
0x3f1: {  	s26 =	sld [smem:$0x7E0];
	p2 =	por @!p0 p1, p1  }
0x3f2: {  	[smem:$0x7DD] =	sst s25;
	s25 =	simm.s32 @!p2 $0x0  }
0x3f3: {  	p6 =	por @!p0 p1, p1;
	s28 =	sld [smem:$0x7E1];
	s25 =	simm.s32 @p2 $0x1  }
0x3f4: {  	p2 =	seq.s32 s26, $0x1;
	[smem:$0x7DE] =	sst s25;
	s25 =	simm.s32 @!p6 $0x0  }
0x3f5: {  	s29 =	sld [smem:$0x7E2];
	p2 =	por @!p0 p1, p1;
	s25 =	simm.s32 @p6 $0x1  }
0x3f6: {  	[smem:$0x7DF] =	sst s25;
	s25 =	simm.s32 @!p2 $0x0  }
0x3f7: {  	s30 =	sld [smem:$0x7E3];
	s25 =	simm.s32 @p2 $0x1;
	p2 =	seq.s32 s28, $0x1  }
0x3f8: {  	s31 =	sld [smem:$0x7E4];
	p2 =	por @!p0 p1, p1  }
0x3f9: {  	p6 =	seq.s32 s29, $0x1;
	[smem:$0x7E0] =	sst s25;
	s25 =	simm.s32 @!p2 $0x0  }
0x3fa: {  	s26 =	sld [smem:$0x7E5];
	p6 =	por @!p0 p1, p1;
	s25 =	simm.s32 @p2 $0x1  }
0x3fb: {  	[smem:$0x7E1] =	sst s25;
	s25 =	simm.s32 @!p6 $0x0  }
0x3fc: {  	s29 =	sld [smem:$0x7E7];
	s25 =	simm.s32 @p6 $0x1;
	p6 =	seq.s32 s30, $0x1  }
0x3fd: {  	s28 =	sld [smem:$0x7E6];
	p6 =	por @!p0 p1, p1  }
0x3fe: {  	p2 =	seq.s32 s31, $0x1;
	[smem:$0x7E2] =	sst s25;
	s25 =	simm.s32 @!p6 $0x0  }
0x3ff: {  	p2 =	por @!p0 p1, p1;
	s30 =	sld [smem:$0x7D2];
	s25 =	simm.s32 @p6 $0x1  }
0x400: {  	p6 =	seq.s32 s28, $0x1;
	[smem:$0x7E3] =	sst s25;
	s25 =	simm.s32 @!p2 $0x0  }
0x401: {  	s28 =	sld [smem:$0x7D5];
	s25 =	simm.s32 @p2 $0x1;
	p2 =	seq.s32 s26, $0x1  }
0x402: {  	p4 =	por @!p0 p1, p1;
	s26 =	sld [smem:$0x7D4];
	p2 =	por @!p0 p1, p1  }
0x403: {  	p5 =	por @!p0 p1, p1;
	[smem:$0x7E4] =	sst s25;
	s25 =	simm.s32 @!p2 $0x0  }
0x404: {  	p6 =	por @!p0 p1, p1;
	s25 =	simm.s32 @p2 $0x1;
	p2 =	seq.s32 s29, $0x1  }
0x405: {  	p3 =	seq.s32 s26, $0x1;
	p2 =	por @!p0 p1, p1;
	p0 =	seq.s32 s30, $0x1  }
0x406: {  	[smem:$0x7E5] =	sst s25;
	s25 =	simm.s32 @!p2 $0x0;
	p1 =	por @!p0 $0x1, $0x1  }
0x407: {  	s25 =	simm.s32 @p2 $0x1;
	p3 =	por @!p0 p1, p1  }
0x408: {  	[smem:$0x7E7] =	sst s25;
	s25 =	simm.s32 @!p3 $0x0  }
0x409: {  	s29 =	sld [smem:$0x7D6];
	s25 =	simm.s32 @p3 $0x1;
	p3 =	seq.s32 s28, $0x1  }
0x40a: {  	p3 =	por @!p0 p1, p1  }
0x40b: {  	[smem:$0x7D4] =	sst s25;
	s25 =	simm.s32 @!p3 $0x0  }
0x40c: {  	s25 =	simm.s32 @p3 $0x1;
	p3 =	seq.s32 s29, $0x1  }
0x40d: {  	p3 =	por @!p0 p1, p1  }
0x40e: {  	[smem:$0x7D5] =	sst s25;
	s25 =	simm.s32 @!p3 $0x0  }
0x40f: {  	s30 =	sld [smem:$0x7D9];
	p5 =	por @!p0 p1, p1;
	s25 =	simm.s32 @p3 $0x1  }
0x410: {  	[smem:$0x7D6] =	sst s25;
	s25 =	simm.s32 @!p5 $0x0  }
0x411: {  	s26 =	sld [smem:$0x7DB];
	p4 =	por @!p0 p1, p1;
	s25 =	simm.s32 @p5 $0x1  }
0x412: {  	p3 =	seq.s32 s30, $0x1;
	[smem:$0x7D7] =	sst s25;
	s25 =	simm.s32 @!p4 $0x0  }
0x413: {  	p3 =	por @!p0 p1, p1;
	s25 =	simm.s32 @p4 $0x1  }
0x414: {  	[smem:$0x7D8] =	sst s25;
	s25 =	simm.s32 @!p3 $0x0  }
0x415: {  	s28 =	sld [smem:$0x7DC];
	s25 =	simm.s32 @p3 $0x1;
	p3 =	seq.s32 s26, $0x1  }
0x416: {  	s31 =	sld [smem:$0x7E8];
	p3 =	por @!p0 p1, p1  }
0x417: {  	[smem:$0x7D9] =	sst s25;
	s25 =	simm.s32 @!p3 $0x0  }
0x418: {  	s29 =	sld [smem:$0x7DD];
	s25 =	simm.s32 @p3 $0x1;
	p3 =	seq.s32 s28, $0x1  }
0x419: {  	p2 =	seq.s32 s31, $0x1;
	s31 =	sld [smem:$0x7DA];
	p3 =	por @!p0 p1, p1  }
0x41a: {  	[smem:$0x7DB] =	sst s25;
	s25 =	simm.s32 @!p3 $0x0  }
0x41b: {  	s30 =	sld [smem:$0x7DE];
	s25 =	simm.s32 @p3 $0x1;
	p3 =	seq.s32 s29, $0x1  }
0x41c: {  	p3 =	por @!p0 p1, p1  }
0x41d: {  	p5 =	seq.s32 s31, $0x1;
	[smem:$0x7DC] =	sst s25;
	s25 =	simm.s32 @!p3 $0x0  }
0x41e: {  	s31 =	sld [smem:$0x7DF];
	s25 =	simm.s32 @p3 $0x1;
	p3 =	seq.s32 s30, $0x1  }
0x41f: {  	p3 =	por @!p0 p1, p1  }
0x420: {  	[smem:$0x7DD] =	sst s25;
	s25 =	simm.s32 @!p3 $0x0  }
0x421: {  	s26 =	sld [smem:$0x7E0];
	s25 =	simm.s32 @p3 $0x1;
	p3 =	seq.s32 s31, $0x1  }
0x422: {  	s28 =	sld [smem:$0x7E1];
	p3 =	por @!p0 p1, p1  }
0x423: {  	[smem:$0x7DE] =	sst s25;
	s25 =	simm.s32 @!p3 $0x0  }
0x424: {  	s25 =	simm.s32 @p3 $0x1;
	p3 =	seq.s32 s26, $0x1  }
0x425: {  	s29 =	sld [smem:$0x7E2];
	p3 =	por @!p0 p1, p1  }
0x426: {  	p4 =	seq.s32 s28, $0x1;
	[smem:$0x7DF] =	sst s25;
	s25 =	simm.s32 @!p3 $0x0  }
0x427: {  	p4 =	por @!p0 p1, p1;
	s25 =	simm.s32 @p3 $0x1  }
0x428: {  	[smem:$0x7E0] =	sst s25;
	s25 =	simm.s32 @!p4 $0x0  }
0x429: {  	s30 =	sld [smem:$0x7E3];
	s25 =	simm.s32 @p4 $0x1;
	p4 =	seq.s32 s29, $0x1  }
0x42a: {  	p4 =	por @!p0 p1, p1  }
0x42b: {  	[smem:$0x7E1] =	sst s25;
	s25 =	simm.s32 @!p4 $0x0  }
0x42c: {  	s31 =	sld [smem:$0x7E4];
	s25 =	simm.s32 @p4 $0x1;
	p4 =	seq.s32 s30, $0x1  }
0x42d: {  	p4 =	por @!p0 p1, p1  }
0x42e: {  	[smem:$0x7E2] =	sst s25;
	s25 =	simm.s32 @!p4 $0x0  }
0x42f: {  	s26 =	sld [smem:$0x7E5];
	s25 =	simm.s32 @p4 $0x1;
	p4 =	seq.s32 s31, $0x1  }
0x430: {  	p4 =	por @!p0 p1, p1  }
0x431: {  	[smem:$0x7E3] =	sst s25;
	s25 =	simm.s32 @!p4 $0x0  }
0x432: {  	p6 =	por @!p0 p1, p1;
	s25 =	simm.s32 @p4 $0x1;
	p4 =	seq.s32 s26, $0x1  }
0x433: {  	p2 =	por @!p0 p1, p1;
	s28 =	sld [smem:$0x7E7];
	p4 =	por @!p0 p1, p1  }
0x434: {  	p5 =	por @!p0 p1, p1;
	[smem:$0x7E4] =	sst s25;
	s25 =	simm.s32 @!p4 $0x0  }
0x435: {  	p3 =	por @!p0 $0x0, $0x0;
	s29 =	sld [smem:$0x7E8];
	s25 =	simm.s32 @p4 $0x1  }
0x436: {  	p4 =	seq.s32 s28, $0x1;
	[smem:$0x7E5] =	sst s25;
	s25 =	simm.s32 @!p6 $0x0  }
0x437: {  	s30 =	sld [smem:$0x7FD];
	p4 =	por @!p0 p1, p1;
	s25 =	simm.s32 @p6 $0x1  }
0x438: {  	p1 =	seq.s32 s29, $0x1;
	[smem:$0x7E6] =	sst s25;
	s25 =	simm.s32 @!p4 $0x0  }
0x439: {  	p1 =	por @!p0 p3, p3;
	s25 =	simm.s32 @p4 $0x1  }
0x43a: {  	p0 =	seq.s32 s30, $0x1;
	[smem:$0x7E7] =	sst s25;
	s25 =	simm.s32 @!p1 $0x0  }
0x43b: {  	s31 =	sld [smem:$0x7D4];
	s25 =	simm.s32 @p1 $0x1;
	p1 =	por @!p0 $0x1, $0x1  }
0x43c: {  	p2 =	por @!p0 p1, p1  }
0x43d: {  	[smem:$0x7E8] =	sst s25;
	s25 =	simm.s32 @!p2 $0x0  }
0x43e: {  	s26 =	sld [smem:$0x7D5];
	s25 =	simm.s32 @p2 $0x1;
	p2 =	seq.s32 s31, $0x1  }
0x43f: {  	p2 =	por @!p0 p1, p1  }
0x440: {  	[smem:$0x7D3] =	sst s25;
	s25 =	simm.s32 @!p2 $0x0  }
0x441: {  	s28 =	sld [smem:$0x7D6];
	s25 =	simm.s32 @p2 $0x1;
	p2 =	seq.s32 s26, $0x1  }
0x442: {  	p2 =	por @!p0 p1, p1  }
0x443: {  	[smem:$0x7D4] =	sst s25;
	s25 =	simm.s32 @!p2 $0x0  }
0x444: {  	s29 =	sld [smem:$0x7D7];
	s25 =	simm.s32 @p2 $0x1;
	p2 =	seq.s32 s28, $0x1  }
0x445: {  	p2 =	por @!p0 p1, p1  }
0x446: {  	[smem:$0x7D5] =	sst s25;
	s25 =	simm.s32 @!p2 $0x0  }
0x447: {  	s30 =	sld [smem:$0x7D8];
	s25 =	simm.s32 @p2 $0x1;
	p2 =	seq.s32 s29, $0x1  }
0x448: {  	p2 =	por @!p0 p1, p1  }
0x449: {  	[smem:$0x7D6] =	sst s25;
	s25 =	simm.s32 @!p2 $0x0  }
0x44a: {  	s31 =	sld [smem:$0x7D9];
	s25 =	simm.s32 @p2 $0x1;
	p2 =	seq.s32 s30, $0x1  }
0x44b: {  	p2 =	por @!p0 p1, p1  }
0x44c: {  	[smem:$0x7D7] =	sst s25;
	s25 =	simm.s32 @!p2 $0x0  }
0x44d: {  	s25 =	simm.s32 @p2 $0x1;
	p2 =	seq.s32 s31, $0x1  }
0x44e: {  	p2 =	por @!p0 p1, p1  }
0x44f: {  	[smem:$0x7D8] =	sst s25;
	s25 =	simm.s32 @!p2 $0x0  }
0x450: {  	s26 =	sld [smem:$0x7DB];
	s25 =	simm.s32 @p2 $0x1;
	p2 =	por p5, p5  }
0x451: {  	p2 =	por @!p0 p1, p1  }
0x452: {  	[smem:$0x7D9] =	sst s25;
	s25 =	simm.s32 @!p2 $0x0  }
0x453: {  	s28 =	sld [smem:$0x7DC];
	s25 =	simm.s32 @p2 $0x1;
	p2 =	seq.s32 s26, $0x1  }
0x454: {  	p2 =	por @!p0 p1, p1  }
0x455: {  	[smem:$0x7DA] =	sst s25;
	s25 =	simm.s32 @!p2 $0x0  }
0x456: {  	s25 =	simm.s32 @p2 $0x1;
	p2 =	seq.s32 s28, $0x1  }
0x457: {  	p2 =	por @!p0 p1, p1  }
0x458: {  	[smem:$0x7DB] =	sst s25;
	s25 =	simm.s32 @!p2 $0x0  }
0x459: {  	s29 =	sld [smem:$0x7DD];
	s25 =	simm.s32 @p2 $0x1  }
0x45a: {  	[smem:$0x7DC] =	sst s25  }
0x45b: {  	s30 =	sld [smem:$0x7DE];
	_ =	swait.ge [sflag:s14], $0x80  }
0x45c: {  	s28 =	sld [smem:$0x7E1];
	_ =	sdelay $0x2  }
0x45d: {  	p3 =	seq.s32 s29, $0x1;
	s29 =	sld [smem:$0x7E2];
	p5 =	seq.s32 s28, $0x1  }
0x45e: {  	p5 =	por @!p0 p1, p1  }
0x45f: {  	p6 =	seq.s32 s30, $0x1;
	s31 =	sld [smem:$0x7DF];
	s25 =	simm.s32 @!p5 $0x0  }
0x460: {  	s30 =	sld [smem:$0x7E3];
	s25 =	simm.s32 @p5 $0x1;
	p5 =	seq.s32 s29, $0x1  }
0x461: {  	p5 =	por @!p0 p1, p1  }
0x462: {  	p4 =	seq.s32 s31, $0x1;
	[smem:$0x7E1] =	sst s25;
	s25 =	simm.s32 @!p5 $0x0  }
0x463: {  	s31 =	sld [smem:$0x7E4];
	s25 =	simm.s32 @p5 $0x1;
	p5 =	seq.s32 s30, $0x1  }
0x464: {  	p5 =	por @!p0 p1, p1  }
0x465: {  	[smem:$0x7E2] =	sst s25;
	s25 =	simm.s32 @!p5 $0x0  }
0x466: {  	s25 =	simm.s32 @p5 $0x1;
	p5 =	seq.s32 s31, $0x1  }
0x467: {  	p5 =	por @!p0 p1, p1  }
0x468: {  	[smem:$0x7E3] =	sst s25;
	s25 =	simm.s32 @!p5 $0x0  }
0x469: {  	s26 =	sld [smem:$0x7E0];
	[sflag:s14] =	ssyncset.done $0x0;
	s25 =	simm.s32 @p5 $0x1  }
0x46a: {  	[sflag:s14] =	ssyncadd.s32 $0xFFFFFF80;
	[smem:$0x7E4] =	sst s25  }
0x46b: {  	_ =	swait.ge [sflag:s14], $0x80  }
0x46c: {  	p2 =	seq.s32 s26, $0x1;
	s26 =	sld [smem:$0x7E5];
	_ =	sdelay $0x2  }
0x46d: {  	s28 =	sld [smem:$0x7E6];
	p5 =	seq.s32 s26, $0x1  }
0x46e: {  	p5 =	por @!p0 p1, p1  }
0x46f: {  	s25 =	simm.s32 @!p5 $0x0  }
0x470: {  	s29 =	sld [smem:$0x7E7];
	s25 =	simm.s32 @p5 $0x1;
	p5 =	seq.s32 s28, $0x1  }
0x471: {  	p5 =	por @!p0 p1, p1  }
0x472: {  	[smem:$0x7E5] =	sst s25;
	s25 =	simm.s32 @!p5 $0x0  }
0x473: {  	s30 =	sld [smem:$0x7E8];
	s25 =	simm.s32 @p5 $0x1;
	p5 =	seq.s32 s29, $0x1  }
0x474: {  	p3 =	por @!p0 p1, p1;
	s31 =	sld [smem:$0x7EB];
	p5 =	por @!p0 p1, p1  }
0x475: {  	p6 =	por @!p0 p1, p1;
	[smem:$0x7E6] =	sst s25;
	s25 =	simm.s32 @!p5 $0x0  }
0x476: {  	p4 =	por @!p0 p1, p1;
	s25 =	simm.s32 @p5 $0x1;
	p5 =	seq.s32 s30, $0x1  }
0x477: {  	p2 =	por @!p0 p1, p1;
	p5 =	por @!p0 p1, p1;
	p1 =	seq.s32 s31, $0x1  }
.Ltmp15:
0x478: {  	_ = 	snop;
	(pc) =	sbr.rel @p1 .LBB2_53-.Ltmp15, $4  }
0x479: {  	_ = 	snop  }
0x47a: {  	[smem:$0x7E7] =	sst s25;
	s25 =	simm.s32 @!p5 $0x0  }
0x47b: {  	[sflag:s14] =	ssyncset.done $0x0;
	s25 =	simm.s32 @p5 $0x1  }
0x47c: {  	[sflag:s14] =	ssyncadd.s32 $0xFFFFFF80;
	[smem:$0x7E8] =	sst s25  }
.Ltmp16:
0x47d: {  	(pc) =	sbr.rel @p3 .LBB2_54-.Ltmp16, $4  }
0x47e: {  	_ = 	snop  }
0x47f: {  	_ =	swait.ge [sflag:s14], $0x80  }
0x480: {  	[sflag:s14] =	ssyncset.done $0x0  }
0x481: {  	[sflag:s14] =	ssyncadd.s32 $0xFFFFFF80  }
.LBB2_32:
.Ltmp17:
0x482: {  	(pc) =	sbr.rel @!p6 .LBB2_33-.Ltmp17, $1  }
0x483: {  	_ =	sdelay $0x3  }
.LBB2_55:
0x484: {  	_ =	swait.ge [sflag:s14], $0x80  }
0x485: {  	s25 =	sld [smem:$0x7DC];
	_ =	sdelay $0x2  }
0x486: {  	p1 =	seq.s32 s25, $0x1  }
.Ltmp18:
0x487: {  	_ = 	snop;
	(pc) =	sbr.rel @p1 .LBB2_56-.Ltmp18, $3  }
0x488: {  	_ =	sdelay $0x1  }
0x489: {  	[sflag:s14] =	ssyncset.done $0x0  }
0x48a: {  	[sflag:s14] =	ssyncadd.s32 $0xFFFFFF80  }
.LBB2_34:
.Ltmp19:
0x48b: {  	(pc) =	sbr.rel @!p4 .LBB2_35-.Ltmp19, $1  }
0x48c: {  	_ =	sdelay $0x3  }
.LBB2_57:
0x48d: {  	_ =	swait.ge [sflag:s14], $0x80  }
0x48e: {  	s25 =	sld [smem:$0x7DB];
	_ =	sdelay $0x2  }
0x48f: {  	p1 =	seq.s32 s25, $0x1  }
.Ltmp20:
0x490: {  	_ = 	snop;
	(pc) =	sbr.rel @p1 .LBB2_58-.Ltmp20, $3  }
0x491: {  	_ =	sdelay $0x1  }
0x492: {  	[sflag:s14] =	ssyncset.done $0x0  }
0x493: {  	[sflag:s14] =	ssyncadd.s32 $0xFFFFFF80  }
.LBB2_36:
.Ltmp21:
0x494: {  	(pc) =	sbr.rel @!p2 .LBB2_37-.Ltmp21, $1  }
0x495: {  	_ =	sdelay $0x3  }
.LBB2_59:
0x496: {  	_ =	swait.ge [sflag:s14], $0x80  }
0x497: {  	s25 =	sld [smem:$0x7DA];
	_ =	sdelay $0x2  }
0x498: {  	p0 =	seq.s32 s25, $0x1  }
.Ltmp22:
0x499: {  	_ = 	snop;
	(pc) =	sbr.rel @p0 .LBB2_60-.Ltmp22, $3  }
0x49a: {  	_ =	sdelay $0x1  }
0x49b: {  	[sflag:s14] =	ssyncset.done $0x0  }
0x49c: {  	[sflag:s14] =	ssyncadd.s32 $0xFFFFFF80  }
.LBB2_38:
0x49d: {  	s25 =	sld [smem:$0x7E1];
	_ =	sdelay $0x2  }
0x49e: {  	p0 =	seq.s32 s25, $0x1  }
.Ltmp23:
0x49f: {  	_ = 	snop;
	(pc) =	sbr.rel @!p0 .LBB2_39-.Ltmp23, $1  }
0x4a0: {  	_ =	sdelay $0x3  }
.LBB2_61:
0x4a1: {  	_ =	swait.ge [sflag:s14], $0x80  }
0x4a2: {  	s25 =	sld [smem:$0x7D9];
	_ =	sdelay $0x2  }
0x4a3: {  	p1 =	seq.s32 s25, $0x1  }
.Ltmp24:
0x4a4: {  	_ = 	snop;
	(pc) =	sbr.rel @p1 .LBB2_62-.Ltmp24, $3  }
0x4a5: {  	_ =	sdelay $0x1  }
0x4a6: {  	[sflag:s14] =	ssyncset.done $0x0  }
0x4a7: {  	[sflag:s14] =	ssyncadd.s32 $0xFFFFFF80  }
.LBB2_40:
0x4a8: {  	s25 =	sld [smem:$0x7E2];
	_ =	sdelay $0x2  }
0x4a9: {  	p1 =	seq.s32 s25, $0x1  }
.Ltmp25:
0x4aa: {  	_ = 	snop;
	(pc) =	sbr.rel @!p1 .LBB2_41-.Ltmp25, $1  }
0x4ab: {  	_ =	sdelay $0x3  }
.LBB2_63:
0x4ac: {  	_ =	swait.ge [sflag:s14], $0x80  }
0x4ad: {  	s25 =	sld [smem:$0x7D8];
	_ =	sdelay $0x2  }
0x4ae: {  	p0 =	seq.s32 s25, $0x1  }
.Ltmp26:
0x4af: {  	_ = 	snop;
	(pc) =	sbr.rel @p0 .LBB2_64-.Ltmp26, $3  }
0x4b0: {  	_ =	sdelay $0x1  }
0x4b1: {  	[sflag:s14] =	ssyncset.done $0x0  }
0x4b2: {  	[sflag:s14] =	ssyncadd.s32 $0xFFFFFF80  }
.LBB2_42:
0x4b3: {  	s25 =	sld [smem:$0x7E3];
	_ =	sdelay $0x2  }
0x4b4: {  	p0 =	seq.s32 s25, $0x1  }
.Ltmp27:
0x4b5: {  	_ = 	snop;
	(pc) =	sbr.rel @!p0 .LBB2_43-.Ltmp27, $1  }
0x4b6: {  	_ =	sdelay $0x3  }
.LBB2_65:
0x4b7: {  	_ =	swait.ge [sflag:s14], $0x80  }
0x4b8: {  	s25 =	sld [smem:$0x7D7];
	_ =	sdelay $0x2  }
0x4b9: {  	p0 =	seq.s32 s25, $0x1  }
.Ltmp28:
0x4ba: {  	_ = 	snop;
	(pc) =	sbr.rel @p0 .LBB2_66-.Ltmp28, $3  }
0x4bb: {  	_ =	sdelay $0x1  }
0x4bc: {  	[sflag:s14] =	ssyncset.done $0x0  }
0x4bd: {  	[sflag:s14] =	ssyncadd.s32 $0xFFFFFF80  }
.LBB2_44:
0x4be: {  	s25 =	sld [smem:$0x7E4];
	_ =	sdelay $0x2  }
0x4bf: {  	p0 =	seq.s32 s25, $0x1  }
.Ltmp29:
0x4c0: {  	_ = 	snop;
	(pc) =	sbr.rel @!p0 .LBB2_45-.Ltmp29, $1  }
0x4c1: {  	_ =	sdelay $0x3  }
.LBB2_67:
0x4c2: {  	_ =	swait.ge [sflag:s14], $0x80  }
0x4c3: {  	s25 =	sld [smem:$0x7D6];
	_ =	sdelay $0x2  }
0x4c4: {  	p0 =	seq.s32 s25, $0x1  }
.Ltmp30:
0x4c5: {  	_ = 	snop;
	(pc) =	sbr.rel @p0 .LBB2_68-.Ltmp30, $3  }
0x4c6: {  	_ =	sdelay $0x1  }
0x4c7: {  	[sflag:s14] =	ssyncset.done $0x0  }
0x4c8: {  	[sflag:s14] =	ssyncadd.s32 $0xFFFFFF80  }
.LBB2_46:
0x4c9: {  	s25 =	sld [smem:$0x7E5];
	_ =	sdelay $0x2  }
0x4ca: {  	p0 =	seq.s32 s25, $0x1  }
.Ltmp31:
0x4cb: {  	_ = 	snop;
	(pc) =	sbr.rel @!p0 .LBB2_47-.Ltmp31, $1  }
0x4cc: {  	_ =	sdelay $0x3  }
.LBB2_69:
0x4cd: {  	_ =	swait.ge [sflag:s14], $0x80  }
0x4ce: {  	s25 =	sld [smem:$0x7D5];
	_ =	sdelay $0x2  }
0x4cf: {  	p0 =	seq.s32 s25, $0x1  }
.Ltmp32:
0x4d0: {  	_ = 	snop;
	(pc) =	sbr.rel @p0 .LBB2_70-.Ltmp32, $3  }
0x4d1: {  	_ =	sdelay $0x1  }
0x4d2: {  	[sflag:s14] =	ssyncset.done $0x0  }
0x4d3: {  	[sflag:s14] =	ssyncadd.s32 $0xFFFFFF80  }
.LBB2_48:
0x4d4: {  	s25 =	sld [smem:$0x7E6];
	_ =	sdelay $0x2  }
0x4d5: {  	p0 =	seq.s32 s25, $0x1  }
.Ltmp33:
0x4d6: {  	_ = 	snop;
	(pc) =	sbr.rel @!p0 .LBB2_49-.Ltmp33, $1  }
0x4d7: {  	_ =	sdelay $0x3  }
.LBB2_71:
0x4d8: {  	_ =	swait.ge [sflag:s14], $0x80  }
0x4d9: {  	s25 =	sld [smem:$0x7D4];
	_ =	sdelay $0x2  }
0x4da: {  	p0 =	seq.s32 s25, $0x1  }
.Ltmp34:
0x4db: {  	_ = 	snop;
	(pc) =	sbr.rel @p0 .LBB2_72-.Ltmp34, $3  }
0x4dc: {  	_ =	sdelay $0x1  }
0x4dd: {  	[sflag:s14] =	ssyncset.done $0x0  }
0x4de: {  	[sflag:s14] =	ssyncadd.s32 $0xFFFFFF80  }
.LBB2_50:
0x4df: {  	s25 =	sld [smem:$0x7E7];
	_ =	sdelay $0x2  }
0x4e0: {  	p0 =	seq.s32 s25, $0x1  }
.Ltmp35:
0x4e1: {  	_ = 	snop;
	(pc) =	sbr.rel @!p0 .LBB2_51-.Ltmp35, $1  }
0x4e2: {  	_ =	sdelay $0x3  }
.LBB2_73:
0x4e3: {  	_ =	swait.ge [sflag:s14], $0x80  }
0x4e4: {  	s25 =	sld [smem:$0x7D3];
	_ =	sdelay $0x2  }
0x4e5: {  	p0 =	seq.s32 s25, $0x1  }
.Ltmp36:
0x4e6: {  	_ = 	snop;
	(pc) =	sbr.rel @p0 .LBB2_74-.Ltmp36, $3  }
0x4e7: {  	_ =	sdelay $0x1  }
0x4e8: {  	[sflag:s14] =	ssyncset.done $0x0  }
0x4e9: {  	[sflag:s14] =	ssyncadd.s32 $0xFFFFFF80  }
.LBB2_52:
0x4ea: {  	s25 =	sld [smem:$0x7E8];
	_ =	sdelay $0x2  }
0x4eb: {  	p0 =	seq.s32 s25, $0x1  }
.Ltmp37:
0x4ec: {  	_ = 	snop;
	(pc) =	sbr.rel @p0 .LBB2_81-.Ltmp37, $4  }
.Ltmp38:
0x4ed: {  	_ = 	snop;
	(pc) =	sbr.rel @!p0 .LBB2_82-.Ltmp38, $4  }
0x4ee: {  	_ = 	snop  }
0x4ef: {  	_ = 	snop  }
0x4f0: {  	_ = 	snop  }
0x4f1: {  	_ = 	snop  }
.LBB2_20:
0x4f2: {  	[spmem:s2] =	stream.indirect.scatter.add.f32 [tilespmem:s21], [sflag:$0x1], $0x1, s20, s15, $0xb8;
	[tilespmem:$0x15D08] =	vst v63  }
0x4f3: {  	p0 =	slt.u32 s25, $0x1B  }
0x4f4: {  	s26 =	simm.s32 @!p0 $0x80  }
0x4f5: {  	s28 =	simm.s32 @!p0 $0x14E08;
	s29 =	simm.s32 @!p0 $0x13D88;
	p1 =	seq.s32 @!p0 s25, $0x1B  }
0x4f6: {  	[spmem:s2] =	stream.indirect.scatter.add.f32 @!p0 [tilespmem:s29], [sflag:$0x1], $0x1, s28, s26, $0xb8;
	[tilespmem:$0x15D08] =	vst v63  }
0x4f7: {  	p1 =	por p0, p1  }
0x4f8: {  	p2 =	slt.u32 @!p1 s25, $0x1D  }
0x4f9: {  	p6 =	por p1, p2  }
0x4fa: {  	p2 =	seq.s32 @!p6 s25, $0x1D  }
0x4fb: {  	p2 =	por p6, p2  }
.Ltmp39:
0x4fc: {  	_ = 	snop;
	(pc) =	sbr.rel @!p2 .LBB2_22-.Ltmp39, $4  }
0x4fd: {  	s26 =	simm.s32 @!p1 $0x80;
	s28 =	simm.s32 @!p1 $0x14E88;
	s29 =	simm.s32 @!p1 $0x13E08  }
0x4fe: {  	[spmem:s2] =	stream.indirect.scatter.add.f32 @!p1 [tilespmem:s29], [sflag:$0x1], $0x1, s28, s26, $0xb8;
	[tilespmem:$0x15D08] =	vst v63  }
0x4ff: {  	s26 =	simm.s32 @!p6 $0x80;
	s28 =	simm.s32 @!p6 $0x14F08;
	s29 =	simm.s32 @!p6 $0x13E88  }
0x500: {  	[spmem:s2] =	stream.indirect.scatter.add.f32 @!p6 [tilespmem:s29], [sflag:$0x1], $0x1, s28, s26, $0xb8;
	[tilespmem:$0x15D08] =	vst v63  }
0x501: {  	p2 =	por @!p0 $0x0, $0x0;
	p4 =	por $0x0, $0x0  }
0x502: {  	p4 =	por @!p0 p2, p2  }
0x503: {  	p3 =	por @!p1 $0x1, $0x1;
	p2 =	por @!p1 $0x0, $0x0;
	p0 =	por p4, p4  }
0x504: {  	p4 =	por @!p1 p3, p3;
	p0 =	por @!p1 p2, p2;
	p1 =	por @!p6 $0x1, $0x1  }
0x505: {  	p2 =	por @!p6 $0x0, $0x0;
	p5 =	por p0, p0;
	p3 =	por p0, p0  }
0x506: {  	p4 =	por @!p6 p1, p1;
	p5 =	por @!p6 p1, p1;
	p3 =	por @!p6 p2, p2  }
.Ltmp40:
0x507: {  	p1 =	por p0, p0;
	s26 =	simm.s32 @!p3 $0x0;
	(pc) =	sbr.rel .LBB2_23-.Ltmp40, $4  }
0x508: {  	p1 =	por @!p6 p2, p2;
	s26 =	simm.s32 @p3 $0x1  }
0x509: {  	[smem:$0x7E9] =	sst s26;
	s26 =	simm.s32 @!p1 $0x0  }
0x50a: {  	p3 =	por p0, p0;
	s26 =	simm.s32 @p1 $0x1  }
0x50b: {  	p0 =	por @!p6 p2, p2;
	p3 =	por @!p6 p2, p2;
	[smem:$0x7EA] =	sst s26  }
.LBB2_53:
.Ltmp41:
0x50c: {  	(pc) =	sbr.rel @!p3 .LBB2_32-.Ltmp41, $1  }
0x50d: {  	_ =	sdelay $0x3  }
.LBB2_54:
.Ltmp42:
0x50e: {  	(pc) =	sbr.rel @p6 .LBB2_55-.Ltmp42, $4  }
0x50f: {  	_ = 	snop  }
0x510: {  	_ =	swait.ge [sflag:s14], $0x80  }
0x511: {  	[sflag:s14] =	ssyncset.done $0x0  }
0x512: {  	[sflag:s14] =	ssyncadd.s32 $0xFFFFFF80  }
.LBB2_33:
0x513: {  	s25 =	sld [smem:$0x7DC];
	_ =	sdelay $0x2  }
0x514: {  	p1 =	seq.s32 s25, $0x1  }
.Ltmp43:
0x515: {  	_ = 	snop;
	(pc) =	sbr.rel @!p1 .LBB2_34-.Ltmp43, $1  }
0x516: {  	_ =	sdelay $0x3  }
.LBB2_56:
.Ltmp44:
0x517: {  	(pc) =	sbr.rel @p4 .LBB2_57-.Ltmp44, $4  }
0x518: {  	_ = 	snop  }
0x519: {  	_ =	swait.ge [sflag:s14], $0x80  }
0x51a: {  	[sflag:s14] =	ssyncset.done $0x0  }
0x51b: {  	[sflag:s14] =	ssyncadd.s32 $0xFFFFFF80  }
.LBB2_35:
0x51c: {  	s25 =	sld [smem:$0x7DB];
	_ =	sdelay $0x2  }
0x51d: {  	p1 =	seq.s32 s25, $0x1  }
.Ltmp45:
0x51e: {  	_ = 	snop;
	(pc) =	sbr.rel @!p1 .LBB2_36-.Ltmp45, $1  }
0x51f: {  	_ =	sdelay $0x3  }
.LBB2_58:
.Ltmp46:
0x520: {  	(pc) =	sbr.rel @p2 .LBB2_59-.Ltmp46, $4  }
0x521: {  	_ = 	snop  }
0x522: {  	_ =	swait.ge [sflag:s14], $0x80  }
0x523: {  	[sflag:s14] =	ssyncset.done $0x0  }
0x524: {  	[sflag:s14] =	ssyncadd.s32 $0xFFFFFF80  }
.LBB2_37:
0x525: {  	s25 =	sld [smem:$0x7DA];
	_ =	sdelay $0x2  }
0x526: {  	p0 =	seq.s32 s25, $0x1  }
.Ltmp47:
0x527: {  	_ = 	snop;
	(pc) =	sbr.rel @!p0 .LBB2_38-.Ltmp47, $1  }
0x528: {  	_ =	sdelay $0x3  }
.LBB2_60:
0x529: {  	_ =	swait.ge [sflag:s14], $0x80  }
0x52a: {  	s25 =	sld [smem:$0x7E1];
	_ =	sdelay $0x2  }
0x52b: {  	p0 =	seq.s32 s25, $0x1  }
.Ltmp48:
0x52c: {  	_ = 	snop;
	(pc) =	sbr.rel @p0 .LBB2_61-.Ltmp48, $3  }
0x52d: {  	_ =	sdelay $0x1  }
0x52e: {  	[sflag:s14] =	ssyncset.done $0x0  }
0x52f: {  	[sflag:s14] =	ssyncadd.s32 $0xFFFFFF80  }
.LBB2_39:
0x530: {  	s25 =	sld [smem:$0x7D9];
	_ =	sdelay $0x2  }
0x531: {  	p1 =	seq.s32 s25, $0x1  }
.Ltmp49:
0x532: {  	_ = 	snop;
	(pc) =	sbr.rel @!p1 .LBB2_40-.Ltmp49, $1  }
0x533: {  	_ =	sdelay $0x3  }
.LBB2_62:
0x534: {  	_ =	swait.ge [sflag:s14], $0x80  }
0x535: {  	s25 =	sld [smem:$0x7E2];
	_ =	sdelay $0x2  }
0x536: {  	p1 =	seq.s32 s25, $0x1  }
.Ltmp50:
0x537: {  	_ = 	snop;
	(pc) =	sbr.rel @p1 .LBB2_63-.Ltmp50, $3  }
0x538: {  	_ =	sdelay $0x1  }
0x539: {  	[sflag:s14] =	ssyncset.done $0x0  }
0x53a: {  	[sflag:s14] =	ssyncadd.s32 $0xFFFFFF80  }
.LBB2_41:
0x53b: {  	s25 =	sld [smem:$0x7D8];
	_ =	sdelay $0x2  }
0x53c: {  	p0 =	seq.s32 s25, $0x1  }
.Ltmp51:
0x53d: {  	_ = 	snop;
	(pc) =	sbr.rel @!p0 .LBB2_42-.Ltmp51, $1  }
0x53e: {  	_ =	sdelay $0x3  }
.LBB2_64:
0x53f: {  	_ =	swait.ge [sflag:s14], $0x80  }
0x540: {  	s25 =	sld [smem:$0x7E3];
	_ =	sdelay $0x2  }
0x541: {  	p0 =	seq.s32 s25, $0x1  }
.Ltmp52:
0x542: {  	_ = 	snop;
	(pc) =	sbr.rel @p0 .LBB2_65-.Ltmp52, $3  }
0x543: {  	_ =	sdelay $0x1  }
0x544: {  	[sflag:s14] =	ssyncset.done $0x0  }
0x545: {  	[sflag:s14] =	ssyncadd.s32 $0xFFFFFF80  }
.LBB2_43:
0x546: {  	s25 =	sld [smem:$0x7D7];
	_ =	sdelay $0x2  }
0x547: {  	p0 =	seq.s32 s25, $0x1  }
.Ltmp53:
0x548: {  	_ = 	snop;
	(pc) =	sbr.rel @!p0 .LBB2_44-.Ltmp53, $1  }
0x549: {  	_ =	sdelay $0x3  }
.LBB2_66:
0x54a: {  	_ =	swait.ge [sflag:s14], $0x80  }
0x54b: {  	s25 =	sld [smem:$0x7E4];
	_ =	sdelay $0x2  }
0x54c: {  	p0 =	seq.s32 s25, $0x1  }
.Ltmp54:
0x54d: {  	_ = 	snop;
	(pc) =	sbr.rel @p0 .LBB2_67-.Ltmp54, $3  }
0x54e: {  	_ =	sdelay $0x1  }
0x54f: {  	[sflag:s14] =	ssyncset.done $0x0  }
0x550: {  	[sflag:s14] =	ssyncadd.s32 $0xFFFFFF80  }
.LBB2_45:
0x551: {  	s25 =	sld [smem:$0x7D6];
	_ =	sdelay $0x2  }
0x552: {  	p0 =	seq.s32 s25, $0x1  }
.Ltmp55:
0x553: {  	_ = 	snop;
	(pc) =	sbr.rel @!p0 .LBB2_46-.Ltmp55, $1  }
0x554: {  	_ =	sdelay $0x3  }
.LBB2_68:
0x555: {  	_ =	swait.ge [sflag:s14], $0x80  }
0x556: {  	s25 =	sld [smem:$0x7E5];
	_ =	sdelay $0x2  }
0x557: {  	p0 =	seq.s32 s25, $0x1  }
.Ltmp56:
0x558: {  	_ = 	snop;
	(pc) =	sbr.rel @p0 .LBB2_69-.Ltmp56, $3  }
0x559: {  	_ =	sdelay $0x1  }
0x55a: {  	[sflag:s14] =	ssyncset.done $0x0  }
0x55b: {  	[sflag:s14] =	ssyncadd.s32 $0xFFFFFF80  }
.LBB2_47:
0x55c: {  	s25 =	sld [smem:$0x7D5];
	_ =	sdelay $0x2  }
0x55d: {  	p0 =	seq.s32 s25, $0x1  }
.Ltmp57:
0x55e: {  	_ = 	snop;
	(pc) =	sbr.rel @!p0 .LBB2_48-.Ltmp57, $1  }
0x55f: {  	_ =	sdelay $0x3  }
.LBB2_70:
0x560: {  	_ =	swait.ge [sflag:s14], $0x80  }
0x561: {  	s25 =	sld [smem:$0x7E6];
	_ =	sdelay $0x2  }
0x562: {  	p0 =	seq.s32 s25, $0x1  }
.Ltmp58:
0x563: {  	_ = 	snop;
	(pc) =	sbr.rel @p0 .LBB2_71-.Ltmp58, $3  }
0x564: {  	_ =	sdelay $0x1  }
0x565: {  	[sflag:s14] =	ssyncset.done $0x0  }
0x566: {  	[sflag:s14] =	ssyncadd.s32 $0xFFFFFF80  }
.LBB2_49:
0x567: {  	s25 =	sld [smem:$0x7D4];
	_ =	sdelay $0x2  }
0x568: {  	p0 =	seq.s32 s25, $0x1  }
.Ltmp59:
0x569: {  	_ = 	snop;
	(pc) =	sbr.rel @!p0 .LBB2_50-.Ltmp59, $1  }
0x56a: {  	_ =	sdelay $0x3  }
.LBB2_72:
0x56b: {  	_ =	swait.ge [sflag:s14], $0x80  }
0x56c: {  	s25 =	sld [smem:$0x7E7];
	_ =	sdelay $0x2  }
0x56d: {  	p0 =	seq.s32 s25, $0x1  }
.Ltmp60:
0x56e: {  	_ = 	snop;
	(pc) =	sbr.rel @p0 .LBB2_73-.Ltmp60, $3  }
0x56f: {  	_ =	sdelay $0x1  }
0x570: {  	[sflag:s14] =	ssyncset.done $0x0  }
0x571: {  	[sflag:s14] =	ssyncadd.s32 $0xFFFFFF80  }
.LBB2_51:
0x572: {  	s25 =	sld [smem:$0x7D3];
	_ =	sdelay $0x2  }
0x573: {  	p0 =	seq.s32 s25, $0x1  }
.Ltmp61:
0x574: {  	_ = 	snop;
	(pc) =	sbr.rel @!p0 .LBB2_52-.Ltmp61, $1  }
0x575: {  	_ =	sdelay $0x3  }
.LBB2_74:
0x576: {  	_ =	swait.ge [sflag:s14], $0x80  }
0x577: {  	s25 =	sld [smem:$0x7E8];
	_ =	sdelay $0x2  }
0x578: {  	p0 =	seq.s32 s25, $0x1  }
.Ltmp62:
0x579: {  	_ = 	snop;
	(pc) =	sbr.rel @p0 .LBB2_81-.Ltmp62, $4  }
.Ltmp63:
0x57a: {  	_ = 	snop;
	(pc) =	sbr.rel @!p0 .LBB2_82-.Ltmp63, $4  }
0x57b: {  	_ = 	snop  }
0x57c: {  	[sflag:s14] =	ssyncset.done $0x0  }
0x57d: {  	[sflag:s14] =	ssyncadd.s32 $0xFFFFFF80  }
0x57e: {  	_ = 	snop  }
.LBB2_22:
0x57f: {  	[spmem:s2] =	stream.indirect.scatter.add.f32 [tilespmem:s23], [sflag:$0x1], $0x1, s22, s15, $0xb8;
	[tilespmem:$0x15D08] =	vst v63  }
0x580: {  	p6 =	slt.u32 s25, $0x1F  }
0x581: {  	s26 =	simm.s32 @!p6 $0x80  }
0x582: {  	s28 =	simm.s32 @!p6 $0x15008;
	s29 =	simm.s32 @!p6 $0x13F88;
	p0 =	seq.s32 @!p6 s25, $0x1F  }
0x583: {  	[spmem:s2] =	stream.indirect.scatter.add.f32 @!p6 [tilespmem:s29], [sflag:$0x1], $0x1, s28, s26, $0xb8;
	[tilespmem:$0x15D08] =	vst v63  }
0x584: {  	p2 =	por p0, p6  }
0x585: {  	s26 =	simm.s32 @!p2 $0x80  }
0x586: {  	s28 =	simm.s32 @!p2 $0x15088;
	s29 =	simm.s32 @!p2 $0x14008;
	p1 =	slt.u32 @!p2 s25, $0x21  }
0x587: {  	[spmem:s2] =	stream.indirect.scatter.add.f32 @!p2 [tilespmem:s29], [sflag:$0x1], $0x1, s28, s26, $0xb8;
	[tilespmem:$0x15D08] =	vst v63  }
0x588: {  	p3 =	por @!p6 p1, p0;
	p4 =	por @!p6 !p1, p0  }
0x589: {  	p1 =	por @!p2 $0x1, $0x1;
	p2 =	por @!p2 $0x0, $0x0;
	p3 =	por p3, p6  }
0x58a: {  	p0 =	por !p0, p6;
	p4 =	por !p4, p6;
	s26 =	simm.s32 @!p3 $0x80  }
0x58b: {  	s28 =	simm.s32 @!p3 $0x15108;
	s29 =	simm.s32 @!p3 $0x14088;
	p5 =	por @!p3 $0x1, $0x1  }
0x58c: {  	[spmem:s2] =	stream.indirect.scatter.add.f32 @!p3 [tilespmem:s29], [sflag:$0x1], $0x1, s28, s26, $0xb8;
	[tilespmem:$0x15D08] =	vst v63  }
0x58d: {  	p1 =	por @!p4 p5, p5;
	p2 =	por @!p4 p5, p5;
	p4 =	por @!p6 $0x1, $0x1  }
0x58e: {  	p5 =	por @!p6 $0x0, $0x0;
	p3 =	por p1, p1;
	p1 =	por @!p0 p4, p4  }
0x58f: {  	p2 =	por @!p0 p5, p5;
	p3 =	por @!p0 p5, p5;
	p0 =	por $0x0, $0x0  }
0x590: {  	p0 =	por @!p6 p3, p3  }
0x591: {  	s26 =	simm.s32 @!p0 $0x0  }
0x592: {  	p4 =	por $0x1, $0x1;
	s26 =	simm.s32 @p0 $0x1;
	p0 =	por $0x1, $0x1  }
0x593: {  	p4 =	por @!p6 p1, p1;
	p5 =	por $0x1, $0x1;
	p0 =	por @!p6 p1, p1  }
0x594: {  	p5 =	por @!p6 p1, p1;
	[smem:$0x7E9] =	sst s26;
	s26 =	simm.s32 @!p0 $0x0  }
0x595: {  	p3 =	por $0x0, $0x0;
	s26 =	simm.s32 @p0 $0x1;
	p0 =	por $0x0, $0x0  }
0x596: {  	p3 =	por @!p6 p1, p1;
	[smem:$0x7EA] =	sst s26;
	p0 =	por @!p6 p2, p2  }
.LBB2_23:
0x597: {  	_ =	swait.ge [sflag:s14], $0x80  }
0x598: {  	[sflag:s14] =	ssyncset.done $0x0  }
0x599: {  	[sflag:s14] =	ssyncadd.s32 $0xFFFFFF80  }
0x59a: {  	_ =	swait.ge [sflag:s14], $0x80  }
0x59b: {  	[sflag:s14] =	ssyncset.done $0x0  }
0x59c: {  	[sflag:s14] =	ssyncadd.s32 $0xFFFFFF80  }
0x59d: {  	_ =	swait.ge [sflag:s14], $0x80  }
0x59e: {  	[sflag:s14] =	ssyncset.done $0x0  }
0x59f: {  	[sflag:s14] =	ssyncadd.s32 $0xFFFFFF80  }
0x5a0: {  	_ =	swait.ge [sflag:s14], $0x80  }
0x5a1: {  	[sflag:s14] =	ssyncset.done $0x0  }
0x5a2: {  	[sflag:s14] =	ssyncadd.s32 $0xFFFFFF80  }
0x5a3: {  	_ =	swait.ge [sflag:s14], $0x80  }
0x5a4: {  	[sflag:s14] =	ssyncset.done $0x0  }
0x5a5: {  	[sflag:s14] =	ssyncadd.s32 $0xFFFFFF80  }
0x5a6: {  	_ =	swait.ge [sflag:s14], $0x80  }
0x5a7: {  	[sflag:s14] =	ssyncset.done $0x0  }
0x5a8: {  	[sflag:s14] =	ssyncadd.s32 $0xFFFFFF80  }
0x5a9: {  	_ =	swait.ge [sflag:s14], $0x80  }
0x5aa: {  	[sflag:s14] =	ssyncset.done $0x0  }
0x5ab: {  	[sflag:s14] =	ssyncadd.s32 $0xFFFFFF80  }
0x5ac: {  	_ =	swait.ge [sflag:s14], $0x80  }
0x5ad: {  	[sflag:s14] =	ssyncset.done $0x0  }
0x5ae: {  	[sflag:s14] =	ssyncadd.s32 $0xFFFFFF80  }
0x5af: {  	_ =	swait.ge [sflag:s14], $0x80  }
0x5b0: {  	[sflag:s14] =	ssyncset.done $0x0  }
0x5b1: {  	[sflag:s14] =	ssyncadd.s32 $0xFFFFFF80  }
0x5b2: {  	_ =	swait.ge [sflag:s14], $0x80  }
0x5b3: {  	[sflag:s14] =	ssyncset.done $0x0  }
0x5b4: {  	[sflag:s14] =	ssyncadd.s32 $0xFFFFFF80  }
0x5b5: {  	_ =	swait.ge [sflag:s14], $0x80  }
0x5b6: {  	[sflag:s14] =	ssyncset.done $0x0  }
0x5b7: {  	[sflag:s14] =	ssyncadd.s32 $0xFFFFFF80  }
0x5b8: {  	_ =	swait.ge [sflag:s14], $0x80  }
0x5b9: {  	[sflag:s14] =	ssyncset.done $0x0  }
0x5ba: {  	[sflag:s14] =	ssyncadd.s32 $0xFFFFFF80  }
0x5bb: {  	_ =	swait.ge [sflag:s14], $0x80  }
0x5bc: {  	[sflag:s14] =	ssyncset.done $0x0  }
0x5bd: {  	[sflag:s14] =	ssyncadd.s32 $0xFFFFFF80  }
0x5be: {  	_ =	swait.ge [sflag:s14], $0x80  }
0x5bf: {  	[sflag:s14] =	ssyncset.done $0x0  }
0x5c0: {  	[sflag:s14] =	ssyncadd.s32 $0xFFFFFF80  }
0x5c1: {  	_ =	swait.ge [sflag:s14], $0x80  }
0x5c2: {  	[sflag:s14] =	ssyncset.done $0x0  }
0x5c3: {  	[sflag:s14] =	ssyncadd.s32 $0xFFFFFF80  }
0x5c4: {  	_ =	swait.ge [sflag:s14], $0x80  }
0x5c5: {  	[sflag:s14] =	ssyncset.done $0x0  }
0x5c6: {  	[sflag:s14] =	ssyncadd.s32 $0xFFFFFF80  }
0x5c7: {  	_ =	swait.ge [sflag:s14], $0x80  }
0x5c8: {  	[sflag:s14] =	ssyncset.done $0x0  }
0x5c9: {  	[sflag:s14] =	ssyncadd.s32 $0xFFFFFF80  }
0x5ca: {  	_ =	swait.ge [sflag:s14], $0x80  }
0x5cb: {  	[sflag:s14] =	ssyncset.done $0x0  }
0x5cc: {  	[sflag:s14] =	ssyncadd.s32 $0xFFFFFF80  }
0x5cd: {  	_ =	swait.ge [sflag:s14], $0x80  }
0x5ce: {  	[sflag:s14] =	ssyncset.done $0x0  }
0x5cf: {  	[sflag:s14] =	ssyncadd.s32 $0xFFFFFF80  }
0x5d0: {  	_ =	swait.ge [sflag:s14], $0x80  }
0x5d1: {  	[sflag:s14] =	ssyncset.done $0x0  }
0x5d2: {  	[sflag:s14] =	ssyncadd.s32 $0xFFFFFF80  }
0x5d3: {  	_ =	swait.ge [sflag:s14], $0x80  }
0x5d4: {  	[sflag:s14] =	ssyncset.done $0x0  }
0x5d5: {  	[sflag:s14] =	ssyncadd.s32 $0xFFFFFF80  }
0x5d6: {  	_ =	swait.ge [sflag:s14], $0x80  }
0x5d7: {  	[sflag:s14] =	ssyncset.done $0x0  }
0x5d8: {  	[sflag:s14] =	ssyncadd.s32 $0xFFFFFF80  }
0x5d9: {  	_ =	swait.ge [sflag:s14], $0x80  }
0x5da: {  	[sflag:s14] =	ssyncset.done $0x0  }
0x5db: {  	[sflag:s14] =	ssyncadd.s32 $0xFFFFFF80  }
0x5dc: {  	_ =	swait.ge [sflag:s14], $0x80  }
0x5dd: {  	[sflag:s14] =	ssyncset.done $0x0  }
0x5de: {  	[sflag:s14] =	ssyncadd.s32 $0xFFFFFF80  }
0x5df: {  	p1 =	sgt.u32 s25, $0x1A;
	_ =	swait.ge [sflag:s14], $0x80  }
.Ltmp64:
0x5e0: {  	[sflag:s14] =	ssyncset.done $0x0;
	(pc) =	sbr.rel @!p1 .LBB2_75-.Ltmp64, $4  }
0x5e1: {  	[sflag:s14] =	ssyncadd.s32 $0xFFFFFF80  }
0x5e2: {  	_ =	swait.ge [sflag:s14], $0x80  }
0x5e3: {  	[sflag:s14] =	ssyncset.done $0x0  }
0x5e4: {  	[sflag:s14] =	ssyncadd.s32 $0xFFFFFF80  }
.Ltmp65:
0x5e5: {  	(pc) =	sbr.rel @p4 .LBB2_76-.Ltmp65, $4  }
0x5e6: {  	_ = 	snop  }
0x5e7: {  	_ =	swait.ge [sflag:s14], $0x80  }
0x5e8: {  	[sflag:s14] =	ssyncset.done $0x0  }
0x5e9: {  	[sflag:s14] =	ssyncadd.s32 $0xFFFFFF80  }
.LBB2_25:
.Ltmp66:
0x5ea: {  	(pc) =	sbr.rel @!p5 .LBB2_26-.Ltmp66, $1  }
0x5eb: {  	_ =	sdelay $0x3  }
.LBB2_77:
0x5ec: {  	_ =	swait.ge [sflag:s14], $0x80  }
0x5ed: {  	s25 =	sld [smem:$0x7EA];
	_ =	sdelay $0x2  }
0x5ee: {  	p1 =	seq.s32 s25, $0x1  }
.Ltmp67:
0x5ef: {  	_ = 	snop;
	(pc) =	sbr.rel @p1 .LBB2_78-.Ltmp67, $3  }
0x5f0: {  	_ =	sdelay $0x1  }
0x5f1: {  	[sflag:s14] =	ssyncset.done $0x0  }
0x5f2: {  	[sflag:s14] =	ssyncadd.s32 $0xFFFFFF80  }
.LBB2_27:
.Ltmp68:
0x5f3: {  	(pc) =	sbr.rel @!p3 .LBB2_28-.Ltmp68, $1  }
0x5f4: {  	_ =	sdelay $0x3  }
.LBB2_79:
0x5f5: {  	_ =	swait.ge [sflag:s14], $0x80  }
0x5f6: {  	s25 =	sld [smem:$0x7E9];
	_ =	sdelay $0x2  }
0x5f7: {  	p1 =	seq.s32 s25, $0x1  }
.Ltmp69:
0x5f8: {  	_ = 	snop;
	(pc) =	sbr.rel @p1 .LBB2_80-.Ltmp69, $3  }
0x5f9: {  	_ =	sdelay $0x1  }
0x5fa: {  	[sflag:s14] =	ssyncset.done $0x0  }
0x5fb: {  	[sflag:s14] =	ssyncadd.s32 $0xFFFFFF80  }
.LBB2_29:
.Ltmp70:
0x5fc: {  	(pc) =	sbr.rel @!p0 .LBB2_82-.Ltmp70, $4  }
.Ltmp71:
0x5fd: {  	(pc) =	sbr.rel @p0 .LBB2_81-.Ltmp71, $4  }
0x5fe: {  	_ = 	snop  }
0x5ff: {  	_ = 	snop  }
0x600: {  	_ = 	snop  }
0x601: {  	_ = 	snop  }
.LBB2_75:
.Ltmp72:
0x602: {  	(pc) =	sbr.rel @!p4 .LBB2_25-.Ltmp72, $1  }
0x603: {  	_ =	sdelay $0x3  }
.LBB2_76:
.Ltmp73:
0x604: {  	(pc) =	sbr.rel @p5 .LBB2_77-.Ltmp73, $4  }
0x605: {  	_ = 	snop  }
0x606: {  	_ =	swait.ge [sflag:s14], $0x80  }
0x607: {  	[sflag:s14] =	ssyncset.done $0x0  }
0x608: {  	[sflag:s14] =	ssyncadd.s32 $0xFFFFFF80  }
.LBB2_26:
0x609: {  	s25 =	sld [smem:$0x7EA];
	_ =	sdelay $0x2  }
0x60a: {  	p1 =	seq.s32 s25, $0x1  }
.Ltmp74:
0x60b: {  	_ = 	snop;
	(pc) =	sbr.rel @!p1 .LBB2_27-.Ltmp74, $1  }
0x60c: {  	_ =	sdelay $0x3  }
.LBB2_78:
.Ltmp75:
0x60d: {  	(pc) =	sbr.rel @p3 .LBB2_79-.Ltmp75, $4  }
0x60e: {  	_ = 	snop  }
0x60f: {  	_ =	swait.ge [sflag:s14], $0x80  }
0x610: {  	[sflag:s14] =	ssyncset.done $0x0  }
0x611: {  	[sflag:s14] =	ssyncadd.s32 $0xFFFFFF80  }
.LBB2_28:
0x612: {  	s25 =	sld [smem:$0x7E9];
	_ =	sdelay $0x2  }
0x613: {  	p1 =	seq.s32 s25, $0x1  }
.Ltmp76:
0x614: {  	_ = 	snop;
	(pc) =	sbr.rel @!p1 .LBB2_29-.Ltmp76, $1  }
0x615: {  	_ =	sdelay $0x3  }
.LBB2_80:
.Ltmp77:
0x616: {  	(pc) =	sbr.rel @!p0 .LBB2_82-.Ltmp77, $4  }
.Ltmp78:
0x617: {  	(pc) =	sbr.rel @p0 .LBB2_81-.Ltmp78, $4  }
0x618: {  	_ =	swait.ge [sflag:s14], $0x80  }
0x619: {  	[sflag:s14] =	ssyncset.done $0x0  }
0x61a: {  	[sflag:s14] =	ssyncadd.s32 $0xFFFFFF80  }
0x61b: {  	_ = 	snop  }
.LBB2_14:
.Ltmp79:
0x61c: {  	(pc) =	sbr.rel .LBB2_18-.Ltmp79, $2  }
0x61d: {  	_ =	sdelay $0x2  }
0x61e: {  	s29 =	simm.s32 $0x14148  }
.LBB2_16:
.Ltmp80:
0x61f: {  	(pc) =	sbr.rel .LBB2_18-.Ltmp80, $2  }
0x620: {  	_ =	sdelay $0x2  }
0x621: {  	s29 =	simm.s32 $0x14148  }
.LBB2_84:
0x622: {  	_ =	sfence.sel $0x180000  }
0x623: {  	[bflag:$0x0] =	sbarrier.arrive $0xFFFF  }
0x624: {  	p0 =	sne.s32 s1, $0x0;
	_ =	strace $0x90000047  }
0x625: {  	s0 =	sadd.s32 @!p0 $0x100000, s0;
	[bflag:$0x2] =	sbarrier.arrive $0xFFFF  }
0x626: {  	[sflag:s0] =	ssyncadd.tile.s32 @!p0 $0x1;
	_ =	shalt  }
.Lfunc_end2:
_tile_overlayer_lowered:
.L_overlay_start_2:
0x627: {  	(tag) =	ssettag $0x2  }
0x628: {  	s0 =	rddreg [dreg:$0x0];
	s2 =	stileid.u32  }
0x629: {  	s1 =	rddreg [dreg:$0x1];
	p0 =	sne.s32 s2, $0x0  }
0x62a: {  	s3 =	rddreg [dreg:$0x2];
	[bflag:$0x3] =	sbarrier.arrive $0xFFFF;
	s2 =	simm.s32 @!p0 $0x1C02  }
0x62b: {  	[timem:s3], [sflag:s2] =	dma.local @!p0 [hbm:s0], s1  }
0x62c: {  	s0 =	simm.s32 @!p0 $0x2  }
0x62d: {  	_ =	swait.ge @!p0 [sflag:s0], s1  }
0x62e: {  	s1 =	ssub.s32 @!p0 $0x0, s1;
	[sflag:s0] =	ssyncset.done @!p0 $0x0  }
0x62f: {  	[sflag:s0] =	ssyncadd.s32 @!p0 s1  }
0x630: {  	[bflag:$0x3] =	sbarrier.arrive $0xFFFF  }
0x631: {  	_ =	shalt  }

</sc_bundles>
